<compile_context>
chip_gen: v7x
topology: tpu7x:2x2x1
jax: 0.10.2.dev20260603
libtpu: 0.0.44.dev20260713+nightly
codegen_flags: <defaults>
</compile_context>

<pallas_src>
import functools

import jax
import jax.numpy as jnp
from jax import lax
from jax.experimental import pallas as pl
from jax.experimental.pallas import tpu as pltpu
from jax.experimental.pallas import tpu_sc as plsc

T = 2048
D = 1024
F = 1024
E = 8
K = 2
TB = 256
NTB = T // TB
BM = 128
NPAIR = K * T
MPAD = NPAIR + E * BM
NBLK = MPAD // BM
BE_PAD = 128

NC = 2
NS = 16
NW = NC * NS
PPW = NPAIR // NW
TPW = T // NW
XCH = 32
NXCH = TPW // XCH
CCH = 16
NCCH = TPW // CCH


def _router_body(x_ref, rw_ref, pos_ref, w_ref, be_ref, xbf_ref,
                 p0s, oh0s, p1s, oh1s, w0s, w1s, cnt, tri):
    j = pl.program_id(0)

    @pl.when(j == 0)
    def _init():
        cnt[...] = jnp.zeros((1, E), jnp.float32)
        ri = lax.broadcasted_iota(jnp.int32, (TB, TB), 0)
        ci = lax.broadcasted_iota(jnp.int32, (TB, TB), 1)
        tri[...] = (ri > ci).astype(jnp.bfloat16)

    @pl.when(j < NTB)
    def _block():
        x = x_ref[...]
        scores = jnp.dot(x, rw_ref[...], preferred_element_type=jnp.float32)
        m = jnp.max(scores, axis=1, keepdims=True)
        ex = jnp.exp(scores - m)
        p = ex / jnp.sum(ex, axis=1, keepdims=True)

        iota8 = lax.broadcasted_iota(jnp.int32, (TB, E), 1)
        m1 = jnp.max(p, axis=1, keepdims=True)
        i1 = jnp.min(jnp.where(p == m1, iota8, E), axis=1, keepdims=True)
        oh0 = (iota8 == i1).astype(jnp.float32)
        pm = jnp.where(iota8 == i1, -jnp.inf, p)
        m2 = jnp.max(pm, axis=1, keepdims=True)
        i2 = jnp.min(jnp.where(pm == m2, iota8, E), axis=1, keepdims=True)
        oh1 = (iota8 == i2).astype(jnp.float32)
        s = m1 + m2
        w0 = m1 / s
        w1 = m2 / s

        ltri = tri[...]
        c0 = cnt[...]
        ranks0 = jnp.dot(ltri, oh0.astype(jnp.bfloat16),
                         preferred_element_type=jnp.float32) + c0
        c1 = c0 + jnp.sum(oh0, axis=0, keepdims=True)
        ranks1 = jnp.dot(ltri, oh1.astype(jnp.bfloat16),
                         preferred_element_type=jnp.float32) + c1
        cnt[...] = c1 + jnp.sum(oh1, axis=0, keepdims=True)

        p0s[j] = ranks0 * oh0
        oh0s[j] = oh0
        p1s[j] = ranks1 * oh1
        oh1s[j] = oh1
        w0s[j] = w0
        w1s[j] = w1
        xb = x.astype(jnp.bfloat16)
        a32 = jax.lax.bitcast_convert_type(xb[:, :D // 2],
                                           jnp.uint16).astype(jnp.uint32)
        b32 = jax.lax.bitcast_convert_type(xb[:, D // 2:],
                                           jnp.uint16).astype(jnp.uint32)
        xbf_ref[...] = jax.lax.bitcast_convert_type(
            a32 | (b32 << 16), jnp.int32)

    @pl.when(j == NTB)
    def _final():
        counts = cnt[...]
        ac = jnp.ceil(counts / BM) * BM
        ei = lax.broadcasted_iota(jnp.int32, (E, E), 0)
        ej = lax.broadcasted_iota(jnp.int32, (E, E), 1)
        excl = (ei < ej).astype(jnp.float32)
        incl = (ei <= ej).astype(jnp.float32)
        offs = jnp.dot(ac, excl, preferred_element_type=jnp.float32)
        cb = jnp.dot(ac, incl, preferred_element_type=jnp.float32) / BM

        pos0_cols = []
        pos1_cols = []
        for jj in range(NTB):
            oh0 = oh0s[jj]
            oh1 = oh1s[jj]
            pos0_cols.append(jnp.sum(p0s[jj] + offs * oh0, axis=1,
                                     keepdims=True))
            pos1_cols.append(jnp.sum(p1s[jj] + offs * oh1, axis=1,
                                     keepdims=True))
        pos0 = jnp.concatenate(pos0_cols, axis=1).astype(jnp.int32)
        pos1 = jnp.concatenate(pos1_cols, axis=1).astype(jnp.int32)
        pos_ref[0] = jnp.transpose(pos0)
        pos_ref[1] = jnp.transpose(pos1)
        w0cat = jnp.concatenate([w0s[jj] for jj in range(NTB)], axis=1)
        w1cat = jnp.concatenate([w1s[jj] for jj in range(NTB)], axis=1)
        w_ref[0] = jnp.transpose(w0cat)
        w_ref[1] = jnp.transpose(w1cat)

        cbT = jnp.transpose(cb).astype(jnp.int32)
        bi = lax.broadcasted_iota(jnp.int32, (E, BE_PAD), 1)
        be = jnp.sum((bi >= cbT).astype(jnp.int32), axis=0, keepdims=True)
        be_ref[...] = jnp.minimum(be, E - 1)


def _router(x2, router_w):
    return pl.pallas_call(
        _router_body,
        grid=(NTB + 1,),
        in_specs=[
            pl.BlockSpec((TB, D), lambda j: (jnp.minimum(j, NTB - 1), 0)),
            pl.BlockSpec((D, E), lambda j: (0, 0)),
        ],
        out_specs=[
            pl.BlockSpec((K, NTB, TB), lambda j: (0, 0, 0)),
            pl.BlockSpec((K, NTB, TB), lambda j: (0, 0, 0)),
            pl.BlockSpec((1, BE_PAD), lambda j: (0, 0)),
            pl.BlockSpec((TB, D // 2), lambda j: (jnp.minimum(j, NTB - 1),
                                                  0)),
        ],
        out_shape=[
            jax.ShapeDtypeStruct((K, NTB, TB), jnp.int32),
            jax.ShapeDtypeStruct((K, NTB, TB), jnp.float32),
            jax.ShapeDtypeStruct((1, BE_PAD), jnp.int32),
            jax.ShapeDtypeStruct((T, D // 2), jnp.int32),
        ],
        scratch_shapes=[
            pltpu.VMEM((NTB, TB, E), jnp.float32),
            pltpu.VMEM((NTB, TB, E), jnp.float32),
            pltpu.VMEM((NTB, TB, E), jnp.float32),
            pltpu.VMEM((NTB, TB, E), jnp.float32),
            pltpu.VMEM((NTB, TB, 1), jnp.float32),
            pltpu.VMEM((NTB, TB, 1), jnp.float32),
            pltpu.VMEM((1, E), jnp.float32),
            pltpu.VMEM((TB, TB), jnp.bfloat16),
        ],
    )(x2, router_w)


def _dispatch_sc(x2, posf):
    mesh = plsc.VectorSubcoreMesh(core_axis_name="c", subcore_axis_name="s")

    @functools.partial(
        pl.kernel, mesh=mesh,
        out_type=jax.ShapeDtypeStruct((MPAD, D // 2), jnp.int32),
        scratch_types=[
            pltpu.VMEM((NXCH, XCH), jnp.int32),
            pltpu.VMEM((NXCH, XCH), jnp.int32),
            pltpu.VMEM((XCH, D // 2), jnp.int32),
            pltpu.VMEM((XCH, D // 2), jnp.int32),
            pltpu.SemaphoreType.DMA,
            pltpu.SemaphoreType.DMA,
            pltpu.SemaphoreType.DMA,
        ],
    )
    def k(x_hbm, pos_hbm, xs_hbm,
          p0b, p1b, rows0, rows1, sg0, sg1, ss):
        wid = lax.axis_index("s") * NC + lax.axis_index("c")
        t0 = wid * TPW
        rows = [rows0, rows1]
        sg = [sg0, sg1]
        for j in range(NXCH):
            tj = t0 + j * XCH
            pltpu.sync_copy(pos_hbm.at[pl.ds(tj, XCH)], p0b.at[j])
            pltpu.sync_copy(pos_hbm.at[pl.ds(T + tj, XCH)], p1b.at[j])
        loads = [pltpu.async_copy(x_hbm.at[pl.ds(t0 + j * XCH, XCH)],
                                  rows[j], sg[j]) for j in range(NXCH)]
        pend = []
        for j in range(NXCH):
            loads[j].wait()
            pend.append(pltpu.async_copy(rows[j], xs_hbm.at[p0b.at[j]], ss))
            pend.append(pltpu.async_copy(rows[j], xs_hbm.at[p1b.at[j]], ss))
        for d in pend:
            d.wait()

    return k(x2, posf)


def _ffn_body(be_ref, xs_ref, g_ref, u_ref, d_ref, o_ref):
    v = jax.lax.bitcast_convert_type(xs_ref[...], jnp.uint32)
    lo = jax.lax.bitcast_convert_type((v & 0xFFFF).astype(jnp.uint16),
                                      jnp.bfloat16)
    hi = jax.lax.bitcast_convert_type((v >> 16).astype(jnp.uint16),
                                      jnp.bfloat16)
    x = jnp.concatenate([lo, hi], axis=1)
    g = jnp.dot(x, g_ref[0].astype(jnp.bfloat16),
                preferred_element_type=jnp.float32)
    u = jnp.dot(x, u_ref[0].astype(jnp.bfloat16),
                preferred_element_type=jnp.float32)
    a = (g * jax.nn.sigmoid(g) * u).astype(jnp.bfloat16)
    o_ref[...] = jnp.dot(a, d_ref[0].astype(jnp.bfloat16),
                         preferred_element_type=jnp.float32)


def _ffn(be_flat, xs, gate_proj, up_proj, down_proj):
    grid_spec = pltpu.PrefetchScalarGridSpec(
        num_scalar_prefetch=1,
        grid=(NBLK,),
        in_specs=[
            pl.BlockSpec((BM, D // 2), lambda i, be: (i, 0)),
            pl.BlockSpec((1, D, F), lambda i, be: (be[i], 0, 0)),
            pl.BlockSpec((1, D, F), lambda i, be: (be[i], 0, 0)),
            pl.BlockSpec((1, F, D), lambda i, be: (be[i], 0, 0)),
        ],
        out_specs=pl.BlockSpec((BM, D), lambda i, be: (i, 0)),
    )
    return pl.pallas_call(
        _ffn_body,
        grid_spec=grid_spec,
        out_shape=jax.ShapeDtypeStruct((MPAD, D), jnp.float32),
    )(be_flat, xs, gate_proj, up_proj, down_proj)


def _combine_sc(ys, posf, wf):
    mesh = plsc.VectorSubcoreMesh(core_axis_name="c", subcore_axis_name="s")

    @functools.partial(
        pl.kernel, mesh=mesh,
        out_type=jax.ShapeDtypeStruct((T, D), jnp.float32),
        scratch_types=[
            pltpu.VMEM((NCCH, CCH), jnp.int32),
            pltpu.VMEM((NCCH, CCH), jnp.int32),
            pltpu.VMEM((NCCH, CCH), jnp.float32),
            pltpu.VMEM((NCCH, CCH), jnp.float32),
            pltpu.VMEM((CCH, D), jnp.float32),
            pltpu.VMEM((CCH, D), jnp.float32),
            pltpu.VMEM((CCH, D), jnp.float32),
            pltpu.VMEM((CCH, D), jnp.float32),
            pltpu.SemaphoreType.DMA,
            pltpu.SemaphoreType.DMA,
            pltpu.SemaphoreType.DMA,
            pltpu.SemaphoreType.DMA,
            pltpu.SemaphoreType.DMA,
            pltpu.SemaphoreType.DMA,
        ],
    )
    def k(ys_hbm, pos_hbm, w_hbm, y_hbm, i0b, i1b, w0b, w1b,
          a0, a1, b0, b1, sa0, sa1, sb0, sb1, st0, st1):
        wid = lax.axis_index("s") * NC + lax.axis_index("c")
        base = wid * TPW
        bufa = [a0, a1]
        bufb = [b0, b1]
        sa = [sa0, sa1]
        sb = [sb0, sb1]
        st = [st0, st1]
        for j in range(NCCH):
            t0 = base + j * CCH
            pltpu.sync_copy(pos_hbm.at[pl.ds(t0, CCH)], i0b.at[j])
            pltpu.sync_copy(pos_hbm.at[pl.ds(T + t0, CCH)], i1b.at[j])
            pltpu.sync_copy(w_hbm.at[pl.ds(t0, CCH)], w0b.at[j])
            pltpu.sync_copy(w_hbm.at[pl.ds(T + t0, CCH)], w1b.at[j])

        stor = [None, None]
        g_next = (pltpu.async_copy(ys_hbm.at[i0b.at[0]], bufa[0], sa[0]),
                  pltpu.async_copy(ys_hbm.at[i1b.at[0]], bufb[0], sb[0]))
        for j in range(NCCH):
            b = j % 2
            nb = 1 - b
            g_cur = g_next
            if j + 1 < NCCH:
                if stor[nb] is not None:
                    stor[nb].wait()
                    stor[nb] = None
                g_next = (
                    pltpu.async_copy(ys_hbm.at[i0b.at[j + 1]], bufa[nb],
                                     sa[nb]),
                    pltpu.async_copy(ys_hbm.at[i1b.at[j + 1]], bufb[nb],
                                     sb[nb]))
            g_cur[0].wait()
            g_cur[1].wait()
            ba = bufa[b]
            bb = bufb[b]
            wv0 = w0b[j]
            wv1 = w1b[j]
            wbc0 = [wv0.at[jnp.full((16,), r, jnp.int32)]
                    .get(mode="promise_in_bounds") for r in range(CCH)]
            wbc1 = [wv1.at[jnp.full((16,), r, jnp.int32)]
                    .get(mode="promise_in_bounds") for r in range(CCH)]

            def add_col(c, _, ba=ba, bb=bb, wbc0=wbc0, wbc1=wbc1):
                for r in range(CCH):
                    sl = pl.ds(c * 16, 16)
                    ba[r, sl] = wbc0[r] * ba[r, sl] + wbc1[r] * bb[r, sl]
                return 0

            lax.fori_loop(0, D // 16, add_col, 0)
            stor[b] = pltpu.async_copy(
                ba, y_hbm.at[pl.ds(base + j * CCH, CCH)], st[b])
        for b in range(2):
            if stor[b] is not None:
                stor[b].wait()

    return k(ys, posf, wf)


def kernel(x, router_w, gate_proj, up_proj, down_proj):
    x2 = x.reshape(T, D)
    pos_b, w_b, be, xbf = _router(x2, router_w)
    posf = pos_b.reshape(NPAIR)
    wf = w_b.reshape(NPAIR)
    be_flat = be.reshape(BE_PAD)
    xs = _dispatch_sc(xbf, posf)
    ys = _ffn(be_flat, xs, gate_proj, up_proj, down_proj)
    y = _combine_sc(ys, posf, wf)
    return y.reshape(1, T, D)

# --- scband reference (transcript-rebuilt; emitter-appended) ---
"""Pipeline reference for scband-mo-elayer-15934328668398 (READ-ONLY COPY).

The authoritative reference and input builder live on the scoring server;
editing this copy changes nothing except your own understanding.
"""

import jax, jax.numpy as jnp
import numpy as np

B, T, D, F, E, TOP_K = 1, 2048, 1024, 1024, 8, 2

def setup_inputs(seed: int = 0) -> dict:
    key = jax.random.key(seed)
    k1, k2, k3, k4, k5 = jax.random.split(key, 5)
    x = jax.random.normal(k1, (B, T, D), dtype=jnp.float32)
    router_w = jax.random.normal(k2, (D, E), dtype=jnp.float32) * 0.02
    gate_proj = jax.random.normal(k3, (E, D, F), dtype=jnp.float32) * 0.02
    up_proj = jax.random.normal(k4, (E, D, F), dtype=jnp.float32) * 0.02
    down_proj = jax.random.normal(k5, (E, F, D), dtype=jnp.float32) * 0.02
    return {"x": x, "router_w": router_w, "gate_proj": gate_proj, "up_proj": up_proj, "down_proj": down_proj}

def reference(x, router_w, gate_proj, up_proj, down_proj):
    num_experts = gate_proj.shape[0]
    # router (Linear, no bias)
    scores = jnp.einsum('btd,de->bte', x, router_w).astype(jnp.float32)
    probs = jax.nn.softmax(scores, axis=-1)
    routing_weights, routing_idx = jax.lax.top_k(probs, TOP_K)
    routing_weights = (routing_weights / jnp.sum(routing_weights, axis=-1, keepdims=True)).astype(x.dtype)
    dispatch_mask = jax.nn.one_hot(routing_idx, num_classes=num_experts, dtype=x.dtype)  # [B,T,K,E]
    dispatch_mask = jnp.swapaxes(dispatch_mask, -1, -2)  # [B,T,E,K]
    dispatched_input = jnp.einsum('BTID,BTEK->BTED', x[:, :, None, :], dispatch_mask).astype(x.dtype)
    expert_outputs = []
    for i in range(num_experts):
        expert_input = dispatched_input[:, :, i, :]
        activations = jax.nn.silu(jnp.einsum('BTD,DF->BTF', expert_input, gate_proj[i])) * jnp.einsum('BTD,DF->BTF', expert_input, up_proj[i])
        expert_output = jnp.einsum('BTF,FD->BTD', activations, down_proj[i])
        expert_outputs.append(expert_output)
    stacked_outputs = jnp.stack(expert_outputs, axis=2)  # [B,T,E,D]
    rw = jnp.tile(routing_weights[:, :, None, :], (1, 1, num_experts, 1))  # [B,T,E,K]
    rw = dispatch_mask * rw
    output = jnp.einsum('BTED,BTEK->BTD', stacked_outputs, rw)
    return output

if __name__ == "__main__":
    import jax
    _d = setup_inputs()
    print(jax.jit(kernel)(*tuple(_d.values())))

</pallas_src>

<mosaic_0001>
#map = affine_map<(d0, d1) -> (0, 0)>
#map1 = affine_map<(d0, d1) -> (0)>
module attributes {stable_mosaic.version = 14 : i64} {
  func.func @k(%arg0: i32, %arg1: i32, %arg2: memref<2048x512xi32, #tpu.memory_space<hbm>>, %arg3: memref<4096xi32, #tpu.memory_space<hbm>>, %arg4: memref<5120x512xi32, #tpu.memory_space<hbm>>, %arg5: memref<2x32xi32, #tpu.memory_space<vmem>>, %arg6: memref<2x32xi32, #tpu.memory_space<vmem>>, %arg7: memref<32x512xi32, #tpu.memory_space<vmem>>, %arg8: memref<32x512xi32, #tpu.memory_space<vmem>>, %arg9: memref<!tpu.dma_semaphore, #tpu.memory_space<semaphore_mem>>, %arg10: memref<!tpu.dma_semaphore, #tpu.memory_space<semaphore_mem>>, %arg11: memref<!tpu.dma_semaphore, #tpu.memory_space<semaphore_mem>>) attributes {dimension_semantics = [#tpu.dimension_semantics<core_parallel>, #tpu.dimension_semantics<subcore_parallel>], iteration_bounds = array<i64: 2, 16>, scalar_prefetch = 0 : i64, scratch_operands = 7 : i64, tpu.core_type = #tpu.core_type<sc_vector_subcore>, window_params = [{transform_indices = #map}, {transform_indices = #map1}, {transform_indices = #map}]} {
    %mul3A = arith.constant 2 : i32
    %mul3A_0 = arith.muli %arg1, %mul3A : i32
    %add3A = arith.addi %mul3A_0, %arg0 : i32
    %mul3A_1 = arith.constant 64 : i32
    %mul3A_2 = arith.muli %add3A, %mul3A_1 : i32
    %add3A_3 = arith.constant 0 : i32
    %add3A_4 = arith.addi %mul3A_2, %add3A_3 : i32
    %run_scoped3A = arith.constant 0 : i32
    "tpu.region"() ({
      %run_scoped3A_88 = tpu.sem_alloc : memref<!tpu.dma_semaphore, #tpu.memory_space<semaphore_mem>>
      %dma_start3A_89 = arith.constant 0 : i32
      %dma_start3A_90 = tpu.memref_slice %arg5[%run_scoped3A, %dma_start3A_89] : memref<2x32xi32, #tpu.memory_space<vmem>> -> memref<1x32xi32, #tpu.memory_space<vmem>>
      %dma_start3A_91 = tpu.memref_squeeze %dma_start3A_90 : memref<1x32xi32, #tpu.memory_space<vmem>> -> memref<32xi32, #tpu.memory_space<vmem>>
      %dma_start3A_92 = tpu.memref_slice %arg3[%add3A_4] : memref<4096xi32, #tpu.memory_space<hbm>> -> memref<32xi32, #tpu.memory_space<hbm>>
      %dma_start3A_93 = arith.constant 0 : i32
      %dma_start3A_94 = tpu.memref_slice %arg5[%run_scoped3A, %dma_start3A_93] : memref<2x32xi32, #tpu.memory_space<vmem>> -> memref<1x32xi32, #tpu.memory_space<vmem>>
      %dma_start3A_95 = tpu.memref_squeeze %dma_start3A_94 : memref<1x32xi32, #tpu.memory_space<vmem>> -> memref<32xi32, #tpu.memory_space<vmem>>
      %dma_start3A_96 = tpu.memref_slice %arg3[%add3A_4] : memref<4096xi32, #tpu.memory_space<hbm>> -> memref<32xi32, #tpu.memory_space<hbm>>
      tpu.enqueue_dma source(%dma_start3A_96 : memref<32xi32, #tpu.memory_space<hbm>>) target(%dma_start3A_95 : memref<32xi32, #tpu.memory_space<vmem>>) target_semaphore(%run_scoped3A_88 : memref<!tpu.dma_semaphore, #tpu.memory_space<semaphore_mem>>)
      %dma_wait3A_97 = arith.constant 0 : i32
      %dma_wait3A_98 = tpu.memref_slice %arg5[%run_scoped3A, %dma_wait3A_97] : memref<2x32xi32, #tpu.memory_space<vmem>> -> memref<1x32xi32, #tpu.memory_space<vmem>>
      %dma_wait3A_99 = tpu.memref_squeeze %dma_wait3A_98 : memref<1x32xi32, #tpu.memory_space<vmem>> -> memref<32xi32, #tpu.memory_space<vmem>>
      %dma_wait3A_100 = tpu.memref_slice %arg3[%add3A_4] : memref<4096xi32, #tpu.memory_space<hbm>> -> memref<32xi32, #tpu.memory_space<hbm>>
      %dma_wait3A_101 = arith.constant 0 : i32
      %dma_wait3A_102 = tpu.memref_slice %arg5[%run_scoped3A, %dma_wait3A_101] : memref<2x32xi32, #tpu.memory_space<vmem>> -> memref<1x32xi32, #tpu.memory_space<vmem>>
      %dma_wait3A_103 = tpu.memref_squeeze %dma_wait3A_102 : memref<1x32xi32, #tpu.memory_space<vmem>> -> memref<32xi32, #tpu.memory_space<vmem>>
      %dma_wait3A_104 = tpu.memref_slice %arg3[%add3A_4] : memref<4096xi32, #tpu.memory_space<hbm>> -> memref<32xi32, #tpu.memory_space<hbm>>
      tpu.wait_dma2 semaphore(%run_scoped3A_88 : memref<!tpu.dma_semaphore, #tpu.memory_space<semaphore_mem>>) src(%dma_wait3A_104 : memref<32xi32, #tpu.memory_space<hbm>>) dst(%dma_wait3A_103 : memref<32xi32, #tpu.memory_space<vmem>>)
      tpu.yield
    }) : () -> ()
    %add3A_5 = arith.constant 2048 : i32
    %add3A_6 = arith.addi %add3A_5, %add3A_4 : i32
    %run_scoped3A_7 = arith.constant 0 : i32
    "tpu.region"() ({
      %run_scoped3A_88 = tpu.sem_alloc : memref<!tpu.dma_semaphore, #tpu.memory_space<semaphore_mem>>
      %dma_start3A_89 = arith.constant 0 : i32
      %dma_start3A_90 = tpu.memref_slice %arg6[%run_scoped3A_7, %dma_start3A_89] : memref<2x32xi32, #tpu.memory_space<vmem>> -> memref<1x32xi32, #tpu.memory_space<vmem>>
      %dma_start3A_91 = tpu.memref_squeeze %dma_start3A_90 : memref<1x32xi32, #tpu.memory_space<vmem>> -> memref<32xi32, #tpu.memory_space<vmem>>
      %dma_start3A_92 = tpu.memref_slice %arg3[%add3A_6] : memref<4096xi32, #tpu.memory_space<hbm>> -> memref<32xi32, #tpu.memory_space<hbm>>
      %dma_start3A_93 = arith.constant 0 : i32
      %dma_start3A_94 = tpu.memref_slice %arg6[%run_scoped3A_7, %dma_start3A_93] : memref<2x32xi32, #tpu.memory_space<vmem>> -> memref<1x32xi32, #tpu.memory_space<vmem>>
      %dma_start3A_95 = tpu.memref_squeeze %dma_start3A_94 : memref<1x32xi32, #tpu.memory_space<vmem>> -> memref<32xi32, #tpu.memory_space<vmem>>
      %dma_start3A_96 = tpu.memref_slice %arg3[%add3A_6] : memref<4096xi32, #tpu.memory_space<hbm>> -> memref<32xi32, #tpu.memory_space<hbm>>
      tpu.enqueue_dma source(%dma_start3A_96 : memref<32xi32, #tpu.memory_space<hbm>>) target(%dma_start3A_95 : memref<32xi32, #tpu.memory_space<vmem>>) target_semaphore(%run_scoped3A_88 : memref<!tpu.dma_semaphore, #tpu.memory_space<semaphore_mem>>)
      %dma_wait3A_97 = arith.constant 0 : i32
      %dma_wait3A_98 = tpu.memref_slice %arg6[%run_scoped3A_7, %dma_wait3A_97] : memref<2x32xi32, #tpu.memory_space<vmem>> -> memref<1x32xi32, #tpu.memory_space<vmem>>
      %dma_wait3A_99 = tpu.memref_squeeze %dma_wait3A_98 : memref<1x32xi32, #tpu.memory_space<vmem>> -> memref<32xi32, #tpu.memory_space<vmem>>
      %dma_wait3A_100 = tpu.memref_slice %arg3[%add3A_6] : memref<4096xi32, #tpu.memory_space<hbm>> -> memref<32xi32, #tpu.memory_space<hbm>>
      %dma_wait3A_101 = arith.constant 0 : i32
      %dma_wait3A_102 = tpu.memref_slice %arg6[%run_scoped3A_7, %dma_wait3A_101] : memref<2x32xi32, #tpu.memory_space<vmem>> -> memref<1x32xi32, #tpu.memory_space<vmem>>
      %dma_wait3A_103 = tpu.memref_squeeze %dma_wait3A_102 : memref<1x32xi32, #tpu.memory_space<vmem>> -> memref<32xi32, #tpu.memory_space<vmem>>
      %dma_wait3A_104 = tpu.memref_slice %arg3[%add3A_6] : memref<4096xi32, #tpu.memory_space<hbm>> -> memref<32xi32, #tpu.memory_space<hbm>>
      tpu.wait_dma2 semaphore(%run_scoped3A_88 : memref<!tpu.dma_semaphore, #tpu.memory_space<semaphore_mem>>) src(%dma_wait3A_104 : memref<32xi32, #tpu.memory_space<hbm>>) dst(%dma_wait3A_103 : memref<32xi32, #tpu.memory_space<vmem>>)
      tpu.yield
    }) : () -> ()
    %add3A_8 = arith.constant 32 : i32
    %add3A_9 = arith.addi %mul3A_2, %add3A_8 : i32
    %run_scoped3A_10 = arith.constant 1 : i32
    "tpu.region"() ({
      %run_scoped3A_88 = tpu.sem_alloc : memref<!tpu.dma_semaphore, #tpu.memory_space<semaphore_mem>>
      %dma_start3A_89 = arith.constant 0 : i32
      %dma_start3A_90 = tpu.memref_slice %arg5[%run_scoped3A_10, %dma_start3A_89] : memref<2x32xi32, #tpu.memory_space<vmem>> -> memref<1x32xi32, #tpu.memory_space<vmem>>
      %dma_start3A_91 = tpu.memref_squeeze %dma_start3A_90 : memref<1x32xi32, #tpu.memory_space<vmem>> -> memref<32xi32, #tpu.memory_space<vmem>>
      %dma_start3A_92 = tpu.memref_slice %arg3[%add3A_9] : memref<4096xi32, #tpu.memory_space<hbm>> -> memref<32xi32, #tpu.memory_space<hbm>>
      %dma_start3A_93 = arith.constant 0 : i32
      %dma_start3A_94 = tpu.memref_slice %arg5[%run_scoped3A_10, %dma_start3A_93] : memref<2x32xi32, #tpu.memory_space<vmem>> -> memref<1x32xi32, #tpu.memory_space<vmem>>
      %dma_start3A_95 = tpu.memref_squeeze %dma_start3A_94 : memref<1x32xi32, #tpu.memory_space<vmem>> -> memref<32xi32, #tpu.memory_space<vmem>>
      %dma_start3A_96 = tpu.memref_slice %arg3[%add3A_9] : memref<4096xi32, #tpu.memory_space<hbm>> -> memref<32xi32, #tpu.memory_space<hbm>>
      tpu.enqueue_dma source(%dma_start3A_96 : memref<32xi32, #tpu.memory_space<hbm>>) target(%dma_start3A_95 : memref<32xi32, #tpu.memory_space<vmem>>) target_semaphore(%run_scoped3A_88 : memref<!tpu.dma_semaphore, #tpu.memory_space<semaphore_mem>>)
      %dma_wait3A_97 = arith.constant 0 : i32
      %dma_wait3A_98 = tpu.memref_slice %arg5[%run_scoped3A_10, %dma_wait3A_97] : memref<2x32xi32, #tpu.memory_space<vmem>> -> memref<1x32xi32, #tpu.memory_space<vmem>>
      %dma_wait3A_99 = tpu.memref_squeeze %dma_wait3A_98 : memref<1x32xi32, #tpu.memory_space<vmem>> -> memref<32xi32, #tpu.memory_space<vmem>>
      %dma_wait3A_100 = tpu.memref_slice %arg3[%add3A_9] : memref<4096xi32, #tpu.memory_space<hbm>> -> memref<32xi32, #tpu.memory_space<hbm>>
      %dma_wait3A_101 = arith.constant 0 : i32
      %dma_wait3A_102 = tpu.memref_slice %arg5[%run_scoped3A_10, %dma_wait3A_101] : memref<2x32xi32, #tpu.memory_space<vmem>> -> memref<1x32xi32, #tpu.memory_space<vmem>>
      %dma_wait3A_103 = tpu.memref_squeeze %dma_wait3A_102 : memref<1x32xi32, #tpu.memory_space<vmem>> -> memref<32xi32, #tpu.memory_space<vmem>>
      %dma_wait3A_104 = tpu.memref_slice %arg3[%add3A_9] : memref<4096xi32, #tpu.memory_space<hbm>> -> memref<32xi32, #tpu.memory_space<hbm>>
      tpu.wait_dma2 semaphore(%run_scoped3A_88 : memref<!tpu.dma_semaphore, #tpu.memory_space<semaphore_mem>>) src(%dma_wait3A_104 : memref<32xi32, #tpu.memory_space<hbm>>) dst(%dma_wait3A_103 : memref<32xi32, #tpu.memory_space<vmem>>)
      tpu.yield
    }) : () -> ()
    %add3A_11 = arith.constant 2048 : i32
    %add3A_12 = arith.addi %add3A_11, %add3A_9 : i32
    %run_scoped3A_13 = arith.constant 1 : i32
    "tpu.region"() ({
      %run_scoped3A_88 = tpu.sem_alloc : memref<!tpu.dma_semaphore, #tpu.memory_space<semaphore_mem>>
      %dma_start3A_89 = arith.constant 0 : i32
      %dma_start3A_90 = tpu.memref_slice %arg6[%run_scoped3A_13, %dma_start3A_89] : memref<2x32xi32, #tpu.memory_space<vmem>> -> memref<1x32xi32, #tpu.memory_space<vmem>>
      %dma_start3A_91 = tpu.memref_squeeze %dma_start3A_90 : memref<1x32xi32, #tpu.memory_space<vmem>> -> memref<32xi32, #tpu.memory_space<vmem>>
      %dma_start3A_92 = tpu.memref_slice %arg3[%add3A_12] : memref<4096xi32, #tpu.memory_space<hbm>> -> memref<32xi32, #tpu.memory_space<hbm>>
      %dma_start3A_93 = arith.constant 0 : i32
      %dma_start3A_94 = tpu.memref_slice %arg6[%run_scoped3A_13, %dma_start3A_93] : memref<2x32xi32, #tpu.memory_space<vmem>> -> memref<1x32xi32, #tpu.memory_space<vmem>>
      %dma_start3A_95 = tpu.memref_squeeze %dma_start3A_94 : memref<1x32xi32, #tpu.memory_space<vmem>> -> memref<32xi32, #tpu.memory_space<vmem>>
      %dma_start3A_96 = tpu.memref_slice %arg3[%add3A_12] : memref<4096xi32, #tpu.memory_space<hbm>> -> memref<32xi32, #tpu.memory_space<hbm>>
      tpu.enqueue_dma source(%dma_start3A_96 : memref<32xi32, #tpu.memory_space<hbm>>) target(%dma_start3A_95 : memref<32xi32, #tpu.memory_space<vmem>>) target_semaphore(%run_scoped3A_88 : memref<!tpu.dma_semaphore, #tpu.memory_space<semaphore_mem>>)
      %dma_wait3A_97 = arith.constant 0 : i32
      %dma_wait3A_98 = tpu.memref_slice %arg6[%run_scoped3A_13, %dma_wait3A_97] : memref<2x32xi32, #tpu.memory_space<vmem>> -> memref<1x32xi32, #tpu.memory_space<vmem>>
      %dma_wait3A_99 = tpu.memref_squeeze %dma_wait3A_98 : memref<1x32xi32, #tpu.memory_space<vmem>> -> memref<32xi32, #tpu.memory_space<vmem>>
      %dma_wait3A_100 = tpu.memref_slice %arg3[%add3A_12] : memref<4096xi32, #tpu.memory_space<hbm>> -> memref<32xi32, #tpu.memory_space<hbm>>
      %dma_wait3A_101 = arith.constant 0 : i32
      %dma_wait3A_102 = tpu.memref_slice %arg6[%run_scoped3A_13, %dma_wait3A_101] : memref<2x32xi32, #tpu.memory_space<vmem>> -> memref<1x32xi32, #tpu.memory_space<vmem>>
      %dma_wait3A_103 = tpu.memref_squeeze %dma_wait3A_102 : memref<1x32xi32, #tpu.memory_space<vmem>> -> memref<32xi32, #tpu.memory_space<vmem>>
      %dma_wait3A_104 = tpu.memref_slice %arg3[%add3A_12] : memref<4096xi32, #tpu.memory_space<hbm>> -> memref<32xi32, #tpu.memory_space<hbm>>
      tpu.wait_dma2 semaphore(%run_scoped3A_88 : memref<!tpu.dma_semaphore, #tpu.memory_space<semaphore_mem>>) src(%dma_wait3A_104 : memref<32xi32, #tpu.memory_space<hbm>>) dst(%dma_wait3A_103 : memref<32xi32, #tpu.memory_space<vmem>>)
      tpu.yield
    }) : () -> ()
    %add3A_14 = arith.constant 0 : i32
    %add3A_15 = arith.addi %mul3A_2, %add3A_14 : i32
    %dma_start3A = arith.constant 0 : i32
    %dma_start3A_16 = tpu.memref_slice %arg2[%add3A_15, %dma_start3A] : memref<2048x512xi32, #tpu.memory_space<hbm>> -> memref<32x512xi32, #tpu.memory_space<hbm>>
    %dma_start3A_17 = arith.constant 0 : i32
    %dma_start3A_18 = tpu.memref_slice %arg2[%add3A_15, %dma_start3A_17] : memref<2048x512xi32, #tpu.memory_space<hbm>> -> memref<32x512xi32, #tpu.memory_space<hbm>>
    tpu.enqueue_dma source(%dma_start3A_18 : memref<32x512xi32, #tpu.memory_space<hbm>>) target(%arg7 : memref<32x512xi32, #tpu.memory_space<vmem>>) target_semaphore(%arg9 : memref<!tpu.dma_semaphore, #tpu.memory_space<semaphore_mem>>)
    %add3A_19 = arith.constant 32 : i32
    %add3A_20 = arith.addi %mul3A_2, %add3A_19 : i32
    %dma_start3A_21 = arith.constant 0 : i32
    %dma_start3A_22 = tpu.memref_slice %arg2[%add3A_20, %dma_start3A_21] : memref<2048x512xi32, #tpu.memory_space<hbm>> -> memref<32x512xi32, #tpu.memory_space<hbm>>
    %dma_start3A_23 = arith.constant 0 : i32
    %dma_start3A_24 = tpu.memref_slice %arg2[%add3A_20, %dma_start3A_23] : memref<2048x512xi32, #tpu.memory_space<hbm>> -> memref<32x512xi32, #tpu.memory_space<hbm>>
    tpu.enqueue_dma source(%dma_start3A_24 : memref<32x512xi32, #tpu.memory_space<hbm>>) target(%arg8 : memref<32x512xi32, #tpu.memory_space<vmem>>) target_semaphore(%arg10 : memref<!tpu.dma_semaphore, #tpu.memory_space<semaphore_mem>>)
    %dma_wait3A = arith.constant 0 : i32
    %dma_wait3A_25 = tpu.memref_slice %arg2[%add3A_15, %dma_wait3A] : memref<2048x512xi32, #tpu.memory_space<hbm>> -> memref<32x512xi32, #tpu.memory_space<hbm>>
    %dma_wait3A_26 = arith.constant 0 : i32
    %dma_wait3A_27 = tpu.memref_slice %arg2[%add3A_15, %dma_wait3A_26] : memref<2048x512xi32, #tpu.memory_space<hbm>> -> memref<32x512xi32, #tpu.memory_space<hbm>>
    tpu.wait_dma2 semaphore(%arg9 : memref<!tpu.dma_semaphore, #tpu.memory_space<semaphore_mem>>) src(%dma_wait3A_27 : memref<32x512xi32, #tpu.memory_space<hbm>>) dst(%arg7 : memref<32x512xi32, #tpu.memory_space<vmem>>)
    %dma_start3A_28 = arith.constant 0 : i32
    %dma_start3A_29 = arith.constant 0 : i32
    %dma_start3A_30 = tpu.memref_slice %arg5[%dma_start3A_28, %dma_start3A_29] : memref<2x32xi32, #tpu.memory_space<vmem>> -> memref<1x32xi32, #tpu.memory_space<vmem>>
    %dma_start3A_31 = tpu.memref_squeeze %dma_start3A_30 : memref<1x32xi32, #tpu.memory_space<vmem>> -> memref<32xi32, #tpu.memory_space<vmem>>
    %dma_start3A_32 = arith.constant 0 : i32
    %dma_start3A_33 = arith.constant 0 : i32
    %dma_start3A_34 = tpu.memref_slice %arg4[%dma_start3A_32, %dma_start3A_33] : memref<5120x512xi32, #tpu.memory_space<hbm>> -> memref<5120x512xi32, #tpu.memory_space<hbm>>
    tpu.enqueue_indirect_dma source(%arg7 : memref<32x512xi32, #tpu.memory_space<vmem>>) target(%dma_start3A_34 : memref<5120x512xi32, #tpu.memory_space<hbm>>) offsets(%dma_start3A_31 : memref<32xi32, #tpu.memory_space<vmem>>) semaphore(%arg11 : memref<!tpu.dma_semaphore, #tpu.memory_space<semaphore_mem>>)
    %dma_start3A_35 = arith.constant 0 : i32
    %dma_start3A_36 = arith.constant 0 : i32
    %dma_start3A_37 = tpu.memref_slice %arg6[%dma_start3A_35, %dma_start3A_36] : memref<2x32xi32, #tpu.memory_space<vmem>> -> memref<1x32xi32, #tpu.memory_space<vmem>>
    %dma_start3A_38 = tpu.memref_squeeze %dma_start3A_37 : memref<1x32xi32, #tpu.memory_space<vmem>> -> memref<32xi32, #tpu.memory_space<vmem>>
    %dma_start3A_39 = arith.constant 0 : i32
    %dma_start3A_40 = arith.constant 0 : i32
    %dma_start3A_41 = tpu.memref_slice %arg4[%dma_start3A_39, %dma_start3A_40] : memref<5120x512xi32, #tpu.memory_space<hbm>> -> memref<5120x512xi32, #tpu.memory_space<hbm>>
    tpu.enqueue_indirect_dma source(%arg7 : memref<32x512xi32, #tpu.memory_space<vmem>>) target(%dma_start3A_41 : memref<5120x512xi32, #tpu.memory_space<hbm>>) offsets(%dma_start3A_38 : memref<32xi32, #tpu.memory_space<vmem>>) semaphore(%arg11 : memref<!tpu.dma_semaphore, #tpu.memory_space<semaphore_mem>>)
    %dma_wait3A_42 = arith.constant 0 : i32
    %dma_wait3A_43 = tpu.memref_slice %arg2[%add3A_20, %dma_wait3A_42] : memref<2048x512xi32, #tpu.memory_space<hbm>> -> memref<32x512xi32, #tpu.memory_space<hbm>>
    %dma_wait3A_44 = arith.constant 0 : i32
    %dma_wait3A_45 = tpu.memref_slice %arg2[%add3A_20, %dma_wait3A_44] : memref<2048x512xi32, #tpu.memory_space<hbm>> -> memref<32x512xi32, #tpu.memory_space<hbm>>
    tpu.wait_dma2 semaphore(%arg10 : memref<!tpu.dma_semaphore, #tpu.memory_space<semaphore_mem>>) src(%dma_wait3A_45 : memref<32x512xi32, #tpu.memory_space<hbm>>) dst(%arg8 : memref<32x512xi32, #tpu.memory_space<vmem>>)
    %dma_start3A_46 = arith.constant 1 : i32
    %dma_start3A_47 = arith.constant 0 : i32
    %dma_start3A_48 = tpu.memref_slice %arg5[%dma_start3A_46, %dma_start3A_47] : memref<2x32xi32, #tpu.memory_space<vmem>> -> memref<1x32xi32, #tpu.memory_space<vmem>>
    %dma_start3A_49 = tpu.memref_squeeze %dma_start3A_48 : memref<1x32xi32, #tpu.memory_space<vmem>> -> memref<32xi32, #tpu.memory_space<vmem>>
    %dma_start3A_50 = arith.constant 0 : i32
    %dma_start3A_51 = arith.constant 0 : i32
    %dma_start3A_52 = tpu.memref_slice %arg4[%dma_start3A_50, %dma_start3A_51] : memref<5120x512xi32, #tpu.memory_space<hbm>> -> memref<5120x512xi32, #tpu.memory_space<hbm>>
    tpu.enqueue_indirect_dma source(%arg8 : memref<32x512xi32, #tpu.memory_space<vmem>>) target(%dma_start3A_52 : memref<5120x512xi32, #tpu.memory_space<hbm>>) offsets(%dma_start3A_49 : memref<32xi32, #tpu.memory_space<vmem>>) semaphore(%arg11 : memref<!tpu.dma_semaphore, #tpu.memory_space<semaphore_mem>>)
    %dma_start3A_53 = arith.constant 1 : i32
    %dma_start3A_54 = arith.constant 0 : i32
    %dma_start3A_55 = tpu.memref_slice %arg6[%dma_start3A_53, %dma_start3A_54] : memref<2x32xi32, #tpu.memory_space<vmem>> -> memref<1x32xi32, #tpu.memory_space<vmem>>
    %dma_start3A_56 = tpu.memref_squeeze %dma_start3A_55 : memref<1x32xi32, #tpu.memory_space<vmem>> -> memref<32xi32, #tpu.memory_space<vmem>>
    %dma_start3A_57 = arith.constant 0 : i32
    %dma_start3A_58 = arith.constant 0 : i32
    %dma_start3A_59 = tpu.memref_slice %arg4[%dma_start3A_57, %dma_start3A_58] : memref<5120x512xi32, #tpu.memory_space<hbm>> -> memref<5120x512xi32, #tpu.memory_space<hbm>>
    tpu.enqueue_indirect_dma source(%arg8 : memref<32x512xi32, #tpu.memory_space<vmem>>) target(%dma_start3A_59 : memref<5120x512xi32, #tpu.memory_space<hbm>>) offsets(%dma_start3A_56 : memref<32xi32, #tpu.memory_space<vmem>>) semaphore(%arg11 : memref<!tpu.dma_semaphore, #tpu.memory_space<semaphore_mem>>)
    %dma_wait3A_60 = arith.constant 0 : i32
    %dma_wait3A_61 = arith.constant 0 : i32
    %dma_wait3A_62 = tpu.memref_slice %arg5[%dma_wait3A_60, %dma_wait3A_61] : memref<2x32xi32, #tpu.memory_space<vmem>> -> memref<1x32xi32, #tpu.memory_space<vmem>>
    %dma_wait3A_63 = tpu.memref_squeeze %dma_wait3A_62 : memref<1x32xi32, #tpu.memory_space<vmem>> -> memref<32xi32, #tpu.memory_space<vmem>>
    %dma_wait3A_64 = arith.constant 0 : i32
    %dma_wait3A_65 = arith.constant 0 : i32
    %dma_wait3A_66 = tpu.memref_slice %arg4[%dma_wait3A_64, %dma_wait3A_65] : memref<5120x512xi32, #tpu.memory_space<hbm>> -> memref<5120x512xi32, #tpu.memory_space<hbm>>
    tpu.wait_indirect_dma semaphore(%arg11 : memref<!tpu.dma_semaphore, #tpu.memory_space<semaphore_mem>>) src(%arg7 : memref<32x512xi32, #tpu.memory_space<vmem>>) dst(%dma_wait3A_66 : memref<5120x512xi32, #tpu.memory_space<hbm>>)
    %dma_wait3A_67 = arith.constant 0 : i32
    %dma_wait3A_68 = arith.constant 0 : i32
    %dma_wait3A_69 = tpu.memref_slice %arg6[%dma_wait3A_67, %dma_wait3A_68] : memref<2x32xi32, #tpu.memory_space<vmem>> -> memref<1x32xi32, #tpu.memory_space<vmem>>
    %dma_wait3A_70 = tpu.memref_squeeze %dma_wait3A_69 : memref<1x32xi32, #tpu.memory_space<vmem>> -> memref<32xi32, #tpu.memory_space<vmem>>
    %dma_wait3A_71 = arith.constant 0 : i32
    %dma_wait3A_72 = arith.constant 0 : i32
    %dma_wait3A_73 = tpu.memref_slice %arg4[%dma_wait3A_71, %dma_wait3A_72] : memref<5120x512xi32, #tpu.memory_space<hbm>> -> memref<5120x512xi32, #tpu.memory_space<hbm>>
    tpu.wait_indirect_dma semaphore(%arg11 : memref<!tpu.dma_semaphore, #tpu.memory_space<semaphore_mem>>) src(%arg7 : memref<32x512xi32, #tpu.memory_space<vmem>>) dst(%dma_wait3A_73 : memref<5120x512xi32, #tpu.memory_space<hbm>>)
    %dma_wait3A_74 = arith.constant 1 : i32
    %dma_wait3A_75 = arith.constant 0 : i32
    %dma_wait3A_76 = tpu.memref_slice %arg5[%dma_wait3A_74, %dma_wait3A_75] : memref<2x32xi32, #tpu.memory_space<vmem>> -> memref<1x32xi32, #tpu.memory_space<vmem>>
    %dma_wait3A_77 = tpu.memref_squeeze %dma_wait3A_76 : memref<1x32xi32, #tpu.memory_space<vmem>> -> memref<32xi32, #tpu.memory_space<vmem>>
    %dma_wait3A_78 = arith.constant 0 : i32
    %dma_wait3A_79 = arith.constant 0 : i32
    %dma_wait3A_80 = tpu.memref_slice %arg4[%dma_wait3A_78, %dma_wait3A_79] : memref<5120x512xi32, #tpu.memory_space<hbm>> -> memref<5120x512xi32, #tpu.memory_space<hbm>>
    tpu.wait_indirect_dma semaphore(%arg11 : memref<!tpu.dma_semaphore, #tpu.memory_space<semaphore_mem>>) src(%arg8 : memref<32x512xi32, #tpu.memory_space<vmem>>) dst(%dma_wait3A_80 : memref<5120x512xi32, #tpu.memory_space<hbm>>)
    %dma_wait3A_81 = arith.constant 1 : i32
    %dma_wait3A_82 = arith.constant 0 : i32
    %dma_wait3A_83 = tpu.memref_slice %arg6[%dma_wait3A_81, %dma_wait3A_82] : memref<2x32xi32, #tpu.memory_space<vmem>> -> memref<1x32xi32, #tpu.memory_space<vmem>>
    %dma_wait3A_84 = tpu.memref_squeeze %dma_wait3A_83 : memref<1x32xi32, #tpu.memory_space<vmem>> -> memref<32xi32, #tpu.memory_space<vmem>>
    %dma_wait3A_85 = arith.constant 0 : i32
    %dma_wait3A_86 = arith.constant 0 : i32
    %dma_wait3A_87 = tpu.memref_slice %arg4[%dma_wait3A_85, %dma_wait3A_86] : memref<5120x512xi32, #tpu.memory_space<hbm>> -> memref<5120x512xi32, #tpu.memory_space<hbm>>
    tpu.wait_indirect_dma semaphore(%arg11 : memref<!tpu.dma_semaphore, #tpu.memory_space<semaphore_mem>>) src(%arg8 : memref<32x512xi32, #tpu.memory_space<vmem>>) dst(%dma_wait3A_87 : memref<5120x512xi32, #tpu.memory_space<hbm>>)
    return
  }
}

#map = affine_map<(d0, d1) -> (0, 0)>
#map1 = affine_map<(d0, d1) -> (0)>
module attributes {stable_mosaic.version = 14 : i64} {
  func.func @k(%arg0: i32, %arg1: i32, %arg2: memref<5120x1024xf32, #tpu.memory_space<hbm>>, %arg3: memref<4096xi32, #tpu.memory_space<hbm>>, %arg4: memref<4096xf32, #tpu.memory_space<hbm>>, %arg5: memref<2048x1024xf32, #tpu.memory_space<hbm>>, %arg6: memref<4x16xi32, #tpu.memory_space<vmem>>, %arg7: memref<4x16xi32, #tpu.memory_space<vmem>>, %arg8: memref<4x16xf32, #tpu.memory_space<vmem>>, %arg9: memref<4x16xf32, #tpu.memory_space<vmem>>, %arg10: memref<16x1024xf32, #tpu.memory_space<vmem>>, %arg11: memref<16x1024xf32, #tpu.memory_space<vmem>>, %arg12: memref<16x1024xf32, #tpu.memory_space<vmem>>, %arg13: memref<16x1024xf32, #tpu.memory_space<vmem>>, %arg14: memref<!tpu.dma_semaphore, #tpu.memory_space<semaphore_mem>>, %arg15: memref<!tpu.dma_semaphore, #tpu.memory_space<semaphore_mem>>, %arg16: memref<!tpu.dma_semaphore, #tpu.memory_space<semaphore_mem>>, %arg17: memref<!tpu.dma_semaphore, #tpu.memory_space<semaphore_mem>>, %arg18: memref<!tpu.dma_semaphore, #tpu.memory_space<semaphore_mem>>, %arg19: memref<!tpu.dma_semaphore, #tpu.memory_space<semaphore_mem>>) attributes {dimension_semantics = [#tpu.dimension_semantics<core_parallel>, #tpu.dimension_semantics<subcore_parallel>], iteration_bounds = array<i64: 2, 16>, scalar_prefetch = 0 : i64, scratch_operands = 14 : i64, tpu.core_type = #tpu.core_type<sc_vector_subcore>, window_params = [{transform_indices = #map}, {transform_indices = #map1}, {transform_indices = #map1}, {transform_indices = #map}]} {
    %mul3A = arith.constant 2 : i32
    %mul3A_0 = arith.muli %arg1, %mul3A : i32
    %add3A = arith.addi %mul3A_0, %arg0 : i32
    %mul3A_1 = arith.constant 64 : i32
    %mul3A_2 = arith.muli %add3A, %mul3A_1 : i32
    %add3A_3 = arith.constant 0 : i32
    %add3A_4 = arith.addi %mul3A_2, %add3A_3 : i32
    %run_scoped3A = arith.constant 0 : i32
    "tpu.region"() ({
      %run_scoped3A_1790 = tpu.sem_alloc : memref<!tpu.dma_semaphore, #tpu.memory_space<semaphore_mem>>
      %dma_start3A_1791 = arith.constant 0 : i32
      %dma_start3A_1792 = tpu.memref_slice %arg6[%run_scoped3A, %dma_start3A_1791] : memref<4x16xi32, #tpu.memory_space<vmem>> -> memref<1x16xi32, #tpu.memory_space<vmem>>
      %dma_start3A_1793 = tpu.memref_squeeze %dma_start3A_1792 : memref<1x16xi32, #tpu.memory_space<vmem>> -> memref<16xi32, #tpu.memory_space<vmem>>
      %dma_start3A_1794 = tpu.memref_slice %arg3[%add3A_4] : memref<4096xi32, #tpu.memory_space<hbm>> -> memref<16xi32, #tpu.memory_space<hbm>>
      %dma_start3A_1795 = arith.constant 0 : i32
      %dma_start3A_1796 = tpu.memref_slice %arg6[%run_scoped3A, %dma_start3A_1795] : memref<4x16xi32, #tpu.memory_space<vmem>> -> memref<1x16xi32, #tpu.memory_space<vmem>>
      %dma_start3A_1797 = tpu.memref_squeeze %dma_start3A_1796 : memref<1x16xi32, #tpu.memory_space<vmem>> -> memref<16xi32, #tpu.memory_space<vmem>>
      %dma_start3A_1798 = tpu.memref_slice %arg3[%add3A_4] : memref<4096xi32, #tpu.memory_space<hbm>> -> memref<16xi32, #tpu.memory_space<hbm>>
      tpu.enqueue_dma source(%dma_start3A_1798 : memref<16xi32, #tpu.memory_space<hbm>>) target(%dma_start3A_1797 : memref<16xi32, #tpu.memory_space<vmem>>) target_semaphore(%run_scoped3A_1790 : memref<!tpu.dma_semaphore, #tpu.memory_space<semaphore_mem>>)
      %dma_wait3A_1799 = arith.constant 0 : i32
      %dma_wait3A_1800 = tpu.memref_slice %arg6[%run_scoped3A, %dma_wait3A_1799] : memref<4x16xi32, #tpu.memory_space<vmem>> -> memref<1x16xi32, #tpu.memory_space<vmem>>
      %dma_wait3A_1801 = tpu.memref_squeeze %dma_wait3A_1800 : memref<1x16xi32, #tpu.memory_space<vmem>> -> memref<16xi32, #tpu.memory_space<vmem>>
      %dma_wait3A_1802 = tpu.memref_slice %arg3[%add3A_4] : memref<4096xi32, #tpu.memory_space<hbm>> -> memref<16xi32, #tpu.memory_space<hbm>>
      %dma_wait3A_1803 = arith.constant 0 : i32
      %dma_wait3A_1804 = tpu.memref_slice %arg6[%run_scoped3A, %dma_wait3A_1803] : memref<4x16xi32, #tpu.memory_space<vmem>> -> memref<1x16xi32, #tpu.memory_space<vmem>>
      %dma_wait3A_1805 = tpu.memref_squeeze %dma_wait3A_1804 : memref<1x16xi32, #tpu.memory_space<vmem>> -> memref<16xi32, #tpu.memory_space<vmem>>
      %dma_wait3A_1806 = tpu.memref_slice %arg3[%add3A_4] : memref<4096xi32, #tpu.memory_space<hbm>> -> memref<16xi32, #tpu.memory_space<hbm>>
      tpu.wait_dma2 semaphore(%run_scoped3A_1790 : memref<!tpu.dma_semaphore, #tpu.memory_space<semaphore_mem>>) src(%dma_wait3A_1806 : memref<16xi32, #tpu.memory_space<hbm>>) dst(%dma_wait3A_1805 : memref<16xi32, #tpu.memory_space<vmem>>)
      tpu.yield
    }) : () -> ()
    %add3A_5 = arith.constant 2048 : i32
    %add3A_6 = arith.addi %add3A_5, %add3A_4 : i32
    %run_scoped3A_7 = arith.constant 0 : i32
    "tpu.region"() ({
      %run_scoped3A_1790 = tpu.sem_alloc : memref<!tpu.dma_semaphore, #tpu.memory_space<semaphore_mem>>
      %dma_start3A_1791 = arith.constant 0 : i32
      %dma_start3A_1792 = tpu.memref_slice %arg7[%run_scoped3A_7, %dma_start3A_1791] : memref<4x16xi32, #tpu.memory_space<vmem>> -> memref<1x16xi32, #tpu.memory_space<vmem>>
      %dma_start3A_1793 = tpu.memref_squeeze %dma_start3A_1792 : memref<1x16xi32, #tpu.memory_space<vmem>> -> memref<16xi32, #tpu.memory_space<vmem>>
      %dma_start3A_1794 = tpu.memref_slice %arg3[%add3A_6] : memref<4096xi32, #tpu.memory_space<hbm>> -> memref<16xi32, #tpu.memory_space<hbm>>
      %dma_start3A_1795 = arith.constant 0 : i32
      %dma_start3A_1796 = tpu.memref_slice %arg7[%run_scoped3A_7, %dma_start3A_1795] : memref<4x16xi32, #tpu.memory_space<vmem>> -> memref<1x16xi32, #tpu.memory_space<vmem>>
      %dma_start3A_1797 = tpu.memref_squeeze %dma_start3A_1796 : memref<1x16xi32, #tpu.memory_space<vmem>> -> memref<16xi32, #tpu.memory_space<vmem>>
      %dma_start3A_1798 = tpu.memref_slice %arg3[%add3A_6] : memref<4096xi32, #tpu.memory_space<hbm>> -> memref<16xi32, #tpu.memory_space<hbm>>
      tpu.enqueue_dma source(%dma_start3A_1798 : memref<16xi32, #tpu.memory_space<hbm>>) target(%dma_start3A_1797 : memref<16xi32, #tpu.memory_space<vmem>>) target_semaphore(%run_scoped3A_1790 : memref<!tpu.dma_semaphore, #tpu.memory_space<semaphore_mem>>)
      %dma_wait3A_1799 = arith.constant 0 : i32
      %dma_wait3A_1800 = tpu.memref_slice %arg7[%run_scoped3A_7, %dma_wait3A_1799] : memref<4x16xi32, #tpu.memory_space<vmem>> -> memref<1x16xi32, #tpu.memory_space<vmem>>
      %dma_wait3A_1801 = tpu.memref_squeeze %dma_wait3A_1800 : memref<1x16xi32, #tpu.memory_space<vmem>> -> memref<16xi32, #tpu.memory_space<vmem>>
      %dma_wait3A_1802 = tpu.memref_slice %arg3[%add3A_6] : memref<4096xi32, #tpu.memory_space<hbm>> -> memref<16xi32, #tpu.memory_space<hbm>>
      %dma_wait3A_1803 = arith.constant 0 : i32
      %dma_wait3A_1804 = tpu.memref_slice %arg7[%run_scoped3A_7, %dma_wait3A_1803] : memref<4x16xi32, #tpu.memory_space<vmem>> -> memref<1x16xi32, #tpu.memory_space<vmem>>
      %dma_wait3A_1805 = tpu.memref_squeeze %dma_wait3A_1804 : memref<1x16xi32, #tpu.memory_space<vmem>> -> memref<16xi32, #tpu.memory_space<vmem>>
      %dma_wait3A_1806 = tpu.memref_slice %arg3[%add3A_6] : memref<4096xi32, #tpu.memory_space<hbm>> -> memref<16xi32, #tpu.memory_space<hbm>>
      tpu.wait_dma2 semaphore(%run_scoped3A_1790 : memref<!tpu.dma_semaphore, #tpu.memory_space<semaphore_mem>>) src(%dma_wait3A_1806 : memref<16xi32, #tpu.memory_space<hbm>>) dst(%dma_wait3A_1805 : memref<16xi32, #tpu.memory_space<vmem>>)
      tpu.yield
    }) : () -> ()
    %run_scoped3A_8 = arith.constant 0 : i32
    "tpu.region"() ({
      %run_scoped3A_1790 = tpu.sem_alloc : memref<!tpu.dma_semaphore, #tpu.memory_space<semaphore_mem>>
      %dma_start3A_1791 = arith.constant 0 : i32
      %dma_start3A_1792 = tpu.memref_slice %arg8[%run_scoped3A_8, %dma_start3A_1791] : memref<4x16xf32, #tpu.memory_space<vmem>> -> memref<1x16xf32, #tpu.memory_space<vmem>>
      %dma_start3A_1793 = tpu.memref_squeeze %dma_start3A_1792 : memref<1x16xf32, #tpu.memory_space<vmem>> -> memref<16xf32, #tpu.memory_space<vmem>>
      %dma_start3A_1794 = tpu.memref_slice %arg4[%add3A_4] : memref<4096xf32, #tpu.memory_space<hbm>> -> memref<16xf32, #tpu.memory_space<hbm>>
      %dma_start3A_1795 = arith.constant 0 : i32
      %dma_start3A_1796 = tpu.memref_slice %arg8[%run_scoped3A_8, %dma_start3A_1795] : memref<4x16xf32, #tpu.memory_space<vmem>> -> memref<1x16xf32, #tpu.memory_space<vmem>>
      %dma_start3A_1797 = tpu.memref_squeeze %dma_start3A_1796 : memref<1x16xf32, #tpu.memory_space<vmem>> -> memref<16xf32, #tpu.memory_space<vmem>>
      %dma_start3A_1798 = tpu.memref_slice %arg4[%add3A_4] : memref<4096xf32, #tpu.memory_space<hbm>> -> memref<16xf32, #tpu.memory_space<hbm>>
      tpu.enqueue_dma source(%dma_start3A_1798 : memref<16xf32, #tpu.memory_space<hbm>>) target(%dma_start3A_1797 : memref<16xf32, #tpu.memory_space<vmem>>) target_semaphore(%run_scoped3A_1790 : memref<!tpu.dma_semaphore, #tpu.memory_space<semaphore_mem>>)
      %dma_wait3A_1799 = arith.constant 0 : i32
      %dma_wait3A_1800 = tpu.memref_slice %arg8[%run_scoped3A_8, %dma_wait3A_1799] : memref<4x16xf32, #tpu.memory_space<vmem>> -> memref<1x16xf32, #tpu.memory_space<vmem>>
      %dma_wait3A_1801 = tpu.memref_squeeze %dma_wait3A_1800 : memref<1x16xf32, #tpu.memory_space<vmem>> -> memref<16xf32, #tpu.memory_space<vmem>>
      %dma_wait3A_1802 = tpu.memref_slice %arg4[%add3A_4] : memref<4096xf32, #tpu.memory_space<hbm>> -> memref<16xf32, #tpu.memory_space<hbm>>
      %dma_wait3A_1803 = arith.constant 0 : i32
      %dma_wait3A_1804 = tpu.memref_slice %arg8[%run_scoped3A_8, %dma_wait3A_1803] : memref<4x16xf32, #tpu.memory_space<vmem>> -> memref<1x16xf32, #tpu.memory_space<vmem>>
      %dma_wait3A_1805 = tpu.memref_squeeze %dma_wait3A_1804 : memref<1x16xf32, #tpu.memory_space<vmem>> -> memref<16xf32, #tpu.memory_space<vmem>>
      %dma_wait3A_1806 = tpu.memref_slice %arg4[%add3A_4] : memref<4096xf32, #tpu.memory_space<hbm>> -> memref<16xf32, #tpu.memory_space<hbm>>
      tpu.wait_dma2 semaphore(%run_scoped3A_1790 : memref<!tpu.dma_semaphore, #tpu.memory_space<semaphore_mem>>) src(%dma_wait3A_1806 : memref<16xf32, #tpu.memory_space<hbm>>) dst(%dma_wait3A_1805 : memref<16xf32, #tpu.memory_space<vmem>>)
      tpu.yield
    }) : () -> ()
    %add3A_9 = arith.constant 2048 : i32
    %add3A_10 = arith.addi %add3A_9, %add3A_4 : i32
    %run_scoped3A_11 = arith.constant 0 : i32
    "tpu.region"() ({
      %run_scoped3A_1790 = tpu.sem_alloc : memref<!tpu.dma_semaphore, #tpu.memory_space<semaphore_mem>>
      %dma_start3A_1791 = arith.constant 0 : i32
      %dma_start3A_1792 = tpu.memref_slice %arg9[%run_scoped3A_11, %dma_start3A_1791] : memref<4x16xf32, #tpu.memory_space<vmem>> -> memref<1x16xf32, #tpu.memory_space<vmem>>
      %dma_start3A_1793 = tpu.memref_squeeze %dma_start3A_1792 : memref<1x16xf32, #tpu.memory_space<vmem>> -> memref<16xf32, #tpu.memory_space<vmem>>
      %dma_start3A_1794 = tpu.memref_slice %arg4[%add3A_10] : memref<4096xf32, #tpu.memory_space<hbm>> -> memref<16xf32, #tpu.memory_space<hbm>>
      %dma_start3A_1795 = arith.constant 0 : i32
      %dma_start3A_1796 = tpu.memref_slice %arg9[%run_scoped3A_11, %dma_start3A_1795] : memref<4x16xf32, #tpu.memory_space<vmem>> -> memref<1x16xf32, #tpu.memory_space<vmem>>
      %dma_start3A_1797 = tpu.memref_squeeze %dma_start3A_1796 : memref<1x16xf32, #tpu.memory_space<vmem>> -> memref<16xf32, #tpu.memory_space<vmem>>
      %dma_start3A_1798 = tpu.memref_slice %arg4[%add3A_10] : memref<4096xf32, #tpu.memory_space<hbm>> -> memref<16xf32, #tpu.memory_space<hbm>>
      tpu.enqueue_dma source(%dma_start3A_1798 : memref<16xf32, #tpu.memory_space<hbm>>) target(%dma_start3A_1797 : memref<16xf32, #tpu.memory_space<vmem>>) target_semaphore(%run_scoped3A_1790 : memref<!tpu.dma_semaphore, #tpu.memory_space<semaphore_mem>>)
      %dma_wait3A_1799 = arith.constant 0 : i32
      %dma_wait3A_1800 = tpu.memref_slice %arg9[%run_scoped3A_11, %dma_wait3A_1799] : memref<4x16xf32, #tpu.memory_space<vmem>> -> memref<1x16xf32, #tpu.memory_space<vmem>>
      %dma_wait3A_1801 = tpu.memref_squeeze %dma_wait3A_1800 : memref<1x16xf32, #tpu.memory_space<vmem>> -> memref<16xf32, #tpu.memory_space<vmem>>
      %dma_wait3A_1802 = tpu.memref_slice %arg4[%add3A_10] : memref<4096xf32, #tpu.memory_space<hbm>> -> memref<16xf32, #tpu.memory_space<hbm>>
      %dma_wait3A_1803 = arith.constant 0 : i32
      %dma_wait3A_1804 = tpu.memref_slice %arg9[%run_scoped3A_11, %dma_wait3A_1803] : memref<4x16xf32, #tpu.memory_space<vmem>> -> memref<1x16xf32, #tpu.memory_space<vmem>>
      %dma_wait3A_1805 = tpu.memref_squeeze %dma_wait3A_1804 : memref<1x16xf32, #tpu.memory_space<vmem>> -> memref<16xf32, #tpu.memory_space<vmem>>
      %dma_wait3A_1806 = tpu.memref_slice %arg4[%add3A_10] : memref<4096xf32, #tpu.memory_space<hbm>> -> memref<16xf32, #tpu.memory_space<hbm>>
      tpu.wait_dma2 semaphore(%run_scoped3A_1790 : memref<!tpu.dma_semaphore, #tpu.memory_space<semaphore_mem>>) src(%dma_wait3A_1806 : memref<16xf32, #tpu.memory_space<hbm>>) dst(%dma_wait3A_1805 : memref<16xf32, #tpu.memory_space<vmem>>)
      tpu.yield
    }) : () -> ()
    %add3A_12 = arith.constant 16 : i32
    %add3A_13 = arith.addi %mul3A_2, %add3A_12 : i32
    %run_scoped3A_14 = arith.constant 1 : i32
    "tpu.region"() ({
      %run_scoped3A_1790 = tpu.sem_alloc : memref<!tpu.dma_semaphore, #tpu.memory_space<semaphore_mem>>
      %dma_start3A_1791 = arith.constant 0 : i32
      %dma_start3A_1792 = tpu.memref_slice %arg6[%run_scoped3A_14, %dma_start3A_1791] : memref<4x16xi32, #tpu.memory_space<vmem>> -> memref<1x16xi32, #tpu.memory_space<vmem>>
      %dma_start3A_1793 = tpu.memref_squeeze %dma_start3A_1792 : memref<1x16xi32, #tpu.memory_space<vmem>> -> memref<16xi32, #tpu.memory_space<vmem>>
      %dma_start3A_1794 = tpu.memref_slice %arg3[%add3A_13] : memref<4096xi32, #tpu.memory_space<hbm>> -> memref<16xi32, #tpu.memory_space<hbm>>
      %dma_start3A_1795 = arith.constant 0 : i32
      %dma_start3A_1796 = tpu.memref_slice %arg6[%run_scoped3A_14, %dma_start3A_1795] : memref<4x16xi32, #tpu.memory_space<vmem>> -> memref<1x16xi32, #tpu.memory_space<vmem>>
      %dma_start3A_1797 = tpu.memref_squeeze %dma_start3A_1796 : memref<1x16xi32, #tpu.memory_space<vmem>> -> memref<16xi32, #tpu.memory_space<vmem>>
      %dma_start3A_1798 = tpu.memref_slice %arg3[%add3A_13] : memref<4096xi32, #tpu.memory_space<hbm>> -> memref<16xi32, #tpu.memory_space<hbm>>
      tpu.enqueue_dma source(%dma_start3A_1798 : memref<16xi32, #tpu.memory_space<hbm>>) target(%dma_start3A_1797 : memref<16xi32, #tpu.memory_space<vmem>>) target_semaphore(%run_scoped3A_1790 : memref<!tpu.dma_semaphore, #tpu.memory_space<semaphore_mem>>)
      %dma_wait3A_1799 = arith.constant 0 : i32
      %dma_wait3A_1800 = tpu.memref_slice %arg6[%run_scoped3A_14, %dma_wait3A_1799] : memref<4x16xi32, #tpu.memory_space<vmem>> -> memref<1x16xi32, #tpu.memory_space<vmem>>
      %dma_wait3A_1801 = tpu.memref_squeeze %dma_wait3A_1800 : memref<1x16xi32, #tpu.memory_space<vmem>> -> memref<16xi32, #tpu.memory_space<vmem>>
      %dma_wait3A_1802 = tpu.memref_slice %arg3[%add3A_13] : memref<4096xi32, #tpu.memory_space<hbm>> -> memref<16xi32, #tpu.memory_space<hbm>>
      %dma_wait3A_1803 = arith.constant 0 : i32
      %dma_wait3A_1804 = tpu.memref_slice %arg6[%run_scoped3A_14, %dma_wait3A_1803] : memref<4x16xi32, #tpu.memory_space<vmem>> -> memref<1x16xi32, #tpu.memory_space<vmem>>
      %dma_wait3A_1805 = tpu.memref_squeeze %dma_wait3A_1804 : memref<1x16xi32, #tpu.memory_space<vmem>> -> memref<16xi32, #tpu.memory_space<vmem>>
      %dma_wait3A_1806 = tpu.memref_slice %arg3[%add3A_13] : memref<4096xi32, #tpu.memory_space<hbm>> -> memref<16xi32, #tpu.memory_space<hbm>>
      tpu.wait_dma2 semaphore(%run_scoped3A_1790 : memref<!tpu.dma_semaphore, #tpu.memory_space<semaphore_mem>>) src(%dma_wait3A_1806 : memref<16xi32, #tpu.memory_space<hbm>>) dst(%dma_wait3A_1805 : memref<16xi32, #tpu.memory_space<vmem>>)
      tpu.yield
    }) : () -> ()
    %add3A_15 = arith.constant 2048 : i32
    %add3A_16 = arith.addi %add3A_15, %add3A_13 : i32
    %run_scoped3A_17 = arith.constant 1 : i32
    "tpu.region"() ({
      %run_scoped3A_1790 = tpu.sem_alloc : memref<!tpu.dma_semaphore, #tpu.memory_space<semaphore_mem>>
      %dma_start3A_1791 = arith.constant 0 : i32
      %dma_start3A_1792 = tpu.memref_slice %arg7[%run_scoped3A_17, %dma_start3A_1791] : memref<4x16xi32, #tpu.memory_space<vmem>> -> memref<1x16xi32, #tpu.memory_space<vmem>>
      %dma_start3A_1793 = tpu.memref_squeeze %dma_start3A_1792 : memref<1x16xi32, #tpu.memory_space<vmem>> -> memref<16xi32, #tpu.memory_space<vmem>>
      %dma_start3A_1794 = tpu.memref_slice %arg3[%add3A_16] : memref<4096xi32, #tpu.memory_space<hbm>> -> memref<16xi32, #tpu.memory_space<hbm>>
      %dma_start3A_1795 = arith.constant 0 : i32
      %dma_start3A_1796 = tpu.memref_slice %arg7[%run_scoped3A_17, %dma_start3A_1795] : memref<4x16xi32, #tpu.memory_space<vmem>> -> memref<1x16xi32, #tpu.memory_space<vmem>>
      %dma_start3A_1797 = tpu.memref_squeeze %dma_start3A_1796 : memref<1x16xi32, #tpu.memory_space<vmem>> -> memref<16xi32, #tpu.memory_space<vmem>>
      %dma_start3A_1798 = tpu.memref_slice %arg3[%add3A_16] : memref<4096xi32, #tpu.memory_space<hbm>> -> memref<16xi32, #tpu.memory_space<hbm>>
      tpu.enqueue_dma source(%dma_start3A_1798 : memref<16xi32, #tpu.memory_space<hbm>>) target(%dma_start3A_1797 : memref<16xi32, #tpu.memory_space<vmem>>) target_semaphore(%run_scoped3A_1790 : memref<!tpu.dma_semaphore, #tpu.memory_space<semaphore_mem>>)
      %dma_wait3A_1799 = arith.constant 0 : i32
      %dma_wait3A_1800 = tpu.memref_slice %arg7[%run_scoped3A_17, %dma_wait3A_1799] : memref<4x16xi32, #tpu.memory_space<vmem>> -> memref<1x16xi32, #tpu.memory_space<vmem>>
      %dma_wait3A_1801 = tpu.memref_squeeze %dma_wait3A_1800 : memref<1x16xi32, #tpu.memory_space<vmem>> -> memref<16xi32, #tpu.memory_space<vmem>>
      %dma_wait3A_1802 = tpu.memref_slice %arg3[%add3A_16] : memref<4096xi32, #tpu.memory_space<hbm>> -> memref<16xi32, #tpu.memory_space<hbm>>
      %dma_wait3A_1803 = arith.constant 0 : i32
      %dma_wait3A_1804 = tpu.memref_slice %arg7[%run_scoped3A_17, %dma_wait3A_1803] : memref<4x16xi32, #tpu.memory_space<vmem>> -> memref<1x16xi32, #tpu.memory_space<vmem>>
      %dma_wait3A_1805 = tpu.memref_squeeze %dma_wait3A_1804 : memref<1x16xi32, #tpu.memory_space<vmem>> -> memref<16xi32, #tpu.memory_space<vmem>>
      %dma_wait3A_1806 = tpu.memref_slice %arg3[%add3A_16] : memref<4096xi32, #tpu.memory_space<hbm>> -> memref<16xi32, #tpu.memory_space<hbm>>
      tpu.wait_dma2 semaphore(%run_scoped3A_1790 : memref<!tpu.dma_semaphore, #tpu.memory_space<semaphore_mem>>) src(%dma_wait3A_1806 : memref<16xi32, #tpu.memory_space<hbm>>) dst(%dma_wait3A_1805 : memref<16xi32, #tpu.memory_space<vmem>>)
      tpu.yield
    }) : () -> ()
    %run_scoped3A_18 = arith.constant 1 : i32
    "tpu.region"() ({
      %run_scoped3A_1790 = tpu.sem_alloc : memref<!tpu.dma_semaphore, #tpu.memory_space<semaphore_mem>>
      %dma_start3A_1791 = arith.constant 0 : i32
      %dma_start3A_1792 = tpu.memref_slice %arg8[%run_scoped3A_18, %dma_start3A_1791] : memref<4x16xf32, #tpu.memory_space<vmem>> -> memref<1x16xf32, #tpu.memory_space<vmem>>
      %dma_start3A_1793 = tpu.memref_squeeze %dma_start3A_1792 : memref<1x16xf32, #tpu.memory_space<vmem>> -> memref<16xf32, #tpu.memory_space<vmem>>
      %dma_start3A_1794 = tpu.memref_slice %arg4[%add3A_13] : memref<4096xf32, #tpu.memory_space<hbm>> -> memref<16xf32, #tpu.memory_space<hbm>>
      %dma_start3A_1795 = arith.constant 0 : i32
      %dma_start3A_1796 = tpu.memref_slice %arg8[%run_scoped3A_18, %dma_start3A_1795] : memref<4x16xf32, #tpu.memory_space<vmem>> -> memref<1x16xf32, #tpu.memory_space<vmem>>
      %dma_start3A_1797 = tpu.memref_squeeze %dma_start3A_1796 : memref<1x16xf32, #tpu.memory_space<vmem>> -> memref<16xf32, #tpu.memory_space<vmem>>
      %dma_start3A_1798 = tpu.memref_slice %arg4[%add3A_13] : memref<4096xf32, #tpu.memory_space<hbm>> -> memref<16xf32, #tpu.memory_space<hbm>>
      tpu.enqueue_dma source(%dma_start3A_1798 : memref<16xf32, #tpu.memory_space<hbm>>) target(%dma_start3A_1797 : memref<16xf32, #tpu.memory_space<vmem>>) target_semaphore(%run_scoped3A_1790 : memref<!tpu.dma_semaphore, #tpu.memory_space<semaphore_mem>>)
      %dma_wait3A_1799 = arith.constant 0 : i32
      %dma_wait3A_1800 = tpu.memref_slice %arg8[%run_scoped3A_18, %dma_wait3A_1799] : memref<4x16xf32, #tpu.memory_space<vmem>> -> memref<1x16xf32, #tpu.memory_space<vmem>>
      %dma_wait3A_1801 = tpu.memref_squeeze %dma_wait3A_1800 : memref<1x16xf32, #tpu.memory_space<vmem>> -> memref<16xf32, #tpu.memory_space<vmem>>
      %dma_wait3A_1802 = tpu.memref_slice %arg4[%add3A_13] : memref<4096xf32, #tpu.memory_space<hbm>> -> memref<16xf32, #tpu.memory_space<hbm>>
      %dma_wait3A_1803 = arith.constant 0 : i32
      %dma_wait3A_1804 = tpu.memref_slice %arg8[%run_scoped3A_18, %dma_wait3A_1803] : memref<4x16xf32, #tpu.memory_space<vmem>> -> memref<1x16xf32, #tpu.memory_space<vmem>>
      %dma_wait3A_1805 = tpu.memref_squeeze %dma_wait3A_1804 : memref<1x16xf32, #tpu.memory_space<vmem>> -> memref<16xf32, #tpu.memory_space<vmem>>
      %dma_wait3A_1806 = tpu.memref_slice %arg4[%add3A_13] : memref<4096xf32, #tpu.memory_space<hbm>> -> memref<16xf32, #tpu.memory_space<hbm>>
      tpu.wait_dma2 semaphore(%run_scoped3A_1790 : memref<!tpu.dma_semaphore, #tpu.memory_space<semaphore_mem>>) src(%dma_wait3A_1806 : memref<16xf32, #tpu.memory_space<hbm>>) dst(%dma_wait3A_1805 : memref<16xf32, #tpu.memory_space<vmem>>)
      tpu.yield
    }) : () -> ()
    %add3A_19 = arith.constant 2048 : i32
    %add3A_20 = arith.addi %add3A_19, %add3A_13 : i32
    %run_scoped3A_21 = arith.constant 1 : i32
    "tpu.region"() ({
      %run_scoped3A_1790 = tpu.sem_alloc : memref<!tpu.dma_semaphore, #tpu.memory_space<semaphore_mem>>
      %dma_start3A_1791 = arith.constant 0 : i32
      %dma_start3A_1792 = tpu.memref_slice %arg9[%run_scoped3A_21, %dma_start3A_1791] : memref<4x16xf32, #tpu.memory_space<vmem>> -> memref<1x16xf32, #tpu.memory_space<vmem>>
      %dma_start3A_1793 = tpu.memref_squeeze %dma_start3A_1792 : memref<1x16xf32, #tpu.memory_space<vmem>> -> memref<16xf32, #tpu.memory_space<vmem>>
      %dma_start3A_1794 = tpu.memref_slice %arg4[%add3A_20] : memref<4096xf32, #tpu.memory_space<hbm>> -> memref<16xf32, #tpu.memory_space<hbm>>
      %dma_start3A_1795 = arith.constant 0 : i32
      %dma_start3A_1796 = tpu.memref_slice %arg9[%run_scoped3A_21, %dma_start3A_1795] : memref<4x16xf32, #tpu.memory_space<vmem>> -> memref<1x16xf32, #tpu.memory_space<vmem>>
      %dma_start3A_1797 = tpu.memref_squeeze %dma_start3A_1796 : memref<1x16xf32, #tpu.memory_space<vmem>> -> memref<16xf32, #tpu.memory_space<vmem>>
      %dma_start3A_1798 = tpu.memref_slice %arg4[%add3A_20] : memref<4096xf32, #tpu.memory_space<hbm>> -> memref<16xf32, #tpu.memory_space<hbm>>
      tpu.enqueue_dma source(%dma_start3A_1798 : memref<16xf32, #tpu.memory_space<hbm>>) target(%dma_start3A_1797 : memref<16xf32, #tpu.memory_space<vmem>>) target_semaphore(%run_scoped3A_1790 : memref<!tpu.dma_semaphore, #tpu.memory_space<semaphore_mem>>)
      %dma_wait3A_1799 = arith.constant 0 : i32
      %dma_wait3A_1800 = tpu.memref_slice %arg9[%run_scoped3A_21, %dma_wait3A_1799] : memref<4x16xf32, #tpu.memory_space<vmem>> -> memref<1x16xf32, #tpu.memory_space<vmem>>
      %dma_wait3A_1801 = tpu.memref_squeeze %dma_wait3A_1800 : memref<1x16xf32, #tpu.memory_space<vmem>> -> memref<16xf32, #tpu.memory_space<vmem>>
      %dma_wait3A_1802 = tpu.memref_slice %arg4[%add3A_20] : memref<4096xf32, #tpu.memory_space<hbm>> -> memref<16xf32, #tpu.memory_space<hbm>>
      %dma_wait3A_1803 = arith.constant 0 : i32
      %dma_wait3A_1804 = tpu.memref_slice %arg9[%run_scoped3A_21, %dma_wait3A_1803] : memref<4x16xf32, #tpu.memory_space<vmem>> -> memref<1x16xf32, #tpu.memory_space<vmem>>
      %dma_wait3A_1805 = tpu.memref_squeeze %dma_wait3A_1804 : memref<1x16xf32, #tpu.memory_space<vmem>> -> memref<16xf32, #tpu.memory_space<vmem>>
      %dma_wait3A_1806 = tpu.memref_slice %arg4[%add3A_20] : memref<4096xf32, #tpu.memory_space<hbm>> -> memref<16xf32, #tpu.memory_space<hbm>>
      tpu.wait_dma2 semaphore(%run_scoped3A_1790 : memref<!tpu.dma_semaphore, #tpu.memory_space<semaphore_mem>>) src(%dma_wait3A_1806 : memref<16xf32, #tpu.memory_space<hbm>>) dst(%dma_wait3A_1805 : memref<16xf32, #tpu.memory_space<vmem>>)
      tpu.yield
    }) : () -> ()
    %add3A_22 = arith.constant 32 : i32
    %add3A_23 = arith.addi %mul3A_2, %add3A_22 : i32
    %run_scoped3A_24 = arith.constant 2 : i32
    "tpu.region"() ({
      %run_scoped3A_1790 = tpu.sem_alloc : memref<!tpu.dma_semaphore, #tpu.memory_space<semaphore_mem>>
      %dma_start3A_1791 = arith.constant 0 : i32
      %dma_start3A_1792 = tpu.memref_slice %arg6[%run_scoped3A_24, %dma_start3A_1791] : memref<4x16xi32, #tpu.memory_space<vmem>> -> memref<1x16xi32, #tpu.memory_space<vmem>>
      %dma_start3A_1793 = tpu.memref_squeeze %dma_start3A_1792 : memref<1x16xi32, #tpu.memory_space<vmem>> -> memref<16xi32, #tpu.memory_space<vmem>>
      %dma_start3A_1794 = tpu.memref_slice %arg3[%add3A_23] : memref<4096xi32, #tpu.memory_space<hbm>> -> memref<16xi32, #tpu.memory_space<hbm>>
      %dma_start3A_1795 = arith.constant 0 : i32
      %dma_start3A_1796 = tpu.memref_slice %arg6[%run_scoped3A_24, %dma_start3A_1795] : memref<4x16xi32, #tpu.memory_space<vmem>> -> memref<1x16xi32, #tpu.memory_space<vmem>>
      %dma_start3A_1797 = tpu.memref_squeeze %dma_start3A_1796 : memref<1x16xi32, #tpu.memory_space<vmem>> -> memref<16xi32, #tpu.memory_space<vmem>>
      %dma_start3A_1798 = tpu.memref_slice %arg3[%add3A_23] : memref<4096xi32, #tpu.memory_space<hbm>> -> memref<16xi32, #tpu.memory_space<hbm>>
      tpu.enqueue_dma source(%dma_start3A_1798 : memref<16xi32, #tpu.memory_space<hbm>>) target(%dma_start3A_1797 : memref<16xi32, #tpu.memory_space<vmem>>) target_semaphore(%run_scoped3A_1790 : memref<!tpu.dma_semaphore, #tpu.memory_space<semaphore_mem>>)
      %dma_wait3A_1799 = arith.constant 0 : i32
      %dma_wait3A_1800 = tpu.memref_slice %arg6[%run_scoped3A_24, %dma_wait3A_1799] : memref<4x16xi32, #tpu.memory_space<vmem>> -> memref<1x16xi32, #tpu.memory_space<vmem>>
      %dma_wait3A_1801 = tpu.memref_squeeze %dma_wait3A_1800 : memref<1x16xi32, #tpu.memory_space<vmem>> -> memref<16xi32, #tpu.memory_space<vmem>>
      %dma_wait3A_1802 = tpu.memref_slice %arg3[%add3A_23] : memref<4096xi32, #tpu.memory_space<hbm>> -> memref<16xi32, #tpu.memory_space<hbm>>
      %dma_wait3A_1803 = arith.constant 0 : i32
      %dma_wait3A_1804 = tpu.memref_slice %arg6[%run_scoped3A_24, %dma_wait3A_1803] : memref<4x16xi32, #tpu.memory_space<vmem>> -> memref<1x16xi32, #tpu.memory_space<vmem>>
      %dma_wait3A_1805 = tpu.memref_squeeze %dma_wait3A_1804 : memref<1x16xi32, #tpu.memory_space<vmem>> -> memref<16xi32, #tpu.memory_space<vmem>>
      %dma_wait3A_1806 = tpu.memref_slice %arg3[%add3A_23] : memref<4096xi32, #tpu.memory_space<hbm>> -> memref<16xi32, #tpu.memory_space<hbm>>
      tpu.wait_dma2 semaphore(%run_scoped3A_1790 : memref<!tpu.dma_semaphore, #tpu.memory_space<semaphore_mem>>) src(%dma_wait3A_1806 : memref<16xi32, #tpu.memory_space<hbm>>) dst(%dma_wait3A_1805 : memref<16xi32, #tpu.memory_space<vmem>>)
      tpu.yield
    }) : () -> ()
    %add3A_25 = arith.constant 2048 : i32
    %add3A_26 = arith.addi %add3A_25, %add3A_23 : i32
    %run_scoped3A_27 = arith.constant 2 : i32
    "tpu.region"() ({
      %run_scoped3A_1790 = tpu.sem_alloc : memref<!tpu.dma_semaphore, #tpu.memory_space<semaphore_mem>>
      %dma_start3A_1791 = arith.constant 0 : i32
      %dma_start3A_1792 = tpu.memref_slice %arg7[%run_scoped3A_27, %dma_start3A_1791] : memref<4x16xi32, #tpu.memory_space<vmem>> -> memref<1x16xi32, #tpu.memory_space<vmem>>
      %dma_start3A_1793 = tpu.memref_squeeze %dma_start3A_1792 : memref<1x16xi32, #tpu.memory_space<vmem>> -> memref<16xi32, #tpu.memory_space<vmem>>
      %dma_start3A_1794 = tpu.memref_slice %arg3[%add3A_26] : memref<4096xi32, #tpu.memory_space<hbm>> -> memref<16xi32, #tpu.memory_space<hbm>>
      %dma_start3A_1795 = arith.constant 0 : i32
      %dma_start3A_1796 = tpu.memref_slice %arg7[%run_scoped3A_27, %dma_start3A_1795] : memref<4x16xi32, #tpu.memory_space<vmem>> -> memref<1x16xi32, #tpu.memory_space<vmem>>
      %dma_start3A_1797 = tpu.memref_squeeze %dma_start3A_1796 : memref<1x16xi32, #tpu.memory_space<vmem>> -> memref<16xi32, #tpu.memory_space<vmem>>
      %dma_start3A_1798 = tpu.memref_slice %arg3[%add3A_26] : memref<4096xi32, #tpu.memory_space<hbm>> -> memref<16xi32, #tpu.memory_space<hbm>>
      tpu.enqueue_dma source(%dma_start3A_1798 : memref<16xi32, #tpu.memory_space<hbm>>) target(%dma_start3A_1797 : memref<16xi32, #tpu.memory_space<vmem>>) target_semaphore(%run_scoped3A_1790 : memref<!tpu.dma_semaphore, #tpu.memory_space<semaphore_mem>>)
      %dma_wait3A_1799 = arith.constant 0 : i32
      %dma_wait3A_1800 = tpu.memref_slice %arg7[%run_scoped3A_27, %dma_wait3A_1799] : memref<4x16xi32, #tpu.memory_space<vmem>> -> memref<1x16xi32, #tpu.memory_space<vmem>>
      %dma_wait3A_1801 = tpu.memref_squeeze %dma_wait3A_1800 : memref<1x16xi32, #tpu.memory_space<vmem>> -> memref<16xi32, #tpu.memory_space<vmem>>
      %dma_wait3A_1802 = tpu.memref_slice %arg3[%add3A_26] : memref<4096xi32, #tpu.memory_space<hbm>> -> memref<16xi32, #tpu.memory_space<hbm>>
      %dma_wait3A_1803 = arith.constant 0 : i32
      %dma_wait3A_1804 = tpu.memref_slice %arg7[%run_scoped3A_27, %dma_wait3A_1803] : memref<4x16xi32, #tpu.memory_space<vmem>> -> memref<1x16xi32, #tpu.memory_space<vmem>>
      %dma_wait3A_1805 = tpu.memref_squeeze %dma_wait3A_1804 : memref<1x16xi32, #tpu.memory_space<vmem>> -> memref<16xi32, #tpu.memory_space<vmem>>
      %dma_wait3A_1806 = tpu.memref_slice %arg3[%add3A_26] : memref<4096xi32, #tpu.memory_space<hbm>> -> memref<16xi32, #tpu.memory_space<hbm>>
      tpu.wait_dma2 semaphore(%run_scoped3A_1790 : memref<!tpu.dma_semaphore, #tpu.memory_space<semaphore_mem>>) src(%dma_wait3A_1806 : memref<16xi32, #tpu.memory_space<hbm>>) dst(%dma_wait3A_1805 : memref<16xi32, #tpu.memory_space<vmem>>)
      tpu.yield
    }) : () -> ()
    %run_scoped3A_28 = arith.constant 2 : i32
    "tpu.region"() ({
      %run_scoped3A_1790 = tpu.sem_alloc : memref<!tpu.dma_semaphore, #tpu.memory_space<semaphore_mem>>
      %dma_start3A_1791 = arith.constant 0 : i32
      %dma_start3A_1792 = tpu.memref_slice %arg8[%run_scoped3A_28, %dma_start3A_1791] : memref<4x16xf32, #tpu.memory_space<vmem>> -> memref<1x16xf32, #tpu.memory_space<vmem>>
      %dma_start3A_1793 = tpu.memref_squeeze %dma_start3A_1792 : memref<1x16xf32, #tpu.memory_space<vmem>> -> memref<16xf32, #tpu.memory_space<vmem>>
      %dma_start3A_1794 = tpu.memref_slice %arg4[%add3A_23] : memref<4096xf32, #tpu.memory_space<hbm>> -> memref<16xf32, #tpu.memory_space<hbm>>
      %dma_start3A_1795 = arith.constant 0 : i32
      %dma_start3A_1796 = tpu.memref_slice %arg8[%run_scoped3A_28, %dma_start3A_1795] : memref<4x16xf32, #tpu.memory_space<vmem>> -> memref<1x16xf32, #tpu.memory_space<vmem>>
      %dma_start3A_1797 = tpu.memref_squeeze %dma_start3A_1796 : memref<1x16xf32, #tpu.memory_space<vmem>> -> memref<16xf32, #tpu.memory_space<vmem>>
      %dma_start3A_1798 = tpu.memref_slice %arg4[%add3A_23] : memref<4096xf32, #tpu.memory_space<hbm>> -> memref<16xf32, #tpu.memory_space<hbm>>
      tpu.enqueue_dma source(%dma_start3A_1798 : memref<16xf32, #tpu.memory_space<hbm>>) target(%dma_start3A_1797 : memref<16xf32, #tpu.memory_space<vmem>>) target_semaphore(%run_scoped3A_1790 : memref<!tpu.dma_semaphore, #tpu.memory_space<semaphore_mem>>)
      %dma_wait3A_1799 = arith.constant 0 : i32
      %dma_wait3A_1800 = tpu.memref_slice %arg8[%run_scoped3A_28, %dma_wait3A_1799] : memref<4x16xf32, #tpu.memory_space<vmem>> -> memref<1x16xf32, #tpu.memory_space<vmem>>
      %dma_wait3A_1801 = tpu.memref_squeeze %dma_wait3A_1800 : memref<1x16xf32, #tpu.memory_space<vmem>> -> memref<16xf32, #tpu.memory_space<vmem>>
      %dma_wait3A_1802 = tpu.memref_slice %arg4[%add3A_23] : memref<4096xf32, #tpu.memory_space<hbm>> -> memref<16xf32, #tpu.memory_space<hbm>>
      %dma_wait3A_1803 = arith.constant 0 : i32
      %dma_wait3A_1804 = tpu.memref_slice %arg8[%run_scoped3A_28, %dma_wait3A_1803] : memref<4x16xf32, #tpu.memory_space<vmem>> -> memref<1x16xf32, #tpu.memory_space<vmem>>
      %dma_wait3A_1805 = tpu.memref_squeeze %dma_wait3A_1804 : memref<1x16xf32, #tpu.memory_space<vmem>> -> memref<16xf32, #tpu.memory_space<vmem>>
      %dma_wait3A_1806 = tpu.memref_slice %arg4[%add3A_23] : memref<4096xf32, #tpu.memory_space<hbm>> -> memref<16xf32, #tpu.memory_space<hbm>>
      tpu.wait_dma2 semaphore(%run_scoped3A_1790 : memref<!tpu.dma_semaphore, #tpu.memory_space<semaphore_mem>>) src(%dma_wait3A_1806 : memref<16xf32, #tpu.memory_space<hbm>>) dst(%dma_wait3A_1805 : memref<16xf32, #tpu.memory_space<vmem>>)
      tpu.yield
    }) : () -> ()
    %add3A_29 = arith.constant 2048 : i32
    %add3A_30 = arith.addi %add3A_29, %add3A_23 : i32
    %run_scoped3A_31 = arith.constant 2 : i32
    "tpu.region"() ({
      %run_scoped3A_1790 = tpu.sem_alloc : memref<!tpu.dma_semaphore, #tpu.memory_space<semaphore_mem>>
      %dma_start3A_1791 = arith.constant 0 : i32
      %dma_start3A_1792 = tpu.memref_slice %arg9[%run_scoped3A_31, %dma_start3A_1791] : memref<4x16xf32, #tpu.memory_space<vmem>> -> memref<1x16xf32, #tpu.memory_space<vmem>>
      %dma_start3A_1793 = tpu.memref_squeeze %dma_start3A_1792 : memref<1x16xf32, #tpu.memory_space<vmem>> -> memref<16xf32, #tpu.memory_space<vmem>>
      %dma_start3A_1794 = tpu.memref_slice %arg4[%add3A_30] : memref<4096xf32, #tpu.memory_space<hbm>> -> memref<16xf32, #tpu.memory_space<hbm>>
      %dma_start3A_1795 = arith.constant 0 : i32
      %dma_start3A_1796 = tpu.memref_slice %arg9[%run_scoped3A_31, %dma_start3A_1795] : memref<4x16xf32, #tpu.memory_space<vmem>> -> memref<1x16xf32, #tpu.memory_space<vmem>>
      %dma_start3A_1797 = tpu.memref_squeeze %dma_start3A_1796 : memref<1x16xf32, #tpu.memory_space<vmem>> -> memref<16xf32, #tpu.memory_space<vmem>>
      %dma_start3A_1798 = tpu.memref_slice %arg4[%add3A_30] : memref<4096xf32, #tpu.memory_space<hbm>> -> memref<16xf32, #tpu.memory_space<hbm>>
      tpu.enqueue_dma source(%dma_start3A_1798 : memref<16xf32, #tpu.memory_space<hbm>>) target(%dma_start3A_1797 : memref<16xf32, #tpu.memory_space<vmem>>) target_semaphore(%run_scoped3A_1790 : memref<!tpu.dma_semaphore, #tpu.memory_space<semaphore_mem>>)
      %dma_wait3A_1799 = arith.constant 0 : i32
      %dma_wait3A_1800 = tpu.memref_slice %arg9[%run_scoped3A_31, %dma_wait3A_1799] : memref<4x16xf32, #tpu.memory_space<vmem>> -> memref<1x16xf32, #tpu.memory_space<vmem>>
      %dma_wait3A_1801 = tpu.memref_squeeze %dma_wait3A_1800 : memref<1x16xf32, #tpu.memory_space<vmem>> -> memref<16xf32, #tpu.memory_space<vmem>>
      %dma_wait3A_1802 = tpu.memref_slice %arg4[%add3A_30] : memref<4096xf32, #tpu.memory_space<hbm>> -> memref<16xf32, #tpu.memory_space<hbm>>
      %dma_wait3A_1803 = arith.constant 0 : i32
      %dma_wait3A_1804 = tpu.memref_slice %arg9[%run_scoped3A_31, %dma_wait3A_1803] : memref<4x16xf32, #tpu.memory_space<vmem>> -> memref<1x16xf32, #tpu.memory_space<vmem>>
      %dma_wait3A_1805 = tpu.memref_squeeze %dma_wait3A_1804 : memref<1x16xf32, #tpu.memory_space<vmem>> -> memref<16xf32, #tpu.memory_space<vmem>>
      %dma_wait3A_1806 = tpu.memref_slice %arg4[%add3A_30] : memref<4096xf32, #tpu.memory_space<hbm>> -> memref<16xf32, #tpu.memory_space<hbm>>
      tpu.wait_dma2 semaphore(%run_scoped3A_1790 : memref<!tpu.dma_semaphore, #tpu.memory_space<semaphore_mem>>) src(%dma_wait3A_1806 : memref<16xf32, #tpu.memory_space<hbm>>) dst(%dma_wait3A_1805 : memref<16xf32, #tpu.memory_space<vmem>>)
      tpu.yield
    }) : () -> ()
    %add3A_32 = arith.constant 48 : i32
    %add3A_33 = arith.addi %mul3A_2, %add3A_32 : i32
    %run_scoped3A_34 = arith.constant 3 : i32
    "tpu.region"() ({
      %run_scoped3A_1790 = tpu.sem_alloc : memref<!tpu.dma_semaphore, #tpu.memory_space<semaphore_mem>>
      %dma_start3A_1791 = arith.constant 0 : i32
      %dma_start3A_1792 = tpu.memref_slice %arg6[%run_scoped3A_34, %dma_start3A_1791] : memref<4x16xi32, #tpu.memory_space<vmem>> -> memref<1x16xi32, #tpu.memory_space<vmem>>
      %dma_start3A_1793 = tpu.memref_squeeze %dma_start3A_1792 : memref<1x16xi32, #tpu.memory_space<vmem>> -> memref<16xi32, #tpu.memory_space<vmem>>
      %dma_start3A_1794 = tpu.memref_slice %arg3[%add3A_33] : memref<4096xi32, #tpu.memory_space<hbm>> -> memref<16xi32, #tpu.memory_space<hbm>>
      %dma_start3A_1795 = arith.constant 0 : i32
      %dma_start3A_1796 = tpu.memref_slice %arg6[%run_scoped3A_34, %dma_start3A_1795] : memref<4x16xi32, #tpu.memory_space<vmem>> -> memref<1x16xi32, #tpu.memory_space<vmem>>
      %dma_start3A_1797 = tpu.memref_squeeze %dma_start3A_1796 : memref<1x16xi32, #tpu.memory_space<vmem>> -> memref<16xi32, #tpu.memory_space<vmem>>
      %dma_start3A_1798 = tpu.memref_slice %arg3[%add3A_33] : memref<4096xi32, #tpu.memory_space<hbm>> -> memref<16xi32, #tpu.memory_space<hbm>>
      tpu.enqueue_dma source(%dma_start3A_1798 : memref<16xi32, #tpu.memory_space<hbm>>) target(%dma_start3A_1797 : memref<16xi32, #tpu.memory_space<vmem>>) target_semaphore(%run_scoped3A_1790 : memref<!tpu.dma_semaphore, #tpu.memory_space<semaphore_mem>>)
      %dma_wait3A_1799 = arith.constant 0 : i32
      %dma_wait3A_1800 = tpu.memref_slice %arg6[%run_scoped3A_34, %dma_wait3A_1799] : memref<4x16xi32, #tpu.memory_space<vmem>> -> memref<1x16xi32, #tpu.memory_space<vmem>>
      %dma_wait3A_1801 = tpu.memref_squeeze %dma_wait3A_1800 : memref<1x16xi32, #tpu.memory_space<vmem>> -> memref<16xi32, #tpu.memory_space<vmem>>
      %dma_wait3A_1802 = tpu.memref_slice %arg3[%add3A_33] : memref<4096xi32, #tpu.memory_space<hbm>> -> memref<16xi32, #tpu.memory_space<hbm>>
      %dma_wait3A_1803 = arith.constant 0 : i32
      %dma_wait3A_1804 = tpu.memref_slice %arg6[%run_scoped3A_34, %dma_wait3A_1803] : memref<4x16xi32, #tpu.memory_space<vmem>> -> memref<1x16xi32, #tpu.memory_space<vmem>>
      %dma_wait3A_1805 = tpu.memref_squeeze %dma_wait3A_1804 : memref<1x16xi32, #tpu.memory_space<vmem>> -> memref<16xi32, #tpu.memory_space<vmem>>
      %dma_wait3A_1806 = tpu.memref_slice %arg3[%add3A_33] : memref<4096xi32, #tpu.memory_space<hbm>> -> memref<16xi32, #tpu.memory_space<hbm>>
      tpu.wait_dma2 semaphore(%run_scoped3A_1790 : memref<!tpu.dma_semaphore, #tpu.memory_space<semaphore_mem>>) src(%dma_wait3A_1806 : memref<16xi32, #tpu.memory_space<hbm>>) dst(%dma_wait3A_1805 : memref<16xi32, #tpu.memory_space<vmem>>)
      tpu.yield
    }) : () -> ()
    %add3A_35 = arith.constant 2048 : i32
    %add3A_36 = arith.addi %add3A_35, %add3A_33 : i32
    %run_scoped3A_37 = arith.constant 3 : i32
    "tpu.region"() ({
      %run_scoped3A_1790 = tpu.sem_alloc : memref<!tpu.dma_semaphore, #tpu.memory_space<semaphore_mem>>
      %dma_start3A_1791 = arith.constant 0 : i32
      %dma_start3A_1792 = tpu.memref_slice %arg7[%run_scoped3A_37, %dma_start3A_1791] : memref<4x16xi32, #tpu.memory_space<vmem>> -> memref<1x16xi32, #tpu.memory_space<vmem>>
      %dma_start3A_1793 = tpu.memref_squeeze %dma_start3A_1792 : memref<1x16xi32, #tpu.memory_space<vmem>> -> memref<16xi32, #tpu.memory_space<vmem>>
      %dma_start3A_1794 = tpu.memref_slice %arg3[%add3A_36] : memref<4096xi32, #tpu.memory_space<hbm>> -> memref<16xi32, #tpu.memory_space<hbm>>
      %dma_start3A_1795 = arith.constant 0 : i32
      %dma_start3A_1796 = tpu.memref_slice %arg7[%run_scoped3A_37, %dma_start3A_1795] : memref<4x16xi32, #tpu.memory_space<vmem>> -> memref<1x16xi32, #tpu.memory_space<vmem>>
      %dma_start3A_1797 = tpu.memref_squeeze %dma_start3A_1796 : memref<1x16xi32, #tpu.memory_space<vmem>> -> memref<16xi32, #tpu.memory_space<vmem>>
      %dma_start3A_1798 = tpu.memref_slice %arg3[%add3A_36] : memref<4096xi32, #tpu.memory_space<hbm>> -> memref<16xi32, #tpu.memory_space<hbm>>
      tpu.enqueue_dma source(%dma_start3A_1798 : memref<16xi32, #tpu.memory_space<hbm>>) target(%dma_start3A_1797 : memref<16xi32, #tpu.memory_space<vmem>>) target_semaphore(%run_scoped3A_1790 : memref<!tpu.dma_semaphore, #tpu.memory_space<semaphore_mem>>)
      %dma_wait3A_1799 = arith.constant 0 : i32
      %dma_wait3A_1800 = tpu.memref_slice %arg7[%run_scoped3A_37, %dma_wait3A_1799] : memref<4x16xi32, #tpu.memory_space<vmem>> -> memref<1x16xi32, #tpu.memory_space<vmem>>
      %dma_wait3A_1801 = tpu.memref_squeeze %dma_wait3A_1800 : memref<1x16xi32, #tpu.memory_space<vmem>> -> memref<16xi32, #tpu.memory_space<vmem>>
      %dma_wait3A_1802 = tpu.memref_slice %arg3[%add3A_36] : memref<4096xi32, #tpu.memory_space<hbm>> -> memref<16xi32, #tpu.memory_space<hbm>>
      %dma_wait3A_1803 = arith.constant 0 : i32
      %dma_wait3A_1804 = tpu.memref_slice %arg7[%run_scoped3A_37, %dma_wait3A_1803] : memref<4x16xi32, #tpu.memory_space<vmem>> -> memref<1x16xi32, #tpu.memory_space<vmem>>
      %dma_wait3A_1805 = tpu.memref_squeeze %dma_wait3A_1804 : memref<1x16xi32, #tpu.memory_space<vmem>> -> memref<16xi32, #tpu.memory_space<vmem>>
      %dma_wait3A_1806 = tpu.memref_slice %arg3[%add3A_36] : memref<4096xi32, #tpu.memory_space<hbm>> -> memref<16xi32, #tpu.memory_space<hbm>>
      tpu.wait_dma2 semaphore(%run_scoped3A_1790 : memref<!tpu.dma_semaphore, #tpu.memory_space<semaphore_mem>>) src(%dma_wait3A_1806 : memref<16xi32, #tpu.memory_space<hbm>>) dst(%dma_wait3A_1805 : memref<16xi32, #tpu.memory_space<vmem>>)
      tpu.yield
    }) : () -> ()
    %run_scoped3A_38 = arith.constant 3 : i32
    "tpu.region"() ({
      %run_scoped3A_1790 = tpu.sem_alloc : memref<!tpu.dma_semaphore, #tpu.memory_space<semaphore_mem>>
      %dma_start3A_1791 = arith.constant 0 : i32
      %dma_start3A_1792 = tpu.memref_slice %arg8[%run_scoped3A_38, %dma_start3A_1791] : memref<4x16xf32, #tpu.memory_space<vmem>> -> memref<1x16xf32, #tpu.memory_space<vmem>>
      %dma_start3A_1793 = tpu.memref_squeeze %dma_start3A_1792 : memref<1x16xf32, #tpu.memory_space<vmem>> -> memref<16xf32, #tpu.memory_space<vmem>>
      %dma_start3A_1794 = tpu.memref_slice %arg4[%add3A_33] : memref<4096xf32, #tpu.memory_space<hbm>> -> memref<16xf32, #tpu.memory_space<hbm>>
      %dma_start3A_1795 = arith.constant 0 : i32
      %dma_start3A_1796 = tpu.memref_slice %arg8[%run_scoped3A_38, %dma_start3A_1795] : memref<4x16xf32, #tpu.memory_space<vmem>> -> memref<1x16xf32, #tpu.memory_space<vmem>>
      %dma_start3A_1797 = tpu.memref_squeeze %dma_start3A_1796 : memref<1x16xf32, #tpu.memory_space<vmem>> -> memref<16xf32, #tpu.memory_space<vmem>>
      %dma_start3A_1798 = tpu.memref_slice %arg4[%add3A_33] : memref<4096xf32, #tpu.memory_space<hbm>> -> memref<16xf32, #tpu.memory_space<hbm>>
      tpu.enqueue_dma source(%dma_start3A_1798 : memref<16xf32, #tpu.memory_space<hbm>>) target(%dma_start3A_1797 : memref<16xf32, #tpu.memory_space<vmem>>) target_semaphore(%run_scoped3A_1790 : memref<!tpu.dma_semaphore, #tpu.memory_space<semaphore_mem>>)
      %dma_wait3A_1799 = arith.constant 0 : i32
      %dma_wait3A_1800 = tpu.memref_slice %arg8[%run_scoped3A_38, %dma_wait3A_1799] : memref<4x16xf32, #tpu.memory_space<vmem>> -> memref<1x16xf32, #tpu.memory_space<vmem>>
      %dma_wait3A_1801 = tpu.memref_squeeze %dma_wait3A_1800 : memref<1x16xf32, #tpu.memory_space<vmem>> -> memref<16xf32, #tpu.memory_space<vmem>>
      %dma_wait3A_1802 = tpu.memref_slice %arg4[%add3A_33] : memref<4096xf32, #tpu.memory_space<hbm>> -> memref<16xf32, #tpu.memory_space<hbm>>
      %dma_wait3A_1803 = arith.constant 0 : i32
      %dma_wait3A_1804 = tpu.memref_slice %arg8[%run_scoped3A_38, %dma_wait3A_1803] : memref<4x16xf32, #tpu.memory_space<vmem>> -> memref<1x16xf32, #tpu.memory_space<vmem>>
      %dma_wait3A_1805 = tpu.memref_squeeze %dma_wait3A_1804 : memref<1x16xf32, #tpu.memory_space<vmem>> -> memref<16xf32, #tpu.memory_space<vmem>>
      %dma_wait3A_1806 = tpu.memref_slice %arg4[%add3A_33] : memref<4096xf32, #tpu.memory_space<hbm>> -> memref<16xf32, #tpu.memory_space<hbm>>
      tpu.wait_dma2 semaphore(%run_scoped3A_1790 : memref<!tpu.dma_semaphore, #tpu.memory_space<semaphore_mem>>) src(%dma_wait3A_1806 : memref<16xf32, #tpu.memory_space<hbm>>) dst(%dma_wait3A_1805 : memref<16xf32, #tpu.memory_space<vmem>>)
      tpu.yield
    }) : () -> ()
    %add3A_39 = arith.constant 2048 : i32
    %add3A_40 = arith.addi %add3A_39, %add3A_33 : i32
    %run_scoped3A_41 = arith.constant 3 : i32
    "tpu.region"() ({
      %run_scoped3A_1790 = tpu.sem_alloc : memref<!tpu.dma_semaphore, #tpu.memory_space<semaphore_mem>>
      %dma_start3A_1791 = arith.constant 0 : i32
      %dma_start3A_1792 = tpu.memref_slice %arg9[%run_scoped3A_41, %dma_start3A_1791] : memref<4x16xf32, #tpu.memory_space<vmem>> -> memref<1x16xf32, #tpu.memory_space<vmem>>
      %dma_start3A_1793 = tpu.memref_squeeze %dma_start3A_1792 : memref<1x16xf32, #tpu.memory_space<vmem>> -> memref<16xf32, #tpu.memory_space<vmem>>
      %dma_start3A_1794 = tpu.memref_slice %arg4[%add3A_40] : memref<4096xf32, #tpu.memory_space<hbm>> -> memref<16xf32, #tpu.memory_space<hbm>>
      %dma_start3A_1795 = arith.constant 0 : i32
      %dma_start3A_1796 = tpu.memref_slice %arg9[%run_scoped3A_41, %dma_start3A_1795] : memref<4x16xf32, #tpu.memory_space<vmem>> -> memref<1x16xf32, #tpu.memory_space<vmem>>
      %dma_start3A_1797 = tpu.memref_squeeze %dma_start3A_1796 : memref<1x16xf32, #tpu.memory_space<vmem>> -> memref<16xf32, #tpu.memory_space<vmem>>
      %dma_start3A_1798 = tpu.memref_slice %arg4[%add3A_40] : memref<4096xf32, #tpu.memory_space<hbm>> -> memref<16xf32, #tpu.memory_space<hbm>>
      tpu.enqueue_dma source(%dma_start3A_1798 : memref<16xf32, #tpu.memory_space<hbm>>) target(%dma_start3A_1797 : memref<16xf32, #tpu.memory_space<vmem>>) target_semaphore(%run_scoped3A_1790 : memref<!tpu.dma_semaphore, #tpu.memory_space<semaphore_mem>>)
      %dma_wait3A_1799 = arith.constant 0 : i32
      %dma_wait3A_1800 = tpu.memref_slice %arg9[%run_scoped3A_41, %dma_wait3A_1799] : memref<4x16xf32, #tpu.memory_space<vmem>> -> memref<1x16xf32, #tpu.memory_space<vmem>>
      %dma_wait3A_1801 = tpu.memref_squeeze %dma_wait3A_1800 : memref<1x16xf32, #tpu.memory_space<vmem>> -> memref<16xf32, #tpu.memory_space<vmem>>
      %dma_wait3A_1802 = tpu.memref_slice %arg4[%add3A_40] : memref<4096xf32, #tpu.memory_space<hbm>> -> memref<16xf32, #tpu.memory_space<hbm>>
      %dma_wait3A_1803 = arith.constant 0 : i32
      %dma_wait3A_1804 = tpu.memref_slice %arg9[%run_scoped3A_41, %dma_wait3A_1803] : memref<4x16xf32, #tpu.memory_space<vmem>> -> memref<1x16xf32, #tpu.memory_space<vmem>>
      %dma_wait3A_1805 = tpu.memref_squeeze %dma_wait3A_1804 : memref<1x16xf32, #tpu.memory_space<vmem>> -> memref<16xf32, #tpu.memory_space<vmem>>
      %dma_wait3A_1806 = tpu.memref_slice %arg4[%add3A_40] : memref<4096xf32, #tpu.memory_space<hbm>> -> memref<16xf32, #tpu.memory_space<hbm>>
      tpu.wait_dma2 semaphore(%run_scoped3A_1790 : memref<!tpu.dma_semaphore, #tpu.memory_space<semaphore_mem>>) src(%dma_wait3A_1806 : memref<16xf32, #tpu.memory_space<hbm>>) dst(%dma_wait3A_1805 : memref<16xf32, #tpu.memory_space<vmem>>)
      tpu.yield
    }) : () -> ()
    %dma_start3A = arith.constant 0 : i32
    %dma_start3A_42 = arith.constant 0 : i32
    %dma_start3A_43 = tpu.memref_slice %arg6[%dma_start3A, %dma_start3A_42] : memref<4x16xi32, #tpu.memory_space<vmem>> -> memref<1x16xi32, #tpu.memory_space<vmem>>
    %dma_start3A_44 = tpu.memref_squeeze %dma_start3A_43 : memref<1x16xi32, #tpu.memory_space<vmem>> -> memref<16xi32, #tpu.memory_space<vmem>>
    %dma_start3A_45 = arith.constant 0 : i32
    %dma_start3A_46 = arith.constant 0 : i32
    %dma_start3A_47 = tpu.memref_slice %arg2[%dma_start3A_45, %dma_start3A_46] : memref<5120x1024xf32, #tpu.memory_space<hbm>> -> memref<5120x1024xf32, #tpu.memory_space<hbm>>
    tpu.enqueue_indirect_dma source(%dma_start3A_47 : memref<5120x1024xf32, #tpu.memory_space<hbm>>) target(%arg10 : memref<16x1024xf32, #tpu.memory_space<vmem>>) offsets(%dma_start3A_44 : memref<16xi32, #tpu.memory_space<vmem>>) semaphore(%arg14 : memref<!tpu.dma_semaphore, #tpu.memory_space<semaphore_mem>>)
    %dma_start3A_48 = arith.constant 0 : i32
    %dma_start3A_49 = arith.constant 0 : i32
    %dma_start3A_50 = tpu.memref_slice %arg7[%dma_start3A_48, %dma_start3A_49] : memref<4x16xi32, #tpu.memory_space<vmem>> -> memref<1x16xi32, #tpu.memory_space<vmem>>
    %dma_start3A_51 = tpu.memref_squeeze %dma_start3A_50 : memref<1x16xi32, #tpu.memory_space<vmem>> -> memref<16xi32, #tpu.memory_space<vmem>>
    %dma_start3A_52 = arith.constant 0 : i32
    %dma_start3A_53 = arith.constant 0 : i32
    %dma_start3A_54 = tpu.memref_slice %arg2[%dma_start3A_52, %dma_start3A_53] : memref<5120x1024xf32, #tpu.memory_space<hbm>> -> memref<5120x1024xf32, #tpu.memory_space<hbm>>
    tpu.enqueue_indirect_dma source(%dma_start3A_54 : memref<5120x1024xf32, #tpu.memory_space<hbm>>) target(%arg12 : memref<16x1024xf32, #tpu.memory_space<vmem>>) offsets(%dma_start3A_51 : memref<16xi32, #tpu.memory_space<vmem>>) semaphore(%arg16 : memref<!tpu.dma_semaphore, #tpu.memory_space<semaphore_mem>>)
    %dma_start3A_55 = arith.constant 1 : i32
    %dma_start3A_56 = arith.constant 0 : i32
    %dma_start3A_57 = tpu.memref_slice %arg6[%dma_start3A_55, %dma_start3A_56] : memref<4x16xi32, #tpu.memory_space<vmem>> -> memref<1x16xi32, #tpu.memory_space<vmem>>
    %dma_start3A_58 = tpu.memref_squeeze %dma_start3A_57 : memref<1x16xi32, #tpu.memory_space<vmem>> -> memref<16xi32, #tpu.memory_space<vmem>>
    %dma_start3A_59 = arith.constant 0 : i32
    %dma_start3A_60 = arith.constant 0 : i32
    %dma_start3A_61 = tpu.memref_slice %arg2[%dma_start3A_59, %dma_start3A_60] : memref<5120x1024xf32, #tpu.memory_space<hbm>> -> memref<5120x1024xf32, #tpu.memory_space<hbm>>
    tpu.enqueue_indirect_dma source(%dma_start3A_61 : memref<5120x1024xf32, #tpu.memory_space<hbm>>) target(%arg11 : memref<16x1024xf32, #tpu.memory_space<vmem>>) offsets(%dma_start3A_58 : memref<16xi32, #tpu.memory_space<vmem>>) semaphore(%arg15 : memref<!tpu.dma_semaphore, #tpu.memory_space<semaphore_mem>>)
    %dma_start3A_62 = arith.constant 1 : i32
    %dma_start3A_63 = arith.constant 0 : i32
    %dma_start3A_64 = tpu.memref_slice %arg7[%dma_start3A_62, %dma_start3A_63] : memref<4x16xi32, #tpu.memory_space<vmem>> -> memref<1x16xi32, #tpu.memory_space<vmem>>
    %dma_start3A_65 = tpu.memref_squeeze %dma_start3A_64 : memref<1x16xi32, #tpu.memory_space<vmem>> -> memref<16xi32, #tpu.memory_space<vmem>>
    %dma_start3A_66 = arith.constant 0 : i32
    %dma_start3A_67 = arith.constant 0 : i32
    %dma_start3A_68 = tpu.memref_slice %arg2[%dma_start3A_66, %dma_start3A_67] : memref<5120x1024xf32, #tpu.memory_space<hbm>> -> memref<5120x1024xf32, #tpu.memory_space<hbm>>
    tpu.enqueue_indirect_dma source(%dma_start3A_68 : memref<5120x1024xf32, #tpu.memory_space<hbm>>) target(%arg13 : memref<16x1024xf32, #tpu.memory_space<vmem>>) offsets(%dma_start3A_65 : memref<16xi32, #tpu.memory_space<vmem>>) semaphore(%arg17 : memref<!tpu.dma_semaphore, #tpu.memory_space<semaphore_mem>>)
    %dma_wait3A = arith.constant 0 : i32
    %dma_wait3A_69 = arith.constant 0 : i32
    %dma_wait3A_70 = tpu.memref_slice %arg6[%dma_wait3A, %dma_wait3A_69] : memref<4x16xi32, #tpu.memory_space<vmem>> -> memref<1x16xi32, #tpu.memory_space<vmem>>
    %dma_wait3A_71 = tpu.memref_squeeze %dma_wait3A_70 : memref<1x16xi32, #tpu.memory_space<vmem>> -> memref<16xi32, #tpu.memory_space<vmem>>
    %dma_wait3A_72 = arith.constant 0 : i32
    %dma_wait3A_73 = arith.constant 0 : i32
    %dma_wait3A_74 = tpu.memref_slice %arg2[%dma_wait3A_72, %dma_wait3A_73] : memref<5120x1024xf32, #tpu.memory_space<hbm>> -> memref<5120x1024xf32, #tpu.memory_space<hbm>>
    tpu.wait_indirect_dma semaphore(%arg14 : memref<!tpu.dma_semaphore, #tpu.memory_space<semaphore_mem>>) src(%dma_wait3A_74 : memref<5120x1024xf32, #tpu.memory_space<hbm>>) dst(%arg10 : memref<16x1024xf32, #tpu.memory_space<vmem>>)
    %dma_wait3A_75 = arith.constant 0 : i32
    %dma_wait3A_76 = arith.constant 0 : i32
    %dma_wait3A_77 = tpu.memref_slice %arg7[%dma_wait3A_75, %dma_wait3A_76] : memref<4x16xi32, #tpu.memory_space<vmem>> -> memref<1x16xi32, #tpu.memory_space<vmem>>
    %dma_wait3A_78 = tpu.memref_squeeze %dma_wait3A_77 : memref<1x16xi32, #tpu.memory_space<vmem>> -> memref<16xi32, #tpu.memory_space<vmem>>
    %dma_wait3A_79 = arith.constant 0 : i32
    %dma_wait3A_80 = arith.constant 0 : i32
    %dma_wait3A_81 = tpu.memref_slice %arg2[%dma_wait3A_79, %dma_wait3A_80] : memref<5120x1024xf32, #tpu.memory_space<hbm>> -> memref<5120x1024xf32, #tpu.memory_space<hbm>>
    tpu.wait_indirect_dma semaphore(%arg16 : memref<!tpu.dma_semaphore, #tpu.memory_space<semaphore_mem>>) src(%dma_wait3A_81 : memref<5120x1024xf32, #tpu.memory_space<hbm>>) dst(%arg12 : memref<16x1024xf32, #tpu.memory_space<vmem>>)
    %get3A = arith.constant 0 : i32
    %get3A_82 = arith.index_cast %get3A : i32 to index
    %get3A_83 = arith.constant 0 : index
    %get3A_84 = tpu.vector_load %arg8[%get3A_82, %get3A_83] {strides = array<i32>} : memref<4x16xf32, #tpu.memory_space<vmem>>, vector<1x16xf32>,
    %get3A_85 = vector.shape_cast %get3A_84 : vector<1x16xf32> to vector<16xf32>
    %get3A_86 = arith.constant 0 : i32
    %get3A_87 = arith.index_cast %get3A_86 : i32 to index
    %get3A_88 = arith.constant 0 : index
    %get3A_89 = tpu.vector_load %arg9[%get3A_87, %get3A_88] {strides = array<i32>} : memref<4x16xf32, #tpu.memory_space<vmem>>, vector<1x16xf32>,
    %get3A_90 = vector.shape_cast %get3A_89 : vector<1x16xf32> to vector<16xf32>
    %broadcast_in_dim3A = arith.constant 0 : i32
    %broadcast_in_dim3A_91 = vector.broadcast %broadcast_in_dim3A : i32 to vector<16xi32>
    %lt3A = arith.constant 0 : i32
    %lt3A_92 = vector.broadcast %lt3A : i32 to vector<16xi32>
    %lt3A_93 = arith.cmpi slt, %broadcast_in_dim3A_91, %lt3A_92 : vector<16xi32>
    %add3A_94 = arith.constant 16 : i32
    %add3A_95 = vector.broadcast %add3A_94 : i32 to vector<16xi32>
    %add3A_96 = arith.addi %broadcast_in_dim3A_91, %add3A_95 : vector<16xi32>
    %select_n3A = arith.select %lt3A_93, %add3A_96, %broadcast_in_dim3A_91 : vector<16xi1>, vector<16xi32>
    %broadcast_in_dim3A_97 = vector.shape_cast %select_n3A : vector<16xi32> to vector<16x1xi32>
    %gather3A = vector.shape_cast %broadcast_in_dim3A_97 : vector<16x1xi32> to vector<16xi32>
    %gather3A_98 = tpu.dynamic_gather %get3A_85[%gather3A] in [0] : vector<16xf32>, vector<16xi32> -> vector<16xf32>
    %broadcast_in_dim3A_99 = arith.constant 1 : i32
    %broadcast_in_dim3A_100 = vector.broadcast %broadcast_in_dim3A_99 : i32 to vector<16xi32>
    %lt3A_101 = arith.constant 0 : i32
    %lt3A_102 = vector.broadcast %lt3A_101 : i32 to vector<16xi32>
    %lt3A_103 = arith.cmpi slt, %broadcast_in_dim3A_100, %lt3A_102 : vector<16xi32>
    %add3A_104 = arith.constant 16 : i32
    %add3A_105 = vector.broadcast %add3A_104 : i32 to vector<16xi32>
    %add3A_106 = arith.addi %broadcast_in_dim3A_100, %add3A_105 : vector<16xi32>
    %select_n3A_107 = arith.select %lt3A_103, %add3A_106, %broadcast_in_dim3A_100 : vector<16xi1>, vector<16xi32>
    %broadcast_in_dim3A_108 = vector.shape_cast %select_n3A_107 : vector<16xi32> to vector<16x1xi32>
    %gather3A_109 = vector.shape_cast %broadcast_in_dim3A_108 : vector<16x1xi32> to vector<16xi32>
    %gather3A_110 = tpu.dynamic_gather %get3A_85[%gather3A_109] in [0] : vector<16xf32>, vector<16xi32> -> vector<16xf32>
    %broadcast_in_dim3A_111 = arith.constant 2 : i32
    %broadcast_in_dim3A_112 = vector.broadcast %broadcast_in_dim3A_111 : i32 to vector<16xi32>
    %lt3A_113 = arith.constant 0 : i32
    %lt3A_114 = vector.broadcast %lt3A_113 : i32 to vector<16xi32>
    %lt3A_115 = arith.cmpi slt, %broadcast_in_dim3A_112, %lt3A_114 : vector<16xi32>
    %add3A_116 = arith.constant 16 : i32
    %add3A_117 = vector.broadcast %add3A_116 : i32 to vector<16xi32>
    %add3A_118 = arith.addi %broadcast_in_dim3A_112, %add3A_117 : vector<16xi32>
    %select_n3A_119 = arith.select %lt3A_115, %add3A_118, %broadcast_in_dim3A_112 : vector<16xi1>, vector<16xi32>
    %broadcast_in_dim3A_120 = vector.shape_cast %select_n3A_119 : vector<16xi32> to vector<16x1xi32>
    %gather3A_121 = vector.shape_cast %broadcast_in_dim3A_120 : vector<16x1xi32> to vector<16xi32>
    %gather3A_122 = tpu.dynamic_gather %get3A_85[%gather3A_121] in [0] : vector<16xf32>, vector<16xi32> -> vector<16xf32>
    %broadcast_in_dim3A_123 = arith.constant 3 : i32
    %broadcast_in_dim3A_124 = vector.broadcast %broadcast_in_dim3A_123 : i32 to vector<16xi32>
    %lt3A_125 = arith.constant 0 : i32
    %lt3A_126 = vector.broadcast %lt3A_125 : i32 to vector<16xi32>
    %lt3A_127 = arith.cmpi slt, %broadcast_in_dim3A_124, %lt3A_126 : vector<16xi32>
    %add3A_128 = arith.constant 16 : i32
    %add3A_129 = vector.broadcast %add3A_128 : i32 to vector<16xi32>
    %add3A_130 = arith.addi %broadcast_in_dim3A_124, %add3A_129 : vector<16xi32>
    %select_n3A_131 = arith.select %lt3A_127, %add3A_130, %broadcast_in_dim3A_124 : vector<16xi1>, vector<16xi32>
    %broadcast_in_dim3A_132 = vector.shape_cast %select_n3A_131 : vector<16xi32> to vector<16x1xi32>
    %gather3A_133 = vector.shape_cast %broadcast_in_dim3A_132 : vector<16x1xi32> to vector<16xi32>
    %gather3A_134 = tpu.dynamic_gather %get3A_85[%gather3A_133] in [0] : vector<16xf32>, vector<16xi32> -> vector<16xf32>
    %broadcast_in_dim3A_135 = arith.constant 4 : i32
    %broadcast_in_dim3A_136 = vector.broadcast %broadcast_in_dim3A_135 : i32 to vector<16xi32>
    %lt3A_137 = arith.constant 0 : i32
    %lt3A_138 = vector.broadcast %lt3A_137 : i32 to vector<16xi32>
    %lt3A_139 = arith.cmpi slt, %broadcast_in_dim3A_136, %lt3A_138 : vector<16xi32>
    %add3A_140 = arith.constant 16 : i32
    %add3A_141 = vector.broadcast %add3A_140 : i32 to vector<16xi32>
    %add3A_142 = arith.addi %broadcast_in_dim3A_136, %add3A_141 : vector<16xi32>
    %select_n3A_143 = arith.select %lt3A_139, %add3A_142, %broadcast_in_dim3A_136 : vector<16xi1>, vector<16xi32>
    %broadcast_in_dim3A_144 = vector.shape_cast %select_n3A_143 : vector<16xi32> to vector<16x1xi32>
    %gather3A_145 = vector.shape_cast %broadcast_in_dim3A_144 : vector<16x1xi32> to vector<16xi32>
    %gather3A_146 = tpu.dynamic_gather %get3A_85[%gather3A_145] in [0] : vector<16xf32>, vector<16xi32> -> vector<16xf32>
    %broadcast_in_dim3A_147 = arith.constant 5 : i32
    %broadcast_in_dim3A_148 = vector.broadcast %broadcast_in_dim3A_147 : i32 to vector<16xi32>
    %lt3A_149 = arith.constant 0 : i32
    %lt3A_150 = vector.broadcast %lt3A_149 : i32 to vector<16xi32>
    %lt3A_151 = arith.cmpi slt, %broadcast_in_dim3A_148, %lt3A_150 : vector<16xi32>
    %add3A_152 = arith.constant 16 : i32
    %add3A_153 = vector.broadcast %add3A_152 : i32 to vector<16xi32>
    %add3A_154 = arith.addi %broadcast_in_dim3A_148, %add3A_153 : vector<16xi32>
    %select_n3A_155 = arith.select %lt3A_151, %add3A_154, %broadcast_in_dim3A_148 : vector<16xi1>, vector<16xi32>
    %broadcast_in_dim3A_156 = vector.shape_cast %select_n3A_155 : vector<16xi32> to vector<16x1xi32>
    %gather3A_157 = vector.shape_cast %broadcast_in_dim3A_156 : vector<16x1xi32> to vector<16xi32>
    %gather3A_158 = tpu.dynamic_gather %get3A_85[%gather3A_157] in [0] : vector<16xf32>, vector<16xi32> -> vector<16xf32>
    %broadcast_in_dim3A_159 = arith.constant 6 : i32
    %broadcast_in_dim3A_160 = vector.broadcast %broadcast_in_dim3A_159 : i32 to vector<16xi32>
    %lt3A_161 = arith.constant 0 : i32
    %lt3A_162 = vector.broadcast %lt3A_161 : i32 to vector<16xi32>
    %lt3A_163 = arith.cmpi slt, %broadcast_in_dim3A_160, %lt3A_162 : vector<16xi32>
    %add3A_164 = arith.constant 16 : i32
    %add3A_165 = vector.broadcast %add3A_164 : i32 to vector<16xi32>
    %add3A_166 = arith.addi %broadcast_in_dim3A_160, %add3A_165 : vector<16xi32>
    %select_n3A_167 = arith.select %lt3A_163, %add3A_166, %broadcast_in_dim3A_160 : vector<16xi1>, vector<16xi32>
    %broadcast_in_dim3A_168 = vector.shape_cast %select_n3A_167 : vector<16xi32> to vector<16x1xi32>
    %gather3A_169 = vector.shape_cast %broadcast_in_dim3A_168 : vector<16x1xi32> to vector<16xi32>
    %gather3A_170 = tpu.dynamic_gather %get3A_85[%gather3A_169] in [0] : vector<16xf32>, vector<16xi32> -> vector<16xf32>
    %broadcast_in_dim3A_171 = arith.constant 7 : i32
    %broadcast_in_dim3A_172 = vector.broadcast %broadcast_in_dim3A_171 : i32 to vector<16xi32>
    %lt3A_173 = arith.constant 0 : i32
    %lt3A_174 = vector.broadcast %lt3A_173 : i32 to vector<16xi32>
    %lt3A_175 = arith.cmpi slt, %broadcast_in_dim3A_172, %lt3A_174 : vector<16xi32>
    %add3A_176 = arith.constant 16 : i32
    %add3A_177 = vector.broadcast %add3A_176 : i32 to vector<16xi32>
    %add3A_178 = arith.addi %broadcast_in_dim3A_172, %add3A_177 : vector<16xi32>
    %select_n3A_179 = arith.select %lt3A_175, %add3A_178, %broadcast_in_dim3A_172 : vector<16xi1>, vector<16xi32>
    %broadcast_in_dim3A_180 = vector.shape_cast %select_n3A_179 : vector<16xi32> to vector<16x1xi32>
    %gather3A_181 = vector.shape_cast %broadcast_in_dim3A_180 : vector<16x1xi32> to vector<16xi32>
    %gather3A_182 = tpu.dynamic_gather %get3A_85[%gather3A_181] in [0] : vector<16xf32>, vector<16xi32> -> vector<16xf32>
    %broadcast_in_dim3A_183 = arith.constant 8 : i32
    %broadcast_in_dim3A_184 = vector.broadcast %broadcast_in_dim3A_183 : i32 to vector<16xi32>
    %lt3A_185 = arith.constant 0 : i32
    %lt3A_186 = vector.broadcast %lt3A_185 : i32 to vector<16xi32>
    %lt3A_187 = arith.cmpi slt, %broadcast_in_dim3A_184, %lt3A_186 : vector<16xi32>
    %add3A_188 = arith.constant 16 : i32
    %add3A_189 = vector.broadcast %add3A_188 : i32 to vector<16xi32>
    %add3A_190 = arith.addi %broadcast_in_dim3A_184, %add3A_189 : vector<16xi32>
    %select_n3A_191 = arith.select %lt3A_187, %add3A_190, %broadcast_in_dim3A_184 : vector<16xi1>, vector<16xi32>
    %broadcast_in_dim3A_192 = vector.shape_cast %select_n3A_191 : vector<16xi32> to vector<16x1xi32>
    %gather3A_193 = vector.shape_cast %broadcast_in_dim3A_192 : vector<16x1xi32> to vector<16xi32>
    %gather3A_194 = tpu.dynamic_gather %get3A_85[%gather3A_193] in [0] : vector<16xf32>, vector<16xi32> -> vector<16xf32>
    %broadcast_in_dim3A_195 = arith.constant 9 : i32
    %broadcast_in_dim3A_196 = vector.broadcast %broadcast_in_dim3A_195 : i32 to vector<16xi32>
    %lt3A_197 = arith.constant 0 : i32
    %lt3A_198 = vector.broadcast %lt3A_197 : i32 to vector<16xi32>
    %lt3A_199 = arith.cmpi slt, %broadcast_in_dim3A_196, %lt3A_198 : vector<16xi32>
    %add3A_200 = arith.constant 16 : i32
    %add3A_201 = vector.broadcast %add3A_200 : i32 to vector<16xi32>
    %add3A_202 = arith.addi %broadcast_in_dim3A_196, %add3A_201 : vector<16xi32>
    %select_n3A_203 = arith.select %lt3A_199, %add3A_202, %broadcast_in_dim3A_196 : vector<16xi1>, vector<16xi32>
    %broadcast_in_dim3A_204 = vector.shape_cast %select_n3A_203 : vector<16xi32> to vector<16x1xi32>
    %gather3A_205 = vector.shape_cast %broadcast_in_dim3A_204 : vector<16x1xi32> to vector<16xi32>
    %gather3A_206 = tpu.dynamic_gather %get3A_85[%gather3A_205] in [0] : vector<16xf32>, vector<16xi32> -> vector<16xf32>
    %broadcast_in_dim3A_207 = arith.constant 10 : i32
    %broadcast_in_dim3A_208 = vector.broadcast %broadcast_in_dim3A_207 : i32 to vector<16xi32>
    %lt3A_209 = arith.constant 0 : i32
    %lt3A_210 = vector.broadcast %lt3A_209 : i32 to vector<16xi32>
    %lt3A_211 = arith.cmpi slt, %broadcast_in_dim3A_208, %lt3A_210 : vector<16xi32>
    %add3A_212 = arith.constant 16 : i32
    %add3A_213 = vector.broadcast %add3A_212 : i32 to vector<16xi32>
    %add3A_214 = arith.addi %broadcast_in_dim3A_208, %add3A_213 : vector<16xi32>
    %select_n3A_215 = arith.select %lt3A_211, %add3A_214, %broadcast_in_dim3A_208 : vector<16xi1>, vector<16xi32>
    %broadcast_in_dim3A_216 = vector.shape_cast %select_n3A_215 : vector<16xi32> to vector<16x1xi32>
    %gather3A_217 = vector.shape_cast %broadcast_in_dim3A_216 : vector<16x1xi32> to vector<16xi32>
    %gather3A_218 = tpu.dynamic_gather %get3A_85[%gather3A_217] in [0] : vector<16xf32>, vector<16xi32> -> vector<16xf32>
    %broadcast_in_dim3A_219 = arith.constant 11 : i32
    %broadcast_in_dim3A_220 = vector.broadcast %broadcast_in_dim3A_219 : i32 to vector<16xi32>
    %lt3A_221 = arith.constant 0 : i32
    %lt3A_222 = vector.broadcast %lt3A_221 : i32 to vector<16xi32>
    %lt3A_223 = arith.cmpi slt, %broadcast_in_dim3A_220, %lt3A_222 : vector<16xi32>
    %add3A_224 = arith.constant 16 : i32
    %add3A_225 = vector.broadcast %add3A_224 : i32 to vector<16xi32>
    %add3A_226 = arith.addi %broadcast_in_dim3A_220, %add3A_225 : vector<16xi32>
    %select_n3A_227 = arith.select %lt3A_223, %add3A_226, %broadcast_in_dim3A_220 : vector<16xi1>, vector<16xi32>
    %broadcast_in_dim3A_228 = vector.shape_cast %select_n3A_227 : vector<16xi32> to vector<16x1xi32>
    %gather3A_229 = vector.shape_cast %broadcast_in_dim3A_228 : vector<16x1xi32> to vector<16xi32>
    %gather3A_230 = tpu.dynamic_gather %get3A_85[%gather3A_229] in [0] : vector<16xf32>, vector<16xi32> -> vector<16xf32>
    %broadcast_in_dim3A_231 = arith.constant 12 : i32
    %broadcast_in_dim3A_232 = vector.broadcast %broadcast_in_dim3A_231 : i32 to vector<16xi32>
    %lt3A_233 = arith.constant 0 : i32
    %lt3A_234 = vector.broadcast %lt3A_233 : i32 to vector<16xi32>
    %lt3A_235 = arith.cmpi slt, %broadcast_in_dim3A_232, %lt3A_234 : vector<16xi32>
    %add3A_236 = arith.constant 16 : i32
    %add3A_237 = vector.broadcast %add3A_236 : i32 to vector<16xi32>
    %add3A_238 = arith.addi %broadcast_in_dim3A_232, %add3A_237 : vector<16xi32>
    %select_n3A_239 = arith.select %lt3A_235, %add3A_238, %broadcast_in_dim3A_232 : vector<16xi1>, vector<16xi32>
    %broadcast_in_dim3A_240 = vector.shape_cast %select_n3A_239 : vector<16xi32> to vector<16x1xi32>
    %gather3A_241 = vector.shape_cast %broadcast_in_dim3A_240 : vector<16x1xi32> to vector<16xi32>
    %gather3A_242 = tpu.dynamic_gather %get3A_85[%gather3A_241] in [0] : vector<16xf32>, vector<16xi32> -> vector<16xf32>
    %broadcast_in_dim3A_243 = arith.constant 13 : i32
    %broadcast_in_dim3A_244 = vector.broadcast %broadcast_in_dim3A_243 : i32 to vector<16xi32>
    %lt3A_245 = arith.constant 0 : i32
    %lt3A_246 = vector.broadcast %lt3A_245 : i32 to vector<16xi32>
    %lt3A_247 = arith.cmpi slt, %broadcast_in_dim3A_244, %lt3A_246 : vector<16xi32>
    %add3A_248 = arith.constant 16 : i32
    %add3A_249 = vector.broadcast %add3A_248 : i32 to vector<16xi32>
    %add3A_250 = arith.addi %broadcast_in_dim3A_244, %add3A_249 : vector<16xi32>
    %select_n3A_251 = arith.select %lt3A_247, %add3A_250, %broadcast_in_dim3A_244 : vector<16xi1>, vector<16xi32>
    %broadcast_in_dim3A_252 = vector.shape_cast %select_n3A_251 : vector<16xi32> to vector<16x1xi32>
    %gather3A_253 = vector.shape_cast %broadcast_in_dim3A_252 : vector<16x1xi32> to vector<16xi32>
    %gather3A_254 = tpu.dynamic_gather %get3A_85[%gather3A_253] in [0] : vector<16xf32>, vector<16xi32> -> vector<16xf32>
    %broadcast_in_dim3A_255 = arith.constant 14 : i32
    %broadcast_in_dim3A_256 = vector.broadcast %broadcast_in_dim3A_255 : i32 to vector<16xi32>
    %lt3A_257 = arith.constant 0 : i32
    %lt3A_258 = vector.broadcast %lt3A_257 : i32 to vector<16xi32>
    %lt3A_259 = arith.cmpi slt, %broadcast_in_dim3A_256, %lt3A_258 : vector<16xi32>
    %add3A_260 = arith.constant 16 : i32
    %add3A_261 = vector.broadcast %add3A_260 : i32 to vector<16xi32>
    %add3A_262 = arith.addi %broadcast_in_dim3A_256, %add3A_261 : vector<16xi32>
    %select_n3A_263 = arith.select %lt3A_259, %add3A_262, %broadcast_in_dim3A_256 : vector<16xi1>, vector<16xi32>
    %broadcast_in_dim3A_264 = vector.shape_cast %select_n3A_263 : vector<16xi32> to vector<16x1xi32>
    %gather3A_265 = vector.shape_cast %broadcast_in_dim3A_264 : vector<16x1xi32> to vector<16xi32>
    %gather3A_266 = tpu.dynamic_gather %get3A_85[%gather3A_265] in [0] : vector<16xf32>, vector<16xi32> -> vector<16xf32>
    %broadcast_in_dim3A_267 = arith.constant 15 : i32
    %broadcast_in_dim3A_268 = vector.broadcast %broadcast_in_dim3A_267 : i32 to vector<16xi32>
    %lt3A_269 = arith.constant 0 : i32
    %lt3A_270 = vector.broadcast %lt3A_269 : i32 to vector<16xi32>
    %lt3A_271 = arith.cmpi slt, %broadcast_in_dim3A_268, %lt3A_270 : vector<16xi32>
    %add3A_272 = arith.constant 16 : i32
    %add3A_273 = vector.broadcast %add3A_272 : i32 to vector<16xi32>
    %add3A_274 = arith.addi %broadcast_in_dim3A_268, %add3A_273 : vector<16xi32>
    %select_n3A_275 = arith.select %lt3A_271, %add3A_274, %broadcast_in_dim3A_268 : vector<16xi1>, vector<16xi32>
    %broadcast_in_dim3A_276 = vector.shape_cast %select_n3A_275 : vector<16xi32> to vector<16x1xi32>
    %gather3A_277 = vector.shape_cast %broadcast_in_dim3A_276 : vector<16x1xi32> to vector<16xi32>
    %gather3A_278 = tpu.dynamic_gather %get3A_85[%gather3A_277] in [0] : vector<16xf32>, vector<16xi32> -> vector<16xf32>
    %broadcast_in_dim3A_279 = arith.constant 0 : i32
    %broadcast_in_dim3A_280 = vector.broadcast %broadcast_in_dim3A_279 : i32 to vector<16xi32>
    %lt3A_281 = arith.constant 0 : i32
    %lt3A_282 = vector.broadcast %lt3A_281 : i32 to vector<16xi32>
    %lt3A_283 = arith.cmpi slt, %broadcast_in_dim3A_280, %lt3A_282 : vector<16xi32>
    %add3A_284 = arith.constant 16 : i32
    %add3A_285 = vector.broadcast %add3A_284 : i32 to vector<16xi32>
    %add3A_286 = arith.addi %broadcast_in_dim3A_280, %add3A_285 : vector<16xi32>
    %select_n3A_287 = arith.select %lt3A_283, %add3A_286, %broadcast_in_dim3A_280 : vector<16xi1>, vector<16xi32>
    %broadcast_in_dim3A_288 = vector.shape_cast %select_n3A_287 : vector<16xi32> to vector<16x1xi32>
    %gather3A_289 = vector.shape_cast %broadcast_in_dim3A_288 : vector<16x1xi32> to vector<16xi32>
    %gather3A_290 = tpu.dynamic_gather %get3A_90[%gather3A_289] in [0] : vector<16xf32>, vector<16xi32> -> vector<16xf32>
    %broadcast_in_dim3A_291 = arith.constant 1 : i32
    %broadcast_in_dim3A_292 = vector.broadcast %broadcast_in_dim3A_291 : i32 to vector<16xi32>
    %lt3A_293 = arith.constant 0 : i32
    %lt3A_294 = vector.broadcast %lt3A_293 : i32 to vector<16xi32>
    %lt3A_295 = arith.cmpi slt, %broadcast_in_dim3A_292, %lt3A_294 : vector<16xi32>
    %add3A_296 = arith.constant 16 : i32
    %add3A_297 = vector.broadcast %add3A_296 : i32 to vector<16xi32>
    %add3A_298 = arith.addi %broadcast_in_dim3A_292, %add3A_297 : vector<16xi32>
    %select_n3A_299 = arith.select %lt3A_295, %add3A_298, %broadcast_in_dim3A_292 : vector<16xi1>, vector<16xi32>
    %broadcast_in_dim3A_300 = vector.shape_cast %select_n3A_299 : vector<16xi32> to vector<16x1xi32>
    %gather3A_301 = vector.shape_cast %broadcast_in_dim3A_300 : vector<16x1xi32> to vector<16xi32>
    %gather3A_302 = tpu.dynamic_gather %get3A_90[%gather3A_301] in [0] : vector<16xf32>, vector<16xi32> -> vector<16xf32>
    %broadcast_in_dim3A_303 = arith.constant 2 : i32
    %broadcast_in_dim3A_304 = vector.broadcast %broadcast_in_dim3A_303 : i32 to vector<16xi32>
    %lt3A_305 = arith.constant 0 : i32
    %lt3A_306 = vector.broadcast %lt3A_305 : i32 to vector<16xi32>
    %lt3A_307 = arith.cmpi slt, %broadcast_in_dim3A_304, %lt3A_306 : vector<16xi32>
    %add3A_308 = arith.constant 16 : i32
    %add3A_309 = vector.broadcast %add3A_308 : i32 to vector<16xi32>
    %add3A_310 = arith.addi %broadcast_in_dim3A_304, %add3A_309 : vector<16xi32>
    %select_n3A_311 = arith.select %lt3A_307, %add3A_310, %broadcast_in_dim3A_304 : vector<16xi1>, vector<16xi32>
    %broadcast_in_dim3A_312 = vector.shape_cast %select_n3A_311 : vector<16xi32> to vector<16x1xi32>
    %gather3A_313 = vector.shape_cast %broadcast_in_dim3A_312 : vector<16x1xi32> to vector<16xi32>
    %gather3A_314 = tpu.dynamic_gather %get3A_90[%gather3A_313] in [0] : vector<16xf32>, vector<16xi32> -> vector<16xf32>
    %broadcast_in_dim3A_315 = arith.constant 3 : i32
    %broadcast_in_dim3A_316 = vector.broadcast %broadcast_in_dim3A_315 : i32 to vector<16xi32>
    %lt3A_317 = arith.constant 0 : i32
    %lt3A_318 = vector.broadcast %lt3A_317 : i32 to vector<16xi32>
    %lt3A_319 = arith.cmpi slt, %broadcast_in_dim3A_316, %lt3A_318 : vector<16xi32>
    %add3A_320 = arith.constant 16 : i32
    %add3A_321 = vector.broadcast %add3A_320 : i32 to vector<16xi32>
    %add3A_322 = arith.addi %broadcast_in_dim3A_316, %add3A_321 : vector<16xi32>
    %select_n3A_323 = arith.select %lt3A_319, %add3A_322, %broadcast_in_dim3A_316 : vector<16xi1>, vector<16xi32>
    %broadcast_in_dim3A_324 = vector.shape_cast %select_n3A_323 : vector<16xi32> to vector<16x1xi32>
    %gather3A_325 = vector.shape_cast %broadcast_in_dim3A_324 : vector<16x1xi32> to vector<16xi32>
    %gather3A_326 = tpu.dynamic_gather %get3A_90[%gather3A_325] in [0] : vector<16xf32>, vector<16xi32> -> vector<16xf32>
    %broadcast_in_dim3A_327 = arith.constant 4 : i32
    %broadcast_in_dim3A_328 = vector.broadcast %broadcast_in_dim3A_327 : i32 to vector<16xi32>
    %lt3A_329 = arith.constant 0 : i32
    %lt3A_330 = vector.broadcast %lt3A_329 : i32 to vector<16xi32>
    %lt3A_331 = arith.cmpi slt, %broadcast_in_dim3A_328, %lt3A_330 : vector<16xi32>
    %add3A_332 = arith.constant 16 : i32
    %add3A_333 = vector.broadcast %add3A_332 : i32 to vector<16xi32>
    %add3A_334 = arith.addi %broadcast_in_dim3A_328, %add3A_333 : vector<16xi32>
    %select_n3A_335 = arith.select %lt3A_331, %add3A_334, %broadcast_in_dim3A_328 : vector<16xi1>, vector<16xi32>
    %broadcast_in_dim3A_336 = vector.shape_cast %select_n3A_335 : vector<16xi32> to vector<16x1xi32>
    %gather3A_337 = vector.shape_cast %broadcast_in_dim3A_336 : vector<16x1xi32> to vector<16xi32>
    %gather3A_338 = tpu.dynamic_gather %get3A_90[%gather3A_337] in [0] : vector<16xf32>, vector<16xi32> -> vector<16xf32>
    %broadcast_in_dim3A_339 = arith.constant 5 : i32
    %broadcast_in_dim3A_340 = vector.broadcast %broadcast_in_dim3A_339 : i32 to vector<16xi32>
    %lt3A_341 = arith.constant 0 : i32
    %lt3A_342 = vector.broadcast %lt3A_341 : i32 to vector<16xi32>
    %lt3A_343 = arith.cmpi slt, %broadcast_in_dim3A_340, %lt3A_342 : vector<16xi32>
    %add3A_344 = arith.constant 16 : i32
    %add3A_345 = vector.broadcast %add3A_344 : i32 to vector<16xi32>
    %add3A_346 = arith.addi %broadcast_in_dim3A_340, %add3A_345 : vector<16xi32>
    %select_n3A_347 = arith.select %lt3A_343, %add3A_346, %broadcast_in_dim3A_340 : vector<16xi1>, vector<16xi32>
    %broadcast_in_dim3A_348 = vector.shape_cast %select_n3A_347 : vector<16xi32> to vector<16x1xi32>
    %gather3A_349 = vector.shape_cast %broadcast_in_dim3A_348 : vector<16x1xi32> to vector<16xi32>
    %gather3A_350 = tpu.dynamic_gather %get3A_90[%gather3A_349] in [0] : vector<16xf32>, vector<16xi32> -> vector<16xf32>
    %broadcast_in_dim3A_351 = arith.constant 6 : i32
    %broadcast_in_dim3A_352 = vector.broadcast %broadcast_in_dim3A_351 : i32 to vector<16xi32>
    %lt3A_353 = arith.constant 0 : i32
    %lt3A_354 = vector.broadcast %lt3A_353 : i32 to vector<16xi32>
    %lt3A_355 = arith.cmpi slt, %broadcast_in_dim3A_352, %lt3A_354 : vector<16xi32>
    %add3A_356 = arith.constant 16 : i32
    %add3A_357 = vector.broadcast %add3A_356 : i32 to vector<16xi32>
    %add3A_358 = arith.addi %broadcast_in_dim3A_352, %add3A_357 : vector<16xi32>
    %select_n3A_359 = arith.select %lt3A_355, %add3A_358, %broadcast_in_dim3A_352 : vector<16xi1>, vector<16xi32>
    %broadcast_in_dim3A_360 = vector.shape_cast %select_n3A_359 : vector<16xi32> to vector<16x1xi32>
    %gather3A_361 = vector.shape_cast %broadcast_in_dim3A_360 : vector<16x1xi32> to vector<16xi32>
    %gather3A_362 = tpu.dynamic_gather %get3A_90[%gather3A_361] in [0] : vector<16xf32>, vector<16xi32> -> vector<16xf32>
    %broadcast_in_dim3A_363 = arith.constant 7 : i32
    %broadcast_in_dim3A_364 = vector.broadcast %broadcast_in_dim3A_363 : i32 to vector<16xi32>
    %lt3A_365 = arith.constant 0 : i32
    %lt3A_366 = vector.broadcast %lt3A_365 : i32 to vector<16xi32>
    %lt3A_367 = arith.cmpi slt, %broadcast_in_dim3A_364, %lt3A_366 : vector<16xi32>
    %add3A_368 = arith.constant 16 : i32
    %add3A_369 = vector.broadcast %add3A_368 : i32 to vector<16xi32>
    %add3A_370 = arith.addi %broadcast_in_dim3A_364, %add3A_369 : vector<16xi32>
    %select_n3A_371 = arith.select %lt3A_367, %add3A_370, %broadcast_in_dim3A_364 : vector<16xi1>, vector<16xi32>
    %broadcast_in_dim3A_372 = vector.shape_cast %select_n3A_371 : vector<16xi32> to vector<16x1xi32>
    %gather3A_373 = vector.shape_cast %broadcast_in_dim3A_372 : vector<16x1xi32> to vector<16xi32>
    %gather3A_374 = tpu.dynamic_gather %get3A_90[%gather3A_373] in [0] : vector<16xf32>, vector<16xi32> -> vector<16xf32>
    %broadcast_in_dim3A_375 = arith.constant 8 : i32
    %broadcast_in_dim3A_376 = vector.broadcast %broadcast_in_dim3A_375 : i32 to vector<16xi32>
    %lt3A_377 = arith.constant 0 : i32
    %lt3A_378 = vector.broadcast %lt3A_377 : i32 to vector<16xi32>
    %lt3A_379 = arith.cmpi slt, %broadcast_in_dim3A_376, %lt3A_378 : vector<16xi32>
    %add3A_380 = arith.constant 16 : i32
    %add3A_381 = vector.broadcast %add3A_380 : i32 to vector<16xi32>
    %add3A_382 = arith.addi %broadcast_in_dim3A_376, %add3A_381 : vector<16xi32>
    %select_n3A_383 = arith.select %lt3A_379, %add3A_382, %broadcast_in_dim3A_376 : vector<16xi1>, vector<16xi32>
    %broadcast_in_dim3A_384 = vector.shape_cast %select_n3A_383 : vector<16xi32> to vector<16x1xi32>
    %gather3A_385 = vector.shape_cast %broadcast_in_dim3A_384 : vector<16x1xi32> to vector<16xi32>
    %gather3A_386 = tpu.dynamic_gather %get3A_90[%gather3A_385] in [0] : vector<16xf32>, vector<16xi32> -> vector<16xf32>
    %broadcast_in_dim3A_387 = arith.constant 9 : i32
    %broadcast_in_dim3A_388 = vector.broadcast %broadcast_in_dim3A_387 : i32 to vector<16xi32>
    %lt3A_389 = arith.constant 0 : i32
    %lt3A_390 = vector.broadcast %lt3A_389 : i32 to vector<16xi32>
    %lt3A_391 = arith.cmpi slt, %broadcast_in_dim3A_388, %lt3A_390 : vector<16xi32>
    %add3A_392 = arith.constant 16 : i32
    %add3A_393 = vector.broadcast %add3A_392 : i32 to vector<16xi32>
    %add3A_394 = arith.addi %broadcast_in_dim3A_388, %add3A_393 : vector<16xi32>
    %select_n3A_395 = arith.select %lt3A_391, %add3A_394, %broadcast_in_dim3A_388 : vector<16xi1>, vector<16xi32>
    %broadcast_in_dim3A_396 = vector.shape_cast %select_n3A_395 : vector<16xi32> to vector<16x1xi32>
    %gather3A_397 = vector.shape_cast %broadcast_in_dim3A_396 : vector<16x1xi32> to vector<16xi32>
    %gather3A_398 = tpu.dynamic_gather %get3A_90[%gather3A_397] in [0] : vector<16xf32>, vector<16xi32> -> vector<16xf32>
    %broadcast_in_dim3A_399 = arith.constant 10 : i32
    %broadcast_in_dim3A_400 = vector.broadcast %broadcast_in_dim3A_399 : i32 to vector<16xi32>
    %lt3A_401 = arith.constant 0 : i32
    %lt3A_402 = vector.broadcast %lt3A_401 : i32 to vector<16xi32>
    %lt3A_403 = arith.cmpi slt, %broadcast_in_dim3A_400, %lt3A_402 : vector<16xi32>
    %add3A_404 = arith.constant 16 : i32
    %add3A_405 = vector.broadcast %add3A_404 : i32 to vector<16xi32>
    %add3A_406 = arith.addi %broadcast_in_dim3A_400, %add3A_405 : vector<16xi32>
    %select_n3A_407 = arith.select %lt3A_403, %add3A_406, %broadcast_in_dim3A_400 : vector<16xi1>, vector<16xi32>
    %broadcast_in_dim3A_408 = vector.shape_cast %select_n3A_407 : vector<16xi32> to vector<16x1xi32>
    %gather3A_409 = vector.shape_cast %broadcast_in_dim3A_408 : vector<16x1xi32> to vector<16xi32>
    %gather3A_410 = tpu.dynamic_gather %get3A_90[%gather3A_409] in [0] : vector<16xf32>, vector<16xi32> -> vector<16xf32>
    %broadcast_in_dim3A_411 = arith.constant 11 : i32
    %broadcast_in_dim3A_412 = vector.broadcast %broadcast_in_dim3A_411 : i32 to vector<16xi32>
    %lt3A_413 = arith.constant 0 : i32
    %lt3A_414 = vector.broadcast %lt3A_413 : i32 to vector<16xi32>
    %lt3A_415 = arith.cmpi slt, %broadcast_in_dim3A_412, %lt3A_414 : vector<16xi32>
    %add3A_416 = arith.constant 16 : i32
    %add3A_417 = vector.broadcast %add3A_416 : i32 to vector<16xi32>
    %add3A_418 = arith.addi %broadcast_in_dim3A_412, %add3A_417 : vector<16xi32>
    %select_n3A_419 = arith.select %lt3A_415, %add3A_418, %broadcast_in_dim3A_412 : vector<16xi1>, vector<16xi32>
    %broadcast_in_dim3A_420 = vector.shape_cast %select_n3A_419 : vector<16xi32> to vector<16x1xi32>
    %gather3A_421 = vector.shape_cast %broadcast_in_dim3A_420 : vector<16x1xi32> to vector<16xi32>
    %gather3A_422 = tpu.dynamic_gather %get3A_90[%gather3A_421] in [0] : vector<16xf32>, vector<16xi32> -> vector<16xf32>
    %broadcast_in_dim3A_423 = arith.constant 12 : i32
    %broadcast_in_dim3A_424 = vector.broadcast %broadcast_in_dim3A_423 : i32 to vector<16xi32>
    %lt3A_425 = arith.constant 0 : i32
    %lt3A_426 = vector.broadcast %lt3A_425 : i32 to vector<16xi32>
    %lt3A_427 = arith.cmpi slt, %broadcast_in_dim3A_424, %lt3A_426 : vector<16xi32>
    %add3A_428 = arith.constant 16 : i32
    %add3A_429 = vector.broadcast %add3A_428 : i32 to vector<16xi32>
    %add3A_430 = arith.addi %broadcast_in_dim3A_424, %add3A_429 : vector<16xi32>
    %select_n3A_431 = arith.select %lt3A_427, %add3A_430, %broadcast_in_dim3A_424 : vector<16xi1>, vector<16xi32>
    %broadcast_in_dim3A_432 = vector.shape_cast %select_n3A_431 : vector<16xi32> to vector<16x1xi32>
    %gather3A_433 = vector.shape_cast %broadcast_in_dim3A_432 : vector<16x1xi32> to vector<16xi32>
    %gather3A_434 = tpu.dynamic_gather %get3A_90[%gather3A_433] in [0] : vector<16xf32>, vector<16xi32> -> vector<16xf32>
    %broadcast_in_dim3A_435 = arith.constant 13 : i32
    %broadcast_in_dim3A_436 = vector.broadcast %broadcast_in_dim3A_435 : i32 to vector<16xi32>
    %lt3A_437 = arith.constant 0 : i32
    %lt3A_438 = vector.broadcast %lt3A_437 : i32 to vector<16xi32>
    %lt3A_439 = arith.cmpi slt, %broadcast_in_dim3A_436, %lt3A_438 : vector<16xi32>
    %add3A_440 = arith.constant 16 : i32
    %add3A_441 = vector.broadcast %add3A_440 : i32 to vector<16xi32>
    %add3A_442 = arith.addi %broadcast_in_dim3A_436, %add3A_441 : vector<16xi32>
    %select_n3A_443 = arith.select %lt3A_439, %add3A_442, %broadcast_in_dim3A_436 : vector<16xi1>, vector<16xi32>
    %broadcast_in_dim3A_444 = vector.shape_cast %select_n3A_443 : vector<16xi32> to vector<16x1xi32>
    %gather3A_445 = vector.shape_cast %broadcast_in_dim3A_444 : vector<16x1xi32> to vector<16xi32>
    %gather3A_446 = tpu.dynamic_gather %get3A_90[%gather3A_445] in [0] : vector<16xf32>, vector<16xi32> -> vector<16xf32>
    %broadcast_in_dim3A_447 = arith.constant 14 : i32
    %broadcast_in_dim3A_448 = vector.broadcast %broadcast_in_dim3A_447 : i32 to vector<16xi32>
    %lt3A_449 = arith.constant 0 : i32
    %lt3A_450 = vector.broadcast %lt3A_449 : i32 to vector<16xi32>
    %lt3A_451 = arith.cmpi slt, %broadcast_in_dim3A_448, %lt3A_450 : vector<16xi32>
    %add3A_452 = arith.constant 16 : i32
    %add3A_453 = vector.broadcast %add3A_452 : i32 to vector<16xi32>
    %add3A_454 = arith.addi %broadcast_in_dim3A_448, %add3A_453 : vector<16xi32>
    %select_n3A_455 = arith.select %lt3A_451, %add3A_454, %broadcast_in_dim3A_448 : vector<16xi1>, vector<16xi32>
    %broadcast_in_dim3A_456 = vector.shape_cast %select_n3A_455 : vector<16xi32> to vector<16x1xi32>
    %gather3A_457 = vector.shape_cast %broadcast_in_dim3A_456 : vector<16x1xi32> to vector<16xi32>
    %gather3A_458 = tpu.dynamic_gather %get3A_90[%gather3A_457] in [0] : vector<16xf32>, vector<16xi32> -> vector<16xf32>
    %broadcast_in_dim3A_459 = arith.constant 15 : i32
    %broadcast_in_dim3A_460 = vector.broadcast %broadcast_in_dim3A_459 : i32 to vector<16xi32>
    %lt3A_461 = arith.constant 0 : i32
    %lt3A_462 = vector.broadcast %lt3A_461 : i32 to vector<16xi32>
    %lt3A_463 = arith.cmpi slt, %broadcast_in_dim3A_460, %lt3A_462 : vector<16xi32>
    %add3A_464 = arith.constant 16 : i32
    %add3A_465 = vector.broadcast %add3A_464 : i32 to vector<16xi32>
    %add3A_466 = arith.addi %broadcast_in_dim3A_460, %add3A_465 : vector<16xi32>
    %select_n3A_467 = arith.select %lt3A_463, %add3A_466, %broadcast_in_dim3A_460 : vector<16xi1>, vector<16xi32>
    %broadcast_in_dim3A_468 = vector.shape_cast %select_n3A_467 : vector<16xi32> to vector<16x1xi32>
    %gather3A_469 = vector.shape_cast %broadcast_in_dim3A_468 : vector<16x1xi32> to vector<16xi32>
    %gather3A_470 = tpu.dynamic_gather %get3A_90[%gather3A_469] in [0] : vector<16xf32>, vector<16xi32> -> vector<16xf32>
    %scan3A = arith.constant 0 : i32
    %scan3A_471 = arith.constant 0 : i32
    %scan3A_472 = arith.constant 64 : i32
    %scan3A_473 = arith.addi %scan3A_471, %scan3A_472 : i32
    %scan3A_474 = arith.constant 1 : i32
    %scan3A_475 = scf.for %scan3A_1790 = %scan3A_471 to %scan3A_473 step %scan3A_474 iter_args(%scan3A_1791 = %scan3A) -> (i32)  : i32 {
      %mul3A_1792 = arith.constant 16 : i32
      %mul3A_1793 = arith.muli %scan3A_1790, %mul3A_1792 : i32
      %get3A_1794 = arith.constant 0 : i32
      %get3A_1795 = arith.index_cast %get3A_1794 : i32 to index
      %get3A_1796 = arith.index_cast %mul3A_1793 : i32 to index
      %get3A_1797 = tpu.vector_load %arg10[%get3A_1795, %get3A_1796] {strides = array<i32>} : memref<16x1024xf32, #tpu.memory_space<vmem>>, vector<1x16xf32>,
      %get3A_1798 = vector.shape_cast %get3A_1797 : vector<1x16xf32> to vector<16xf32>
      %mul3A_1799 = arith.mulf %gather3A_98, %get3A_1798 : vector<16xf32>
      %get3A_1800 = arith.constant 0 : i32
      %get3A_1801 = arith.index_cast %get3A_1800 : i32 to index
      %get3A_1802 = arith.index_cast %mul3A_1793 : i32 to index
      %get3A_1803 = tpu.vector_load %arg12[%get3A_1801, %get3A_1802] {strides = array<i32>} : memref<16x1024xf32, #tpu.memory_space<vmem>>, vector<1x16xf32>,
      %get3A_1804 = vector.shape_cast %get3A_1803 : vector<1x16xf32> to vector<16xf32>
      %mul3A_1805 = arith.mulf %gather3A_290, %get3A_1804 : vector<16xf32>
      %add3A_1806 = arith.addf %mul3A_1799, %mul3A_1805 : vector<16xf32>
      %swap3A = arith.constant 0 : i32
      %swap3A_1807 = arith.index_cast %swap3A : i32 to index
      %swap3A_1808 = arith.index_cast %mul3A_1793 : i32 to index
      %swap3A_1809 = tpu.vector_load %arg10[%swap3A_1807, %swap3A_1808] {strides = array<i32>} : memref<16x1024xf32, #tpu.memory_space<vmem>>, vector<1x16xf32>,
      %swap3A_1810 = vector.shape_cast %swap3A_1809 : vector<1x16xf32> to vector<16xf32>
      %swap3A_1811 = vector.shape_cast %add3A_1806 : vector<16xf32> to vector<1x16xf32>
      tpu.vector_store %arg10[%swap3A_1807, %swap3A_1808], %swap3A_1811 {strides = array<i32>} : memref<16x1024xf32, #tpu.memory_space<vmem>>, vector<1x16xf32>,
      %mul3A_1812 = arith.constant 16 : i32
      %mul3A_1813 = arith.muli %scan3A_1790, %mul3A_1812 : i32
      %get3A_1814 = arith.constant 1 : i32
      %get3A_1815 = arith.index_cast %get3A_1814 : i32 to index
      %get3A_1816 = arith.index_cast %mul3A_1813 : i32 to index
      %get3A_1817 = tpu.vector_load %arg10[%get3A_1815, %get3A_1816] {strides = array<i32>} : memref<16x1024xf32, #tpu.memory_space<vmem>>, vector<1x16xf32>,
      %get3A_1818 = vector.shape_cast %get3A_1817 : vector<1x16xf32> to vector<16xf32>
      %mul3A_1819 = arith.mulf %gather3A_110, %get3A_1818 : vector<16xf32>
      %get3A_1820 = arith.constant 1 : i32
      %get3A_1821 = arith.index_cast %get3A_1820 : i32 to index
      %get3A_1822 = arith.index_cast %mul3A_1813 : i32 to index
      %get3A_1823 = tpu.vector_load %arg12[%get3A_1821, %get3A_1822] {strides = array<i32>} : memref<16x1024xf32, #tpu.memory_space<vmem>>, vector<1x16xf32>,
      %get3A_1824 = vector.shape_cast %get3A_1823 : vector<1x16xf32> to vector<16xf32>
      %mul3A_1825 = arith.mulf %gather3A_302, %get3A_1824 : vector<16xf32>
      %add3A_1826 = arith.addf %mul3A_1819, %mul3A_1825 : vector<16xf32>
      %swap3A_1827 = arith.constant 1 : i32
      %swap3A_1828 = arith.index_cast %swap3A_1827 : i32 to index
      %swap3A_1829 = arith.index_cast %mul3A_1813 : i32 to index
      %swap3A_1830 = tpu.vector_load %arg10[%swap3A_1828, %swap3A_1829] {strides = array<i32>} : memref<16x1024xf32, #tpu.memory_space<vmem>>, vector<1x16xf32>,
      %swap3A_1831 = vector.shape_cast %swap3A_1830 : vector<1x16xf32> to vector<16xf32>
      %swap3A_1832 = vector.shape_cast %add3A_1826 : vector<16xf32> to vector<1x16xf32>
      tpu.vector_store %arg10[%swap3A_1828, %swap3A_1829], %swap3A_1832 {strides = array<i32>} : memref<16x1024xf32, #tpu.memory_space<vmem>>, vector<1x16xf32>,
      %mul3A_1833 = arith.constant 16 : i32
      %mul3A_1834 = arith.muli %scan3A_1790, %mul3A_1833 : i32
      %get3A_1835 = arith.constant 2 : i32
      %get3A_1836 = arith.index_cast %get3A_1835 : i32 to index
      %get3A_1837 = arith.index_cast %mul3A_1834 : i32 to index
      %get3A_1838 = tpu.vector_load %arg10[%get3A_1836, %get3A_1837] {strides = array<i32>} : memref<16x1024xf32, #tpu.memory_space<vmem>>, vector<1x16xf32>,
      %get3A_1839 = vector.shape_cast %get3A_1838 : vector<1x16xf32> to vector<16xf32>
      %mul3A_1840 = arith.mulf %gather3A_122, %get3A_1839 : vector<16xf32>
      %get3A_1841 = arith.constant 2 : i32
      %get3A_1842 = arith.index_cast %get3A_1841 : i32 to index
      %get3A_1843 = arith.index_cast %mul3A_1834 : i32 to index
      %get3A_1844 = tpu.vector_load %arg12[%get3A_1842, %get3A_1843] {strides = array<i32>} : memref<16x1024xf32, #tpu.memory_space<vmem>>, vector<1x16xf32>,
      %get3A_1845 = vector.shape_cast %get3A_1844 : vector<1x16xf32> to vector<16xf32>
      %mul3A_1846 = arith.mulf %gather3A_314, %get3A_1845 : vector<16xf32>
      %add3A_1847 = arith.addf %mul3A_1840, %mul3A_1846 : vector<16xf32>
      %swap3A_1848 = arith.constant 2 : i32
      %swap3A_1849 = arith.index_cast %swap3A_1848 : i32 to index
      %swap3A_1850 = arith.index_cast %mul3A_1834 : i32 to index
      %swap3A_1851 = tpu.vector_load %arg10[%swap3A_1849, %swap3A_1850] {strides = array<i32>} : memref<16x1024xf32, #tpu.memory_space<vmem>>, vector<1x16xf32>,
      %swap3A_1852 = vector.shape_cast %swap3A_1851 : vector<1x16xf32> to vector<16xf32>
      %swap3A_1853 = vector.shape_cast %add3A_1847 : vector<16xf32> to vector<1x16xf32>
      tpu.vector_store %arg10[%swap3A_1849, %swap3A_1850], %swap3A_1853 {strides = array<i32>} : memref<16x1024xf32, #tpu.memory_space<vmem>>, vector<1x16xf32>,
      %mul3A_1854 = arith.constant 16 : i32
      %mul3A_1855 = arith.muli %scan3A_1790, %mul3A_1854 : i32
      %get3A_1856 = arith.constant 3 : i32
      %get3A_1857 = arith.index_cast %get3A_1856 : i32 to index
      %get3A_1858 = arith.index_cast %mul3A_1855 : i32 to index
      %get3A_1859 = tpu.vector_load %arg10[%get3A_1857, %get3A_1858] {strides = array<i32>} : memref<16x1024xf32, #tpu.memory_space<vmem>>, vector<1x16xf32>,
      %get3A_1860 = vector.shape_cast %get3A_1859 : vector<1x16xf32> to vector<16xf32>
      %mul3A_1861 = arith.mulf %gather3A_134, %get3A_1860 : vector<16xf32>
      %get3A_1862 = arith.constant 3 : i32
      %get3A_1863 = arith.index_cast %get3A_1862 : i32 to index
      %get3A_1864 = arith.index_cast %mul3A_1855 : i32 to index
      %get3A_1865 = tpu.vector_load %arg12[%get3A_1863, %get3A_1864] {strides = array<i32>} : memref<16x1024xf32, #tpu.memory_space<vmem>>, vector<1x16xf32>,
      %get3A_1866 = vector.shape_cast %get3A_1865 : vector<1x16xf32> to vector<16xf32>
      %mul3A_1867 = arith.mulf %gather3A_326, %get3A_1866 : vector<16xf32>
      %add3A_1868 = arith.addf %mul3A_1861, %mul3A_1867 : vector<16xf32>
      %swap3A_1869 = arith.constant 3 : i32
      %swap3A_1870 = arith.index_cast %swap3A_1869 : i32 to index
      %swap3A_1871 = arith.index_cast %mul3A_1855 : i32 to index
      %swap3A_1872 = tpu.vector_load %arg10[%swap3A_1870, %swap3A_1871] {strides = array<i32>} : memref<16x1024xf32, #tpu.memory_space<vmem>>, vector<1x16xf32>,
      %swap3A_1873 = vector.shape_cast %swap3A_1872 : vector<1x16xf32> to vector<16xf32>
      %swap3A_1874 = vector.shape_cast %add3A_1868 : vector<16xf32> to vector<1x16xf32>
      tpu.vector_store %arg10[%swap3A_1870, %swap3A_1871], %swap3A_1874 {strides = array<i32>} : memref<16x1024xf32, #tpu.memory_space<vmem>>, vector<1x16xf32>,
      %mul3A_1875 = arith.constant 16 : i32
      %mul3A_1876 = arith.muli %scan3A_1790, %mul3A_1875 : i32
      %get3A_1877 = arith.constant 4 : i32
      %get3A_1878 = arith.index_cast %get3A_1877 : i32 to index
      %get3A_1879 = arith.index_cast %mul3A_1876 : i32 to index
      %get3A_1880 = tpu.vector_load %arg10[%get3A_1878, %get3A_1879] {strides = array<i32>} : memref<16x1024xf32, #tpu.memory_space<vmem>>, vector<1x16xf32>,
      %get3A_1881 = vector.shape_cast %get3A_1880 : vector<1x16xf32> to vector<16xf32>
      %mul3A_1882 = arith.mulf %gather3A_146, %get3A_1881 : vector<16xf32>
      %get3A_1883 = arith.constant 4 : i32
      %get3A_1884 = arith.index_cast %get3A_1883 : i32 to index
      %get3A_1885 = arith.index_cast %mul3A_1876 : i32 to index
      %get3A_1886 = tpu.vector_load %arg12[%get3A_1884, %get3A_1885] {strides = array<i32>} : memref<16x1024xf32, #tpu.memory_space<vmem>>, vector<1x16xf32>,
      %get3A_1887 = vector.shape_cast %get3A_1886 : vector<1x16xf32> to vector<16xf32>
      %mul3A_1888 = arith.mulf %gather3A_338, %get3A_1887 : vector<16xf32>
      %add3A_1889 = arith.addf %mul3A_1882, %mul3A_1888 : vector<16xf32>
      %swap3A_1890 = arith.constant 4 : i32
      %swap3A_1891 = arith.index_cast %swap3A_1890 : i32 to index
      %swap3A_1892 = arith.index_cast %mul3A_1876 : i32 to index
      %swap3A_1893 = tpu.vector_load %arg10[%swap3A_1891, %swap3A_1892] {strides = array<i32>} : memref<16x1024xf32, #tpu.memory_space<vmem>>, vector<1x16xf32>,
      %swap3A_1894 = vector.shape_cast %swap3A_1893 : vector<1x16xf32> to vector<16xf32>
      %swap3A_1895 = vector.shape_cast %add3A_1889 : vector<16xf32> to vector<1x16xf32>
      tpu.vector_store %arg10[%swap3A_1891, %swap3A_1892], %swap3A_1895 {strides = array<i32>} : memref<16x1024xf32, #tpu.memory_space<vmem>>, vector<1x16xf32>,
      %mul3A_1896 = arith.constant 16 : i32
      %mul3A_1897 = arith.muli %scan3A_1790, %mul3A_1896 : i32
      %get3A_1898 = arith.constant 5 : i32
      %get3A_1899 = arith.index_cast %get3A_1898 : i32 to index
      %get3A_1900 = arith.index_cast %mul3A_1897 : i32 to index
      %get3A_1901 = tpu.vector_load %arg10[%get3A_1899, %get3A_1900] {strides = array<i32>} : memref<16x1024xf32, #tpu.memory_space<vmem>>, vector<1x16xf32>,
      %get3A_1902 = vector.shape_cast %get3A_1901 : vector<1x16xf32> to vector<16xf32>
      %mul3A_1903 = arith.mulf %gather3A_158, %get3A_1902 : vector<16xf32>
      %get3A_1904 = arith.constant 5 : i32
      %get3A_1905 = arith.index_cast %get3A_1904 : i32 to index
      %get3A_1906 = arith.index_cast %mul3A_1897 : i32 to index
      %get3A_1907 = tpu.vector_load %arg12[%get3A_1905, %get3A_1906] {strides = array<i32>} : memref<16x1024xf32, #tpu.memory_space<vmem>>, vector<1x16xf32>,
      %get3A_1908 = vector.shape_cast %get3A_1907 : vector<1x16xf32> to vector<16xf32>
      %mul3A_1909 = arith.mulf %gather3A_350, %get3A_1908 : vector<16xf32>
      %add3A_1910 = arith.addf %mul3A_1903, %mul3A_1909 : vector<16xf32>
      %swap3A_1911 = arith.constant 5 : i32
      %swap3A_1912 = arith.index_cast %swap3A_1911 : i32 to index
      %swap3A_1913 = arith.index_cast %mul3A_1897 : i32 to index
      %swap3A_1914 = tpu.vector_load %arg10[%swap3A_1912, %swap3A_1913] {strides = array<i32>} : memref<16x1024xf32, #tpu.memory_space<vmem>>, vector<1x16xf32>,
      %swap3A_1915 = vector.shape_cast %swap3A_1914 : vector<1x16xf32> to vector<16xf32>
      %swap3A_1916 = vector.shape_cast %add3A_1910 : vector<16xf32> to vector<1x16xf32>
      tpu.vector_store %arg10[%swap3A_1912, %swap3A_1913], %swap3A_1916 {strides = array<i32>} : memref<16x1024xf32, #tpu.memory_space<vmem>>, vector<1x16xf32>,
      %mul3A_1917 = arith.constant 16 : i32
      %mul3A_1918 = arith.muli %scan3A_1790, %mul3A_1917 : i32
      %get3A_1919 = arith.constant 6 : i32
      %get3A_1920 = arith.index_cast %get3A_1919 : i32 to index
      %get3A_1921 = arith.index_cast %mul3A_1918 : i32 to index
      %get3A_1922 = tpu.vector_load %arg10[%get3A_1920, %get3A_1921] {strides = array<i32>} : memref<16x1024xf32, #tpu.memory_space<vmem>>, vector<1x16xf32>,
      %get3A_1923 = vector.shape_cast %get3A_1922 : vector<1x16xf32> to vector<16xf32>
      %mul3A_1924 = arith.mulf %gather3A_170, %get3A_1923 : vector<16xf32>
      %get3A_1925 = arith.constant 6 : i32
      %get3A_1926 = arith.index_cast %get3A_1925 : i32 to index
      %get3A_1927 = arith.index_cast %mul3A_1918 : i32 to index
      %get3A_1928 = tpu.vector_load %arg12[%get3A_1926, %get3A_1927] {strides = array<i32>} : memref<16x1024xf32, #tpu.memory_space<vmem>>, vector<1x16xf32>,
      %get3A_1929 = vector.shape_cast %get3A_1928 : vector<1x16xf32> to vector<16xf32>
      %mul3A_1930 = arith.mulf %gather3A_362, %get3A_1929 : vector<16xf32>
      %add3A_1931 = arith.addf %mul3A_1924, %mul3A_1930 : vector<16xf32>
      %swap3A_1932 = arith.constant 6 : i32
      %swap3A_1933 = arith.index_cast %swap3A_1932 : i32 to index
      %swap3A_1934 = arith.index_cast %mul3A_1918 : i32 to index
      %swap3A_1935 = tpu.vector_load %arg10[%swap3A_1933, %swap3A_1934] {strides = array<i32>} : memref<16x1024xf32, #tpu.memory_space<vmem>>, vector<1x16xf32>,
      %swap3A_1936 = vector.shape_cast %swap3A_1935 : vector<1x16xf32> to vector<16xf32>
      %swap3A_1937 = vector.shape_cast %add3A_1931 : vector<16xf32> to vector<1x16xf32>
      tpu.vector_store %arg10[%swap3A_1933, %swap3A_1934], %swap3A_1937 {strides = array<i32>} : memref<16x1024xf32, #tpu.memory_space<vmem>>, vector<1x16xf32>,
      %mul3A_1938 = arith.constant 16 : i32
      %mul3A_1939 = arith.muli %scan3A_1790, %mul3A_1938 : i32
      %get3A_1940 = arith.constant 7 : i32
      %get3A_1941 = arith.index_cast %get3A_1940 : i32 to index
      %get3A_1942 = arith.index_cast %mul3A_1939 : i32 to index
      %get3A_1943 = tpu.vector_load %arg10[%get3A_1941, %get3A_1942] {strides = array<i32>} : memref<16x1024xf32, #tpu.memory_space<vmem>>, vector<1x16xf32>,
      %get3A_1944 = vector.shape_cast %get3A_1943 : vector<1x16xf32> to vector<16xf32>
      %mul3A_1945 = arith.mulf %gather3A_182, %get3A_1944 : vector<16xf32>
      %get3A_1946 = arith.constant 7 : i32
      %get3A_1947 = arith.index_cast %get3A_1946 : i32 to index
      %get3A_1948 = arith.index_cast %mul3A_1939 : i32 to index
      %get3A_1949 = tpu.vector_load %arg12[%get3A_1947, %get3A_1948] {strides = array<i32>} : memref<16x1024xf32, #tpu.memory_space<vmem>>, vector<1x16xf32>,
      %get3A_1950 = vector.shape_cast %get3A_1949 : vector<1x16xf32> to vector<16xf32>
      %mul3A_1951 = arith.mulf %gather3A_374, %get3A_1950 : vector<16xf32>
      %add3A_1952 = arith.addf %mul3A_1945, %mul3A_1951 : vector<16xf32>
      %swap3A_1953 = arith.constant 7 : i32
      %swap3A_1954 = arith.index_cast %swap3A_1953 : i32 to index
      %swap3A_1955 = arith.index_cast %mul3A_1939 : i32 to index
      %swap3A_1956 = tpu.vector_load %arg10[%swap3A_1954, %swap3A_1955] {strides = array<i32>} : memref<16x1024xf32, #tpu.memory_space<vmem>>, vector<1x16xf32>,
      %swap3A_1957 = vector.shape_cast %swap3A_1956 : vector<1x16xf32> to vector<16xf32>
      %swap3A_1958 = vector.shape_cast %add3A_1952 : vector<16xf32> to vector<1x16xf32>
      tpu.vector_store %arg10[%swap3A_1954, %swap3A_1955], %swap3A_1958 {strides = array<i32>} : memref<16x1024xf32, #tpu.memory_space<vmem>>, vector<1x16xf32>,
      %mul3A_1959 = arith.constant 16 : i32
      %mul3A_1960 = arith.muli %scan3A_1790, %mul3A_1959 : i32
      %get3A_1961 = arith.constant 8 : i32
      %get3A_1962 = arith.index_cast %get3A_1961 : i32 to index
      %get3A_1963 = arith.index_cast %mul3A_1960 : i32 to index
      %get3A_1964 = tpu.vector_load %arg10[%get3A_1962, %get3A_1963] {strides = array<i32>} : memref<16x1024xf32, #tpu.memory_space<vmem>>, vector<1x16xf32>,
      %get3A_1965 = vector.shape_cast %get3A_1964 : vector<1x16xf32> to vector<16xf32>
      %mul3A_1966 = arith.mulf %gather3A_194, %get3A_1965 : vector<16xf32>
      %get3A_1967 = arith.constant 8 : i32
      %get3A_1968 = arith.index_cast %get3A_1967 : i32 to index
      %get3A_1969 = arith.index_cast %mul3A_1960 : i32 to index
      %get3A_1970 = tpu.vector_load %arg12[%get3A_1968, %get3A_1969] {strides = array<i32>} : memref<16x1024xf32, #tpu.memory_space<vmem>>, vector<1x16xf32>,
      %get3A_1971 = vector.shape_cast %get3A_1970 : vector<1x16xf32> to vector<16xf32>
      %mul3A_1972 = arith.mulf %gather3A_386, %get3A_1971 : vector<16xf32>
      %add3A_1973 = arith.addf %mul3A_1966, %mul3A_1972 : vector<16xf32>
      %swap3A_1974 = arith.constant 8 : i32
      %swap3A_1975 = arith.index_cast %swap3A_1974 : i32 to index
      %swap3A_1976 = arith.index_cast %mul3A_1960 : i32 to index
      %swap3A_1977 = tpu.vector_load %arg10[%swap3A_1975, %swap3A_1976] {strides = array<i32>} : memref<16x1024xf32, #tpu.memory_space<vmem>>, vector<1x16xf32>,
      %swap3A_1978 = vector.shape_cast %swap3A_1977 : vector<1x16xf32> to vector<16xf32>
      %swap3A_1979 = vector.shape_cast %add3A_1973 : vector<16xf32> to vector<1x16xf32>
      tpu.vector_store %arg10[%swap3A_1975, %swap3A_1976], %swap3A_1979 {strides = array<i32>} : memref<16x1024xf32, #tpu.memory_space<vmem>>, vector<1x16xf32>,
      %mul3A_1980 = arith.constant 16 : i32
      %mul3A_1981 = arith.muli %scan3A_1790, %mul3A_1980 : i32
      %get3A_1982 = arith.constant 9 : i32
      %get3A_1983 = arith.index_cast %get3A_1982 : i32 to index
      %get3A_1984 = arith.index_cast %mul3A_1981 : i32 to index
      %get3A_1985 = tpu.vector_load %arg10[%get3A_1983, %get3A_1984] {strides = array<i32>} : memref<16x1024xf32, #tpu.memory_space<vmem>>, vector<1x16xf32>,
      %get3A_1986 = vector.shape_cast %get3A_1985 : vector<1x16xf32> to vector<16xf32>
      %mul3A_1987 = arith.mulf %gather3A_206, %get3A_1986 : vector<16xf32>
      %get3A_1988 = arith.constant 9 : i32
      %get3A_1989 = arith.index_cast %get3A_1988 : i32 to index
      %get3A_1990 = arith.index_cast %mul3A_1981 : i32 to index
      %get3A_1991 = tpu.vector_load %arg12[%get3A_1989, %get3A_1990] {strides = array<i32>} : memref<16x1024xf32, #tpu.memory_space<vmem>>, vector<1x16xf32>,
      %get3A_1992 = vector.shape_cast %get3A_1991 : vector<1x16xf32> to vector<16xf32>
      %mul3A_1993 = arith.mulf %gather3A_398, %get3A_1992 : vector<16xf32>
      %add3A_1994 = arith.addf %mul3A_1987, %mul3A_1993 : vector<16xf32>
      %swap3A_1995 = arith.constant 9 : i32
      %swap3A_1996 = arith.index_cast %swap3A_1995 : i32 to index
      %swap3A_1997 = arith.index_cast %mul3A_1981 : i32 to index
      %swap3A_1998 = tpu.vector_load %arg10[%swap3A_1996, %swap3A_1997] {strides = array<i32>} : memref<16x1024xf32, #tpu.memory_space<vmem>>, vector<1x16xf32>,
      %swap3A_1999 = vector.shape_cast %swap3A_1998 : vector<1x16xf32> to vector<16xf32>
      %swap3A_2000 = vector.shape_cast %add3A_1994 : vector<16xf32> to vector<1x16xf32>
      tpu.vector_store %arg10[%swap3A_1996, %swap3A_1997], %swap3A_2000 {strides = array<i32>} : memref<16x1024xf32, #tpu.memory_space<vmem>>, vector<1x16xf32>,
      %mul3A_2001 = arith.constant 16 : i32
      %mul3A_2002 = arith.muli %scan3A_1790, %mul3A_2001 : i32
      %get3A_2003 = arith.constant 10 : i32
      %get3A_2004 = arith.index_cast %get3A_2003 : i32 to index
      %get3A_2005 = arith.index_cast %mul3A_2002 : i32 to index
      %get3A_2006 = tpu.vector_load %arg10[%get3A_2004, %get3A_2005] {strides = array<i32>} : memref<16x1024xf32, #tpu.memory_space<vmem>>, vector<1x16xf32>,
      %get3A_2007 = vector.shape_cast %get3A_2006 : vector<1x16xf32> to vector<16xf32>
      %mul3A_2008 = arith.mulf %gather3A_218, %get3A_2007 : vector<16xf32>
      %get3A_2009 = arith.constant 10 : i32
      %get3A_2010 = arith.index_cast %get3A_2009 : i32 to index
      %get3A_2011 = arith.index_cast %mul3A_2002 : i32 to index
      %get3A_2012 = tpu.vector_load %arg12[%get3A_2010, %get3A_2011] {strides = array<i32>} : memref<16x1024xf32, #tpu.memory_space<vmem>>, vector<1x16xf32>,
      %get3A_2013 = vector.shape_cast %get3A_2012 : vector<1x16xf32> to vector<16xf32>
      %mul3A_2014 = arith.mulf %gather3A_410, %get3A_2013 : vector<16xf32>
      %add3A_2015 = arith.addf %mul3A_2008, %mul3A_2014 : vector<16xf32>
      %swap3A_2016 = arith.constant 10 : i32
      %swap3A_2017 = arith.index_cast %swap3A_2016 : i32 to index
      %swap3A_2018 = arith.index_cast %mul3A_2002 : i32 to index
      %swap3A_2019 = tpu.vector_load %arg10[%swap3A_2017, %swap3A_2018] {strides = array<i32>} : memref<16x1024xf32, #tpu.memory_space<vmem>>, vector<1x16xf32>,
      %swap3A_2020 = vector.shape_cast %swap3A_2019 : vector<1x16xf32> to vector<16xf32>
      %swap3A_2021 = vector.shape_cast %add3A_2015 : vector<16xf32> to vector<1x16xf32>
      tpu.vector_store %arg10[%swap3A_2017, %swap3A_2018], %swap3A_2021 {strides = array<i32>} : memref<16x1024xf32, #tpu.memory_space<vmem>>, vector<1x16xf32>,
      %mul3A_2022 = arith.constant 16 : i32
      %mul3A_2023 = arith.muli %scan3A_1790, %mul3A_2022 : i32
      %get3A_2024 = arith.constant 11 : i32
      %get3A_2025 = arith.index_cast %get3A_2024 : i32 to index
      %get3A_2026 = arith.index_cast %mul3A_2023 : i32 to index
      %get3A_2027 = tpu.vector_load %arg10[%get3A_2025, %get3A_2026] {strides = array<i32>} : memref<16x1024xf32, #tpu.memory_space<vmem>>, vector<1x16xf32>,
      %get3A_2028 = vector.shape_cast %get3A_2027 : vector<1x16xf32> to vector<16xf32>
      %mul3A_2029 = arith.mulf %gather3A_230, %get3A_2028 : vector<16xf32>
      %get3A_2030 = arith.constant 11 : i32
      %get3A_2031 = arith.index_cast %get3A_2030 : i32 to index
      %get3A_2032 = arith.index_cast %mul3A_2023 : i32 to index
      %get3A_2033 = tpu.vector_load %arg12[%get3A_2031, %get3A_2032] {strides = array<i32>} : memref<16x1024xf32, #tpu.memory_space<vmem>>, vector<1x16xf32>,
      %get3A_2034 = vector.shape_cast %get3A_2033 : vector<1x16xf32> to vector<16xf32>
      %mul3A_2035 = arith.mulf %gather3A_422, %get3A_2034 : vector<16xf32>
      %add3A_2036 = arith.addf %mul3A_2029, %mul3A_2035 : vector<16xf32>
      %swap3A_2037 = arith.constant 11 : i32
      %swap3A_2038 = arith.index_cast %swap3A_2037 : i32 to index
      %swap3A_2039 = arith.index_cast %mul3A_2023 : i32 to index
      %swap3A_2040 = tpu.vector_load %arg10[%swap3A_2038, %swap3A_2039] {strides = array<i32>} : memref<16x1024xf32, #tpu.memory_space<vmem>>, vector<1x16xf32>,
      %swap3A_2041 = vector.shape_cast %swap3A_2040 : vector<1x16xf32> to vector<16xf32>
      %swap3A_2042 = vector.shape_cast %add3A_2036 : vector<16xf32> to vector<1x16xf32>
      tpu.vector_store %arg10[%swap3A_2038, %swap3A_2039], %swap3A_2042 {strides = array<i32>} : memref<16x1024xf32, #tpu.memory_space<vmem>>, vector<1x16xf32>,
      %mul3A_2043 = arith.constant 16 : i32
      %mul3A_2044 = arith.muli %scan3A_1790, %mul3A_2043 : i32
      %get3A_2045 = arith.constant 12 : i32
      %get3A_2046 = arith.index_cast %get3A_2045 : i32 to index
      %get3A_2047 = arith.index_cast %mul3A_2044 : i32 to index
      %get3A_2048 = tpu.vector_load %arg10[%get3A_2046, %get3A_2047] {strides = array<i32>} : memref<16x1024xf32, #tpu.memory_space<vmem>>, vector<1x16xf32>,
      %get3A_2049 = vector.shape_cast %get3A_2048 : vector<1x16xf32> to vector<16xf32>
      %mul3A_2050 = arith.mulf %gather3A_242, %get3A_2049 : vector<16xf32>
      %get3A_2051 = arith.constant 12 : i32
      %get3A_2052 = arith.index_cast %get3A_2051 : i32 to index
      %get3A_2053 = arith.index_cast %mul3A_2044 : i32 to index
      %get3A_2054 = tpu.vector_load %arg12[%get3A_2052, %get3A_2053] {strides = array<i32>} : memref<16x1024xf32, #tpu.memory_space<vmem>>, vector<1x16xf32>,
      %get3A_2055 = vector.shape_cast %get3A_2054 : vector<1x16xf32> to vector<16xf32>
      %mul3A_2056 = arith.mulf %gather3A_434, %get3A_2055 : vector<16xf32>
      %add3A_2057 = arith.addf %mul3A_2050, %mul3A_2056 : vector<16xf32>
      %swap3A_2058 = arith.constant 12 : i32
      %swap3A_2059 = arith.index_cast %swap3A_2058 : i32 to index
      %swap3A_2060 = arith.index_cast %mul3A_2044 : i32 to index
      %swap3A_2061 = tpu.vector_load %arg10[%swap3A_2059, %swap3A_2060] {strides = array<i32>} : memref<16x1024xf32, #tpu.memory_space<vmem>>, vector<1x16xf32>,
      %swap3A_2062 = vector.shape_cast %swap3A_2061 : vector<1x16xf32> to vector<16xf32>
      %swap3A_2063 = vector.shape_cast %add3A_2057 : vector<16xf32> to vector<1x16xf32>
      tpu.vector_store %arg10[%swap3A_2059, %swap3A_2060], %swap3A_2063 {strides = array<i32>} : memref<16x1024xf32, #tpu.memory_space<vmem>>, vector<1x16xf32>,
      %mul3A_2064 = arith.constant 16 : i32
      %mul3A_2065 = arith.muli %scan3A_1790, %mul3A_2064 : i32
      %get3A_2066 = arith.constant 13 : i32
      %get3A_2067 = arith.index_cast %get3A_2066 : i32 to index
      %get3A_2068 = arith.index_cast %mul3A_2065 : i32 to index
      %get3A_2069 = tpu.vector_load %arg10[%get3A_2067, %get3A_2068] {strides = array<i32>} : memref<16x1024xf32, #tpu.memory_space<vmem>>, vector<1x16xf32>,
      %get3A_2070 = vector.shape_cast %get3A_2069 : vector<1x16xf32> to vector<16xf32>
      %mul3A_2071 = arith.mulf %gather3A_254, %get3A_2070 : vector<16xf32>
      %get3A_2072 = arith.constant 13 : i32
      %get3A_2073 = arith.index_cast %get3A_2072 : i32 to index
      %get3A_2074 = arith.index_cast %mul3A_2065 : i32 to index
      %get3A_2075 = tpu.vector_load %arg12[%get3A_2073, %get3A_2074] {strides = array<i32>} : memref<16x1024xf32, #tpu.memory_space<vmem>>, vector<1x16xf32>,
      %get3A_2076 = vector.shape_cast %get3A_2075 : vector<1x16xf32> to vector<16xf32>
      %mul3A_2077 = arith.mulf %gather3A_446, %get3A_2076 : vector<16xf32>
      %add3A_2078 = arith.addf %mul3A_2071, %mul3A_2077 : vector<16xf32>
      %swap3A_2079 = arith.constant 13 : i32
      %swap3A_2080 = arith.index_cast %swap3A_2079 : i32 to index
      %swap3A_2081 = arith.index_cast %mul3A_2065 : i32 to index
      %swap3A_2082 = tpu.vector_load %arg10[%swap3A_2080, %swap3A_2081] {strides = array<i32>} : memref<16x1024xf32, #tpu.memory_space<vmem>>, vector<1x16xf32>,
      %swap3A_2083 = vector.shape_cast %swap3A_2082 : vector<1x16xf32> to vector<16xf32>
      %swap3A_2084 = vector.shape_cast %add3A_2078 : vector<16xf32> to vector<1x16xf32>
      tpu.vector_store %arg10[%swap3A_2080, %swap3A_2081], %swap3A_2084 {strides = array<i32>} : memref<16x1024xf32, #tpu.memory_space<vmem>>, vector<1x16xf32>,
      %mul3A_2085 = arith.constant 16 : i32
      %mul3A_2086 = arith.muli %scan3A_1790, %mul3A_2085 : i32
      %get3A_2087 = arith.constant 14 : i32
      %get3A_2088 = arith.index_cast %get3A_2087 : i32 to index
      %get3A_2089 = arith.index_cast %mul3A_2086 : i32 to index
      %get3A_2090 = tpu.vector_load %arg10[%get3A_2088, %get3A_2089] {strides = array<i32>} : memref<16x1024xf32, #tpu.memory_space<vmem>>, vector<1x16xf32>,
      %get3A_2091 = vector.shape_cast %get3A_2090 : vector<1x16xf32> to vector<16xf32>
      %mul3A_2092 = arith.mulf %gather3A_266, %get3A_2091 : vector<16xf32>
      %get3A_2093 = arith.constant 14 : i32
      %get3A_2094 = arith.index_cast %get3A_2093 : i32 to index
      %get3A_2095 = arith.index_cast %mul3A_2086 : i32 to index
      %get3A_2096 = tpu.vector_load %arg12[%get3A_2094, %get3A_2095] {strides = array<i32>} : memref<16x1024xf32, #tpu.memory_space<vmem>>, vector<1x16xf32>,
      %get3A_2097 = vector.shape_cast %get3A_2096 : vector<1x16xf32> to vector<16xf32>
      %mul3A_2098 = arith.mulf %gather3A_458, %get3A_2097 : vector<16xf32>
      %add3A_2099 = arith.addf %mul3A_2092, %mul3A_2098 : vector<16xf32>
      %swap3A_2100 = arith.constant 14 : i32
      %swap3A_2101 = arith.index_cast %swap3A_2100 : i32 to index
      %swap3A_2102 = arith.index_cast %mul3A_2086 : i32 to index
      %swap3A_2103 = tpu.vector_load %arg10[%swap3A_2101, %swap3A_2102] {strides = array<i32>} : memref<16x1024xf32, #tpu.memory_space<vmem>>, vector<1x16xf32>,
      %swap3A_2104 = vector.shape_cast %swap3A_2103 : vector<1x16xf32> to vector<16xf32>
      %swap3A_2105 = vector.shape_cast %add3A_2099 : vector<16xf32> to vector<1x16xf32>
      tpu.vector_store %arg10[%swap3A_2101, %swap3A_2102], %swap3A_2105 {strides = array<i32>} : memref<16x1024xf32, #tpu.memory_space<vmem>>, vector<1x16xf32>,
      %mul3A_2106 = arith.constant 16 : i32
      %mul3A_2107 = arith.muli %scan3A_1790, %mul3A_2106 : i32
      %get3A_2108 = arith.constant 15 : i32
      %get3A_2109 = arith.index_cast %get3A_2108 : i32 to index
      %get3A_2110 = arith.index_cast %mul3A_2107 : i32 to index
      %get3A_2111 = tpu.vector_load %arg10[%get3A_2109, %get3A_2110] {strides = array<i32>} : memref<16x1024xf32, #tpu.memory_space<vmem>>, vector<1x16xf32>,
      %get3A_2112 = vector.shape_cast %get3A_2111 : vector<1x16xf32> to vector<16xf32>
      %mul3A_2113 = arith.mulf %gather3A_278, %get3A_2112 : vector<16xf32>
      %get3A_2114 = arith.constant 15 : i32
      %get3A_2115 = arith.index_cast %get3A_2114 : i32 to index
      %get3A_2116 = arith.index_cast %mul3A_2107 : i32 to index
      %get3A_2117 = tpu.vector_load %arg12[%get3A_2115, %get3A_2116] {strides = array<i32>} : memref<16x1024xf32, #tpu.memory_space<vmem>>, vector<1x16xf32>,
      %get3A_2118 = vector.shape_cast %get3A_2117 : vector<1x16xf32> to vector<16xf32>
      %mul3A_2119 = arith.mulf %gather3A_470, %get3A_2118 : vector<16xf32>
      %add3A_2120 = arith.addf %mul3A_2113, %mul3A_2119 : vector<16xf32>
      %swap3A_2121 = arith.constant 15 : i32
      %swap3A_2122 = arith.index_cast %swap3A_2121 : i32 to index
      %swap3A_2123 = arith.index_cast %mul3A_2107 : i32 to index
      %swap3A_2124 = tpu.vector_load %arg10[%swap3A_2122, %swap3A_2123] {strides = array<i32>} : memref<16x1024xf32, #tpu.memory_space<vmem>>, vector<1x16xf32>,
      %swap3A_2125 = vector.shape_cast %swap3A_2124 : vector<1x16xf32> to vector<16xf32>
      %swap3A_2126 = vector.shape_cast %add3A_2120 : vector<16xf32> to vector<1x16xf32>
      tpu.vector_store %arg10[%swap3A_2122, %swap3A_2123], %swap3A_2126 {strides = array<i32>} : memref<16x1024xf32, #tpu.memory_space<vmem>>, vector<1x16xf32>,
      %scan3A_2127 = arith.constant 0 : i32
      scf.yield %scan3A_2127 : i32
    }
    %scan3A_476 = arith.constant 64 : i32
    %add3A_477 = arith.constant 0 : i32
    %add3A_478 = arith.addi %mul3A_2, %add3A_477 : i32
    %dma_start3A_479 = arith.constant 0 : i32
    %dma_start3A_480 = tpu.memref_slice %arg5[%add3A_478, %dma_start3A_479] : memref<2048x1024xf32, #tpu.memory_space<hbm>> -> memref<16x1024xf32, #tpu.memory_space<hbm>>
    %dma_start3A_481 = arith.constant 0 : i32
    %dma_start3A_482 = tpu.memref_slice %arg5[%add3A_478, %dma_start3A_481] : memref<2048x1024xf32, #tpu.memory_space<hbm>> -> memref<16x1024xf32, #tpu.memory_space<hbm>>
    tpu.enqueue_dma source(%arg10 : memref<16x1024xf32, #tpu.memory_space<vmem>>) target(%dma_start3A_482 : memref<16x1024xf32, #tpu.memory_space<hbm>>) target_semaphore(%arg18 : memref<!tpu.dma_semaphore, #tpu.memory_space<semaphore_mem>>)
    %dma_wait3A_483 = arith.constant 0 : i32
    %dma_wait3A_484 = tpu.memref_slice %arg5[%add3A_478, %dma_wait3A_483] : memref<2048x1024xf32, #tpu.memory_space<hbm>> -> memref<16x1024xf32, #tpu.memory_space<hbm>>
    %dma_wait3A_485 = arith.constant 0 : i32
    %dma_wait3A_486 = tpu.memref_slice %arg5[%add3A_478, %dma_wait3A_485] : memref<2048x1024xf32, #tpu.memory_space<hbm>> -> memref<16x1024xf32, #tpu.memory_space<hbm>>
    tpu.wait_dma2 semaphore(%arg18 : memref<!tpu.dma_semaphore, #tpu.memory_space<semaphore_mem>>) src(%arg10 : memref<16x1024xf32, #tpu.memory_space<vmem>>) dst(%dma_wait3A_486 : memref<16x1024xf32, #tpu.memory_space<hbm>>)
    %dma_start3A_487 = arith.constant 2 : i32
    %dma_start3A_488 = arith.constant 0 : i32
    %dma_start3A_489 = tpu.memref_slice %arg6[%dma_start3A_487, %dma_start3A_488] : memref<4x16xi32, #tpu.memory_space<vmem>> -> memref<1x16xi32, #tpu.memory_space<vmem>>
    %dma_start3A_490 = tpu.memref_squeeze %dma_start3A_489 : memref<1x16xi32, #tpu.memory_space<vmem>> -> memref<16xi32, #tpu.memory_space<vmem>>
    %dma_start3A_491 = arith.constant 0 : i32
    %dma_start3A_492 = arith.constant 0 : i32
    %dma_start3A_493 = tpu.memref_slice %arg2[%dma_start3A_491, %dma_start3A_492] : memref<5120x1024xf32, #tpu.memory_space<hbm>> -> memref<5120x1024xf32, #tpu.memory_space<hbm>>
    tpu.enqueue_indirect_dma source(%dma_start3A_493 : memref<5120x1024xf32, #tpu.memory_space<hbm>>) target(%arg10 : memref<16x1024xf32, #tpu.memory_space<vmem>>) offsets(%dma_start3A_490 : memref<16xi32, #tpu.memory_space<vmem>>) semaphore(%arg14 : memref<!tpu.dma_semaphore, #tpu.memory_space<semaphore_mem>>)
    %dma_start3A_494 = arith.constant 2 : i32
    %dma_start3A_495 = arith.constant 0 : i32
    %dma_start3A_496 = tpu.memref_slice %arg7[%dma_start3A_494, %dma_start3A_495] : memref<4x16xi32, #tpu.memory_space<vmem>> -> memref<1x16xi32, #tpu.memory_space<vmem>>
    %dma_start3A_497 = tpu.memref_squeeze %dma_start3A_496 : memref<1x16xi32, #tpu.memory_space<vmem>> -> memref<16xi32, #tpu.memory_space<vmem>>
    %dma_start3A_498 = arith.constant 0 : i32
    %dma_start3A_499 = arith.constant 0 : i32
    %dma_start3A_500 = tpu.memref_slice %arg2[%dma_start3A_498, %dma_start3A_499] : memref<5120x1024xf32, #tpu.memory_space<hbm>> -> memref<5120x1024xf32, #tpu.memory_space<hbm>>
    tpu.enqueue_indirect_dma source(%dma_start3A_500 : memref<5120x1024xf32, #tpu.memory_space<hbm>>) target(%arg12 : memref<16x1024xf32, #tpu.memory_space<vmem>>) offsets(%dma_start3A_497 : memref<16xi32, #tpu.memory_space<vmem>>) semaphore(%arg16 : memref<!tpu.dma_semaphore, #tpu.memory_space<semaphore_mem>>)
    %dma_wait3A_501 = arith.constant 1 : i32
    %dma_wait3A_502 = arith.constant 0 : i32
    %dma_wait3A_503 = tpu.memref_slice %arg6[%dma_wait3A_501, %dma_wait3A_502] : memref<4x16xi32, #tpu.memory_space<vmem>> -> memref<1x16xi32, #tpu.memory_space<vmem>>
    %dma_wait3A_504 = tpu.memref_squeeze %dma_wait3A_503 : memref<1x16xi32, #tpu.memory_space<vmem>> -> memref<16xi32, #tpu.memory_space<vmem>>
    %dma_wait3A_505 = arith.constant 0 : i32
    %dma_wait3A_506 = arith.constant 0 : i32
    %dma_wait3A_507 = tpu.memref_slice %arg2[%dma_wait3A_505, %dma_wait3A_506] : memref<5120x1024xf32, #tpu.memory_space<hbm>> -> memref<5120x1024xf32, #tpu.memory_space<hbm>>
    tpu.wait_indirect_dma semaphore(%arg15 : memref<!tpu.dma_semaphore, #tpu.memory_space<semaphore_mem>>) src(%dma_wait3A_507 : memref<5120x1024xf32, #tpu.memory_space<hbm>>) dst(%arg11 : memref<16x1024xf32, #tpu.memory_space<vmem>>)
    %dma_wait3A_508 = arith.constant 1 : i32
    %dma_wait3A_509 = arith.constant 0 : i32
    %dma_wait3A_510 = tpu.memref_slice %arg7[%dma_wait3A_508, %dma_wait3A_509] : memref<4x16xi32, #tpu.memory_space<vmem>> -> memref<1x16xi32, #tpu.memory_space<vmem>>
    %dma_wait3A_511 = tpu.memref_squeeze %dma_wait3A_510 : memref<1x16xi32, #tpu.memory_space<vmem>> -> memref<16xi32, #tpu.memory_space<vmem>>
    %dma_wait3A_512 = arith.constant 0 : i32
    %dma_wait3A_513 = arith.constant 0 : i32
    %dma_wait3A_514 = tpu.memref_slice %arg2[%dma_wait3A_512, %dma_wait3A_513] : memref<5120x1024xf32, #tpu.memory_space<hbm>> -> memref<5120x1024xf32, #tpu.memory_space<hbm>>
    tpu.wait_indirect_dma semaphore(%arg17 : memref<!tpu.dma_semaphore, #tpu.memory_space<semaphore_mem>>) src(%dma_wait3A_514 : memref<5120x1024xf32, #tpu.memory_space<hbm>>) dst(%arg13 : memref<16x1024xf32, #tpu.memory_space<vmem>>)
    %get3A_515 = arith.constant 1 : i32
    %get3A_516 = arith.index_cast %get3A_515 : i32 to index
    %get3A_517 = arith.constant 0 : index
    %get3A_518 = tpu.vector_load %arg8[%get3A_516, %get3A_517] {strides = array<i32>} : memref<4x16xf32, #tpu.memory_space<vmem>>, vector<1x16xf32>,
    %get3A_519 = vector.shape_cast %get3A_518 : vector<1x16xf32> to vector<16xf32>
    %get3A_520 = arith.constant 1 : i32
    %get3A_521 = arith.index_cast %get3A_520 : i32 to index
    %get3A_522 = arith.constant 0 : index
    %get3A_523 = tpu.vector_load %arg9[%get3A_521, %get3A_522] {strides = array<i32>} : memref<4x16xf32, #tpu.memory_space<vmem>>, vector<1x16xf32>,
    %get3A_524 = vector.shape_cast %get3A_523 : vector<1x16xf32> to vector<16xf32>
    %broadcast_in_dim3A_525 = arith.constant 0 : i32
    %broadcast_in_dim3A_526 = vector.broadcast %broadcast_in_dim3A_525 : i32 to vector<16xi32>
    %lt3A_527 = arith.constant 0 : i32
    %lt3A_528 = vector.broadcast %lt3A_527 : i32 to vector<16xi32>
    %lt3A_529 = arith.cmpi slt, %broadcast_in_dim3A_526, %lt3A_528 : vector<16xi32>
    %add3A_530 = arith.constant 16 : i32
    %add3A_531 = vector.broadcast %add3A_530 : i32 to vector<16xi32>
    %add3A_532 = arith.addi %broadcast_in_dim3A_526, %add3A_531 : vector<16xi32>
    %select_n3A_533 = arith.select %lt3A_529, %add3A_532, %broadcast_in_dim3A_526 : vector<16xi1>, vector<16xi32>
    %broadcast_in_dim3A_534 = vector.shape_cast %select_n3A_533 : vector<16xi32> to vector<16x1xi32>
    %gather3A_535 = vector.shape_cast %broadcast_in_dim3A_534 : vector<16x1xi32> to vector<16xi32>
    %gather3A_536 = tpu.dynamic_gather %get3A_519[%gather3A_535] in [0] : vector<16xf32>, vector<16xi32> -> vector<16xf32>
    %broadcast_in_dim3A_537 = arith.constant 1 : i32
    %broadcast_in_dim3A_538 = vector.broadcast %broadcast_in_dim3A_537 : i32 to vector<16xi32>
    %lt3A_539 = arith.constant 0 : i32
    %lt3A_540 = vector.broadcast %lt3A_539 : i32 to vector<16xi32>
    %lt3A_541 = arith.cmpi slt, %broadcast_in_dim3A_538, %lt3A_540 : vector<16xi32>
    %add3A_542 = arith.constant 16 : i32
    %add3A_543 = vector.broadcast %add3A_542 : i32 to vector<16xi32>
    %add3A_544 = arith.addi %broadcast_in_dim3A_538, %add3A_543 : vector<16xi32>
    %select_n3A_545 = arith.select %lt3A_541, %add3A_544, %broadcast_in_dim3A_538 : vector<16xi1>, vector<16xi32>
    %broadcast_in_dim3A_546 = vector.shape_cast %select_n3A_545 : vector<16xi32> to vector<16x1xi32>
    %gather3A_547 = vector.shape_cast %broadcast_in_dim3A_546 : vector<16x1xi32> to vector<16xi32>
    %gather3A_548 = tpu.dynamic_gather %get3A_519[%gather3A_547] in [0] : vector<16xf32>, vector<16xi32> -> vector<16xf32>
    %broadcast_in_dim3A_549 = arith.constant 2 : i32
    %broadcast_in_dim3A_550 = vector.broadcast %broadcast_in_dim3A_549 : i32 to vector<16xi32>
    %lt3A_551 = arith.constant 0 : i32
    %lt3A_552 = vector.broadcast %lt3A_551 : i32 to vector<16xi32>
    %lt3A_553 = arith.cmpi slt, %broadcast_in_dim3A_550, %lt3A_552 : vector<16xi32>
    %add3A_554 = arith.constant 16 : i32
    %add3A_555 = vector.broadcast %add3A_554 : i32 to vector<16xi32>
    %add3A_556 = arith.addi %broadcast_in_dim3A_550, %add3A_555 : vector<16xi32>
    %select_n3A_557 = arith.select %lt3A_553, %add3A_556, %broadcast_in_dim3A_550 : vector<16xi1>, vector<16xi32>
    %broadcast_in_dim3A_558 = vector.shape_cast %select_n3A_557 : vector<16xi32> to vector<16x1xi32>
    %gather3A_559 = vector.shape_cast %broadcast_in_dim3A_558 : vector<16x1xi32> to vector<16xi32>
    %gather3A_560 = tpu.dynamic_gather %get3A_519[%gather3A_559] in [0] : vector<16xf32>, vector<16xi32> -> vector<16xf32>
    %broadcast_in_dim3A_561 = arith.constant 3 : i32
    %broadcast_in_dim3A_562 = vector.broadcast %broadcast_in_dim3A_561 : i32 to vector<16xi32>
    %lt3A_563 = arith.constant 0 : i32
    %lt3A_564 = vector.broadcast %lt3A_563 : i32 to vector<16xi32>
    %lt3A_565 = arith.cmpi slt, %broadcast_in_dim3A_562, %lt3A_564 : vector<16xi32>
    %add3A_566 = arith.constant 16 : i32
    %add3A_567 = vector.broadcast %add3A_566 : i32 to vector<16xi32>
    %add3A_568 = arith.addi %broadcast_in_dim3A_562, %add3A_567 : vector<16xi32>
    %select_n3A_569 = arith.select %lt3A_565, %add3A_568, %broadcast_in_dim3A_562 : vector<16xi1>, vector<16xi32>
    %broadcast_in_dim3A_570 = vector.shape_cast %select_n3A_569 : vector<16xi32> to vector<16x1xi32>
    %gather3A_571 = vector.shape_cast %broadcast_in_dim3A_570 : vector<16x1xi32> to vector<16xi32>
    %gather3A_572 = tpu.dynamic_gather %get3A_519[%gather3A_571] in [0] : vector<16xf32>, vector<16xi32> -> vector<16xf32>
    %broadcast_in_dim3A_573 = arith.constant 4 : i32
    %broadcast_in_dim3A_574 = vector.broadcast %broadcast_in_dim3A_573 : i32 to vector<16xi32>
    %lt3A_575 = arith.constant 0 : i32
    %lt3A_576 = vector.broadcast %lt3A_575 : i32 to vector<16xi32>
    %lt3A_577 = arith.cmpi slt, %broadcast_in_dim3A_574, %lt3A_576 : vector<16xi32>
    %add3A_578 = arith.constant 16 : i32
    %add3A_579 = vector.broadcast %add3A_578 : i32 to vector<16xi32>
    %add3A_580 = arith.addi %broadcast_in_dim3A_574, %add3A_579 : vector<16xi32>
    %select_n3A_581 = arith.select %lt3A_577, %add3A_580, %broadcast_in_dim3A_574 : vector<16xi1>, vector<16xi32>
    %broadcast_in_dim3A_582 = vector.shape_cast %select_n3A_581 : vector<16xi32> to vector<16x1xi32>
    %gather3A_583 = vector.shape_cast %broadcast_in_dim3A_582 : vector<16x1xi32> to vector<16xi32>
    %gather3A_584 = tpu.dynamic_gather %get3A_519[%gather3A_583] in [0] : vector<16xf32>, vector<16xi32> -> vector<16xf32>
    %broadcast_in_dim3A_585 = arith.constant 5 : i32
    %broadcast_in_dim3A_586 = vector.broadcast %broadcast_in_dim3A_585 : i32 to vector<16xi32>
    %lt3A_587 = arith.constant 0 : i32
    %lt3A_588 = vector.broadcast %lt3A_587 : i32 to vector<16xi32>
    %lt3A_589 = arith.cmpi slt, %broadcast_in_dim3A_586, %lt3A_588 : vector<16xi32>
    %add3A_590 = arith.constant 16 : i32
    %add3A_591 = vector.broadcast %add3A_590 : i32 to vector<16xi32>
    %add3A_592 = arith.addi %broadcast_in_dim3A_586, %add3A_591 : vector<16xi32>
    %select_n3A_593 = arith.select %lt3A_589, %add3A_592, %broadcast_in_dim3A_586 : vector<16xi1>, vector<16xi32>
    %broadcast_in_dim3A_594 = vector.shape_cast %select_n3A_593 : vector<16xi32> to vector<16x1xi32>
    %gather3A_595 = vector.shape_cast %broadcast_in_dim3A_594 : vector<16x1xi32> to vector<16xi32>
    %gather3A_596 = tpu.dynamic_gather %get3A_519[%gather3A_595] in [0] : vector<16xf32>, vector<16xi32> -> vector<16xf32>
    %broadcast_in_dim3A_597 = arith.constant 6 : i32
    %broadcast_in_dim3A_598 = vector.broadcast %broadcast_in_dim3A_597 : i32 to vector<16xi32>
    %lt3A_599 = arith.constant 0 : i32
    %lt3A_600 = vector.broadcast %lt3A_599 : i32 to vector<16xi32>
    %lt3A_601 = arith.cmpi slt, %broadcast_in_dim3A_598, %lt3A_600 : vector<16xi32>
    %add3A_602 = arith.constant 16 : i32
    %add3A_603 = vector.broadcast %add3A_602 : i32 to vector<16xi32>
    %add3A_604 = arith.addi %broadcast_in_dim3A_598, %add3A_603 : vector<16xi32>
    %select_n3A_605 = arith.select %lt3A_601, %add3A_604, %broadcast_in_dim3A_598 : vector<16xi1>, vector<16xi32>
    %broadcast_in_dim3A_606 = vector.shape_cast %select_n3A_605 : vector<16xi32> to vector<16x1xi32>
    %gather3A_607 = vector.shape_cast %broadcast_in_dim3A_606 : vector<16x1xi32> to vector<16xi32>
    %gather3A_608 = tpu.dynamic_gather %get3A_519[%gather3A_607] in [0] : vector<16xf32>, vector<16xi32> -> vector<16xf32>
    %broadcast_in_dim3A_609 = arith.constant 7 : i32
    %broadcast_in_dim3A_610 = vector.broadcast %broadcast_in_dim3A_609 : i32 to vector<16xi32>
    %lt3A_611 = arith.constant 0 : i32
    %lt3A_612 = vector.broadcast %lt3A_611 : i32 to vector<16xi32>
    %lt3A_613 = arith.cmpi slt, %broadcast_in_dim3A_610, %lt3A_612 : vector<16xi32>
    %add3A_614 = arith.constant 16 : i32
    %add3A_615 = vector.broadcast %add3A_614 : i32 to vector<16xi32>
    %add3A_616 = arith.addi %broadcast_in_dim3A_610, %add3A_615 : vector<16xi32>
    %select_n3A_617 = arith.select %lt3A_613, %add3A_616, %broadcast_in_dim3A_610 : vector<16xi1>, vector<16xi32>
    %broadcast_in_dim3A_618 = vector.shape_cast %select_n3A_617 : vector<16xi32> to vector<16x1xi32>
    %gather3A_619 = vector.shape_cast %broadcast_in_dim3A_618 : vector<16x1xi32> to vector<16xi32>
    %gather3A_620 = tpu.dynamic_gather %get3A_519[%gather3A_619] in [0] : vector<16xf32>, vector<16xi32> -> vector<16xf32>
    %broadcast_in_dim3A_621 = arith.constant 8 : i32
    %broadcast_in_dim3A_622 = vector.broadcast %broadcast_in_dim3A_621 : i32 to vector<16xi32>
    %lt3A_623 = arith.constant 0 : i32
    %lt3A_624 = vector.broadcast %lt3A_623 : i32 to vector<16xi32>
    %lt3A_625 = arith.cmpi slt, %broadcast_in_dim3A_622, %lt3A_624 : vector<16xi32>
    %add3A_626 = arith.constant 16 : i32
    %add3A_627 = vector.broadcast %add3A_626 : i32 to vector<16xi32>
    %add3A_628 = arith.addi %broadcast_in_dim3A_622, %add3A_627 : vector<16xi32>
    %select_n3A_629 = arith.select %lt3A_625, %add3A_628, %broadcast_in_dim3A_622 : vector<16xi1>, vector<16xi32>
    %broadcast_in_dim3A_630 = vector.shape_cast %select_n3A_629 : vector<16xi32> to vector<16x1xi32>
    %gather3A_631 = vector.shape_cast %broadcast_in_dim3A_630 : vector<16x1xi32> to vector<16xi32>
    %gather3A_632 = tpu.dynamic_gather %get3A_519[%gather3A_631] in [0] : vector<16xf32>, vector<16xi32> -> vector<16xf32>
    %broadcast_in_dim3A_633 = arith.constant 9 : i32
    %broadcast_in_dim3A_634 = vector.broadcast %broadcast_in_dim3A_633 : i32 to vector<16xi32>
    %lt3A_635 = arith.constant 0 : i32
    %lt3A_636 = vector.broadcast %lt3A_635 : i32 to vector<16xi32>
    %lt3A_637 = arith.cmpi slt, %broadcast_in_dim3A_634, %lt3A_636 : vector<16xi32>
    %add3A_638 = arith.constant 16 : i32
    %add3A_639 = vector.broadcast %add3A_638 : i32 to vector<16xi32>
    %add3A_640 = arith.addi %broadcast_in_dim3A_634, %add3A_639 : vector<16xi32>
    %select_n3A_641 = arith.select %lt3A_637, %add3A_640, %broadcast_in_dim3A_634 : vector<16xi1>, vector<16xi32>
    %broadcast_in_dim3A_642 = vector.shape_cast %select_n3A_641 : vector<16xi32> to vector<16x1xi32>
    %gather3A_643 = vector.shape_cast %broadcast_in_dim3A_642 : vector<16x1xi32> to vector<16xi32>
    %gather3A_644 = tpu.dynamic_gather %get3A_519[%gather3A_643] in [0] : vector<16xf32>, vector<16xi32> -> vector<16xf32>
    %broadcast_in_dim3A_645 = arith.constant 10 : i32
    %broadcast_in_dim3A_646 = vector.broadcast %broadcast_in_dim3A_645 : i32 to vector<16xi32>
    %lt3A_647 = arith.constant 0 : i32
    %lt3A_648 = vector.broadcast %lt3A_647 : i32 to vector<16xi32>
    %lt3A_649 = arith.cmpi slt, %broadcast_in_dim3A_646, %lt3A_648 : vector<16xi32>
    %add3A_650 = arith.constant 16 : i32
    %add3A_651 = vector.broadcast %add3A_650 : i32 to vector<16xi32>
    %add3A_652 = arith.addi %broadcast_in_dim3A_646, %add3A_651 : vector<16xi32>
    %select_n3A_653 = arith.select %lt3A_649, %add3A_652, %broadcast_in_dim3A_646 : vector<16xi1>, vector<16xi32>
    %broadcast_in_dim3A_654 = vector.shape_cast %select_n3A_653 : vector<16xi32> to vector<16x1xi32>
    %gather3A_655 = vector.shape_cast %broadcast_in_dim3A_654 : vector<16x1xi32> to vector<16xi32>
    %gather3A_656 = tpu.dynamic_gather %get3A_519[%gather3A_655] in [0] : vector<16xf32>, vector<16xi32> -> vector<16xf32>
    %broadcast_in_dim3A_657 = arith.constant 11 : i32
    %broadcast_in_dim3A_658 = vector.broadcast %broadcast_in_dim3A_657 : i32 to vector<16xi32>
    %lt3A_659 = arith.constant 0 : i32
    %lt3A_660 = vector.broadcast %lt3A_659 : i32 to vector<16xi32>
    %lt3A_661 = arith.cmpi slt, %broadcast_in_dim3A_658, %lt3A_660 : vector<16xi32>
    %add3A_662 = arith.constant 16 : i32
    %add3A_663 = vector.broadcast %add3A_662 : i32 to vector<16xi32>
    %add3A_664 = arith.addi %broadcast_in_dim3A_658, %add3A_663 : vector<16xi32>
    %select_n3A_665 = arith.select %lt3A_661, %add3A_664, %broadcast_in_dim3A_658 : vector<16xi1>, vector<16xi32>
    %broadcast_in_dim3A_666 = vector.shape_cast %select_n3A_665 : vector<16xi32> to vector<16x1xi32>
    %gather3A_667 = vector.shape_cast %broadcast_in_dim3A_666 : vector<16x1xi32> to vector<16xi32>
    %gather3A_668 = tpu.dynamic_gather %get3A_519[%gather3A_667] in [0] : vector<16xf32>, vector<16xi32> -> vector<16xf32>
    %broadcast_in_dim3A_669 = arith.constant 12 : i32
    %broadcast_in_dim3A_670 = vector.broadcast %broadcast_in_dim3A_669 : i32 to vector<16xi32>
    %lt3A_671 = arith.constant 0 : i32
    %lt3A_672 = vector.broadcast %lt3A_671 : i32 to vector<16xi32>
    %lt3A_673 = arith.cmpi slt, %broadcast_in_dim3A_670, %lt3A_672 : vector<16xi32>
    %add3A_674 = arith.constant 16 : i32
    %add3A_675 = vector.broadcast %add3A_674 : i32 to vector<16xi32>
    %add3A_676 = arith.addi %broadcast_in_dim3A_670, %add3A_675 : vector<16xi32>
    %select_n3A_677 = arith.select %lt3A_673, %add3A_676, %broadcast_in_dim3A_670 : vector<16xi1>, vector<16xi32>
    %broadcast_in_dim3A_678 = vector.shape_cast %select_n3A_677 : vector<16xi32> to vector<16x1xi32>
    %gather3A_679 = vector.shape_cast %broadcast_in_dim3A_678 : vector<16x1xi32> to vector<16xi32>
    %gather3A_680 = tpu.dynamic_gather %get3A_519[%gather3A_679] in [0] : vector<16xf32>, vector<16xi32> -> vector<16xf32>
    %broadcast_in_dim3A_681 = arith.constant 13 : i32
    %broadcast_in_dim3A_682 = vector.broadcast %broadcast_in_dim3A_681 : i32 to vector<16xi32>
    %lt3A_683 = arith.constant 0 : i32
    %lt3A_684 = vector.broadcast %lt3A_683 : i32 to vector<16xi32>
    %lt3A_685 = arith.cmpi slt, %broadcast_in_dim3A_682, %lt3A_684 : vector<16xi32>
    %add3A_686 = arith.constant 16 : i32
    %add3A_687 = vector.broadcast %add3A_686 : i32 to vector<16xi32>
    %add3A_688 = arith.addi %broadcast_in_dim3A_682, %add3A_687 : vector<16xi32>
    %select_n3A_689 = arith.select %lt3A_685, %add3A_688, %broadcast_in_dim3A_682 : vector<16xi1>, vector<16xi32>
    %broadcast_in_dim3A_690 = vector.shape_cast %select_n3A_689 : vector<16xi32> to vector<16x1xi32>
    %gather3A_691 = vector.shape_cast %broadcast_in_dim3A_690 : vector<16x1xi32> to vector<16xi32>
    %gather3A_692 = tpu.dynamic_gather %get3A_519[%gather3A_691] in [0] : vector<16xf32>, vector<16xi32> -> vector<16xf32>
    %broadcast_in_dim3A_693 = arith.constant 14 : i32
    %broadcast_in_dim3A_694 = vector.broadcast %broadcast_in_dim3A_693 : i32 to vector<16xi32>
    %lt3A_695 = arith.constant 0 : i32
    %lt3A_696 = vector.broadcast %lt3A_695 : i32 to vector<16xi32>
    %lt3A_697 = arith.cmpi slt, %broadcast_in_dim3A_694, %lt3A_696 : vector<16xi32>
    %add3A_698 = arith.constant 16 : i32
    %add3A_699 = vector.broadcast %add3A_698 : i32 to vector<16xi32>
    %add3A_700 = arith.addi %broadcast_in_dim3A_694, %add3A_699 : vector<16xi32>
    %select_n3A_701 = arith.select %lt3A_697, %add3A_700, %broadcast_in_dim3A_694 : vector<16xi1>, vector<16xi32>
    %broadcast_in_dim3A_702 = vector.shape_cast %select_n3A_701 : vector<16xi32> to vector<16x1xi32>
    %gather3A_703 = vector.shape_cast %broadcast_in_dim3A_702 : vector<16x1xi32> to vector<16xi32>
    %gather3A_704 = tpu.dynamic_gather %get3A_519[%gather3A_703] in [0] : vector<16xf32>, vector<16xi32> -> vector<16xf32>
    %broadcast_in_dim3A_705 = arith.constant 15 : i32
    %broadcast_in_dim3A_706 = vector.broadcast %broadcast_in_dim3A_705 : i32 to vector<16xi32>
    %lt3A_707 = arith.constant 0 : i32
    %lt3A_708 = vector.broadcast %lt3A_707 : i32 to vector<16xi32>
    %lt3A_709 = arith.cmpi slt, %broadcast_in_dim3A_706, %lt3A_708 : vector<16xi32>
    %add3A_710 = arith.constant 16 : i32
    %add3A_711 = vector.broadcast %add3A_710 : i32 to vector<16xi32>
    %add3A_712 = arith.addi %broadcast_in_dim3A_706, %add3A_711 : vector<16xi32>
    %select_n3A_713 = arith.select %lt3A_709, %add3A_712, %broadcast_in_dim3A_706 : vector<16xi1>, vector<16xi32>
    %broadcast_in_dim3A_714 = vector.shape_cast %select_n3A_713 : vector<16xi32> to vector<16x1xi32>
    %gather3A_715 = vector.shape_cast %broadcast_in_dim3A_714 : vector<16x1xi32> to vector<16xi32>
    %gather3A_716 = tpu.dynamic_gather %get3A_519[%gather3A_715] in [0] : vector<16xf32>, vector<16xi32> -> vector<16xf32>
    %broadcast_in_dim3A_717 = arith.constant 0 : i32
    %broadcast_in_dim3A_718 = vector.broadcast %broadcast_in_dim3A_717 : i32 to vector<16xi32>
    %lt3A_719 = arith.constant 0 : i32
    %lt3A_720 = vector.broadcast %lt3A_719 : i32 to vector<16xi32>
    %lt3A_721 = arith.cmpi slt, %broadcast_in_dim3A_718, %lt3A_720 : vector<16xi32>
    %add3A_722 = arith.constant 16 : i32
    %add3A_723 = vector.broadcast %add3A_722 : i32 to vector<16xi32>
    %add3A_724 = arith.addi %broadcast_in_dim3A_718, %add3A_723 : vector<16xi32>
    %select_n3A_725 = arith.select %lt3A_721, %add3A_724, %broadcast_in_dim3A_718 : vector<16xi1>, vector<16xi32>
    %broadcast_in_dim3A_726 = vector.shape_cast %select_n3A_725 : vector<16xi32> to vector<16x1xi32>
    %gather3A_727 = vector.shape_cast %broadcast_in_dim3A_726 : vector<16x1xi32> to vector<16xi32>
    %gather3A_728 = tpu.dynamic_gather %get3A_524[%gather3A_727] in [0] : vector<16xf32>, vector<16xi32> -> vector<16xf32>
    %broadcast_in_dim3A_729 = arith.constant 1 : i32
    %broadcast_in_dim3A_730 = vector.broadcast %broadcast_in_dim3A_729 : i32 to vector<16xi32>
    %lt3A_731 = arith.constant 0 : i32
    %lt3A_732 = vector.broadcast %lt3A_731 : i32 to vector<16xi32>
    %lt3A_733 = arith.cmpi slt, %broadcast_in_dim3A_730, %lt3A_732 : vector<16xi32>
    %add3A_734 = arith.constant 16 : i32
    %add3A_735 = vector.broadcast %add3A_734 : i32 to vector<16xi32>
    %add3A_736 = arith.addi %broadcast_in_dim3A_730, %add3A_735 : vector<16xi32>
    %select_n3A_737 = arith.select %lt3A_733, %add3A_736, %broadcast_in_dim3A_730 : vector<16xi1>, vector<16xi32>
    %broadcast_in_dim3A_738 = vector.shape_cast %select_n3A_737 : vector<16xi32> to vector<16x1xi32>
    %gather3A_739 = vector.shape_cast %broadcast_in_dim3A_738 : vector<16x1xi32> to vector<16xi32>
    %gather3A_740 = tpu.dynamic_gather %get3A_524[%gather3A_739] in [0] : vector<16xf32>, vector<16xi32> -> vector<16xf32>
    %broadcast_in_dim3A_741 = arith.constant 2 : i32
    %broadcast_in_dim3A_742 = vector.broadcast %broadcast_in_dim3A_741 : i32 to vector<16xi32>
    %lt3A_743 = arith.constant 0 : i32
    %lt3A_744 = vector.broadcast %lt3A_743 : i32 to vector<16xi32>
    %lt3A_745 = arith.cmpi slt, %broadcast_in_dim3A_742, %lt3A_744 : vector<16xi32>
    %add3A_746 = arith.constant 16 : i32
    %add3A_747 = vector.broadcast %add3A_746 : i32 to vector<16xi32>
    %add3A_748 = arith.addi %broadcast_in_dim3A_742, %add3A_747 : vector<16xi32>
    %select_n3A_749 = arith.select %lt3A_745, %add3A_748, %broadcast_in_dim3A_742 : vector<16xi1>, vector<16xi32>
    %broadcast_in_dim3A_750 = vector.shape_cast %select_n3A_749 : vector<16xi32> to vector<16x1xi32>
    %gather3A_751 = vector.shape_cast %broadcast_in_dim3A_750 : vector<16x1xi32> to vector<16xi32>
    %gather3A_752 = tpu.dynamic_gather %get3A_524[%gather3A_751] in [0] : vector<16xf32>, vector<16xi32> -> vector<16xf32>
    %broadcast_in_dim3A_753 = arith.constant 3 : i32
    %broadcast_in_dim3A_754 = vector.broadcast %broadcast_in_dim3A_753 : i32 to vector<16xi32>
    %lt3A_755 = arith.constant 0 : i32
    %lt3A_756 = vector.broadcast %lt3A_755 : i32 to vector<16xi32>
    %lt3A_757 = arith.cmpi slt, %broadcast_in_dim3A_754, %lt3A_756 : vector<16xi32>
    %add3A_758 = arith.constant 16 : i32
    %add3A_759 = vector.broadcast %add3A_758 : i32 to vector<16xi32>
    %add3A_760 = arith.addi %broadcast_in_dim3A_754, %add3A_759 : vector<16xi32>
    %select_n3A_761 = arith.select %lt3A_757, %add3A_760, %broadcast_in_dim3A_754 : vector<16xi1>, vector<16xi32>
    %broadcast_in_dim3A_762 = vector.shape_cast %select_n3A_761 : vector<16xi32> to vector<16x1xi32>
    %gather3A_763 = vector.shape_cast %broadcast_in_dim3A_762 : vector<16x1xi32> to vector<16xi32>
    %gather3A_764 = tpu.dynamic_gather %get3A_524[%gather3A_763] in [0] : vector<16xf32>, vector<16xi32> -> vector<16xf32>
    %broadcast_in_dim3A_765 = arith.constant 4 : i32
    %broadcast_in_dim3A_766 = vector.broadcast %broadcast_in_dim3A_765 : i32 to vector<16xi32>
    %lt3A_767 = arith.constant 0 : i32
    %lt3A_768 = vector.broadcast %lt3A_767 : i32 to vector<16xi32>
    %lt3A_769 = arith.cmpi slt, %broadcast_in_dim3A_766, %lt3A_768 : vector<16xi32>
    %add3A_770 = arith.constant 16 : i32
    %add3A_771 = vector.broadcast %add3A_770 : i32 to vector<16xi32>
    %add3A_772 = arith.addi %broadcast_in_dim3A_766, %add3A_771 : vector<16xi32>
    %select_n3A_773 = arith.select %lt3A_769, %add3A_772, %broadcast_in_dim3A_766 : vector<16xi1>, vector<16xi32>
    %broadcast_in_dim3A_774 = vector.shape_cast %select_n3A_773 : vector<16xi32> to vector<16x1xi32>
    %gather3A_775 = vector.shape_cast %broadcast_in_dim3A_774 : vector<16x1xi32> to vector<16xi32>
    %gather3A_776 = tpu.dynamic_gather %get3A_524[%gather3A_775] in [0] : vector<16xf32>, vector<16xi32> -> vector<16xf32>
    %broadcast_in_dim3A_777 = arith.constant 5 : i32
    %broadcast_in_dim3A_778 = vector.broadcast %broadcast_in_dim3A_777 : i32 to vector<16xi32>
    %lt3A_779 = arith.constant 0 : i32
    %lt3A_780 = vector.broadcast %lt3A_779 : i32 to vector<16xi32>
    %lt3A_781 = arith.cmpi slt, %broadcast_in_dim3A_778, %lt3A_780 : vector<16xi32>
    %add3A_782 = arith.constant 16 : i32
    %add3A_783 = vector.broadcast %add3A_782 : i32 to vector<16xi32>
    %add3A_784 = arith.addi %broadcast_in_dim3A_778, %add3A_783 : vector<16xi32>
    %select_n3A_785 = arith.select %lt3A_781, %add3A_784, %broadcast_in_dim3A_778 : vector<16xi1>, vector<16xi32>
    %broadcast_in_dim3A_786 = vector.shape_cast %select_n3A_785 : vector<16xi32> to vector<16x1xi32>
    %gather3A_787 = vector.shape_cast %broadcast_in_dim3A_786 : vector<16x1xi32> to vector<16xi32>
    %gather3A_788 = tpu.dynamic_gather %get3A_524[%gather3A_787] in [0] : vector<16xf32>, vector<16xi32> -> vector<16xf32>
    %broadcast_in_dim3A_789 = arith.constant 6 : i32
    %broadcast_in_dim3A_790 = vector.broadcast %broadcast_in_dim3A_789 : i32 to vector<16xi32>
    %lt3A_791 = arith.constant 0 : i32
    %lt3A_792 = vector.broadcast %lt3A_791 : i32 to vector<16xi32>
    %lt3A_793 = arith.cmpi slt, %broadcast_in_dim3A_790, %lt3A_792 : vector<16xi32>
    %add3A_794 = arith.constant 16 : i32
    %add3A_795 = vector.broadcast %add3A_794 : i32 to vector<16xi32>
    %add3A_796 = arith.addi %broadcast_in_dim3A_790, %add3A_795 : vector<16xi32>
    %select_n3A_797 = arith.select %lt3A_793, %add3A_796, %broadcast_in_dim3A_790 : vector<16xi1>, vector<16xi32>
    %broadcast_in_dim3A_798 = vector.shape_cast %select_n3A_797 : vector<16xi32> to vector<16x1xi32>
    %gather3A_799 = vector.shape_cast %broadcast_in_dim3A_798 : vector<16x1xi32> to vector<16xi32>
    %gather3A_800 = tpu.dynamic_gather %get3A_524[%gather3A_799] in [0] : vector<16xf32>, vector<16xi32> -> vector<16xf32>
    %broadcast_in_dim3A_801 = arith.constant 7 : i32
    %broadcast_in_dim3A_802 = vector.broadcast %broadcast_in_dim3A_801 : i32 to vector<16xi32>
    %lt3A_803 = arith.constant 0 : i32
    %lt3A_804 = vector.broadcast %lt3A_803 : i32 to vector<16xi32>
    %lt3A_805 = arith.cmpi slt, %broadcast_in_dim3A_802, %lt3A_804 : vector<16xi32>
    %add3A_806 = arith.constant 16 : i32
    %add3A_807 = vector.broadcast %add3A_806 : i32 to vector<16xi32>
    %add3A_808 = arith.addi %broadcast_in_dim3A_802, %add3A_807 : vector<16xi32>
    %select_n3A_809 = arith.select %lt3A_805, %add3A_808, %broadcast_in_dim3A_802 : vector<16xi1>, vector<16xi32>
    %broadcast_in_dim3A_810 = vector.shape_cast %select_n3A_809 : vector<16xi32> to vector<16x1xi32>
    %gather3A_811 = vector.shape_cast %broadcast_in_dim3A_810 : vector<16x1xi32> to vector<16xi32>
    %gather3A_812 = tpu.dynamic_gather %get3A_524[%gather3A_811] in [0] : vector<16xf32>, vector<16xi32> -> vector<16xf32>
    %broadcast_in_dim3A_813 = arith.constant 8 : i32
    %broadcast_in_dim3A_814 = vector.broadcast %broadcast_in_dim3A_813 : i32 to vector<16xi32>
    %lt3A_815 = arith.constant 0 : i32
    %lt3A_816 = vector.broadcast %lt3A_815 : i32 to vector<16xi32>
    %lt3A_817 = arith.cmpi slt, %broadcast_in_dim3A_814, %lt3A_816 : vector<16xi32>
    %add3A_818 = arith.constant 16 : i32
    %add3A_819 = vector.broadcast %add3A_818 : i32 to vector<16xi32>
    %add3A_820 = arith.addi %broadcast_in_dim3A_814, %add3A_819 : vector<16xi32>
    %select_n3A_821 = arith.select %lt3A_817, %add3A_820, %broadcast_in_dim3A_814 : vector<16xi1>, vector<16xi32>
    %broadcast_in_dim3A_822 = vector.shape_cast %select_n3A_821 : vector<16xi32> to vector<16x1xi32>
    %gather3A_823 = vector.shape_cast %broadcast_in_dim3A_822 : vector<16x1xi32> to vector<16xi32>
    %gather3A_824 = tpu.dynamic_gather %get3A_524[%gather3A_823] in [0] : vector<16xf32>, vector<16xi32> -> vector<16xf32>
    %broadcast_in_dim3A_825 = arith.constant 9 : i32
    %broadcast_in_dim3A_826 = vector.broadcast %broadcast_in_dim3A_825 : i32 to vector<16xi32>
    %lt3A_827 = arith.constant 0 : i32
    %lt3A_828 = vector.broadcast %lt3A_827 : i32 to vector<16xi32>
    %lt3A_829 = arith.cmpi slt, %broadcast_in_dim3A_826, %lt3A_828 : vector<16xi32>
    %add3A_830 = arith.constant 16 : i32
    %add3A_831 = vector.broadcast %add3A_830 : i32 to vector<16xi32>
    %add3A_832 = arith.addi %broadcast_in_dim3A_826, %add3A_831 : vector<16xi32>
    %select_n3A_833 = arith.select %lt3A_829, %add3A_832, %broadcast_in_dim3A_826 : vector<16xi1>, vector<16xi32>
    %broadcast_in_dim3A_834 = vector.shape_cast %select_n3A_833 : vector<16xi32> to vector<16x1xi32>
    %gather3A_835 = vector.shape_cast %broadcast_in_dim3A_834 : vector<16x1xi32> to vector<16xi32>
    %gather3A_836 = tpu.dynamic_gather %get3A_524[%gather3A_835] in [0] : vector<16xf32>, vector<16xi32> -> vector<16xf32>
    %broadcast_in_dim3A_837 = arith.constant 10 : i32
    %broadcast_in_dim3A_838 = vector.broadcast %broadcast_in_dim3A_837 : i32 to vector<16xi32>
    %lt3A_839 = arith.constant 0 : i32
    %lt3A_840 = vector.broadcast %lt3A_839 : i32 to vector<16xi32>
    %lt3A_841 = arith.cmpi slt, %broadcast_in_dim3A_838, %lt3A_840 : vector<16xi32>
    %add3A_842 = arith.constant 16 : i32
    %add3A_843 = vector.broadcast %add3A_842 : i32 to vector<16xi32>
    %add3A_844 = arith.addi %broadcast_in_dim3A_838, %add3A_843 : vector<16xi32>
    %select_n3A_845 = arith.select %lt3A_841, %add3A_844, %broadcast_in_dim3A_838 : vector<16xi1>, vector<16xi32>
    %broadcast_in_dim3A_846 = vector.shape_cast %select_n3A_845 : vector<16xi32> to vector<16x1xi32>
    %gather3A_847 = vector.shape_cast %broadcast_in_dim3A_846 : vector<16x1xi32> to vector<16xi32>
    %gather3A_848 = tpu.dynamic_gather %get3A_524[%gather3A_847] in [0] : vector<16xf32>, vector<16xi32> -> vector<16xf32>
    %broadcast_in_dim3A_849 = arith.constant 11 : i32
    %broadcast_in_dim3A_850 = vector.broadcast %broadcast_in_dim3A_849 : i32 to vector<16xi32>
    %lt3A_851 = arith.constant 0 : i32
    %lt3A_852 = vector.broadcast %lt3A_851 : i32 to vector<16xi32>
    %lt3A_853 = arith.cmpi slt, %broadcast_in_dim3A_850, %lt3A_852 : vector<16xi32>
    %add3A_854 = arith.constant 16 : i32
    %add3A_855 = vector.broadcast %add3A_854 : i32 to vector<16xi32>
    %add3A_856 = arith.addi %broadcast_in_dim3A_850, %add3A_855 : vector<16xi32>
    %select_n3A_857 = arith.select %lt3A_853, %add3A_856, %broadcast_in_dim3A_850 : vector<16xi1>, vector<16xi32>
    %broadcast_in_dim3A_858 = vector.shape_cast %select_n3A_857 : vector<16xi32> to vector<16x1xi32>
    %gather3A_859 = vector.shape_cast %broadcast_in_dim3A_858 : vector<16x1xi32> to vector<16xi32>
    %gather3A_860 = tpu.dynamic_gather %get3A_524[%gather3A_859] in [0] : vector<16xf32>, vector<16xi32> -> vector<16xf32>
    %broadcast_in_dim3A_861 = arith.constant 12 : i32
    %broadcast_in_dim3A_862 = vector.broadcast %broadcast_in_dim3A_861 : i32 to vector<16xi32>
    %lt3A_863 = arith.constant 0 : i32
    %lt3A_864 = vector.broadcast %lt3A_863 : i32 to vector<16xi32>
    %lt3A_865 = arith.cmpi slt, %broadcast_in_dim3A_862, %lt3A_864 : vector<16xi32>
    %add3A_866 = arith.constant 16 : i32
    %add3A_867 = vector.broadcast %add3A_866 : i32 to vector<16xi32>
    %add3A_868 = arith.addi %broadcast_in_dim3A_862, %add3A_867 : vector<16xi32>
    %select_n3A_869 = arith.select %lt3A_865, %add3A_868, %broadcast_in_dim3A_862 : vector<16xi1>, vector<16xi32>
    %broadcast_in_dim3A_870 = vector.shape_cast %select_n3A_869 : vector<16xi32> to vector<16x1xi32>
    %gather3A_871 = vector.shape_cast %broadcast_in_dim3A_870 : vector<16x1xi32> to vector<16xi32>
    %gather3A_872 = tpu.dynamic_gather %get3A_524[%gather3A_871] in [0] : vector<16xf32>, vector<16xi32> -> vector<16xf32>
    %broadcast_in_dim3A_873 = arith.constant 13 : i32
    %broadcast_in_dim3A_874 = vector.broadcast %broadcast_in_dim3A_873 : i32 to vector<16xi32>
    %lt3A_875 = arith.constant 0 : i32
    %lt3A_876 = vector.broadcast %lt3A_875 : i32 to vector<16xi32>
    %lt3A_877 = arith.cmpi slt, %broadcast_in_dim3A_874, %lt3A_876 : vector<16xi32>
    %add3A_878 = arith.constant 16 : i32
    %add3A_879 = vector.broadcast %add3A_878 : i32 to vector<16xi32>
    %add3A_880 = arith.addi %broadcast_in_dim3A_874, %add3A_879 : vector<16xi32>
    %select_n3A_881 = arith.select %lt3A_877, %add3A_880, %broadcast_in_dim3A_874 : vector<16xi1>, vector<16xi32>
    %broadcast_in_dim3A_882 = vector.shape_cast %select_n3A_881 : vector<16xi32> to vector<16x1xi32>
    %gather3A_883 = vector.shape_cast %broadcast_in_dim3A_882 : vector<16x1xi32> to vector<16xi32>
    %gather3A_884 = tpu.dynamic_gather %get3A_524[%gather3A_883] in [0] : vector<16xf32>, vector<16xi32> -> vector<16xf32>
    %broadcast_in_dim3A_885 = arith.constant 14 : i32
    %broadcast_in_dim3A_886 = vector.broadcast %broadcast_in_dim3A_885 : i32 to vector<16xi32>
    %lt3A_887 = arith.constant 0 : i32
    %lt3A_888 = vector.broadcast %lt3A_887 : i32 to vector<16xi32>
    %lt3A_889 = arith.cmpi slt, %broadcast_in_dim3A_886, %lt3A_888 : vector<16xi32>
    %add3A_890 = arith.constant 16 : i32
    %add3A_891 = vector.broadcast %add3A_890 : i32 to vector<16xi32>
    %add3A_892 = arith.addi %broadcast_in_dim3A_886, %add3A_891 : vector<16xi32>
    %select_n3A_893 = arith.select %lt3A_889, %add3A_892, %broadcast_in_dim3A_886 : vector<16xi1>, vector<16xi32>
    %broadcast_in_dim3A_894 = vector.shape_cast %select_n3A_893 : vector<16xi32> to vector<16x1xi32>
    %gather3A_895 = vector.shape_cast %broadcast_in_dim3A_894 : vector<16x1xi32> to vector<16xi32>
    %gather3A_896 = tpu.dynamic_gather %get3A_524[%gather3A_895] in [0] : vector<16xf32>, vector<16xi32> -> vector<16xf32>
    %broadcast_in_dim3A_897 = arith.constant 15 : i32
    %broadcast_in_dim3A_898 = vector.broadcast %broadcast_in_dim3A_897 : i32 to vector<16xi32>
    %lt3A_899 = arith.constant 0 : i32
    %lt3A_900 = vector.broadcast %lt3A_899 : i32 to vector<16xi32>
    %lt3A_901 = arith.cmpi slt, %broadcast_in_dim3A_898, %lt3A_900 : vector<16xi32>
    %add3A_902 = arith.constant 16 : i32
    %add3A_903 = vector.broadcast %add3A_902 : i32 to vector<16xi32>
    %add3A_904 = arith.addi %broadcast_in_dim3A_898, %add3A_903 : vector<16xi32>
    %select_n3A_905 = arith.select %lt3A_901, %add3A_904, %broadcast_in_dim3A_898 : vector<16xi1>, vector<16xi32>
    %broadcast_in_dim3A_906 = vector.shape_cast %select_n3A_905 : vector<16xi32> to vector<16x1xi32>
    %gather3A_907 = vector.shape_cast %broadcast_in_dim3A_906 : vector<16x1xi32> to vector<16xi32>
    %gather3A_908 = tpu.dynamic_gather %get3A_524[%gather3A_907] in [0] : vector<16xf32>, vector<16xi32> -> vector<16xf32>
    %scan3A_909 = arith.constant 0 : i32
    %scan3A_910 = arith.constant 0 : i32
    %scan3A_911 = arith.constant 64 : i32
    %scan3A_912 = arith.addi %scan3A_910, %scan3A_911 : i32
    %scan3A_913 = arith.constant 1 : i32
    %scan3A_914 = scf.for %scan3A_1790 = %scan3A_910 to %scan3A_912 step %scan3A_913 iter_args(%scan3A_1791 = %scan3A_909) -> (i32)  : i32 {
      %mul3A_1792 = arith.constant 16 : i32
      %mul3A_1793 = arith.muli %scan3A_1790, %mul3A_1792 : i32
      %get3A_1794 = arith.constant 0 : i32
      %get3A_1795 = arith.index_cast %get3A_1794 : i32 to index
      %get3A_1796 = arith.index_cast %mul3A_1793 : i32 to index
      %get3A_1797 = tpu.vector_load %arg11[%get3A_1795, %get3A_1796] {strides = array<i32>} : memref<16x1024xf32, #tpu.memory_space<vmem>>, vector<1x16xf32>,
      %get3A_1798 = vector.shape_cast %get3A_1797 : vector<1x16xf32> to vector<16xf32>
      %mul3A_1799 = arith.mulf %gather3A_536, %get3A_1798 : vector<16xf32>
      %get3A_1800 = arith.constant 0 : i32
      %get3A_1801 = arith.index_cast %get3A_1800 : i32 to index
      %get3A_1802 = arith.index_cast %mul3A_1793 : i32 to index
      %get3A_1803 = tpu.vector_load %arg13[%get3A_1801, %get3A_1802] {strides = array<i32>} : memref<16x1024xf32, #tpu.memory_space<vmem>>, vector<1x16xf32>,
      %get3A_1804 = vector.shape_cast %get3A_1803 : vector<1x16xf32> to vector<16xf32>
      %mul3A_1805 = arith.mulf %gather3A_728, %get3A_1804 : vector<16xf32>
      %add3A_1806 = arith.addf %mul3A_1799, %mul3A_1805 : vector<16xf32>
      %swap3A = arith.constant 0 : i32
      %swap3A_1807 = arith.index_cast %swap3A : i32 to index
      %swap3A_1808 = arith.index_cast %mul3A_1793 : i32 to index
      %swap3A_1809 = tpu.vector_load %arg11[%swap3A_1807, %swap3A_1808] {strides = array<i32>} : memref<16x1024xf32, #tpu.memory_space<vmem>>, vector<1x16xf32>,
      %swap3A_1810 = vector.shape_cast %swap3A_1809 : vector<1x16xf32> to vector<16xf32>
      %swap3A_1811 = vector.shape_cast %add3A_1806 : vector<16xf32> to vector<1x16xf32>
      tpu.vector_store %arg11[%swap3A_1807, %swap3A_1808], %swap3A_1811 {strides = array<i32>} : memref<16x1024xf32, #tpu.memory_space<vmem>>, vector<1x16xf32>,
      %mul3A_1812 = arith.constant 16 : i32
      %mul3A_1813 = arith.muli %scan3A_1790, %mul3A_1812 : i32
      %get3A_1814 = arith.constant 1 : i32
      %get3A_1815 = arith.index_cast %get3A_1814 : i32 to index
      %get3A_1816 = arith.index_cast %mul3A_1813 : i32 to index
      %get3A_1817 = tpu.vector_load %arg11[%get3A_1815, %get3A_1816] {strides = array<i32>} : memref<16x1024xf32, #tpu.memory_space<vmem>>, vector<1x16xf32>,
      %get3A_1818 = vector.shape_cast %get3A_1817 : vector<1x16xf32> to vector<16xf32>
      %mul3A_1819 = arith.mulf %gather3A_548, %get3A_1818 : vector<16xf32>
      %get3A_1820 = arith.constant 1 : i32
      %get3A_1821 = arith.index_cast %get3A_1820 : i32 to index
      %get3A_1822 = arith.index_cast %mul3A_1813 : i32 to index
      %get3A_1823 = tpu.vector_load %arg13[%get3A_1821, %get3A_1822] {strides = array<i32>} : memref<16x1024xf32, #tpu.memory_space<vmem>>, vector<1x16xf32>,
      %get3A_1824 = vector.shape_cast %get3A_1823 : vector<1x16xf32> to vector<16xf32>
      %mul3A_1825 = arith.mulf %gather3A_740, %get3A_1824 : vector<16xf32>
      %add3A_1826 = arith.addf %mul3A_1819, %mul3A_1825 : vector<16xf32>
      %swap3A_1827 = arith.constant 1 : i32
      %swap3A_1828 = arith.index_cast %swap3A_1827 : i32 to index
      %swap3A_1829 = arith.index_cast %mul3A_1813 : i32 to index
      %swap3A_1830 = tpu.vector_load %arg11[%swap3A_1828, %swap3A_1829] {strides = array<i32>} : memref<16x1024xf32, #tpu.memory_space<vmem>>, vector<1x16xf32>,
      %swap3A_1831 = vector.shape_cast %swap3A_1830 : vector<1x16xf32> to vector<16xf32>
      %swap3A_1832 = vector.shape_cast %add3A_1826 : vector<16xf32> to vector<1x16xf32>
      tpu.vector_store %arg11[%swap3A_1828, %swap3A_1829], %swap3A_1832 {strides = array<i32>} : memref<16x1024xf32, #tpu.memory_space<vmem>>, vector<1x16xf32>,
      %mul3A_1833 = arith.constant 16 : i32
      %mul3A_1834 = arith.muli %scan3A_1790, %mul3A_1833 : i32
      %get3A_1835 = arith.constant 2 : i32
      %get3A_1836 = arith.index_cast %get3A_1835 : i32 to index
      %get3A_1837 = arith.index_cast %mul3A_1834 : i32 to index
      %get3A_1838 = tpu.vector_load %arg11[%get3A_1836, %get3A_1837] {strides = array<i32>} : memref<16x1024xf32, #tpu.memory_space<vmem>>, vector<1x16xf32>,
      %get3A_1839 = vector.shape_cast %get3A_1838 : vector<1x16xf32> to vector<16xf32>
      %mul3A_1840 = arith.mulf %gather3A_560, %get3A_1839 : vector<16xf32>
      %get3A_1841 = arith.constant 2 : i32
      %get3A_1842 = arith.index_cast %get3A_1841 : i32 to index
      %get3A_1843 = arith.index_cast %mul3A_1834 : i32 to index
      %get3A_1844 = tpu.vector_load %arg13[%get3A_1842, %get3A_1843] {strides = array<i32>} : memref<16x1024xf32, #tpu.memory_space<vmem>>, vector<1x16xf32>,
      %get3A_1845 = vector.shape_cast %get3A_1844 : vector<1x16xf32> to vector<16xf32>
      %mul3A_1846 = arith.mulf %gather3A_752, %get3A_1845 : vector<16xf32>
      %add3A_1847 = arith.addf %mul3A_1840, %mul3A_1846 : vector<16xf32>
      %swap3A_1848 = arith.constant 2 : i32
      %swap3A_1849 = arith.index_cast %swap3A_1848 : i32 to index
      %swap3A_1850 = arith.index_cast %mul3A_1834 : i32 to index
      %swap3A_1851 = tpu.vector_load %arg11[%swap3A_1849, %swap3A_1850] {strides = array<i32>} : memref<16x1024xf32, #tpu.memory_space<vmem>>, vector<1x16xf32>,
      %swap3A_1852 = vector.shape_cast %swap3A_1851 : vector<1x16xf32> to vector<16xf32>
      %swap3A_1853 = vector.shape_cast %add3A_1847 : vector<16xf32> to vector<1x16xf32>
      tpu.vector_store %arg11[%swap3A_1849, %swap3A_1850], %swap3A_1853 {strides = array<i32>} : memref<16x1024xf32, #tpu.memory_space<vmem>>, vector<1x16xf32>,
      %mul3A_1854 = arith.constant 16 : i32
      %mul3A_1855 = arith.muli %scan3A_1790, %mul3A_1854 : i32
      %get3A_1856 = arith.constant 3 : i32
      %get3A_1857 = arith.index_cast %get3A_1856 : i32 to index
      %get3A_1858 = arith.index_cast %mul3A_1855 : i32 to index
      %get3A_1859 = tpu.vector_load %arg11[%get3A_1857, %get3A_1858] {strides = array<i32>} : memref<16x1024xf32, #tpu.memory_space<vmem>>, vector<1x16xf32>,
      %get3A_1860 = vector.shape_cast %get3A_1859 : vector<1x16xf32> to vector<16xf32>
      %mul3A_1861 = arith.mulf %gather3A_572, %get3A_1860 : vector<16xf32>
      %get3A_1862 = arith.constant 3 : i32
      %get3A_1863 = arith.index_cast %get3A_1862 : i32 to index
      %get3A_1864 = arith.index_cast %mul3A_1855 : i32 to index
      %get3A_1865 = tpu.vector_load %arg13[%get3A_1863, %get3A_1864] {strides = array<i32>} : memref<16x1024xf32, #tpu.memory_space<vmem>>, vector<1x16xf32>,
      %get3A_1866 = vector.shape_cast %get3A_1865 : vector<1x16xf32> to vector<16xf32>
      %mul3A_1867 = arith.mulf %gather3A_764, %get3A_1866 : vector<16xf32>
      %add3A_1868 = arith.addf %mul3A_1861, %mul3A_1867 : vector<16xf32>
      %swap3A_1869 = arith.constant 3 : i32
      %swap3A_1870 = arith.index_cast %swap3A_1869 : i32 to index
      %swap3A_1871 = arith.index_cast %mul3A_1855 : i32 to index
      %swap3A_1872 = tpu.vector_load %arg11[%swap3A_1870, %swap3A_1871] {strides = array<i32>} : memref<16x1024xf32, #tpu.memory_space<vmem>>, vector<1x16xf32>,
      %swap3A_1873 = vector.shape_cast %swap3A_1872 : vector<1x16xf32> to vector<16xf32>
      %swap3A_1874 = vector.shape_cast %add3A_1868 : vector<16xf32> to vector<1x16xf32>
      tpu.vector_store %arg11[%swap3A_1870, %swap3A_1871], %swap3A_1874 {strides = array<i32>} : memref<16x1024xf32, #tpu.memory_space<vmem>>, vector<1x16xf32>,
      %mul3A_1875 = arith.constant 16 : i32
      %mul3A_1876 = arith.muli %scan3A_1790, %mul3A_1875 : i32
      %get3A_1877 = arith.constant 4 : i32
      %get3A_1878 = arith.index_cast %get3A_1877 : i32 to index
      %get3A_1879 = arith.index_cast %mul3A_1876 : i32 to index
      %get3A_1880 = tpu.vector_load %arg11[%get3A_1878, %get3A_1879] {strides = array<i32>} : memref<16x1024xf32, #tpu.memory_space<vmem>>, vector<1x16xf32>,
      %get3A_1881 = vector.shape_cast %get3A_1880 : vector<1x16xf32> to vector<16xf32>
      %mul3A_1882 = arith.mulf %gather3A_584, %get3A_1881 : vector<16xf32>
      %get3A_1883 = arith.constant 4 : i32
      %get3A_1884 = arith.index_cast %get3A_1883 : i32 to index
      %get3A_1885 = arith.index_cast %mul3A_1876 : i32 to index
      %get3A_1886 = tpu.vector_load %arg13[%get3A_1884, %get3A_1885] {strides = array<i32>} : memref<16x1024xf32, #tpu.memory_space<vmem>>, vector<1x16xf32>,
      %get3A_1887 = vector.shape_cast %get3A_1886 : vector<1x16xf32> to vector<16xf32>
      %mul3A_1888 = arith.mulf %gather3A_776, %get3A_1887 : vector<16xf32>
      %add3A_1889 = arith.addf %mul3A_1882, %mul3A_1888 : vector<16xf32>
      %swap3A_1890 = arith.constant 4 : i32
      %swap3A_1891 = arith.index_cast %swap3A_1890 : i32 to index
      %swap3A_1892 = arith.index_cast %mul3A_1876 : i32 to index
      %swap3A_1893 = tpu.vector_load %arg11[%swap3A_1891, %swap3A_1892] {strides = array<i32>} : memref<16x1024xf32, #tpu.memory_space<vmem>>, vector<1x16xf32>,
      %swap3A_1894 = vector.shape_cast %swap3A_1893 : vector<1x16xf32> to vector<16xf32>
      %swap3A_1895 = vector.shape_cast %add3A_1889 : vector<16xf32> to vector<1x16xf32>
      tpu.vector_store %arg11[%swap3A_1891, %swap3A_1892], %swap3A_1895 {strides = array<i32>} : memref<16x1024xf32, #tpu.memory_space<vmem>>, vector<1x16xf32>,
      %mul3A_1896 = arith.constant 16 : i32
      %mul3A_1897 = arith.muli %scan3A_1790, %mul3A_1896 : i32
      %get3A_1898 = arith.constant 5 : i32
      %get3A_1899 = arith.index_cast %get3A_1898 : i32 to index
      %get3A_1900 = arith.index_cast %mul3A_1897 : i32 to index
      %get3A_1901 = tpu.vector_load %arg11[%get3A_1899, %get3A_1900] {strides = array<i32>} : memref<16x1024xf32, #tpu.memory_space<vmem>>, vector<1x16xf32>,
      %get3A_1902 = vector.shape_cast %get3A_1901 : vector<1x16xf32> to vector<16xf32>
      %mul3A_1903 = arith.mulf %gather3A_596, %get3A_1902 : vector<16xf32>
      %get3A_1904 = arith.constant 5 : i32
      %get3A_1905 = arith.index_cast %get3A_1904 : i32 to index
      %get3A_1906 = arith.index_cast %mul3A_1897 : i32 to index
      %get3A_1907 = tpu.vector_load %arg13[%get3A_1905, %get3A_1906] {strides = array<i32>} : memref<16x1024xf32, #tpu.memory_space<vmem>>, vector<1x16xf32>,
      %get3A_1908 = vector.shape_cast %get3A_1907 : vector<1x16xf32> to vector<16xf32>
      %mul3A_1909 = arith.mulf %gather3A_788, %get3A_1908 : vector<16xf32>
      %add3A_1910 = arith.addf %mul3A_1903, %mul3A_1909 : vector<16xf32>
      %swap3A_1911 = arith.constant 5 : i32
      %swap3A_1912 = arith.index_cast %swap3A_1911 : i32 to index
      %swap3A_1913 = arith.index_cast %mul3A_1897 : i32 to index
      %swap3A_1914 = tpu.vector_load %arg11[%swap3A_1912, %swap3A_1913] {strides = array<i32>} : memref<16x1024xf32, #tpu.memory_space<vmem>>, vector<1x16xf32>,
      %swap3A_1915 = vector.shape_cast %swap3A_1914 : vector<1x16xf32> to vector<16xf32>
      %swap3A_1916 = vector.shape_cast %add3A_1910 : vector<16xf32> to vector<1x16xf32>
      tpu.vector_store %arg11[%swap3A_1912, %swap3A_1913], %swap3A_1916 {strides = array<i32>} : memref<16x1024xf32, #tpu.memory_space<vmem>>, vector<1x16xf32>,
      %mul3A_1917 = arith.constant 16 : i32
      %mul3A_1918 = arith.muli %scan3A_1790, %mul3A_1917 : i32
      %get3A_1919 = arith.constant 6 : i32
      %get3A_1920 = arith.index_cast %get3A_1919 : i32 to index
      %get3A_1921 = arith.index_cast %mul3A_1918 : i32 to index
      %get3A_1922 = tpu.vector_load %arg11[%get3A_1920, %get3A_1921] {strides = array<i32>} : memref<16x1024xf32, #tpu.memory_space<vmem>>, vector<1x16xf32>,
      %get3A_1923 = vector.shape_cast %get3A_1922 : vector<1x16xf32> to vector<16xf32>
      %mul3A_1924 = arith.mulf %gather3A_608, %get3A_1923 : vector<16xf32>
      %get3A_1925 = arith.constant 6 : i32
      %get3A_1926 = arith.index_cast %get3A_1925 : i32 to index
      %get3A_1927 = arith.index_cast %mul3A_1918 : i32 to index
      %get3A_1928 = tpu.vector_load %arg13[%get3A_1926, %get3A_1927] {strides = array<i32>} : memref<16x1024xf32, #tpu.memory_space<vmem>>, vector<1x16xf32>,
      %get3A_1929 = vector.shape_cast %get3A_1928 : vector<1x16xf32> to vector<16xf32>
      %mul3A_1930 = arith.mulf %gather3A_800, %get3A_1929 : vector<16xf32>
      %add3A_1931 = arith.addf %mul3A_1924, %mul3A_1930 : vector<16xf32>
      %swap3A_1932 = arith.constant 6 : i32
      %swap3A_1933 = arith.index_cast %swap3A_1932 : i32 to index
      %swap3A_1934 = arith.index_cast %mul3A_1918 : i32 to index
      %swap3A_1935 = tpu.vector_load %arg11[%swap3A_1933, %swap3A_1934] {strides = array<i32>} : memref<16x1024xf32, #tpu.memory_space<vmem>>, vector<1x16xf32>,
      %swap3A_1936 = vector.shape_cast %swap3A_1935 : vector<1x16xf32> to vector<16xf32>
      %swap3A_1937 = vector.shape_cast %add3A_1931 : vector<16xf32> to vector<1x16xf32>
      tpu.vector_store %arg11[%swap3A_1933, %swap3A_1934], %swap3A_1937 {strides = array<i32>} : memref<16x1024xf32, #tpu.memory_space<vmem>>, vector<1x16xf32>,
      %mul3A_1938 = arith.constant 16 : i32
      %mul3A_1939 = arith.muli %scan3A_1790, %mul3A_1938 : i32
      %get3A_1940 = arith.constant 7 : i32
      %get3A_1941 = arith.index_cast %get3A_1940 : i32 to index
      %get3A_1942 = arith.index_cast %mul3A_1939 : i32 to index
      %get3A_1943 = tpu.vector_load %arg11[%get3A_1941, %get3A_1942] {strides = array<i32>} : memref<16x1024xf32, #tpu.memory_space<vmem>>, vector<1x16xf32>,
      %get3A_1944 = vector.shape_cast %get3A_1943 : vector<1x16xf32> to vector<16xf32>
      %mul3A_1945 = arith.mulf %gather3A_620, %get3A_1944 : vector<16xf32>
      %get3A_1946 = arith.constant 7 : i32
      %get3A_1947 = arith.index_cast %get3A_1946 : i32 to index
      %get3A_1948 = arith.index_cast %mul3A_1939 : i32 to index
      %get3A_1949 = tpu.vector_load %arg13[%get3A_1947, %get3A_1948] {strides = array<i32>} : memref<16x1024xf32, #tpu.memory_space<vmem>>, vector<1x16xf32>,
      %get3A_1950 = vector.shape_cast %get3A_1949 : vector<1x16xf32> to vector<16xf32>
      %mul3A_1951 = arith.mulf %gather3A_812, %get3A_1950 : vector<16xf32>
      %add3A_1952 = arith.addf %mul3A_1945, %mul3A_1951 : vector<16xf32>
      %swap3A_1953 = arith.constant 7 : i32
      %swap3A_1954 = arith.index_cast %swap3A_1953 : i32 to index
      %swap3A_1955 = arith.index_cast %mul3A_1939 : i32 to index
      %swap3A_1956 = tpu.vector_load %arg11[%swap3A_1954, %swap3A_1955] {strides = array<i32>} : memref<16x1024xf32, #tpu.memory_space<vmem>>, vector<1x16xf32>,
      %swap3A_1957 = vector.shape_cast %swap3A_1956 : vector<1x16xf32> to vector<16xf32>
      %swap3A_1958 = vector.shape_cast %add3A_1952 : vector<16xf32> to vector<1x16xf32>
      tpu.vector_store %arg11[%swap3A_1954, %swap3A_1955], %swap3A_1958 {strides = array<i32>} : memref<16x1024xf32, #tpu.memory_space<vmem>>, vector<1x16xf32>,
      %mul3A_1959 = arith.constant 16 : i32
      %mul3A_1960 = arith.muli %scan3A_1790, %mul3A_1959 : i32
      %get3A_1961 = arith.constant 8 : i32
      %get3A_1962 = arith.index_cast %get3A_1961 : i32 to index
      %get3A_1963 = arith.index_cast %mul3A_1960 : i32 to index
      %get3A_1964 = tpu.vector_load %arg11[%get3A_1962, %get3A_1963] {strides = array<i32>} : memref<16x1024xf32, #tpu.memory_space<vmem>>, vector<1x16xf32>,
      %get3A_1965 = vector.shape_cast %get3A_1964 : vector<1x16xf32> to vector<16xf32>
      %mul3A_1966 = arith.mulf %gather3A_632, %get3A_1965 : vector<16xf32>
      %get3A_1967 = arith.constant 8 : i32
      %get3A_1968 = arith.index_cast %get3A_1967 : i32 to index
      %get3A_1969 = arith.index_cast %mul3A_1960 : i32 to index
      %get3A_1970 = tpu.vector_load %arg13[%get3A_1968, %get3A_1969] {strides = array<i32>} : memref<16x1024xf32, #tpu.memory_space<vmem>>, vector<1x16xf32>,
      %get3A_1971 = vector.shape_cast %get3A_1970 : vector<1x16xf32> to vector<16xf32>
      %mul3A_1972 = arith.mulf %gather3A_824, %get3A_1971 : vector<16xf32>
      %add3A_1973 = arith.addf %mul3A_1966, %mul3A_1972 : vector<16xf32>
      %swap3A_1974 = arith.constant 8 : i32
      %swap3A_1975 = arith.index_cast %swap3A_1974 : i32 to index
      %swap3A_1976 = arith.index_cast %mul3A_1960 : i32 to index
      %swap3A_1977 = tpu.vector_load %arg11[%swap3A_1975, %swap3A_1976] {strides = array<i32>} : memref<16x1024xf32, #tpu.memory_space<vmem>>, vector<1x16xf32>,
      %swap3A_1978 = vector.shape_cast %swap3A_1977 : vector<1x16xf32> to vector<16xf32>
      %swap3A_1979 = vector.shape_cast %add3A_1973 : vector<16xf32> to vector<1x16xf32>
      tpu.vector_store %arg11[%swap3A_1975, %swap3A_1976], %swap3A_1979 {strides = array<i32>} : memref<16x1024xf32, #tpu.memory_space<vmem>>, vector<1x16xf32>,
      %mul3A_1980 = arith.constant 16 : i32
      %mul3A_1981 = arith.muli %scan3A_1790, %mul3A_1980 : i32
      %get3A_1982 = arith.constant 9 : i32
      %get3A_1983 = arith.index_cast %get3A_1982 : i32 to index
      %get3A_1984 = arith.index_cast %mul3A_1981 : i32 to index
      %get3A_1985 = tpu.vector_load %arg11[%get3A_1983, %get3A_1984] {strides = array<i32>} : memref<16x1024xf32, #tpu.memory_space<vmem>>, vector<1x16xf32>,
      %get3A_1986 = vector.shape_cast %get3A_1985 : vector<1x16xf32> to vector<16xf32>
      %mul3A_1987 = arith.mulf %gather3A_644, %get3A_1986 : vector<16xf32>
      %get3A_1988 = arith.constant 9 : i32
      %get3A_1989 = arith.index_cast %get3A_1988 : i32 to index
      %get3A_1990 = arith.index_cast %mul3A_1981 : i32 to index
      %get3A_1991 = tpu.vector_load %arg13[%get3A_1989, %get3A_1990] {strides = array<i32>} : memref<16x1024xf32, #tpu.memory_space<vmem>>, vector<1x16xf32>,
      %get3A_1992 = vector.shape_cast %get3A_1991 : vector<1x16xf32> to vector<16xf32>
      %mul3A_1993 = arith.mulf %gather3A_836, %get3A_1992 : vector<16xf32>
      %add3A_1994 = arith.addf %mul3A_1987, %mul3A_1993 : vector<16xf32>
      %swap3A_1995 = arith.constant 9 : i32
      %swap3A_1996 = arith.index_cast %swap3A_1995 : i32 to index
      %swap3A_1997 = arith.index_cast %mul3A_1981 : i32 to index
      %swap3A_1998 = tpu.vector_load %arg11[%swap3A_1996, %swap3A_1997] {strides = array<i32>} : memref<16x1024xf32, #tpu.memory_space<vmem>>, vector<1x16xf32>,
      %swap3A_1999 = vector.shape_cast %swap3A_1998 : vector<1x16xf32> to vector<16xf32>
      %swap3A_2000 = vector.shape_cast %add3A_1994 : vector<16xf32> to vector<1x16xf32>
      tpu.vector_store %arg11[%swap3A_1996, %swap3A_1997], %swap3A_2000 {strides = array<i32>} : memref<16x1024xf32, #tpu.memory_space<vmem>>, vector<1x16xf32>,
      %mul3A_2001 = arith.constant 16 : i32
      %mul3A_2002 = arith.muli %scan3A_1790, %mul3A_2001 : i32
      %get3A_2003 = arith.constant 10 : i32
      %get3A_2004 = arith.index_cast %get3A_2003 : i32 to index
      %get3A_2005 = arith.index_cast %mul3A_2002 : i32 to index
      %get3A_2006 = tpu.vector_load %arg11[%get3A_2004, %get3A_2005] {strides = array<i32>} : memref<16x1024xf32, #tpu.memory_space<vmem>>, vector<1x16xf32>,
      %get3A_2007 = vector.shape_cast %get3A_2006 : vector<1x16xf32> to vector<16xf32>
      %mul3A_2008 = arith.mulf %gather3A_656, %get3A_2007 : vector<16xf32>
      %get3A_2009 = arith.constant 10 : i32
      %get3A_2010 = arith.index_cast %get3A_2009 : i32 to index
      %get3A_2011 = arith.index_cast %mul3A_2002 : i32 to index
      %get3A_2012 = tpu.vector_load %arg13[%get3A_2010, %get3A_2011] {strides = array<i32>} : memref<16x1024xf32, #tpu.memory_space<vmem>>, vector<1x16xf32>,
      %get3A_2013 = vector.shape_cast %get3A_2012 : vector<1x16xf32> to vector<16xf32>
      %mul3A_2014 = arith.mulf %gather3A_848, %get3A_2013 : vector<16xf32>
      %add3A_2015 = arith.addf %mul3A_2008, %mul3A_2014 : vector<16xf32>
      %swap3A_2016 = arith.constant 10 : i32
      %swap3A_2017 = arith.index_cast %swap3A_2016 : i32 to index
      %swap3A_2018 = arith.index_cast %mul3A_2002 : i32 to index
      %swap3A_2019 = tpu.vector_load %arg11[%swap3A_2017, %swap3A_2018] {strides = array<i32>} : memref<16x1024xf32, #tpu.memory_space<vmem>>, vector<1x16xf32>,
      %swap3A_2020 = vector.shape_cast %swap3A_2019 : vector<1x16xf32> to vector<16xf32>
      %swap3A_2021 = vector.shape_cast %add3A_2015 : vector<16xf32> to vector<1x16xf32>
      tpu.vector_store %arg11[%swap3A_2017, %swap3A_2018], %swap3A_2021 {strides = array<i32>} : memref<16x1024xf32, #tpu.memory_space<vmem>>, vector<1x16xf32>,
      %mul3A_2022 = arith.constant 16 : i32
      %mul3A_2023 = arith.muli %scan3A_1790, %mul3A_2022 : i32
      %get3A_2024 = arith.constant 11 : i32
      %get3A_2025 = arith.index_cast %get3A_2024 : i32 to index
      %get3A_2026 = arith.index_cast %mul3A_2023 : i32 to index
      %get3A_2027 = tpu.vector_load %arg11[%get3A_2025, %get3A_2026] {strides = array<i32>} : memref<16x1024xf32, #tpu.memory_space<vmem>>, vector<1x16xf32>,
      %get3A_2028 = vector.shape_cast %get3A_2027 : vector<1x16xf32> to vector<16xf32>
      %mul3A_2029 = arith.mulf %gather3A_668, %get3A_2028 : vector<16xf32>
      %get3A_2030 = arith.constant 11 : i32
      %get3A_2031 = arith.index_cast %get3A_2030 : i32 to index
      %get3A_2032 = arith.index_cast %mul3A_2023 : i32 to index
      %get3A_2033 = tpu.vector_load %arg13[%get3A_2031, %get3A_2032] {strides = array<i32>} : memref<16x1024xf32, #tpu.memory_space<vmem>>, vector<1x16xf32>,
      %get3A_2034 = vector.shape_cast %get3A_2033 : vector<1x16xf32> to vector<16xf32>
      %mul3A_2035 = arith.mulf %gather3A_860, %get3A_2034 : vector<16xf32>
      %add3A_2036 = arith.addf %mul3A_2029, %mul3A_2035 : vector<16xf32>
      %swap3A_2037 = arith.constant 11 : i32
      %swap3A_2038 = arith.index_cast %swap3A_2037 : i32 to index
      %swap3A_2039 = arith.index_cast %mul3A_2023 : i32 to index
      %swap3A_2040 = tpu.vector_load %arg11[%swap3A_2038, %swap3A_2039] {strides = array<i32>} : memref<16x1024xf32, #tpu.memory_space<vmem>>, vector<1x16xf32>,
      %swap3A_2041 = vector.shape_cast %swap3A_2040 : vector<1x16xf32> to vector<16xf32>
      %swap3A_2042 = vector.shape_cast %add3A_2036 : vector<16xf32> to vector<1x16xf32>
      tpu.vector_store %arg11[%swap3A_2038, %swap3A_2039], %swap3A_2042 {strides = array<i32>} : memref<16x1024xf32, #tpu.memory_space<vmem>>, vector<1x16xf32>,
      %mul3A_2043 = arith.constant 16 : i32
      %mul3A_2044 = arith.muli %scan3A_1790, %mul3A_2043 : i32
      %get3A_2045 = arith.constant 12 : i32
      %get3A_2046 = arith.index_cast %get3A_2045 : i32 to index
      %get3A_2047 = arith.index_cast %mul3A_2044 : i32 to index
      %get3A_2048 = tpu.vector_load %arg11[%get3A_2046, %get3A_2047] {strides = array<i32>} : memref<16x1024xf32, #tpu.memory_space<vmem>>, vector<1x16xf32>,
      %get3A_2049 = vector.shape_cast %get3A_2048 : vector<1x16xf32> to vector<16xf32>
      %mul3A_2050 = arith.mulf %gather3A_680, %get3A_2049 : vector<16xf32>
      %get3A_2051 = arith.constant 12 : i32
      %get3A_2052 = arith.index_cast %get3A_2051 : i32 to index
      %get3A_2053 = arith.index_cast %mul3A_2044 : i32 to index
      %get3A_2054 = tpu.vector_load %arg13[%get3A_2052, %get3A_2053] {strides = array<i32>} : memref<16x1024xf32, #tpu.memory_space<vmem>>, vector<1x16xf32>,
      %get3A_2055 = vector.shape_cast %get3A_2054 : vector<1x16xf32> to vector<16xf32>
      %mul3A_2056 = arith.mulf %gather3A_872, %get3A_2055 : vector<16xf32>
      %add3A_2057 = arith.addf %mul3A_2050, %mul3A_2056 : vector<16xf32>
      %swap3A_2058 = arith.constant 12 : i32
      %swap3A_2059 = arith.index_cast %swap3A_2058 : i32 to index
      %swap3A_2060 = arith.index_cast %mul3A_2044 : i32 to index
      %swap3A_2061 = tpu.vector_load %arg11[%swap3A_2059, %swap3A_2060] {strides = array<i32>} : memref<16x1024xf32, #tpu.memory_space<vmem>>, vector<1x16xf32>,
      %swap3A_2062 = vector.shape_cast %swap3A_2061 : vector<1x16xf32> to vector<16xf32>
      %swap3A_2063 = vector.shape_cast %add3A_2057 : vector<16xf32> to vector<1x16xf32>
      tpu.vector_store %arg11[%swap3A_2059, %swap3A_2060], %swap3A_2063 {strides = array<i32>} : memref<16x1024xf32, #tpu.memory_space<vmem>>, vector<1x16xf32>,
      %mul3A_2064 = arith.constant 16 : i32
      %mul3A_2065 = arith.muli %scan3A_1790, %mul3A_2064 : i32
      %get3A_2066 = arith.constant 13 : i32
      %get3A_2067 = arith.index_cast %get3A_2066 : i32 to index
      %get3A_2068 = arith.index_cast %mul3A_2065 : i32 to index
      %get3A_2069 = tpu.vector_load %arg11[%get3A_2067, %get3A_2068] {strides = array<i32>} : memref<16x1024xf32, #tpu.memory_space<vmem>>, vector<1x16xf32>,
      %get3A_2070 = vector.shape_cast %get3A_2069 : vector<1x16xf32> to vector<16xf32>
      %mul3A_2071 = arith.mulf %gather3A_692, %get3A_2070 : vector<16xf32>
      %get3A_2072 = arith.constant 13 : i32
      %get3A_2073 = arith.index_cast %get3A_2072 : i32 to index
      %get3A_2074 = arith.index_cast %mul3A_2065 : i32 to index
      %get3A_2075 = tpu.vector_load %arg13[%get3A_2073, %get3A_2074] {strides = array<i32>} : memref<16x1024xf32, #tpu.memory_space<vmem>>, vector<1x16xf32>,
      %get3A_2076 = vector.shape_cast %get3A_2075 : vector<1x16xf32> to vector<16xf32>
      %mul3A_2077 = arith.mulf %gather3A_884, %get3A_2076 : vector<16xf32>
      %add3A_2078 = arith.addf %mul3A_2071, %mul3A_2077 : vector<16xf32>
      %swap3A_2079 = arith.constant 13 : i32
      %swap3A_2080 = arith.index_cast %swap3A_2079 : i32 to index
      %swap3A_2081 = arith.index_cast %mul3A_2065 : i32 to index
      %swap3A_2082 = tpu.vector_load %arg11[%swap3A_2080, %swap3A_2081] {strides = array<i32>} : memref<16x1024xf32, #tpu.memory_space<vmem>>, vector<1x16xf32>,
      %swap3A_2083 = vector.shape_cast %swap3A_2082 : vector<1x16xf32> to vector<16xf32>
      %swap3A_2084 = vector.shape_cast %add3A_2078 : vector<16xf32> to vector<1x16xf32>
      tpu.vector_store %arg11[%swap3A_2080, %swap3A_2081], %swap3A_2084 {strides = array<i32>} : memref<16x1024xf32, #tpu.memory_space<vmem>>, vector<1x16xf32>,
      %mul3A_2085 = arith.constant 16 : i32
      %mul3A_2086 = arith.muli %scan3A_1790, %mul3A_2085 : i32
      %get3A_2087 = arith.constant 14 : i32
      %get3A_2088 = arith.index_cast %get3A_2087 : i32 to index
      %get3A_2089 = arith.index_cast %mul3A_2086 : i32 to index
      %get3A_2090 = tpu.vector_load %arg11[%get3A_2088, %get3A_2089] {strides = array<i32>} : memref<16x1024xf32, #tpu.memory_space<vmem>>, vector<1x16xf32>,
      %get3A_2091 = vector.shape_cast %get3A_2090 : vector<1x16xf32> to vector<16xf32>
      %mul3A_2092 = arith.mulf %gather3A_704, %get3A_2091 : vector<16xf32>
      %get3A_2093 = arith.constant 14 : i32
      %get3A_2094 = arith.index_cast %get3A_2093 : i32 to index
      %get3A_2095 = arith.index_cast %mul3A_2086 : i32 to index
      %get3A_2096 = tpu.vector_load %arg13[%get3A_2094, %get3A_2095] {strides = array<i32>} : memref<16x1024xf32, #tpu.memory_space<vmem>>, vector<1x16xf32>,
      %get3A_2097 = vector.shape_cast %get3A_2096 : vector<1x16xf32> to vector<16xf32>
      %mul3A_2098 = arith.mulf %gather3A_896, %get3A_2097 : vector<16xf32>
      %add3A_2099 = arith.addf %mul3A_2092, %mul3A_2098 : vector<16xf32>
      %swap3A_2100 = arith.constant 14 : i32
      %swap3A_2101 = arith.index_cast %swap3A_2100 : i32 to index
      %swap3A_2102 = arith.index_cast %mul3A_2086 : i32 to index
      %swap3A_2103 = tpu.vector_load %arg11[%swap3A_2101, %swap3A_2102] {strides = array<i32>} : memref<16x1024xf32, #tpu.memory_space<vmem>>, vector<1x16xf32>,
      %swap3A_2104 = vector.shape_cast %swap3A_2103 : vector<1x16xf32> to vector<16xf32>
      %swap3A_2105 = vector.shape_cast %add3A_2099 : vector<16xf32> to vector<1x16xf32>
      tpu.vector_store %arg11[%swap3A_2101, %swap3A_2102], %swap3A_2105 {strides = array<i32>} : memref<16x1024xf32, #tpu.memory_space<vmem>>, vector<1x16xf32>,
      %mul3A_2106 = arith.constant 16 : i32
      %mul3A_2107 = arith.muli %scan3A_1790, %mul3A_2106 : i32
      %get3A_2108 = arith.constant 15 : i32
      %get3A_2109 = arith.index_cast %get3A_2108 : i32 to index
      %get3A_2110 = arith.index_cast %mul3A_2107 : i32 to index
      %get3A_2111 = tpu.vector_load %arg11[%get3A_2109, %get3A_2110] {strides = array<i32>} : memref<16x1024xf32, #tpu.memory_space<vmem>>, vector<1x16xf32>,
      %get3A_2112 = vector.shape_cast %get3A_2111 : vector<1x16xf32> to vector<16xf32>
      %mul3A_2113 = arith.mulf %gather3A_716, %get3A_2112 : vector<16xf32>
      %get3A_2114 = arith.constant 15 : i32
      %get3A_2115 = arith.index_cast %get3A_2114 : i32 to index
      %get3A_2116 = arith.index_cast %mul3A_2107 : i32 to index
      %get3A_2117 = tpu.vector_load %arg13[%get3A_2115, %get3A_2116] {strides = array<i32>} : memref<16x1024xf32, #tpu.memory_space<vmem>>, vector<1x16xf32>,
      %get3A_2118 = vector.shape_cast %get3A_2117 : vector<1x16xf32> to vector<16xf32>
      %mul3A_2119 = arith.mulf %gather3A_908, %get3A_2118 : vector<16xf32>
      %add3A_2120 = arith.addf %mul3A_2113, %mul3A_2119 : vector<16xf32>
      %swap3A_2121 = arith.constant 15 : i32
      %swap3A_2122 = arith.index_cast %swap3A_2121 : i32 to index
      %swap3A_2123 = arith.index_cast %mul3A_2107 : i32 to index
      %swap3A_2124 = tpu.vector_load %arg11[%swap3A_2122, %swap3A_2123] {strides = array<i32>} : memref<16x1024xf32, #tpu.memory_space<vmem>>, vector<1x16xf32>,
      %swap3A_2125 = vector.shape_cast %swap3A_2124 : vector<1x16xf32> to vector<16xf32>
      %swap3A_2126 = vector.shape_cast %add3A_2120 : vector<16xf32> to vector<1x16xf32>
      tpu.vector_store %arg11[%swap3A_2122, %swap3A_2123], %swap3A_2126 {strides = array<i32>} : memref<16x1024xf32, #tpu.memory_space<vmem>>, vector<1x16xf32>,
      %scan3A_2127 = arith.constant 0 : i32
      scf.yield %scan3A_2127 : i32
    }
    %scan3A_915 = arith.constant 64 : i32
    %add3A_916 = arith.constant 16 : i32
    %add3A_917 = arith.addi %mul3A_2, %add3A_916 : i32
    %dma_start3A_918 = arith.constant 0 : i32
    %dma_start3A_919 = tpu.memref_slice %arg5[%add3A_917, %dma_start3A_918] : memref<2048x1024xf32, #tpu.memory_space<hbm>> -> memref<16x1024xf32, #tpu.memory_space<hbm>>
    %dma_start3A_920 = arith.constant 0 : i32
    %dma_start3A_921 = tpu.memref_slice %arg5[%add3A_917, %dma_start3A_920] : memref<2048x1024xf32, #tpu.memory_space<hbm>> -> memref<16x1024xf32, #tpu.memory_space<hbm>>
    tpu.enqueue_dma source(%arg11 : memref<16x1024xf32, #tpu.memory_space<vmem>>) target(%dma_start3A_921 : memref<16x1024xf32, #tpu.memory_space<hbm>>) target_semaphore(%arg19 : memref<!tpu.dma_semaphore, #tpu.memory_space<semaphore_mem>>)
    %dma_wait3A_922 = arith.constant 0 : i32
    %dma_wait3A_923 = tpu.memref_slice %arg5[%add3A_917, %dma_wait3A_922] : memref<2048x1024xf32, #tpu.memory_space<hbm>> -> memref<16x1024xf32, #tpu.memory_space<hbm>>
    %dma_wait3A_924 = arith.constant 0 : i32
    %dma_wait3A_925 = tpu.memref_slice %arg5[%add3A_917, %dma_wait3A_924] : memref<2048x1024xf32, #tpu.memory_space<hbm>> -> memref<16x1024xf32, #tpu.memory_space<hbm>>
    tpu.wait_dma2 semaphore(%arg19 : memref<!tpu.dma_semaphore, #tpu.memory_space<semaphore_mem>>) src(%arg11 : memref<16x1024xf32, #tpu.memory_space<vmem>>) dst(%dma_wait3A_925 : memref<16x1024xf32, #tpu.memory_space<hbm>>)
    %dma_start3A_926 = arith.constant 3 : i32
    %dma_start3A_927 = arith.constant 0 : i32
    %dma_start3A_928 = tpu.memref_slice %arg6[%dma_start3A_926, %dma_start3A_927] : memref<4x16xi32, #tpu.memory_space<vmem>> -> memref<1x16xi32, #tpu.memory_space<vmem>>
    %dma_start3A_929 = tpu.memref_squeeze %dma_start3A_928 : memref<1x16xi32, #tpu.memory_space<vmem>> -> memref<16xi32, #tpu.memory_space<vmem>>
    %dma_start3A_930 = arith.constant 0 : i32
    %dma_start3A_931 = arith.constant 0 : i32
    %dma_start3A_932 = tpu.memref_slice %arg2[%dma_start3A_930, %dma_start3A_931] : memref<5120x1024xf32, #tpu.memory_space<hbm>> -> memref<5120x1024xf32, #tpu.memory_space<hbm>>
    tpu.enqueue_indirect_dma source(%dma_start3A_932 : memref<5120x1024xf32, #tpu.memory_space<hbm>>) target(%arg11 : memref<16x1024xf32, #tpu.memory_space<vmem>>) offsets(%dma_start3A_929 : memref<16xi32, #tpu.memory_space<vmem>>) semaphore(%arg15 : memref<!tpu.dma_semaphore, #tpu.memory_space<semaphore_mem>>)
    %dma_start3A_933 = arith.constant 3 : i32
    %dma_start3A_934 = arith.constant 0 : i32
    %dma_start3A_935 = tpu.memref_slice %arg7[%dma_start3A_933, %dma_start3A_934] : memref<4x16xi32, #tpu.memory_space<vmem>> -> memref<1x16xi32, #tpu.memory_space<vmem>>
    %dma_start3A_936 = tpu.memref_squeeze %dma_start3A_935 : memref<1x16xi32, #tpu.memory_space<vmem>> -> memref<16xi32, #tpu.memory_space<vmem>>
    %dma_start3A_937 = arith.constant 0 : i32
    %dma_start3A_938 = arith.constant 0 : i32
    %dma_start3A_939 = tpu.memref_slice %arg2[%dma_start3A_937, %dma_start3A_938] : memref<5120x1024xf32, #tpu.memory_space<hbm>> -> memref<5120x1024xf32, #tpu.memory_space<hbm>>
    tpu.enqueue_indirect_dma source(%dma_start3A_939 : memref<5120x1024xf32, #tpu.memory_space<hbm>>) target(%arg13 : memref<16x1024xf32, #tpu.memory_space<vmem>>) offsets(%dma_start3A_936 : memref<16xi32, #tpu.memory_space<vmem>>) semaphore(%arg17 : memref<!tpu.dma_semaphore, #tpu.memory_space<semaphore_mem>>)
    %dma_wait3A_940 = arith.constant 2 : i32
    %dma_wait3A_941 = arith.constant 0 : i32
    %dma_wait3A_942 = tpu.memref_slice %arg6[%dma_wait3A_940, %dma_wait3A_941] : memref<4x16xi32, #tpu.memory_space<vmem>> -> memref<1x16xi32, #tpu.memory_space<vmem>>
    %dma_wait3A_943 = tpu.memref_squeeze %dma_wait3A_942 : memref<1x16xi32, #tpu.memory_space<vmem>> -> memref<16xi32, #tpu.memory_space<vmem>>
    %dma_wait3A_944 = arith.constant 0 : i32
    %dma_wait3A_945 = arith.constant 0 : i32
    %dma_wait3A_946 = tpu.memref_slice %arg2[%dma_wait3A_944, %dma_wait3A_945] : memref<5120x1024xf32, #tpu.memory_space<hbm>> -> memref<5120x1024xf32, #tpu.memory_space<hbm>>
    tpu.wait_indirect_dma semaphore(%arg14 : memref<!tpu.dma_semaphore, #tpu.memory_space<semaphore_mem>>) src(%dma_wait3A_946 : memref<5120x1024xf32, #tpu.memory_space<hbm>>) dst(%arg10 : memref<16x1024xf32, #tpu.memory_space<vmem>>)
    %dma_wait3A_947 = arith.constant 2 : i32
    %dma_wait3A_948 = arith.constant 0 : i32
    %dma_wait3A_949 = tpu.memref_slice %arg7[%dma_wait3A_947, %dma_wait3A_948] : memref<4x16xi32, #tpu.memory_space<vmem>> -> memref<1x16xi32, #tpu.memory_space<vmem>>
    %dma_wait3A_950 = tpu.memref_squeeze %dma_wait3A_949 : memref<1x16xi32, #tpu.memory_space<vmem>> -> memref<16xi32, #tpu.memory_space<vmem>>
    %dma_wait3A_951 = arith.constant 0 : i32
    %dma_wait3A_952 = arith.constant 0 : i32
    %dma_wait3A_953 = tpu.memref_slice %arg2[%dma_wait3A_951, %dma_wait3A_952] : memref<5120x1024xf32, #tpu.memory_space<hbm>> -> memref<5120x1024xf32, #tpu.memory_space<hbm>>
    tpu.wait_indirect_dma semaphore(%arg16 : memref<!tpu.dma_semaphore, #tpu.memory_space<semaphore_mem>>) src(%dma_wait3A_953 : memref<5120x1024xf32, #tpu.memory_space<hbm>>) dst(%arg12 : memref<16x1024xf32, #tpu.memory_space<vmem>>)
    %get3A_954 = arith.constant 2 : i32
    %get3A_955 = arith.index_cast %get3A_954 : i32 to index
    %get3A_956 = arith.constant 0 : index
    %get3A_957 = tpu.vector_load %arg8[%get3A_955, %get3A_956] {strides = array<i32>} : memref<4x16xf32, #tpu.memory_space<vmem>>, vector<1x16xf32>,
    %get3A_958 = vector.shape_cast %get3A_957 : vector<1x16xf32> to vector<16xf32>
    %get3A_959 = arith.constant 2 : i32
    %get3A_960 = arith.index_cast %get3A_959 : i32 to index
    %get3A_961 = arith.constant 0 : index
    %get3A_962 = tpu.vector_load %arg9[%get3A_960, %get3A_961] {strides = array<i32>} : memref<4x16xf32, #tpu.memory_space<vmem>>, vector<1x16xf32>,
    %get3A_963 = vector.shape_cast %get3A_962 : vector<1x16xf32> to vector<16xf32>
    %broadcast_in_dim3A_964 = arith.constant 0 : i32
    %broadcast_in_dim3A_965 = vector.broadcast %broadcast_in_dim3A_964 : i32 to vector<16xi32>
    %lt3A_966 = arith.constant 0 : i32
    %lt3A_967 = vector.broadcast %lt3A_966 : i32 to vector<16xi32>
    %lt3A_968 = arith.cmpi slt, %broadcast_in_dim3A_965, %lt3A_967 : vector<16xi32>
    %add3A_969 = arith.constant 16 : i32
    %add3A_970 = vector.broadcast %add3A_969 : i32 to vector<16xi32>
    %add3A_971 = arith.addi %broadcast_in_dim3A_965, %add3A_970 : vector<16xi32>
    %select_n3A_972 = arith.select %lt3A_968, %add3A_971, %broadcast_in_dim3A_965 : vector<16xi1>, vector<16xi32>
    %broadcast_in_dim3A_973 = vector.shape_cast %select_n3A_972 : vector<16xi32> to vector<16x1xi32>
    %gather3A_974 = vector.shape_cast %broadcast_in_dim3A_973 : vector<16x1xi32> to vector<16xi32>
    %gather3A_975 = tpu.dynamic_gather %get3A_958[%gather3A_974] in [0] : vector<16xf32>, vector<16xi32> -> vector<16xf32>
    %broadcast_in_dim3A_976 = arith.constant 1 : i32
    %broadcast_in_dim3A_977 = vector.broadcast %broadcast_in_dim3A_976 : i32 to vector<16xi32>
    %lt3A_978 = arith.constant 0 : i32
    %lt3A_979 = vector.broadcast %lt3A_978 : i32 to vector<16xi32>
    %lt3A_980 = arith.cmpi slt, %broadcast_in_dim3A_977, %lt3A_979 : vector<16xi32>
    %add3A_981 = arith.constant 16 : i32
    %add3A_982 = vector.broadcast %add3A_981 : i32 to vector<16xi32>
    %add3A_983 = arith.addi %broadcast_in_dim3A_977, %add3A_982 : vector<16xi32>
    %select_n3A_984 = arith.select %lt3A_980, %add3A_983, %broadcast_in_dim3A_977 : vector<16xi1>, vector<16xi32>
    %broadcast_in_dim3A_985 = vector.shape_cast %select_n3A_984 : vector<16xi32> to vector<16x1xi32>
    %gather3A_986 = vector.shape_cast %broadcast_in_dim3A_985 : vector<16x1xi32> to vector<16xi32>
    %gather3A_987 = tpu.dynamic_gather %get3A_958[%gather3A_986] in [0] : vector<16xf32>, vector<16xi32> -> vector<16xf32>
    %broadcast_in_dim3A_988 = arith.constant 2 : i32
    %broadcast_in_dim3A_989 = vector.broadcast %broadcast_in_dim3A_988 : i32 to vector<16xi32>
    %lt3A_990 = arith.constant 0 : i32
    %lt3A_991 = vector.broadcast %lt3A_990 : i32 to vector<16xi32>
    %lt3A_992 = arith.cmpi slt, %broadcast_in_dim3A_989, %lt3A_991 : vector<16xi32>
    %add3A_993 = arith.constant 16 : i32
    %add3A_994 = vector.broadcast %add3A_993 : i32 to vector<16xi32>
    %add3A_995 = arith.addi %broadcast_in_dim3A_989, %add3A_994 : vector<16xi32>
    %select_n3A_996 = arith.select %lt3A_992, %add3A_995, %broadcast_in_dim3A_989 : vector<16xi1>, vector<16xi32>
    %broadcast_in_dim3A_997 = vector.shape_cast %select_n3A_996 : vector<16xi32> to vector<16x1xi32>
    %gather3A_998 = vector.shape_cast %broadcast_in_dim3A_997 : vector<16x1xi32> to vector<16xi32>
    %gather3A_999 = tpu.dynamic_gather %get3A_958[%gather3A_998] in [0] : vector<16xf32>, vector<16xi32> -> vector<16xf32>
    %broadcast_in_dim3A_1000 = arith.constant 3 : i32
    %broadcast_in_dim3A_1001 = vector.broadcast %broadcast_in_dim3A_1000 : i32 to vector<16xi32>
    %lt3A_1002 = arith.constant 0 : i32
    %lt3A_1003 = vector.broadcast %lt3A_1002 : i32 to vector<16xi32>
    %lt3A_1004 = arith.cmpi slt, %broadcast_in_dim3A_1001, %lt3A_1003 : vector<16xi32>
    %add3A_1005 = arith.constant 16 : i32
    %add3A_1006 = vector.broadcast %add3A_1005 : i32 to vector<16xi32>
    %add3A_1007 = arith.addi %broadcast_in_dim3A_1001, %add3A_1006 : vector<16xi32>
    %select_n3A_1008 = arith.select %lt3A_1004, %add3A_1007, %broadcast_in_dim3A_1001 : vector<16xi1>, vector<16xi32>
    %broadcast_in_dim3A_1009 = vector.shape_cast %select_n3A_1008 : vector<16xi32> to vector<16x1xi32>
    %gather3A_1010 = vector.shape_cast %broadcast_in_dim3A_1009 : vector<16x1xi32> to vector<16xi32>
    %gather3A_1011 = tpu.dynamic_gather %get3A_958[%gather3A_1010] in [0] : vector<16xf32>, vector<16xi32> -> vector<16xf32>
    %broadcast_in_dim3A_1012 = arith.constant 4 : i32
    %broadcast_in_dim3A_1013 = vector.broadcast %broadcast_in_dim3A_1012 : i32 to vector<16xi32>
    %lt3A_1014 = arith.constant 0 : i32
    %lt3A_1015 = vector.broadcast %lt3A_1014 : i32 to vector<16xi32>
    %lt3A_1016 = arith.cmpi slt, %broadcast_in_dim3A_1013, %lt3A_1015 : vector<16xi32>
    %add3A_1017 = arith.constant 16 : i32
    %add3A_1018 = vector.broadcast %add3A_1017 : i32 to vector<16xi32>
    %add3A_1019 = arith.addi %broadcast_in_dim3A_1013, %add3A_1018 : vector<16xi32>
    %select_n3A_1020 = arith.select %lt3A_1016, %add3A_1019, %broadcast_in_dim3A_1013 : vector<16xi1>, vector<16xi32>
    %broadcast_in_dim3A_1021 = vector.shape_cast %select_n3A_1020 : vector<16xi32> to vector<16x1xi32>
    %gather3A_1022 = vector.shape_cast %broadcast_in_dim3A_1021 : vector<16x1xi32> to vector<16xi32>
    %gather3A_1023 = tpu.dynamic_gather %get3A_958[%gather3A_1022] in [0] : vector<16xf32>, vector<16xi32> -> vector<16xf32>
    %broadcast_in_dim3A_1024 = arith.constant 5 : i32
    %broadcast_in_dim3A_1025 = vector.broadcast %broadcast_in_dim3A_1024 : i32 to vector<16xi32>
    %lt3A_1026 = arith.constant 0 : i32
    %lt3A_1027 = vector.broadcast %lt3A_1026 : i32 to vector<16xi32>
    %lt3A_1028 = arith.cmpi slt, %broadcast_in_dim3A_1025, %lt3A_1027 : vector<16xi32>
    %add3A_1029 = arith.constant 16 : i32
    %add3A_1030 = vector.broadcast %add3A_1029 : i32 to vector<16xi32>
    %add3A_1031 = arith.addi %broadcast_in_dim3A_1025, %add3A_1030 : vector<16xi32>
    %select_n3A_1032 = arith.select %lt3A_1028, %add3A_1031, %broadcast_in_dim3A_1025 : vector<16xi1>, vector<16xi32>
    %broadcast_in_dim3A_1033 = vector.shape_cast %select_n3A_1032 : vector<16xi32> to vector<16x1xi32>
    %gather3A_1034 = vector.shape_cast %broadcast_in_dim3A_1033 : vector<16x1xi32> to vector<16xi32>
    %gather3A_1035 = tpu.dynamic_gather %get3A_958[%gather3A_1034] in [0] : vector<16xf32>, vector<16xi32> -> vector<16xf32>
    %broadcast_in_dim3A_1036 = arith.constant 6 : i32
    %broadcast_in_dim3A_1037 = vector.broadcast %broadcast_in_dim3A_1036 : i32 to vector<16xi32>
    %lt3A_1038 = arith.constant 0 : i32
    %lt3A_1039 = vector.broadcast %lt3A_1038 : i32 to vector<16xi32>
    %lt3A_1040 = arith.cmpi slt, %broadcast_in_dim3A_1037, %lt3A_1039 : vector<16xi32>
    %add3A_1041 = arith.constant 16 : i32
    %add3A_1042 = vector.broadcast %add3A_1041 : i32 to vector<16xi32>
    %add3A_1043 = arith.addi %broadcast_in_dim3A_1037, %add3A_1042 : vector<16xi32>
    %select_n3A_1044 = arith.select %lt3A_1040, %add3A_1043, %broadcast_in_dim3A_1037 : vector<16xi1>, vector<16xi32>
    %broadcast_in_dim3A_1045 = vector.shape_cast %select_n3A_1044 : vector<16xi32> to vector<16x1xi32>
    %gather3A_1046 = vector.shape_cast %broadcast_in_dim3A_1045 : vector<16x1xi32> to vector<16xi32>
    %gather3A_1047 = tpu.dynamic_gather %get3A_958[%gather3A_1046] in [0] : vector<16xf32>, vector<16xi32> -> vector<16xf32>
    %broadcast_in_dim3A_1048 = arith.constant 7 : i32
    %broadcast_in_dim3A_1049 = vector.broadcast %broadcast_in_dim3A_1048 : i32 to vector<16xi32>
    %lt3A_1050 = arith.constant 0 : i32
    %lt3A_1051 = vector.broadcast %lt3A_1050 : i32 to vector<16xi32>
    %lt3A_1052 = arith.cmpi slt, %broadcast_in_dim3A_1049, %lt3A_1051 : vector<16xi32>
    %add3A_1053 = arith.constant 16 : i32
    %add3A_1054 = vector.broadcast %add3A_1053 : i32 to vector<16xi32>
    %add3A_1055 = arith.addi %broadcast_in_dim3A_1049, %add3A_1054 : vector<16xi32>
    %select_n3A_1056 = arith.select %lt3A_1052, %add3A_1055, %broadcast_in_dim3A_1049 : vector<16xi1>, vector<16xi32>
    %broadcast_in_dim3A_1057 = vector.shape_cast %select_n3A_1056 : vector<16xi32> to vector<16x1xi32>
    %gather3A_1058 = vector.shape_cast %broadcast_in_dim3A_1057 : vector<16x1xi32> to vector<16xi32>
    %gather3A_1059 = tpu.dynamic_gather %get3A_958[%gather3A_1058] in [0] : vector<16xf32>, vector<16xi32> -> vector<16xf32>
    %broadcast_in_dim3A_1060 = arith.constant 8 : i32
    %broadcast_in_dim3A_1061 = vector.broadcast %broadcast_in_dim3A_1060 : i32 to vector<16xi32>
    %lt3A_1062 = arith.constant 0 : i32
    %lt3A_1063 = vector.broadcast %lt3A_1062 : i32 to vector<16xi32>
    %lt3A_1064 = arith.cmpi slt, %broadcast_in_dim3A_1061, %lt3A_1063 : vector<16xi32>
    %add3A_1065 = arith.constant 16 : i32
    %add3A_1066 = vector.broadcast %add3A_1065 : i32 to vector<16xi32>
    %add3A_1067 = arith.addi %broadcast_in_dim3A_1061, %add3A_1066 : vector<16xi32>
    %select_n3A_1068 = arith.select %lt3A_1064, %add3A_1067, %broadcast_in_dim3A_1061 : vector<16xi1>, vector<16xi32>
    %broadcast_in_dim3A_1069 = vector.shape_cast %select_n3A_1068 : vector<16xi32> to vector<16x1xi32>
    %gather3A_1070 = vector.shape_cast %broadcast_in_dim3A_1069 : vector<16x1xi32> to vector<16xi32>
    %gather3A_1071 = tpu.dynamic_gather %get3A_958[%gather3A_1070] in [0] : vector<16xf32>, vector<16xi32> -> vector<16xf32>
    %broadcast_in_dim3A_1072 = arith.constant 9 : i32
    %broadcast_in_dim3A_1073 = vector.broadcast %broadcast_in_dim3A_1072 : i32 to vector<16xi32>
    %lt3A_1074 = arith.constant 0 : i32
    %lt3A_1075 = vector.broadcast %lt3A_1074 : i32 to vector<16xi32>
    %lt3A_1076 = arith.cmpi slt, %broadcast_in_dim3A_1073, %lt3A_1075 : vector<16xi32>
    %add3A_1077 = arith.constant 16 : i32
    %add3A_1078 = vector.broadcast %add3A_1077 : i32 to vector<16xi32>
    %add3A_1079 = arith.addi %broadcast_in_dim3A_1073, %add3A_1078 : vector<16xi32>
    %select_n3A_1080 = arith.select %lt3A_1076, %add3A_1079, %broadcast_in_dim3A_1073 : vector<16xi1>, vector<16xi32>
    %broadcast_in_dim3A_1081 = vector.shape_cast %select_n3A_1080 : vector<16xi32> to vector<16x1xi32>
    %gather3A_1082 = vector.shape_cast %broadcast_in_dim3A_1081 : vector<16x1xi32> to vector<16xi32>
    %gather3A_1083 = tpu.dynamic_gather %get3A_958[%gather3A_1082] in [0] : vector<16xf32>, vector<16xi32> -> vector<16xf32>
    %broadcast_in_dim3A_1084 = arith.constant 10 : i32
    %broadcast_in_dim3A_1085 = vector.broadcast %broadcast_in_dim3A_1084 : i32 to vector<16xi32>
    %lt3A_1086 = arith.constant 0 : i32
    %lt3A_1087 = vector.broadcast %lt3A_1086 : i32 to vector<16xi32>
    %lt3A_1088 = arith.cmpi slt, %broadcast_in_dim3A_1085, %lt3A_1087 : vector<16xi32>
    %add3A_1089 = arith.constant 16 : i32
    %add3A_1090 = vector.broadcast %add3A_1089 : i32 to vector<16xi32>
    %add3A_1091 = arith.addi %broadcast_in_dim3A_1085, %add3A_1090 : vector<16xi32>
    %select_n3A_1092 = arith.select %lt3A_1088, %add3A_1091, %broadcast_in_dim3A_1085 : vector<16xi1>, vector<16xi32>
    %broadcast_in_dim3A_1093 = vector.shape_cast %select_n3A_1092 : vector<16xi32> to vector<16x1xi32>
    %gather3A_1094 = vector.shape_cast %broadcast_in_dim3A_1093 : vector<16x1xi32> to vector<16xi32>
    %gather3A_1095 = tpu.dynamic_gather %get3A_958[%gather3A_1094] in [0] : vector<16xf32>, vector<16xi32> -> vector<16xf32>
    %broadcast_in_dim3A_1096 = arith.constant 11 : i32
    %broadcast_in_dim3A_1097 = vector.broadcast %broadcast_in_dim3A_1096 : i32 to vector<16xi32>
    %lt3A_1098 = arith.constant 0 : i32
    %lt3A_1099 = vector.broadcast %lt3A_1098 : i32 to vector<16xi32>
    %lt3A_1100 = arith.cmpi slt, %broadcast_in_dim3A_1097, %lt3A_1099 : vector<16xi32>
    %add3A_1101 = arith.constant 16 : i32
    %add3A_1102 = vector.broadcast %add3A_1101 : i32 to vector<16xi32>
    %add3A_1103 = arith.addi %broadcast_in_dim3A_1097, %add3A_1102 : vector<16xi32>
    %select_n3A_1104 = arith.select %lt3A_1100, %add3A_1103, %broadcast_in_dim3A_1097 : vector<16xi1>, vector<16xi32>
    %broadcast_in_dim3A_1105 = vector.shape_cast %select_n3A_1104 : vector<16xi32> to vector<16x1xi32>
    %gather3A_1106 = vector.shape_cast %broadcast_in_dim3A_1105 : vector<16x1xi32> to vector<16xi32>
    %gather3A_1107 = tpu.dynamic_gather %get3A_958[%gather3A_1106] in [0] : vector<16xf32>, vector<16xi32> -> vector<16xf32>
    %broadcast_in_dim3A_1108 = arith.constant 12 : i32
    %broadcast_in_dim3A_1109 = vector.broadcast %broadcast_in_dim3A_1108 : i32 to vector<16xi32>
    %lt3A_1110 = arith.constant 0 : i32
    %lt3A_1111 = vector.broadcast %lt3A_1110 : i32 to vector<16xi32>
    %lt3A_1112 = arith.cmpi slt, %broadcast_in_dim3A_1109, %lt3A_1111 : vector<16xi32>
    %add3A_1113 = arith.constant 16 : i32
    %add3A_1114 = vector.broadcast %add3A_1113 : i32 to vector<16xi32>
    %add3A_1115 = arith.addi %broadcast_in_dim3A_1109, %add3A_1114 : vector<16xi32>
    %select_n3A_1116 = arith.select %lt3A_1112, %add3A_1115, %broadcast_in_dim3A_1109 : vector<16xi1>, vector<16xi32>
    %broadcast_in_dim3A_1117 = vector.shape_cast %select_n3A_1116 : vector<16xi32> to vector<16x1xi32>
    %gather3A_1118 = vector.shape_cast %broadcast_in_dim3A_1117 : vector<16x1xi32> to vector<16xi32>
    %gather3A_1119 = tpu.dynamic_gather %get3A_958[%gather3A_1118] in [0] : vector<16xf32>, vector<16xi32> -> vector<16xf32>
    %broadcast_in_dim3A_1120 = arith.constant 13 : i32
    %broadcast_in_dim3A_1121 = vector.broadcast %broadcast_in_dim3A_1120 : i32 to vector<16xi32>
    %lt3A_1122 = arith.constant 0 : i32
    %lt3A_1123 = vector.broadcast %lt3A_1122 : i32 to vector<16xi32>
    %lt3A_1124 = arith.cmpi slt, %broadcast_in_dim3A_1121, %lt3A_1123 : vector<16xi32>
    %add3A_1125 = arith.constant 16 : i32
    %add3A_1126 = vector.broadcast %add3A_1125 : i32 to vector<16xi32>
    %add3A_1127 = arith.addi %broadcast_in_dim3A_1121, %add3A_1126 : vector<16xi32>
    %select_n3A_1128 = arith.select %lt3A_1124, %add3A_1127, %broadcast_in_dim3A_1121 : vector<16xi1>, vector<16xi32>
    %broadcast_in_dim3A_1129 = vector.shape_cast %select_n3A_1128 : vector<16xi32> to vector<16x1xi32>
    %gather3A_1130 = vector.shape_cast %broadcast_in_dim3A_1129 : vector<16x1xi32> to vector<16xi32>
    %gather3A_1131 = tpu.dynamic_gather %get3A_958[%gather3A_1130] in [0] : vector<16xf32>, vector<16xi32> -> vector<16xf32>
    %broadcast_in_dim3A_1132 = arith.constant 14 : i32
    %broadcast_in_dim3A_1133 = vector.broadcast %broadcast_in_dim3A_1132 : i32 to vector<16xi32>
    %lt3A_1134 = arith.constant 0 : i32
    %lt3A_1135 = vector.broadcast %lt3A_1134 : i32 to vector<16xi32>
    %lt3A_1136 = arith.cmpi slt, %broadcast_in_dim3A_1133, %lt3A_1135 : vector<16xi32>
    %add3A_1137 = arith.constant 16 : i32
    %add3A_1138 = vector.broadcast %add3A_1137 : i32 to vector<16xi32>
    %add3A_1139 = arith.addi %broadcast_in_dim3A_1133, %add3A_1138 : vector<16xi32>
    %select_n3A_1140 = arith.select %lt3A_1136, %add3A_1139, %broadcast_in_dim3A_1133 : vector<16xi1>, vector<16xi32>
    %broadcast_in_dim3A_1141 = vector.shape_cast %select_n3A_1140 : vector<16xi32> to vector<16x1xi32>
    %gather3A_1142 = vector.shape_cast %broadcast_in_dim3A_1141 : vector<16x1xi32> to vector<16xi32>
    %gather3A_1143 = tpu.dynamic_gather %get3A_958[%gather3A_1142] in [0] : vector<16xf32>, vector<16xi32> -> vector<16xf32>
    %broadcast_in_dim3A_1144 = arith.constant 15 : i32
    %broadcast_in_dim3A_1145 = vector.broadcast %broadcast_in_dim3A_1144 : i32 to vector<16xi32>
    %lt3A_1146 = arith.constant 0 : i32
    %lt3A_1147 = vector.broadcast %lt3A_1146 : i32 to vector<16xi32>
    %lt3A_1148 = arith.cmpi slt, %broadcast_in_dim3A_1145, %lt3A_1147 : vector<16xi32>
    %add3A_1149 = arith.constant 16 : i32
    %add3A_1150 = vector.broadcast %add3A_1149 : i32 to vector<16xi32>
    %add3A_1151 = arith.addi %broadcast_in_dim3A_1145, %add3A_1150 : vector<16xi32>
    %select_n3A_1152 = arith.select %lt3A_1148, %add3A_1151, %broadcast_in_dim3A_1145 : vector<16xi1>, vector<16xi32>
    %broadcast_in_dim3A_1153 = vector.shape_cast %select_n3A_1152 : vector<16xi32> to vector<16x1xi32>
    %gather3A_1154 = vector.shape_cast %broadcast_in_dim3A_1153 : vector<16x1xi32> to vector<16xi32>
    %gather3A_1155 = tpu.dynamic_gather %get3A_958[%gather3A_1154] in [0] : vector<16xf32>, vector<16xi32> -> vector<16xf32>
    %broadcast_in_dim3A_1156 = arith.constant 0 : i32
    %broadcast_in_dim3A_1157 = vector.broadcast %broadcast_in_dim3A_1156 : i32 to vector<16xi32>
    %lt3A_1158 = arith.constant 0 : i32
    %lt3A_1159 = vector.broadcast %lt3A_1158 : i32 to vector<16xi32>
    %lt3A_1160 = arith.cmpi slt, %broadcast_in_dim3A_1157, %lt3A_1159 : vector<16xi32>
    %add3A_1161 = arith.constant 16 : i32
    %add3A_1162 = vector.broadcast %add3A_1161 : i32 to vector<16xi32>
    %add3A_1163 = arith.addi %broadcast_in_dim3A_1157, %add3A_1162 : vector<16xi32>
    %select_n3A_1164 = arith.select %lt3A_1160, %add3A_1163, %broadcast_in_dim3A_1157 : vector<16xi1>, vector<16xi32>
    %broadcast_in_dim3A_1165 = vector.shape_cast %select_n3A_1164 : vector<16xi32> to vector<16x1xi32>
    %gather3A_1166 = vector.shape_cast %broadcast_in_dim3A_1165 : vector<16x1xi32> to vector<16xi32>
    %gather3A_1167 = tpu.dynamic_gather %get3A_963[%gather3A_1166] in [0] : vector<16xf32>, vector<16xi32> -> vector<16xf32>
    %broadcast_in_dim3A_1168 = arith.constant 1 : i32
    %broadcast_in_dim3A_1169 = vector.broadcast %broadcast_in_dim3A_1168 : i32 to vector<16xi32>
    %lt3A_1170 = arith.constant 0 : i32
    %lt3A_1171 = vector.broadcast %lt3A_1170 : i32 to vector<16xi32>
    %lt3A_1172 = arith.cmpi slt, %broadcast_in_dim3A_1169, %lt3A_1171 : vector<16xi32>
    %add3A_1173 = arith.constant 16 : i32
    %add3A_1174 = vector.broadcast %add3A_1173 : i32 to vector<16xi32>
    %add3A_1175 = arith.addi %broadcast_in_dim3A_1169, %add3A_1174 : vector<16xi32>
    %select_n3A_1176 = arith.select %lt3A_1172, %add3A_1175, %broadcast_in_dim3A_1169 : vector<16xi1>, vector<16xi32>
    %broadcast_in_dim3A_1177 = vector.shape_cast %select_n3A_1176 : vector<16xi32> to vector<16x1xi32>
    %gather3A_1178 = vector.shape_cast %broadcast_in_dim3A_1177 : vector<16x1xi32> to vector<16xi32>
    %gather3A_1179 = tpu.dynamic_gather %get3A_963[%gather3A_1178] in [0] : vector<16xf32>, vector<16xi32> -> vector<16xf32>
    %broadcast_in_dim3A_1180 = arith.constant 2 : i32
    %broadcast_in_dim3A_1181 = vector.broadcast %broadcast_in_dim3A_1180 : i32 to vector<16xi32>
    %lt3A_1182 = arith.constant 0 : i32
    %lt3A_1183 = vector.broadcast %lt3A_1182 : i32 to vector<16xi32>
    %lt3A_1184 = arith.cmpi slt, %broadcast_in_dim3A_1181, %lt3A_1183 : vector<16xi32>
    %add3A_1185 = arith.constant 16 : i32
    %add3A_1186 = vector.broadcast %add3A_1185 : i32 to vector<16xi32>
    %add3A_1187 = arith.addi %broadcast_in_dim3A_1181, %add3A_1186 : vector<16xi32>
    %select_n3A_1188 = arith.select %lt3A_1184, %add3A_1187, %broadcast_in_dim3A_1181 : vector<16xi1>, vector<16xi32>
    %broadcast_in_dim3A_1189 = vector.shape_cast %select_n3A_1188 : vector<16xi32> to vector<16x1xi32>
    %gather3A_1190 = vector.shape_cast %broadcast_in_dim3A_1189 : vector<16x1xi32> to vector<16xi32>
    %gather3A_1191 = tpu.dynamic_gather %get3A_963[%gather3A_1190] in [0] : vector<16xf32>, vector<16xi32> -> vector<16xf32>
    %broadcast_in_dim3A_1192 = arith.constant 3 : i32
    %broadcast_in_dim3A_1193 = vector.broadcast %broadcast_in_dim3A_1192 : i32 to vector<16xi32>
    %lt3A_1194 = arith.constant 0 : i32
    %lt3A_1195 = vector.broadcast %lt3A_1194 : i32 to vector<16xi32>
    %lt3A_1196 = arith.cmpi slt, %broadcast_in_dim3A_1193, %lt3A_1195 : vector<16xi32>
    %add3A_1197 = arith.constant 16 : i32
    %add3A_1198 = vector.broadcast %add3A_1197 : i32 to vector<16xi32>
    %add3A_1199 = arith.addi %broadcast_in_dim3A_1193, %add3A_1198 : vector<16xi32>
    %select_n3A_1200 = arith.select %lt3A_1196, %add3A_1199, %broadcast_in_dim3A_1193 : vector<16xi1>, vector<16xi32>
    %broadcast_in_dim3A_1201 = vector.shape_cast %select_n3A_1200 : vector<16xi32> to vector<16x1xi32>
    %gather3A_1202 = vector.shape_cast %broadcast_in_dim3A_1201 : vector<16x1xi32> to vector<16xi32>
    %gather3A_1203 = tpu.dynamic_gather %get3A_963[%gather3A_1202] in [0] : vector<16xf32>, vector<16xi32> -> vector<16xf32>
    %broadcast_in_dim3A_1204 = arith.constant 4 : i32
    %broadcast_in_dim3A_1205 = vector.broadcast %broadcast_in_dim3A_1204 : i32 to vector<16xi32>
    %lt3A_1206 = arith.constant 0 : i32
    %lt3A_1207 = vector.broadcast %lt3A_1206 : i32 to vector<16xi32>
    %lt3A_1208 = arith.cmpi slt, %broadcast_in_dim3A_1205, %lt3A_1207 : vector<16xi32>
    %add3A_1209 = arith.constant 16 : i32
    %add3A_1210 = vector.broadcast %add3A_1209 : i32 to vector<16xi32>
    %add3A_1211 = arith.addi %broadcast_in_dim3A_1205, %add3A_1210 : vector<16xi32>
    %select_n3A_1212 = arith.select %lt3A_1208, %add3A_1211, %broadcast_in_dim3A_1205 : vector<16xi1>, vector<16xi32>
    %broadcast_in_dim3A_1213 = vector.shape_cast %select_n3A_1212 : vector<16xi32> to vector<16x1xi32>
    %gather3A_1214 = vector.shape_cast %broadcast_in_dim3A_1213 : vector<16x1xi32> to vector<16xi32>
    %gather3A_1215 = tpu.dynamic_gather %get3A_963[%gather3A_1214] in [0] : vector<16xf32>, vector<16xi32> -> vector<16xf32>
    %broadcast_in_dim3A_1216 = arith.constant 5 : i32
    %broadcast_in_dim3A_1217 = vector.broadcast %broadcast_in_dim3A_1216 : i32 to vector<16xi32>
    %lt3A_1218 = arith.constant 0 : i32
    %lt3A_1219 = vector.broadcast %lt3A_1218 : i32 to vector<16xi32>
    %lt3A_1220 = arith.cmpi slt, %broadcast_in_dim3A_1217, %lt3A_1219 : vector<16xi32>
    %add3A_1221 = arith.constant 16 : i32
    %add3A_1222 = vector.broadcast %add3A_1221 : i32 to vector<16xi32>
    %add3A_1223 = arith.addi %broadcast_in_dim3A_1217, %add3A_1222 : vector<16xi32>
    %select_n3A_1224 = arith.select %lt3A_1220, %add3A_1223, %broadcast_in_dim3A_1217 : vector<16xi1>, vector<16xi32>
    %broadcast_in_dim3A_1225 = vector.shape_cast %select_n3A_1224 : vector<16xi32> to vector<16x1xi32>
    %gather3A_1226 = vector.shape_cast %broadcast_in_dim3A_1225 : vector<16x1xi32> to vector<16xi32>
    %gather3A_1227 = tpu.dynamic_gather %get3A_963[%gather3A_1226] in [0] : vector<16xf32>, vector<16xi32> -> vector<16xf32>
    %broadcast_in_dim3A_1228 = arith.constant 6 : i32
    %broadcast_in_dim3A_1229 = vector.broadcast %broadcast_in_dim3A_1228 : i32 to vector<16xi32>
    %lt3A_1230 = arith.constant 0 : i32
    %lt3A_1231 = vector.broadcast %lt3A_1230 : i32 to vector<16xi32>
    %lt3A_1232 = arith.cmpi slt, %broadcast_in_dim3A_1229, %lt3A_1231 : vector<16xi32>
    %add3A_1233 = arith.constant 16 : i32
    %add3A_1234 = vector.broadcast %add3A_1233 : i32 to vector<16xi32>
    %add3A_1235 = arith.addi %broadcast_in_dim3A_1229, %add3A_1234 : vector<16xi32>
    %select_n3A_1236 = arith.select %lt3A_1232, %add3A_1235, %broadcast_in_dim3A_1229 : vector<16xi1>, vector<16xi32>
    %broadcast_in_dim3A_1237 = vector.shape_cast %select_n3A_1236 : vector<16xi32> to vector<16x1xi32>
    %gather3A_1238 = vector.shape_cast %broadcast_in_dim3A_1237 : vector<16x1xi32> to vector<16xi32>
    %gather3A_1239 = tpu.dynamic_gather %get3A_963[%gather3A_1238] in [0] : vector<16xf32>, vector<16xi32> -> vector<16xf32>
    %broadcast_in_dim3A_1240 = arith.constant 7 : i32
    %broadcast_in_dim3A_1241 = vector.broadcast %broadcast_in_dim3A_1240 : i32 to vector<16xi32>
    %lt3A_1242 = arith.constant 0 : i32
    %lt3A_1243 = vector.broadcast %lt3A_1242 : i32 to vector<16xi32>
    %lt3A_1244 = arith.cmpi slt, %broadcast_in_dim3A_1241, %lt3A_1243 : vector<16xi32>
    %add3A_1245 = arith.constant 16 : i32
    %add3A_1246 = vector.broadcast %add3A_1245 : i32 to vector<16xi32>
    %add3A_1247 = arith.addi %broadcast_in_dim3A_1241, %add3A_1246 : vector<16xi32>
    %select_n3A_1248 = arith.select %lt3A_1244, %add3A_1247, %broadcast_in_dim3A_1241 : vector<16xi1>, vector<16xi32>
    %broadcast_in_dim3A_1249 = vector.shape_cast %select_n3A_1248 : vector<16xi32> to vector<16x1xi32>
    %gather3A_1250 = vector.shape_cast %broadcast_in_dim3A_1249 : vector<16x1xi32> to vector<16xi32>
    %gather3A_1251 = tpu.dynamic_gather %get3A_963[%gather3A_1250] in [0] : vector<16xf32>, vector<16xi32> -> vector<16xf32>
    %broadcast_in_dim3A_1252 = arith.constant 8 : i32
    %broadcast_in_dim3A_1253 = vector.broadcast %broadcast_in_dim3A_1252 : i32 to vector<16xi32>
    %lt3A_1254 = arith.constant 0 : i32
    %lt3A_1255 = vector.broadcast %lt3A_1254 : i32 to vector<16xi32>
    %lt3A_1256 = arith.cmpi slt, %broadcast_in_dim3A_1253, %lt3A_1255 : vector<16xi32>
    %add3A_1257 = arith.constant 16 : i32
    %add3A_1258 = vector.broadcast %add3A_1257 : i32 to vector<16xi32>
    %add3A_1259 = arith.addi %broadcast_in_dim3A_1253, %add3A_1258 : vector<16xi32>
    %select_n3A_1260 = arith.select %lt3A_1256, %add3A_1259, %broadcast_in_dim3A_1253 : vector<16xi1>, vector<16xi32>
    %broadcast_in_dim3A_1261 = vector.shape_cast %select_n3A_1260 : vector<16xi32> to vector<16x1xi32>
    %gather3A_1262 = vector.shape_cast %broadcast_in_dim3A_1261 : vector<16x1xi32> to vector<16xi32>
    %gather3A_1263 = tpu.dynamic_gather %get3A_963[%gather3A_1262] in [0] : vector<16xf32>, vector<16xi32> -> vector<16xf32>
    %broadcast_in_dim3A_1264 = arith.constant 9 : i32
    %broadcast_in_dim3A_1265 = vector.broadcast %broadcast_in_dim3A_1264 : i32 to vector<16xi32>
    %lt3A_1266 = arith.constant 0 : i32
    %lt3A_1267 = vector.broadcast %lt3A_1266 : i32 to vector<16xi32>
    %lt3A_1268 = arith.cmpi slt, %broadcast_in_dim3A_1265, %lt3A_1267 : vector<16xi32>
    %add3A_1269 = arith.constant 16 : i32
    %add3A_1270 = vector.broadcast %add3A_1269 : i32 to vector<16xi32>
    %add3A_1271 = arith.addi %broadcast_in_dim3A_1265, %add3A_1270 : vector<16xi32>
    %select_n3A_1272 = arith.select %lt3A_1268, %add3A_1271, %broadcast_in_dim3A_1265 : vector<16xi1>, vector<16xi32>
    %broadcast_in_dim3A_1273 = vector.shape_cast %select_n3A_1272 : vector<16xi32> to vector<16x1xi32>
    %gather3A_1274 = vector.shape_cast %broadcast_in_dim3A_1273 : vector<16x1xi32> to vector<16xi32>
    %gather3A_1275 = tpu.dynamic_gather %get3A_963[%gather3A_1274] in [0] : vector<16xf32>, vector<16xi32> -> vector<16xf32>
    %broadcast_in_dim3A_1276 = arith.constant 10 : i32
    %broadcast_in_dim3A_1277 = vector.broadcast %broadcast_in_dim3A_1276 : i32 to vector<16xi32>
    %lt3A_1278 = arith.constant 0 : i32
    %lt3A_1279 = vector.broadcast %lt3A_1278 : i32 to vector<16xi32>
    %lt3A_1280 = arith.cmpi slt, %broadcast_in_dim3A_1277, %lt3A_1279 : vector<16xi32>
    %add3A_1281 = arith.constant 16 : i32
    %add3A_1282 = vector.broadcast %add3A_1281 : i32 to vector<16xi32>
    %add3A_1283 = arith.addi %broadcast_in_dim3A_1277, %add3A_1282 : vector<16xi32>
    %select_n3A_1284 = arith.select %lt3A_1280, %add3A_1283, %broadcast_in_dim3A_1277 : vector<16xi1>, vector<16xi32>
    %broadcast_in_dim3A_1285 = vector.shape_cast %select_n3A_1284 : vector<16xi32> to vector<16x1xi32>
    %gather3A_1286 = vector.shape_cast %broadcast_in_dim3A_1285 : vector<16x1xi32> to vector<16xi32>
    %gather3A_1287 = tpu.dynamic_gather %get3A_963[%gather3A_1286] in [0] : vector<16xf32>, vector<16xi32> -> vector<16xf32>
    %broadcast_in_dim3A_1288 = arith.constant 11 : i32
    %broadcast_in_dim3A_1289 = vector.broadcast %broadcast_in_dim3A_1288 : i32 to vector<16xi32>
    %lt3A_1290 = arith.constant 0 : i32
    %lt3A_1291 = vector.broadcast %lt3A_1290 : i32 to vector<16xi32>
    %lt3A_1292 = arith.cmpi slt, %broadcast_in_dim3A_1289, %lt3A_1291 : vector<16xi32>
    %add3A_1293 = arith.constant 16 : i32
    %add3A_1294 = vector.broadcast %add3A_1293 : i32 to vector<16xi32>
    %add3A_1295 = arith.addi %broadcast_in_dim3A_1289, %add3A_1294 : vector<16xi32>
    %select_n3A_1296 = arith.select %lt3A_1292, %add3A_1295, %broadcast_in_dim3A_1289 : vector<16xi1>, vector<16xi32>
    %broadcast_in_dim3A_1297 = vector.shape_cast %select_n3A_1296 : vector<16xi32> to vector<16x1xi32>
    %gather3A_1298 = vector.shape_cast %broadcast_in_dim3A_1297 : vector<16x1xi32> to vector<16xi32>
    %gather3A_1299 = tpu.dynamic_gather %get3A_963[%gather3A_1298] in [0] : vector<16xf32>, vector<16xi32> -> vector<16xf32>
    %broadcast_in_dim3A_1300 = arith.constant 12 : i32
    %broadcast_in_dim3A_1301 = vector.broadcast %broadcast_in_dim3A_1300 : i32 to vector<16xi32>
    %lt3A_1302 = arith.constant 0 : i32
    %lt3A_1303 = vector.broadcast %lt3A_1302 : i32 to vector<16xi32>
    %lt3A_1304 = arith.cmpi slt, %broadcast_in_dim3A_1301, %lt3A_1303 : vector<16xi32>
    %add3A_1305 = arith.constant 16 : i32
    %add3A_1306 = vector.broadcast %add3A_1305 : i32 to vector<16xi32>
    %add3A_1307 = arith.addi %broadcast_in_dim3A_1301, %add3A_1306 : vector<16xi32>
    %select_n3A_1308 = arith.select %lt3A_1304, %add3A_1307, %broadcast_in_dim3A_1301 : vector<16xi1>, vector<16xi32>
    %broadcast_in_dim3A_1309 = vector.shape_cast %select_n3A_1308 : vector<16xi32> to vector<16x1xi32>
    %gather3A_1310 = vector.shape_cast %broadcast_in_dim3A_1309 : vector<16x1xi32> to vector<16xi32>
    %gather3A_1311 = tpu.dynamic_gather %get3A_963[%gather3A_1310] in [0] : vector<16xf32>, vector<16xi32> -> vector<16xf32>
    %broadcast_in_dim3A_1312 = arith.constant 13 : i32
    %broadcast_in_dim3A_1313 = vector.broadcast %broadcast_in_dim3A_1312 : i32 to vector<16xi32>
    %lt3A_1314 = arith.constant 0 : i32
    %lt3A_1315 = vector.broadcast %lt3A_1314 : i32 to vector<16xi32>
    %lt3A_1316 = arith.cmpi slt, %broadcast_in_dim3A_1313, %lt3A_1315 : vector<16xi32>
    %add3A_1317 = arith.constant 16 : i32
    %add3A_1318 = vector.broadcast %add3A_1317 : i32 to vector<16xi32>
    %add3A_1319 = arith.addi %broadcast_in_dim3A_1313, %add3A_1318 : vector<16xi32>
    %select_n3A_1320 = arith.select %lt3A_1316, %add3A_1319, %broadcast_in_dim3A_1313 : vector<16xi1>, vector<16xi32>
    %broadcast_in_dim3A_1321 = vector.shape_cast %select_n3A_1320 : vector<16xi32> to vector<16x1xi32>
    %gather3A_1322 = vector.shape_cast %broadcast_in_dim3A_1321 : vector<16x1xi32> to vector<16xi32>
    %gather3A_1323 = tpu.dynamic_gather %get3A_963[%gather3A_1322] in [0] : vector<16xf32>, vector<16xi32> -> vector<16xf32>
    %broadcast_in_dim3A_1324 = arith.constant 14 : i32
    %broadcast_in_dim3A_1325 = vector.broadcast %broadcast_in_dim3A_1324 : i32 to vector<16xi32>
    %lt3A_1326 = arith.constant 0 : i32
    %lt3A_1327 = vector.broadcast %lt3A_1326 : i32 to vector<16xi32>
    %lt3A_1328 = arith.cmpi slt, %broadcast_in_dim3A_1325, %lt3A_1327 : vector<16xi32>
    %add3A_1329 = arith.constant 16 : i32
    %add3A_1330 = vector.broadcast %add3A_1329 : i32 to vector<16xi32>
    %add3A_1331 = arith.addi %broadcast_in_dim3A_1325, %add3A_1330 : vector<16xi32>
    %select_n3A_1332 = arith.select %lt3A_1328, %add3A_1331, %broadcast_in_dim3A_1325 : vector<16xi1>, vector<16xi32>
    %broadcast_in_dim3A_1333 = vector.shape_cast %select_n3A_1332 : vector<16xi32> to vector<16x1xi32>
    %gather3A_1334 = vector.shape_cast %broadcast_in_dim3A_1333 : vector<16x1xi32> to vector<16xi32>
    %gather3A_1335 = tpu.dynamic_gather %get3A_963[%gather3A_1334] in [0] : vector<16xf32>, vector<16xi32> -> vector<16xf32>
    %broadcast_in_dim3A_1336 = arith.constant 15 : i32
    %broadcast_in_dim3A_1337 = vector.broadcast %broadcast_in_dim3A_1336 : i32 to vector<16xi32>
    %lt3A_1338 = arith.constant 0 : i32
    %lt3A_1339 = vector.broadcast %lt3A_1338 : i32 to vector<16xi32>
    %lt3A_1340 = arith.cmpi slt, %broadcast_in_dim3A_1337, %lt3A_1339 : vector<16xi32>
    %add3A_1341 = arith.constant 16 : i32
    %add3A_1342 = vector.broadcast %add3A_1341 : i32 to vector<16xi32>
    %add3A_1343 = arith.addi %broadcast_in_dim3A_1337, %add3A_1342 : vector<16xi32>
    %select_n3A_1344 = arith.select %lt3A_1340, %add3A_1343, %broadcast_in_dim3A_1337 : vector<16xi1>, vector<16xi32>
    %broadcast_in_dim3A_1345 = vector.shape_cast %select_n3A_1344 : vector<16xi32> to vector<16x1xi32>
    %gather3A_1346 = vector.shape_cast %broadcast_in_dim3A_1345 : vector<16x1xi32> to vector<16xi32>
    %gather3A_1347 = tpu.dynamic_gather %get3A_963[%gather3A_1346] in [0] : vector<16xf32>, vector<16xi32> -> vector<16xf32>
    %scan3A_1348 = arith.constant 0 : i32
    %scan3A_1349 = arith.constant 0 : i32
    %scan3A_1350 = arith.constant 64 : i32
    %scan3A_1351 = arith.addi %scan3A_1349, %scan3A_1350 : i32
    %scan3A_1352 = arith.constant 1 : i32
    %scan3A_1353 = scf.for %scan3A_1790 = %scan3A_1349 to %scan3A_1351 step %scan3A_1352 iter_args(%scan3A_1791 = %scan3A_1348) -> (i32)  : i32 {
      %mul3A_1792 = arith.constant 16 : i32
      %mul3A_1793 = arith.muli %scan3A_1790, %mul3A_1792 : i32
      %get3A_1794 = arith.constant 0 : i32
      %get3A_1795 = arith.index_cast %get3A_1794 : i32 to index
      %get3A_1796 = arith.index_cast %mul3A_1793 : i32 to index
      %get3A_1797 = tpu.vector_load %arg10[%get3A_1795, %get3A_1796] {strides = array<i32>} : memref<16x1024xf32, #tpu.memory_space<vmem>>, vector<1x16xf32>,
      %get3A_1798 = vector.shape_cast %get3A_1797 : vector<1x16xf32> to vector<16xf32>
      %mul3A_1799 = arith.mulf %gather3A_975, %get3A_1798 : vector<16xf32>
      %get3A_1800 = arith.constant 0 : i32
      %get3A_1801 = arith.index_cast %get3A_1800 : i32 to index
      %get3A_1802 = arith.index_cast %mul3A_1793 : i32 to index
      %get3A_1803 = tpu.vector_load %arg12[%get3A_1801, %get3A_1802] {strides = array<i32>} : memref<16x1024xf32, #tpu.memory_space<vmem>>, vector<1x16xf32>,
      %get3A_1804 = vector.shape_cast %get3A_1803 : vector<1x16xf32> to vector<16xf32>
      %mul3A_1805 = arith.mulf %gather3A_1167, %get3A_1804 : vector<16xf32>
      %add3A_1806 = arith.addf %mul3A_1799, %mul3A_1805 : vector<16xf32>
      %swap3A = arith.constant 0 : i32
      %swap3A_1807 = arith.index_cast %swap3A : i32 to index
      %swap3A_1808 = arith.index_cast %mul3A_1793 : i32 to index
      %swap3A_1809 = tpu.vector_load %arg10[%swap3A_1807, %swap3A_1808] {strides = array<i32>} : memref<16x1024xf32, #tpu.memory_space<vmem>>, vector<1x16xf32>,
      %swap3A_1810 = vector.shape_cast %swap3A_1809 : vector<1x16xf32> to vector<16xf32>
      %swap3A_1811 = vector.shape_cast %add3A_1806 : vector<16xf32> to vector<1x16xf32>
      tpu.vector_store %arg10[%swap3A_1807, %swap3A_1808], %swap3A_1811 {strides = array<i32>} : memref<16x1024xf32, #tpu.memory_space<vmem>>, vector<1x16xf32>,
      %mul3A_1812 = arith.constant 16 : i32
      %mul3A_1813 = arith.muli %scan3A_1790, %mul3A_1812 : i32
      %get3A_1814 = arith.constant 1 : i32
      %get3A_1815 = arith.index_cast %get3A_1814 : i32 to index
      %get3A_1816 = arith.index_cast %mul3A_1813 : i32 to index
      %get3A_1817 = tpu.vector_load %arg10[%get3A_1815, %get3A_1816] {strides = array<i32>} : memref<16x1024xf32, #tpu.memory_space<vmem>>, vector<1x16xf32>,
      %get3A_1818 = vector.shape_cast %get3A_1817 : vector<1x16xf32> to vector<16xf32>
      %mul3A_1819 = arith.mulf %gather3A_987, %get3A_1818 : vector<16xf32>
      %get3A_1820 = arith.constant 1 : i32
      %get3A_1821 = arith.index_cast %get3A_1820 : i32 to index
      %get3A_1822 = arith.index_cast %mul3A_1813 : i32 to index
      %get3A_1823 = tpu.vector_load %arg12[%get3A_1821, %get3A_1822] {strides = array<i32>} : memref<16x1024xf32, #tpu.memory_space<vmem>>, vector<1x16xf32>,
      %get3A_1824 = vector.shape_cast %get3A_1823 : vector<1x16xf32> to vector<16xf32>
      %mul3A_1825 = arith.mulf %gather3A_1179, %get3A_1824 : vector<16xf32>
      %add3A_1826 = arith.addf %mul3A_1819, %mul3A_1825 : vector<16xf32>
      %swap3A_1827 = arith.constant 1 : i32
      %swap3A_1828 = arith.index_cast %swap3A_1827 : i32 to index
      %swap3A_1829 = arith.index_cast %mul3A_1813 : i32 to index
      %swap3A_1830 = tpu.vector_load %arg10[%swap3A_1828, %swap3A_1829] {strides = array<i32>} : memref<16x1024xf32, #tpu.memory_space<vmem>>, vector<1x16xf32>,
      %swap3A_1831 = vector.shape_cast %swap3A_1830 : vector<1x16xf32> to vector<16xf32>
      %swap3A_1832 = vector.shape_cast %add3A_1826 : vector<16xf32> to vector<1x16xf32>
      tpu.vector_store %arg10[%swap3A_1828, %swap3A_1829], %swap3A_1832 {strides = array<i32>} : memref<16x1024xf32, #tpu.memory_space<vmem>>, vector<1x16xf32>,
      %mul3A_1833 = arith.constant 16 : i32
      %mul3A_1834 = arith.muli %scan3A_1790, %mul3A_1833 : i32
      %get3A_1835 = arith.constant 2 : i32
      %get3A_1836 = arith.index_cast %get3A_1835 : i32 to index
      %get3A_1837 = arith.index_cast %mul3A_1834 : i32 to index
      %get3A_1838 = tpu.vector_load %arg10[%get3A_1836, %get3A_1837] {strides = array<i32>} : memref<16x1024xf32, #tpu.memory_space<vmem>>, vector<1x16xf32>,
      %get3A_1839 = vector.shape_cast %get3A_1838 : vector<1x16xf32> to vector<16xf32>
      %mul3A_1840 = arith.mulf %gather3A_999, %get3A_1839 : vector<16xf32>
      %get3A_1841 = arith.constant 2 : i32
      %get3A_1842 = arith.index_cast %get3A_1841 : i32 to index
      %get3A_1843 = arith.index_cast %mul3A_1834 : i32 to index
      %get3A_1844 = tpu.vector_load %arg12[%get3A_1842, %get3A_1843] {strides = array<i32>} : memref<16x1024xf32, #tpu.memory_space<vmem>>, vector<1x16xf32>,
      %get3A_1845 = vector.shape_cast %get3A_1844 : vector<1x16xf32> to vector<16xf32>
      %mul3A_1846 = arith.mulf %gather3A_1191, %get3A_1845 : vector<16xf32>
      %add3A_1847 = arith.addf %mul3A_1840, %mul3A_1846 : vector<16xf32>
      %swap3A_1848 = arith.constant 2 : i32
      %swap3A_1849 = arith.index_cast %swap3A_1848 : i32 to index
      %swap3A_1850 = arith.index_cast %mul3A_1834 : i32 to index
      %swap3A_1851 = tpu.vector_load %arg10[%swap3A_1849, %swap3A_1850] {strides = array<i32>} : memref<16x1024xf32, #tpu.memory_space<vmem>>, vector<1x16xf32>,
      %swap3A_1852 = vector.shape_cast %swap3A_1851 : vector<1x16xf32> to vector<16xf32>
      %swap3A_1853 = vector.shape_cast %add3A_1847 : vector<16xf32> to vector<1x16xf32>
      tpu.vector_store %arg10[%swap3A_1849, %swap3A_1850], %swap3A_1853 {strides = array<i32>} : memref<16x1024xf32, #tpu.memory_space<vmem>>, vector<1x16xf32>,
      %mul3A_1854 = arith.constant 16 : i32
      %mul3A_1855 = arith.muli %scan3A_1790, %mul3A_1854 : i32
      %get3A_1856 = arith.constant 3 : i32
      %get3A_1857 = arith.index_cast %get3A_1856 : i32 to index
      %get3A_1858 = arith.index_cast %mul3A_1855 : i32 to index
      %get3A_1859 = tpu.vector_load %arg10[%get3A_1857, %get3A_1858] {strides = array<i32>} : memref<16x1024xf32, #tpu.memory_space<vmem>>, vector<1x16xf32>,
      %get3A_1860 = vector.shape_cast %get3A_1859 : vector<1x16xf32> to vector<16xf32>
      %mul3A_1861 = arith.mulf %gather3A_1011, %get3A_1860 : vector<16xf32>
      %get3A_1862 = arith.constant 3 : i32
      %get3A_1863 = arith.index_cast %get3A_1862 : i32 to index
      %get3A_1864 = arith.index_cast %mul3A_1855 : i32 to index
      %get3A_1865 = tpu.vector_load %arg12[%get3A_1863, %get3A_1864] {strides = array<i32>} : memref<16x1024xf32, #tpu.memory_space<vmem>>, vector<1x16xf32>,
      %get3A_1866 = vector.shape_cast %get3A_1865 : vector<1x16xf32> to vector<16xf32>
      %mul3A_1867 = arith.mulf %gather3A_1203, %get3A_1866 : vector<16xf32>
      %add3A_1868 = arith.addf %mul3A_1861, %mul3A_1867 : vector<16xf32>
      %swap3A_1869 = arith.constant 3 : i32
      %swap3A_1870 = arith.index_cast %swap3A_1869 : i32 to index
      %swap3A_1871 = arith.index_cast %mul3A_1855 : i32 to index
      %swap3A_1872 = tpu.vector_load %arg10[%swap3A_1870, %swap3A_1871] {strides = array<i32>} : memref<16x1024xf32, #tpu.memory_space<vmem>>, vector<1x16xf32>,
      %swap3A_1873 = vector.shape_cast %swap3A_1872 : vector<1x16xf32> to vector<16xf32>
      %swap3A_1874 = vector.shape_cast %add3A_1868 : vector<16xf32> to vector<1x16xf32>
      tpu.vector_store %arg10[%swap3A_1870, %swap3A_1871], %swap3A_1874 {strides = array<i32>} : memref<16x1024xf32, #tpu.memory_space<vmem>>, vector<1x16xf32>,
      %mul3A_1875 = arith.constant 16 : i32
      %mul3A_1876 = arith.muli %scan3A_1790, %mul3A_1875 : i32
      %get3A_1877 = arith.constant 4 : i32
      %get3A_1878 = arith.index_cast %get3A_1877 : i32 to index
      %get3A_1879 = arith.index_cast %mul3A_1876 : i32 to index
      %get3A_1880 = tpu.vector_load %arg10[%get3A_1878, %get3A_1879] {strides = array<i32>} : memref<16x1024xf32, #tpu.memory_space<vmem>>, vector<1x16xf32>,
      %get3A_1881 = vector.shape_cast %get3A_1880 : vector<1x16xf32> to vector<16xf32>
      %mul3A_1882 = arith.mulf %gather3A_1023, %get3A_1881 : vector<16xf32>
      %get3A_1883 = arith.constant 4 : i32
      %get3A_1884 = arith.index_cast %get3A_1883 : i32 to index
      %get3A_1885 = arith.index_cast %mul3A_1876 : i32 to index
      %get3A_1886 = tpu.vector_load %arg12[%get3A_1884, %get3A_1885] {strides = array<i32>} : memref<16x1024xf32, #tpu.memory_space<vmem>>, vector<1x16xf32>,
      %get3A_1887 = vector.shape_cast %get3A_1886 : vector<1x16xf32> to vector<16xf32>
      %mul3A_1888 = arith.mulf %gather3A_1215, %get3A_1887 : vector<16xf32>
      %add3A_1889 = arith.addf %mul3A_1882, %mul3A_1888 : vector<16xf32>
      %swap3A_1890 = arith.constant 4 : i32
      %swap3A_1891 = arith.index_cast %swap3A_1890 : i32 to index
      %swap3A_1892 = arith.index_cast %mul3A_1876 : i32 to index
      %swap3A_1893 = tpu.vector_load %arg10[%swap3A_1891, %swap3A_1892] {strides = array<i32>} : memref<16x1024xf32, #tpu.memory_space<vmem>>, vector<1x16xf32>,
      %swap3A_1894 = vector.shape_cast %swap3A_1893 : vector<1x16xf32> to vector<16xf32>
      %swap3A_1895 = vector.shape_cast %add3A_1889 : vector<16xf32> to vector<1x16xf32>
      tpu.vector_store %arg10[%swap3A_1891, %swap3A_1892], %swap3A_1895 {strides = array<i32>} : memref<16x1024xf32, #tpu.memory_space<vmem>>, vector<1x16xf32>,
      %mul3A_1896 = arith.constant 16 : i32
      %mul3A_1897 = arith.muli %scan3A_1790, %mul3A_1896 : i32
      %get3A_1898 = arith.constant 5 : i32
      %get3A_1899 = arith.index_cast %get3A_1898 : i32 to index
      %get3A_1900 = arith.index_cast %mul3A_1897 : i32 to index
      %get3A_1901 = tpu.vector_load %arg10[%get3A_1899, %get3A_1900] {strides = array<i32>} : memref<16x1024xf32, #tpu.memory_space<vmem>>, vector<1x16xf32>,
      %get3A_1902 = vector.shape_cast %get3A_1901 : vector<1x16xf32> to vector<16xf32>
      %mul3A_1903 = arith.mulf %gather3A_1035, %get3A_1902 : vector<16xf32>
      %get3A_1904 = arith.constant 5 : i32
      %get3A_1905 = arith.index_cast %get3A_1904 : i32 to index
      %get3A_1906 = arith.index_cast %mul3A_1897 : i32 to index
      %get3A_1907 = tpu.vector_load %arg12[%get3A_1905, %get3A_1906] {strides = array<i32>} : memref<16x1024xf32, #tpu.memory_space<vmem>>, vector<1x16xf32>,
      %get3A_1908 = vector.shape_cast %get3A_1907 : vector<1x16xf32> to vector<16xf32>
      %mul3A_1909 = arith.mulf %gather3A_1227, %get3A_1908 : vector<16xf32>
      %add3A_1910 = arith.addf %mul3A_1903, %mul3A_1909 : vector<16xf32>
      %swap3A_1911 = arith.constant 5 : i32
      %swap3A_1912 = arith.index_cast %swap3A_1911 : i32 to index
      %swap3A_1913 = arith.index_cast %mul3A_1897 : i32 to index
      %swap3A_1914 = tpu.vector_load %arg10[%swap3A_1912, %swap3A_1913] {strides = array<i32>} : memref<16x1024xf32, #tpu.memory_space<vmem>>, vector<1x16xf32>,
      %swap3A_1915 = vector.shape_cast %swap3A_1914 : vector<1x16xf32> to vector<16xf32>
      %swap3A_1916 = vector.shape_cast %add3A_1910 : vector<16xf32> to vector<1x16xf32>
      tpu.vector_store %arg10[%swap3A_1912, %swap3A_1913], %swap3A_1916 {strides = array<i32>} : memref<16x1024xf32, #tpu.memory_space<vmem>>, vector<1x16xf32>,
      %mul3A_1917 = arith.constant 16 : i32
      %mul3A_1918 = arith.muli %scan3A_1790, %mul3A_1917 : i32
      %get3A_1919 = arith.constant 6 : i32
      %get3A_1920 = arith.index_cast %get3A_1919 : i32 to index
      %get3A_1921 = arith.index_cast %mul3A_1918 : i32 to index
      %get3A_1922 = tpu.vector_load %arg10[%get3A_1920, %get3A_1921] {strides = array<i32>} : memref<16x1024xf32, #tpu.memory_space<vmem>>, vector<1x16xf32>,
      %get3A_1923 = vector.shape_cast %get3A_1922 : vector<1x16xf32> to vector<16xf32>
      %mul3A_1924 = arith.mulf %gather3A_1047, %get3A_1923 : vector<16xf32>
      %get3A_1925 = arith.constant 6 : i32
      %get3A_1926 = arith.index_cast %get3A_1925 : i32 to index
      %get3A_1927 = arith.index_cast %mul3A_1918 : i32 to index
      %get3A_1928 = tpu.vector_load %arg12[%get3A_1926, %get3A_1927] {strides = array<i32>} : memref<16x1024xf32, #tpu.memory_space<vmem>>, vector<1x16xf32>,
      %get3A_1929 = vector.shape_cast %get3A_1928 : vector<1x16xf32> to vector<16xf32>
      %mul3A_1930 = arith.mulf %gather3A_1239, %get3A_1929 : vector<16xf32>
      %add3A_1931 = arith.addf %mul3A_1924, %mul3A_1930 : vector<16xf32>
      %swap3A_1932 = arith.constant 6 : i32
      %swap3A_1933 = arith.index_cast %swap3A_1932 : i32 to index
      %swap3A_1934 = arith.index_cast %mul3A_1918 : i32 to index
      %swap3A_1935 = tpu.vector_load %arg10[%swap3A_1933, %swap3A_1934] {strides = array<i32>} : memref<16x1024xf32, #tpu.memory_space<vmem>>, vector<1x16xf32>,
      %swap3A_1936 = vector.shape_cast %swap3A_1935 : vector<1x16xf32> to vector<16xf32>
      %swap3A_1937 = vector.shape_cast %add3A_1931 : vector<16xf32> to vector<1x16xf32>
      tpu.vector_store %arg10[%swap3A_1933, %swap3A_1934], %swap3A_1937 {strides = array<i32>} : memref<16x1024xf32, #tpu.memory_space<vmem>>, vector<1x16xf32>,
      %mul3A_1938 = arith.constant 16 : i32
      %mul3A_1939 = arith.muli %scan3A_1790, %mul3A_1938 : i32
      %get3A_1940 = arith.constant 7 : i32
      %get3A_1941 = arith.index_cast %get3A_1940 : i32 to index
      %get3A_1942 = arith.index_cast %mul3A_1939 : i32 to index
      %get3A_1943 = tpu.vector_load %arg10[%get3A_1941, %get3A_1942] {strides = array<i32>} : memref<16x1024xf32, #tpu.memory_space<vmem>>, vector<1x16xf32>,
      %get3A_1944 = vector.shape_cast %get3A_1943 : vector<1x16xf32> to vector<16xf32>
      %mul3A_1945 = arith.mulf %gather3A_1059, %get3A_1944 : vector<16xf32>
      %get3A_1946 = arith.constant 7 : i32
      %get3A_1947 = arith.index_cast %get3A_1946 : i32 to index
      %get3A_1948 = arith.index_cast %mul3A_1939 : i32 to index
      %get3A_1949 = tpu.vector_load %arg12[%get3A_1947, %get3A_1948] {strides = array<i32>} : memref<16x1024xf32, #tpu.memory_space<vmem>>, vector<1x16xf32>,
      %get3A_1950 = vector.shape_cast %get3A_1949 : vector<1x16xf32> to vector<16xf32>
      %mul3A_1951 = arith.mulf %gather3A_1251, %get3A_1950 : vector<16xf32>
      %add3A_1952 = arith.addf %mul3A_1945, %mul3A_1951 : vector<16xf32>
      %swap3A_1953 = arith.constant 7 : i32
      %swap3A_1954 = arith.index_cast %swap3A_1953 : i32 to index
      %swap3A_1955 = arith.index_cast %mul3A_1939 : i32 to index
      %swap3A_1956 = tpu.vector_load %arg10[%swap3A_1954, %swap3A_1955] {strides = array<i32>} : memref<16x1024xf32, #tpu.memory_space<vmem>>, vector<1x16xf32>,
      %swap3A_1957 = vector.shape_cast %swap3A_1956 : vector<1x16xf32> to vector<16xf32>
      %swap3A_1958 = vector.shape_cast %add3A_1952 : vector<16xf32> to vector<1x16xf32>
      tpu.vector_store %arg10[%swap3A_1954, %swap3A_1955], %swap3A_1958 {strides = array<i32>} : memref<16x1024xf32, #tpu.memory_space<vmem>>, vector<1x16xf32>,
      %mul3A_1959 = arith.constant 16 : i32
      %mul3A_1960 = arith.muli %scan3A_1790, %mul3A_1959 : i32
      %get3A_1961 = arith.constant 8 : i32
      %get3A_1962 = arith.index_cast %get3A_1961 : i32 to index
      %get3A_1963 = arith.index_cast %mul3A_1960 : i32 to index
      %get3A_1964 = tpu.vector_load %arg10[%get3A_1962, %get3A_1963] {strides = array<i32>} : memref<16x1024xf32, #tpu.memory_space<vmem>>, vector<1x16xf32>,
      %get3A_1965 = vector.shape_cast %get3A_1964 : vector<1x16xf32> to vector<16xf32>
      %mul3A_1966 = arith.mulf %gather3A_1071, %get3A_1965 : vector<16xf32>
      %get3A_1967 = arith.constant 8 : i32
      %get3A_1968 = arith.index_cast %get3A_1967 : i32 to index
      %get3A_1969 = arith.index_cast %mul3A_1960 : i32 to index
      %get3A_1970 = tpu.vector_load %arg12[%get3A_1968, %get3A_1969] {strides = array<i32>} : memref<16x1024xf32, #tpu.memory_space<vmem>>, vector<1x16xf32>,
      %get3A_1971 = vector.shape_cast %get3A_1970 : vector<1x16xf32> to vector<16xf32>
      %mul3A_1972 = arith.mulf %gather3A_1263, %get3A_1971 : vector<16xf32>
      %add3A_1973 = arith.addf %mul3A_1966, %mul3A_1972 : vector<16xf32>
      %swap3A_1974 = arith.constant 8 : i32
      %swap3A_1975 = arith.index_cast %swap3A_1974 : i32 to index
      %swap3A_1976 = arith.index_cast %mul3A_1960 : i32 to index
      %swap3A_1977 = tpu.vector_load %arg10[%swap3A_1975, %swap3A_1976] {strides = array<i32>} : memref<16x1024xf32, #tpu.memory_space<vmem>>, vector<1x16xf32>,
      %swap3A_1978 = vector.shape_cast %swap3A_1977 : vector<1x16xf32> to vector<16xf32>
      %swap3A_1979 = vector.shape_cast %add3A_1973 : vector<16xf32> to vector<1x16xf32>
      tpu.vector_store %arg10[%swap3A_1975, %swap3A_1976], %swap3A_1979 {strides = array<i32>} : memref<16x1024xf32, #tpu.memory_space<vmem>>, vector<1x16xf32>,
      %mul3A_1980 = arith.constant 16 : i32
      %mul3A_1981 = arith.muli %scan3A_1790, %mul3A_1980 : i32
      %get3A_1982 = arith.constant 9 : i32
      %get3A_1983 = arith.index_cast %get3A_1982 : i32 to index
      %get3A_1984 = arith.index_cast %mul3A_1981 : i32 to index
      %get3A_1985 = tpu.vector_load %arg10[%get3A_1983, %get3A_1984] {strides = array<i32>} : memref<16x1024xf32, #tpu.memory_space<vmem>>, vector<1x16xf32>,
      %get3A_1986 = vector.shape_cast %get3A_1985 : vector<1x16xf32> to vector<16xf32>
      %mul3A_1987 = arith.mulf %gather3A_1083, %get3A_1986 : vector<16xf32>
      %get3A_1988 = arith.constant 9 : i32
      %get3A_1989 = arith.index_cast %get3A_1988 : i32 to index
      %get3A_1990 = arith.index_cast %mul3A_1981 : i32 to index
      %get3A_1991 = tpu.vector_load %arg12[%get3A_1989, %get3A_1990] {strides = array<i32>} : memref<16x1024xf32, #tpu.memory_space<vmem>>, vector<1x16xf32>,
      %get3A_1992 = vector.shape_cast %get3A_1991 : vector<1x16xf32> to vector<16xf32>
      %mul3A_1993 = arith.mulf %gather3A_1275, %get3A_1992 : vector<16xf32>
      %add3A_1994 = arith.addf %mul3A_1987, %mul3A_1993 : vector<16xf32>
      %swap3A_1995 = arith.constant 9 : i32
      %swap3A_1996 = arith.index_cast %swap3A_1995 : i32 to index
      %swap3A_1997 = arith.index_cast %mul3A_1981 : i32 to index
      %swap3A_1998 = tpu.vector_load %arg10[%swap3A_1996, %swap3A_1997] {strides = array<i32>} : memref<16x1024xf32, #tpu.memory_space<vmem>>, vector<1x16xf32>,
      %swap3A_1999 = vector.shape_cast %swap3A_1998 : vector<1x16xf32> to vector<16xf32>
      %swap3A_2000 = vector.shape_cast %add3A_1994 : vector<16xf32> to vector<1x16xf32>
      tpu.vector_store %arg10[%swap3A_1996, %swap3A_1997], %swap3A_2000 {strides = array<i32>} : memref<16x1024xf32, #tpu.memory_space<vmem>>, vector<1x16xf32>,
      %mul3A_2001 = arith.constant 16 : i32
      %mul3A_2002 = arith.muli %scan3A_1790, %mul3A_2001 : i32
      %get3A_2003 = arith.constant 10 : i32
      %get3A_2004 = arith.index_cast %get3A_2003 : i32 to index
      %get3A_2005 = arith.index_cast %mul3A_2002 : i32 to index
      %get3A_2006 = tpu.vector_load %arg10[%get3A_2004, %get3A_2005] {strides = array<i32>} : memref<16x1024xf32, #tpu.memory_space<vmem>>, vector<1x16xf32>,
      %get3A_2007 = vector.shape_cast %get3A_2006 : vector<1x16xf32> to vector<16xf32>
      %mul3A_2008 = arith.mulf %gather3A_1095, %get3A_2007 : vector<16xf32>
      %get3A_2009 = arith.constant 10 : i32
      %get3A_2010 = arith.index_cast %get3A_2009 : i32 to index
      %get3A_2011 = arith.index_cast %mul3A_2002 : i32 to index
      %get3A_2012 = tpu.vector_load %arg12[%get3A_2010, %get3A_2011] {strides = array<i32>} : memref<16x1024xf32, #tpu.memory_space<vmem>>, vector<1x16xf32>,
      %get3A_2013 = vector.shape_cast %get3A_2012 : vector<1x16xf32> to vector<16xf32>
      %mul3A_2014 = arith.mulf %gather3A_1287, %get3A_2013 : vector<16xf32>
      %add3A_2015 = arith.addf %mul3A_2008, %mul3A_2014 : vector<16xf32>
      %swap3A_2016 = arith.constant 10 : i32
      %swap3A_2017 = arith.index_cast %swap3A_2016 : i32 to index
      %swap3A_2018 = arith.index_cast %mul3A_2002 : i32 to index
      %swap3A_2019 = tpu.vector_load %arg10[%swap3A_2017, %swap3A_2018] {strides = array<i32>} : memref<16x1024xf32, #tpu.memory_space<vmem>>, vector<1x16xf32>,
      %swap3A_2020 = vector.shape_cast %swap3A_2019 : vector<1x16xf32> to vector<16xf32>
      %swap3A_2021 = vector.shape_cast %add3A_2015 : vector<16xf32> to vector<1x16xf32>
      tpu.vector_store %arg10[%swap3A_2017, %swap3A_2018], %swap3A_2021 {strides = array<i32>} : memref<16x1024xf32, #tpu.memory_space<vmem>>, vector<1x16xf32>,
      %mul3A_2022 = arith.constant 16 : i32
      %mul3A_2023 = arith.muli %scan3A_1790, %mul3A_2022 : i32
      %get3A_2024 = arith.constant 11 : i32
      %get3A_2025 = arith.index_cast %get3A_2024 : i32 to index
      %get3A_2026 = arith.index_cast %mul3A_2023 : i32 to index
      %get3A_2027 = tpu.vector_load %arg10[%get3A_2025, %get3A_2026] {strides = array<i32>} : memref<16x1024xf32, #tpu.memory_space<vmem>>, vector<1x16xf32>,
      %get3A_2028 = vector.shape_cast %get3A_2027 : vector<1x16xf32> to vector<16xf32>
      %mul3A_2029 = arith.mulf %gather3A_1107, %get3A_2028 : vector<16xf32>
      %get3A_2030 = arith.constant 11 : i32
      %get3A_2031 = arith.index_cast %get3A_2030 : i32 to index
      %get3A_2032 = arith.index_cast %mul3A_2023 : i32 to index
      %get3A_2033 = tpu.vector_load %arg12[%get3A_2031, %get3A_2032] {strides = array<i32>} : memref<16x1024xf32, #tpu.memory_space<vmem>>, vector<1x16xf32>,
      %get3A_2034 = vector.shape_cast %get3A_2033 : vector<1x16xf32> to vector<16xf32>
      %mul3A_2035 = arith.mulf %gather3A_1299, %get3A_2034 : vector<16xf32>
      %add3A_2036 = arith.addf %mul3A_2029, %mul3A_2035 : vector<16xf32>
      %swap3A_2037 = arith.constant 11 : i32
      %swap3A_2038 = arith.index_cast %swap3A_2037 : i32 to index
      %swap3A_2039 = arith.index_cast %mul3A_2023 : i32 to index
      %swap3A_2040 = tpu.vector_load %arg10[%swap3A_2038, %swap3A_2039] {strides = array<i32>} : memref<16x1024xf32, #tpu.memory_space<vmem>>, vector<1x16xf32>,
      %swap3A_2041 = vector.shape_cast %swap3A_2040 : vector<1x16xf32> to vector<16xf32>
      %swap3A_2042 = vector.shape_cast %add3A_2036 : vector<16xf32> to vector<1x16xf32>
      tpu.vector_store %arg10[%swap3A_2038, %swap3A_2039], %swap3A_2042 {strides = array<i32>} : memref<16x1024xf32, #tpu.memory_space<vmem>>, vector<1x16xf32>,
      %mul3A_2043 = arith.constant 16 : i32
      %mul3A_2044 = arith.muli %scan3A_1790, %mul3A_2043 : i32
      %get3A_2045 = arith.constant 12 : i32
      %get3A_2046 = arith.index_cast %get3A_2045 : i32 to index
      %get3A_2047 = arith.index_cast %mul3A_2044 : i32 to index
      %get3A_2048 = tpu.vector_load %arg10[%get3A_2046, %get3A_2047] {strides = array<i32>} : memref<16x1024xf32, #tpu.memory_space<vmem>>, vector<1x16xf32>,
      %get3A_2049 = vector.shape_cast %get3A_2048 : vector<1x16xf32> to vector<16xf32>
      %mul3A_2050 = arith.mulf %gather3A_1119, %get3A_2049 : vector<16xf32>
      %get3A_2051 = arith.constant 12 : i32
      %get3A_2052 = arith.index_cast %get3A_2051 : i32 to index
      %get3A_2053 = arith.index_cast %mul3A_2044 : i32 to index
      %get3A_2054 = tpu.vector_load %arg12[%get3A_2052, %get3A_2053] {strides = array<i32>} : memref<16x1024xf32, #tpu.memory_space<vmem>>, vector<1x16xf32>,
      %get3A_2055 = vector.shape_cast %get3A_2054 : vector<1x16xf32> to vector<16xf32>
      %mul3A_2056 = arith.mulf %gather3A_1311, %get3A_2055 : vector<16xf32>
      %add3A_2057 = arith.addf %mul3A_2050, %mul3A_2056 : vector<16xf32>
      %swap3A_2058 = arith.constant 12 : i32
      %swap3A_2059 = arith.index_cast %swap3A_2058 : i32 to index
      %swap3A_2060 = arith.index_cast %mul3A_2044 : i32 to index
      %swap3A_2061 = tpu.vector_load %arg10[%swap3A_2059, %swap3A_2060] {strides = array<i32>} : memref<16x1024xf32, #tpu.memory_space<vmem>>, vector<1x16xf32>,
      %swap3A_2062 = vector.shape_cast %swap3A_2061 : vector<1x16xf32> to vector<16xf32>
      %swap3A_2063 = vector.shape_cast %add3A_2057 : vector<16xf32> to vector<1x16xf32>
      tpu.vector_store %arg10[%swap3A_2059, %swap3A_2060], %swap3A_2063 {strides = array<i32>} : memref<16x1024xf32, #tpu.memory_space<vmem>>, vector<1x16xf32>,
      %mul3A_2064 = arith.constant 16 : i32
      %mul3A_2065 = arith.muli %scan3A_1790, %mul3A_2064 : i32
      %get3A_2066 = arith.constant 13 : i32
      %get3A_2067 = arith.index_cast %get3A_2066 : i32 to index
      %get3A_2068 = arith.index_cast %mul3A_2065 : i32 to index
      %get3A_2069 = tpu.vector_load %arg10[%get3A_2067, %get3A_2068] {strides = array<i32>} : memref<16x1024xf32, #tpu.memory_space<vmem>>, vector<1x16xf32>,
      %get3A_2070 = vector.shape_cast %get3A_2069 : vector<1x16xf32> to vector<16xf32>
      %mul3A_2071 = arith.mulf %gather3A_1131, %get3A_2070 : vector<16xf32>
      %get3A_2072 = arith.constant 13 : i32
      %get3A_2073 = arith.index_cast %get3A_2072 : i32 to index
      %get3A_2074 = arith.index_cast %mul3A_2065 : i32 to index
      %get3A_2075 = tpu.vector_load %arg12[%get3A_2073, %get3A_2074] {strides = array<i32>} : memref<16x1024xf32, #tpu.memory_space<vmem>>, vector<1x16xf32>,
      %get3A_2076 = vector.shape_cast %get3A_2075 : vector<1x16xf32> to vector<16xf32>
      %mul3A_2077 = arith.mulf %gather3A_1323, %get3A_2076 : vector<16xf32>
      %add3A_2078 = arith.addf %mul3A_2071, %mul3A_2077 : vector<16xf32>
      %swap3A_2079 = arith.constant 13 : i32
      %swap3A_2080 = arith.index_cast %swap3A_2079 : i32 to index
      %swap3A_2081 = arith.index_cast %mul3A_2065 : i32 to index
      %swap3A_2082 = tpu.vector_load %arg10[%swap3A_2080, %swap3A_2081] {strides = array<i32>} : memref<16x1024xf32, #tpu.memory_space<vmem>>, vector<1x16xf32>,
      %swap3A_2083 = vector.shape_cast %swap3A_2082 : vector<1x16xf32> to vector<16xf32>
      %swap3A_2084 = vector.shape_cast %add3A_2078 : vector<16xf32> to vector<1x16xf32>
      tpu.vector_store %arg10[%swap3A_2080, %swap3A_2081], %swap3A_2084 {strides = array<i32>} : memref<16x1024xf32, #tpu.memory_space<vmem>>, vector<1x16xf32>,
      %mul3A_2085 = arith.constant 16 : i32
      %mul3A_2086 = arith.muli %scan3A_1790, %mul3A_2085 : i32
      %get3A_2087 = arith.constant 14 : i32
      %get3A_2088 = arith.index_cast %get3A_2087 : i32 to index
      %get3A_2089 = arith.index_cast %mul3A_2086 : i32 to index
      %get3A_2090 = tpu.vector_load %arg10[%get3A_2088, %get3A_2089] {strides = array<i32>} : memref<16x1024xf32, #tpu.memory_space<vmem>>, vector<1x16xf32>,
      %get3A_2091 = vector.shape_cast %get3A_2090 : vector<1x16xf32> to vector<16xf32>
      %mul3A_2092 = arith.mulf %gather3A_1143, %get3A_2091 : vector<16xf32>
      %get3A_2093 = arith.constant 14 : i32
      %get3A_2094 = arith.index_cast %get3A_2093 : i32 to index
      %get3A_2095 = arith.index_cast %mul3A_2086 : i32 to index
      %get3A_2096 = tpu.vector_load %arg12[%get3A_2094, %get3A_2095] {strides = array<i32>} : memref<16x1024xf32, #tpu.memory_space<vmem>>, vector<1x16xf32>,
      %get3A_2097 = vector.shape_cast %get3A_2096 : vector<1x16xf32> to vector<16xf32>
      %mul3A_2098 = arith.mulf %gather3A_1335, %get3A_2097 : vector<16xf32>
      %add3A_2099 = arith.addf %mul3A_2092, %mul3A_2098 : vector<16xf32>
      %swap3A_2100 = arith.constant 14 : i32
      %swap3A_2101 = arith.index_cast %swap3A_2100 : i32 to index
      %swap3A_2102 = arith.index_cast %mul3A_2086 : i32 to index
      %swap3A_2103 = tpu.vector_load %arg10[%swap3A_2101, %swap3A_2102] {strides = array<i32>} : memref<16x1024xf32, #tpu.memory_space<vmem>>, vector<1x16xf32>,
      %swap3A_2104 = vector.shape_cast %swap3A_2103 : vector<1x16xf32> to vector<16xf32>
      %swap3A_2105 = vector.shape_cast %add3A_2099 : vector<16xf32> to vector<1x16xf32>
      tpu.vector_store %arg10[%swap3A_2101, %swap3A_2102], %swap3A_2105 {strides = array<i32>} : memref<16x1024xf32, #tpu.memory_space<vmem>>, vector<1x16xf32>,
      %mul3A_2106 = arith.constant 16 : i32
      %mul3A_2107 = arith.muli %scan3A_1790, %mul3A_2106 : i32
      %get3A_2108 = arith.constant 15 : i32
      %get3A_2109 = arith.index_cast %get3A_2108 : i32 to index
      %get3A_2110 = arith.index_cast %mul3A_2107 : i32 to index
      %get3A_2111 = tpu.vector_load %arg10[%get3A_2109, %get3A_2110] {strides = array<i32>} : memref<16x1024xf32, #tpu.memory_space<vmem>>, vector<1x16xf32>,
      %get3A_2112 = vector.shape_cast %get3A_2111 : vector<1x16xf32> to vector<16xf32>
      %mul3A_2113 = arith.mulf %gather3A_1155, %get3A_2112 : vector<16xf32>
      %get3A_2114 = arith.constant 15 : i32
      %get3A_2115 = arith.index_cast %get3A_2114 : i32 to index
      %get3A_2116 = arith.index_cast %mul3A_2107 : i32 to index
      %get3A_2117 = tpu.vector_load %arg12[%get3A_2115, %get3A_2116] {strides = array<i32>} : memref<16x1024xf32, #tpu.memory_space<vmem>>, vector<1x16xf32>,
      %get3A_2118 = vector.shape_cast %get3A_2117 : vector<1x16xf32> to vector<16xf32>
      %mul3A_2119 = arith.mulf %gather3A_1347, %get3A_2118 : vector<16xf32>
      %add3A_2120 = arith.addf %mul3A_2113, %mul3A_2119 : vector<16xf32>
      %swap3A_2121 = arith.constant 15 : i32
      %swap3A_2122 = arith.index_cast %swap3A_2121 : i32 to index
      %swap3A_2123 = arith.index_cast %mul3A_2107 : i32 to index
      %swap3A_2124 = tpu.vector_load %arg10[%swap3A_2122, %swap3A_2123] {strides = array<i32>} : memref<16x1024xf32, #tpu.memory_space<vmem>>, vector<1x16xf32>,
      %swap3A_2125 = vector.shape_cast %swap3A_2124 : vector<1x16xf32> to vector<16xf32>
      %swap3A_2126 = vector.shape_cast %add3A_2120 : vector<16xf32> to vector<1x16xf32>
      tpu.vector_store %arg10[%swap3A_2122, %swap3A_2123], %swap3A_2126 {strides = array<i32>} : memref<16x1024xf32, #tpu.memory_space<vmem>>, vector<1x16xf32>,
      %scan3A_2127 = arith.constant 0 : i32
      scf.yield %scan3A_2127 : i32
    }
    %scan3A_1354 = arith.constant 64 : i32
    %add3A_1355 = arith.constant 32 : i32
    %add3A_1356 = arith.addi %mul3A_2, %add3A_1355 : i32
    %dma_start3A_1357 = arith.constant 0 : i32
    %dma_start3A_1358 = tpu.memref_slice %arg5[%add3A_1356, %dma_start3A_1357] : memref<2048x1024xf32, #tpu.memory_space<hbm>> -> memref<16x1024xf32, #tpu.memory_space<hbm>>
    %dma_start3A_1359 = arith.constant 0 : i32
    %dma_start3A_1360 = tpu.memref_slice %arg5[%add3A_1356, %dma_start3A_1359] : memref<2048x1024xf32, #tpu.memory_space<hbm>> -> memref<16x1024xf32, #tpu.memory_space<hbm>>
    tpu.enqueue_dma source(%arg10 : memref<16x1024xf32, #tpu.memory_space<vmem>>) target(%dma_start3A_1360 : memref<16x1024xf32, #tpu.memory_space<hbm>>) target_semaphore(%arg18 : memref<!tpu.dma_semaphore, #tpu.memory_space<semaphore_mem>>)
    %dma_wait3A_1361 = arith.constant 3 : i32
    %dma_wait3A_1362 = arith.constant 0 : i32
    %dma_wait3A_1363 = tpu.memref_slice %arg6[%dma_wait3A_1361, %dma_wait3A_1362] : memref<4x16xi32, #tpu.memory_space<vmem>> -> memref<1x16xi32, #tpu.memory_space<vmem>>
    %dma_wait3A_1364 = tpu.memref_squeeze %dma_wait3A_1363 : memref<1x16xi32, #tpu.memory_space<vmem>> -> memref<16xi32, #tpu.memory_space<vmem>>
    %dma_wait3A_1365 = arith.constant 0 : i32
    %dma_wait3A_1366 = arith.constant 0 : i32
    %dma_wait3A_1367 = tpu.memref_slice %arg2[%dma_wait3A_1365, %dma_wait3A_1366] : memref<5120x1024xf32, #tpu.memory_space<hbm>> -> memref<5120x1024xf32, #tpu.memory_space<hbm>>
    tpu.wait_indirect_dma semaphore(%arg15 : memref<!tpu.dma_semaphore, #tpu.memory_space<semaphore_mem>>) src(%dma_wait3A_1367 : memref<5120x1024xf32, #tpu.memory_space<hbm>>) dst(%arg11 : memref<16x1024xf32, #tpu.memory_space<vmem>>)
    %dma_wait3A_1368 = arith.constant 3 : i32
    %dma_wait3A_1369 = arith.constant 0 : i32
    %dma_wait3A_1370 = tpu.memref_slice %arg7[%dma_wait3A_1368, %dma_wait3A_1369] : memref<4x16xi32, #tpu.memory_space<vmem>> -> memref<1x16xi32, #tpu.memory_space<vmem>>
    %dma_wait3A_1371 = tpu.memref_squeeze %dma_wait3A_1370 : memref<1x16xi32, #tpu.memory_space<vmem>> -> memref<16xi32, #tpu.memory_space<vmem>>
    %dma_wait3A_1372 = arith.constant 0 : i32
    %dma_wait3A_1373 = arith.constant 0 : i32
    %dma_wait3A_1374 = tpu.memref_slice %arg2[%dma_wait3A_1372, %dma_wait3A_1373] : memref<5120x1024xf32, #tpu.memory_space<hbm>> -> memref<5120x1024xf32, #tpu.memory_space<hbm>>
    tpu.wait_indirect_dma semaphore(%arg17 : memref<!tpu.dma_semaphore, #tpu.memory_space<semaphore_mem>>) src(%dma_wait3A_1374 : memref<5120x1024xf32, #tpu.memory_space<hbm>>) dst(%arg13 : memref<16x1024xf32, #tpu.memory_space<vmem>>)
    %get3A_1375 = arith.constant 3 : i32
    %get3A_1376 = arith.index_cast %get3A_1375 : i32 to index
    %get3A_1377 = arith.constant 0 : index
    %get3A_1378 = tpu.vector_load %arg8[%get3A_1376, %get3A_1377] {strides = array<i32>} : memref<4x16xf32, #tpu.memory_space<vmem>>, vector<1x16xf32>,
    %get3A_1379 = vector.shape_cast %get3A_1378 : vector<1x16xf32> to vector<16xf32>
    %get3A_1380 = arith.constant 3 : i32
    %get3A_1381 = arith.index_cast %get3A_1380 : i32 to index
    %get3A_1382 = arith.constant 0 : index
    %get3A_1383 = tpu.vector_load %arg9[%get3A_1381, %get3A_1382] {strides = array<i32>} : memref<4x16xf32, #tpu.memory_space<vmem>>, vector<1x16xf32>,
    %get3A_1384 = vector.shape_cast %get3A_1383 : vector<1x16xf32> to vector<16xf32>
    %broadcast_in_dim3A_1385 = arith.constant 0 : i32
    %broadcast_in_dim3A_1386 = vector.broadcast %broadcast_in_dim3A_1385 : i32 to vector<16xi32>
    %lt3A_1387 = arith.constant 0 : i32
    %lt3A_1388 = vector.broadcast %lt3A_1387 : i32 to vector<16xi32>
    %lt3A_1389 = arith.cmpi slt, %broadcast_in_dim3A_1386, %lt3A_1388 : vector<16xi32>
    %add3A_1390 = arith.constant 16 : i32
    %add3A_1391 = vector.broadcast %add3A_1390 : i32 to vector<16xi32>
    %add3A_1392 = arith.addi %broadcast_in_dim3A_1386, %add3A_1391 : vector<16xi32>
    %select_n3A_1393 = arith.select %lt3A_1389, %add3A_1392, %broadcast_in_dim3A_1386 : vector<16xi1>, vector<16xi32>
    %broadcast_in_dim3A_1394 = vector.shape_cast %select_n3A_1393 : vector<16xi32> to vector<16x1xi32>
    %gather3A_1395 = vector.shape_cast %broadcast_in_dim3A_1394 : vector<16x1xi32> to vector<16xi32>
    %gather3A_1396 = tpu.dynamic_gather %get3A_1379[%gather3A_1395] in [0] : vector<16xf32>, vector<16xi32> -> vector<16xf32>
    %broadcast_in_dim3A_1397 = arith.constant 1 : i32
    %broadcast_in_dim3A_1398 = vector.broadcast %broadcast_in_dim3A_1397 : i32 to vector<16xi32>
    %lt3A_1399 = arith.constant 0 : i32
    %lt3A_1400 = vector.broadcast %lt3A_1399 : i32 to vector<16xi32>
    %lt3A_1401 = arith.cmpi slt, %broadcast_in_dim3A_1398, %lt3A_1400 : vector<16xi32>
    %add3A_1402 = arith.constant 16 : i32
    %add3A_1403 = vector.broadcast %add3A_1402 : i32 to vector<16xi32>
    %add3A_1404 = arith.addi %broadcast_in_dim3A_1398, %add3A_1403 : vector<16xi32>
    %select_n3A_1405 = arith.select %lt3A_1401, %add3A_1404, %broadcast_in_dim3A_1398 : vector<16xi1>, vector<16xi32>
    %broadcast_in_dim3A_1406 = vector.shape_cast %select_n3A_1405 : vector<16xi32> to vector<16x1xi32>
    %gather3A_1407 = vector.shape_cast %broadcast_in_dim3A_1406 : vector<16x1xi32> to vector<16xi32>
    %gather3A_1408 = tpu.dynamic_gather %get3A_1379[%gather3A_1407] in [0] : vector<16xf32>, vector<16xi32> -> vector<16xf32>
    %broadcast_in_dim3A_1409 = arith.constant 2 : i32
    %broadcast_in_dim3A_1410 = vector.broadcast %broadcast_in_dim3A_1409 : i32 to vector<16xi32>
    %lt3A_1411 = arith.constant 0 : i32
    %lt3A_1412 = vector.broadcast %lt3A_1411 : i32 to vector<16xi32>
    %lt3A_1413 = arith.cmpi slt, %broadcast_in_dim3A_1410, %lt3A_1412 : vector<16xi32>
    %add3A_1414 = arith.constant 16 : i32
    %add3A_1415 = vector.broadcast %add3A_1414 : i32 to vector<16xi32>
    %add3A_1416 = arith.addi %broadcast_in_dim3A_1410, %add3A_1415 : vector<16xi32>
    %select_n3A_1417 = arith.select %lt3A_1413, %add3A_1416, %broadcast_in_dim3A_1410 : vector<16xi1>, vector<16xi32>
    %broadcast_in_dim3A_1418 = vector.shape_cast %select_n3A_1417 : vector<16xi32> to vector<16x1xi32>
    %gather3A_1419 = vector.shape_cast %broadcast_in_dim3A_1418 : vector<16x1xi32> to vector<16xi32>
    %gather3A_1420 = tpu.dynamic_gather %get3A_1379[%gather3A_1419] in [0] : vector<16xf32>, vector<16xi32> -> vector<16xf32>
    %broadcast_in_dim3A_1421 = arith.constant 3 : i32
    %broadcast_in_dim3A_1422 = vector.broadcast %broadcast_in_dim3A_1421 : i32 to vector<16xi32>
    %lt3A_1423 = arith.constant 0 : i32
    %lt3A_1424 = vector.broadcast %lt3A_1423 : i32 to vector<16xi32>
    %lt3A_1425 = arith.cmpi slt, %broadcast_in_dim3A_1422, %lt3A_1424 : vector<16xi32>
    %add3A_1426 = arith.constant 16 : i32
    %add3A_1427 = vector.broadcast %add3A_1426 : i32 to vector<16xi32>
    %add3A_1428 = arith.addi %broadcast_in_dim3A_1422, %add3A_1427 : vector<16xi32>
    %select_n3A_1429 = arith.select %lt3A_1425, %add3A_1428, %broadcast_in_dim3A_1422 : vector<16xi1>, vector<16xi32>
    %broadcast_in_dim3A_1430 = vector.shape_cast %select_n3A_1429 : vector<16xi32> to vector<16x1xi32>
    %gather3A_1431 = vector.shape_cast %broadcast_in_dim3A_1430 : vector<16x1xi32> to vector<16xi32>
    %gather3A_1432 = tpu.dynamic_gather %get3A_1379[%gather3A_1431] in [0] : vector<16xf32>, vector<16xi32> -> vector<16xf32>
    %broadcast_in_dim3A_1433 = arith.constant 4 : i32
    %broadcast_in_dim3A_1434 = vector.broadcast %broadcast_in_dim3A_1433 : i32 to vector<16xi32>
    %lt3A_1435 = arith.constant 0 : i32
    %lt3A_1436 = vector.broadcast %lt3A_1435 : i32 to vector<16xi32>
    %lt3A_1437 = arith.cmpi slt, %broadcast_in_dim3A_1434, %lt3A_1436 : vector<16xi32>
    %add3A_1438 = arith.constant 16 : i32
    %add3A_1439 = vector.broadcast %add3A_1438 : i32 to vector<16xi32>
    %add3A_1440 = arith.addi %broadcast_in_dim3A_1434, %add3A_1439 : vector<16xi32>
    %select_n3A_1441 = arith.select %lt3A_1437, %add3A_1440, %broadcast_in_dim3A_1434 : vector<16xi1>, vector<16xi32>
    %broadcast_in_dim3A_1442 = vector.shape_cast %select_n3A_1441 : vector<16xi32> to vector<16x1xi32>
    %gather3A_1443 = vector.shape_cast %broadcast_in_dim3A_1442 : vector<16x1xi32> to vector<16xi32>
    %gather3A_1444 = tpu.dynamic_gather %get3A_1379[%gather3A_1443] in [0] : vector<16xf32>, vector<16xi32> -> vector<16xf32>
    %broadcast_in_dim3A_1445 = arith.constant 5 : i32
    %broadcast_in_dim3A_1446 = vector.broadcast %broadcast_in_dim3A_1445 : i32 to vector<16xi32>
    %lt3A_1447 = arith.constant 0 : i32
    %lt3A_1448 = vector.broadcast %lt3A_1447 : i32 to vector<16xi32>
    %lt3A_1449 = arith.cmpi slt, %broadcast_in_dim3A_1446, %lt3A_1448 : vector<16xi32>
    %add3A_1450 = arith.constant 16 : i32
    %add3A_1451 = vector.broadcast %add3A_1450 : i32 to vector<16xi32>
    %add3A_1452 = arith.addi %broadcast_in_dim3A_1446, %add3A_1451 : vector<16xi32>
    %select_n3A_1453 = arith.select %lt3A_1449, %add3A_1452, %broadcast_in_dim3A_1446 : vector<16xi1>, vector<16xi32>
    %broadcast_in_dim3A_1454 = vector.shape_cast %select_n3A_1453 : vector<16xi32> to vector<16x1xi32>
    %gather3A_1455 = vector.shape_cast %broadcast_in_dim3A_1454 : vector<16x1xi32> to vector<16xi32>
    %gather3A_1456 = tpu.dynamic_gather %get3A_1379[%gather3A_1455] in [0] : vector<16xf32>, vector<16xi32> -> vector<16xf32>
    %broadcast_in_dim3A_1457 = arith.constant 6 : i32
    %broadcast_in_dim3A_1458 = vector.broadcast %broadcast_in_dim3A_1457 : i32 to vector<16xi32>
    %lt3A_1459 = arith.constant 0 : i32
    %lt3A_1460 = vector.broadcast %lt3A_1459 : i32 to vector<16xi32>
    %lt3A_1461 = arith.cmpi slt, %broadcast_in_dim3A_1458, %lt3A_1460 : vector<16xi32>
    %add3A_1462 = arith.constant 16 : i32
    %add3A_1463 = vector.broadcast %add3A_1462 : i32 to vector<16xi32>
    %add3A_1464 = arith.addi %broadcast_in_dim3A_1458, %add3A_1463 : vector<16xi32>
    %select_n3A_1465 = arith.select %lt3A_1461, %add3A_1464, %broadcast_in_dim3A_1458 : vector<16xi1>, vector<16xi32>
    %broadcast_in_dim3A_1466 = vector.shape_cast %select_n3A_1465 : vector<16xi32> to vector<16x1xi32>
    %gather3A_1467 = vector.shape_cast %broadcast_in_dim3A_1466 : vector<16x1xi32> to vector<16xi32>
    %gather3A_1468 = tpu.dynamic_gather %get3A_1379[%gather3A_1467] in [0] : vector<16xf32>, vector<16xi32> -> vector<16xf32>
    %broadcast_in_dim3A_1469 = arith.constant 7 : i32
    %broadcast_in_dim3A_1470 = vector.broadcast %broadcast_in_dim3A_1469 : i32 to vector<16xi32>
    %lt3A_1471 = arith.constant 0 : i32
    %lt3A_1472 = vector.broadcast %lt3A_1471 : i32 to vector<16xi32>
    %lt3A_1473 = arith.cmpi slt, %broadcast_in_dim3A_1470, %lt3A_1472 : vector<16xi32>
    %add3A_1474 = arith.constant 16 : i32
    %add3A_1475 = vector.broadcast %add3A_1474 : i32 to vector<16xi32>
    %add3A_1476 = arith.addi %broadcast_in_dim3A_1470, %add3A_1475 : vector<16xi32>
    %select_n3A_1477 = arith.select %lt3A_1473, %add3A_1476, %broadcast_in_dim3A_1470 : vector<16xi1>, vector<16xi32>
    %broadcast_in_dim3A_1478 = vector.shape_cast %select_n3A_1477 : vector<16xi32> to vector<16x1xi32>
    %gather3A_1479 = vector.shape_cast %broadcast_in_dim3A_1478 : vector<16x1xi32> to vector<16xi32>
    %gather3A_1480 = tpu.dynamic_gather %get3A_1379[%gather3A_1479] in [0] : vector<16xf32>, vector<16xi32> -> vector<16xf32>
    %broadcast_in_dim3A_1481 = arith.constant 8 : i32
    %broadcast_in_dim3A_1482 = vector.broadcast %broadcast_in_dim3A_1481 : i32 to vector<16xi32>
    %lt3A_1483 = arith.constant 0 : i32
    %lt3A_1484 = vector.broadcast %lt3A_1483 : i32 to vector<16xi32>
    %lt3A_1485 = arith.cmpi slt, %broadcast_in_dim3A_1482, %lt3A_1484 : vector<16xi32>
    %add3A_1486 = arith.constant 16 : i32
    %add3A_1487 = vector.broadcast %add3A_1486 : i32 to vector<16xi32>
    %add3A_1488 = arith.addi %broadcast_in_dim3A_1482, %add3A_1487 : vector<16xi32>
    %select_n3A_1489 = arith.select %lt3A_1485, %add3A_1488, %broadcast_in_dim3A_1482 : vector<16xi1>, vector<16xi32>
    %broadcast_in_dim3A_1490 = vector.shape_cast %select_n3A_1489 : vector<16xi32> to vector<16x1xi32>
    %gather3A_1491 = vector.shape_cast %broadcast_in_dim3A_1490 : vector<16x1xi32> to vector<16xi32>
    %gather3A_1492 = tpu.dynamic_gather %get3A_1379[%gather3A_1491] in [0] : vector<16xf32>, vector<16xi32> -> vector<16xf32>
    %broadcast_in_dim3A_1493 = arith.constant 9 : i32
    %broadcast_in_dim3A_1494 = vector.broadcast %broadcast_in_dim3A_1493 : i32 to vector<16xi32>
    %lt3A_1495 = arith.constant 0 : i32
    %lt3A_1496 = vector.broadcast %lt3A_1495 : i32 to vector<16xi32>
    %lt3A_1497 = arith.cmpi slt, %broadcast_in_dim3A_1494, %lt3A_1496 : vector<16xi32>
    %add3A_1498 = arith.constant 16 : i32
    %add3A_1499 = vector.broadcast %add3A_1498 : i32 to vector<16xi32>
    %add3A_1500 = arith.addi %broadcast_in_dim3A_1494, %add3A_1499 : vector<16xi32>
    %select_n3A_1501 = arith.select %lt3A_1497, %add3A_1500, %broadcast_in_dim3A_1494 : vector<16xi1>, vector<16xi32>
    %broadcast_in_dim3A_1502 = vector.shape_cast %select_n3A_1501 : vector<16xi32> to vector<16x1xi32>
    %gather3A_1503 = vector.shape_cast %broadcast_in_dim3A_1502 : vector<16x1xi32> to vector<16xi32>
    %gather3A_1504 = tpu.dynamic_gather %get3A_1379[%gather3A_1503] in [0] : vector<16xf32>, vector<16xi32> -> vector<16xf32>
    %broadcast_in_dim3A_1505 = arith.constant 10 : i32
    %broadcast_in_dim3A_1506 = vector.broadcast %broadcast_in_dim3A_1505 : i32 to vector<16xi32>
    %lt3A_1507 = arith.constant 0 : i32
    %lt3A_1508 = vector.broadcast %lt3A_1507 : i32 to vector<16xi32>
    %lt3A_1509 = arith.cmpi slt, %broadcast_in_dim3A_1506, %lt3A_1508 : vector<16xi32>
    %add3A_1510 = arith.constant 16 : i32
    %add3A_1511 = vector.broadcast %add3A_1510 : i32 to vector<16xi32>
    %add3A_1512 = arith.addi %broadcast_in_dim3A_1506, %add3A_1511 : vector<16xi32>
    %select_n3A_1513 = arith.select %lt3A_1509, %add3A_1512, %broadcast_in_dim3A_1506 : vector<16xi1>, vector<16xi32>
    %broadcast_in_dim3A_1514 = vector.shape_cast %select_n3A_1513 : vector<16xi32> to vector<16x1xi32>
    %gather3A_1515 = vector.shape_cast %broadcast_in_dim3A_1514 : vector<16x1xi32> to vector<16xi32>
    %gather3A_1516 = tpu.dynamic_gather %get3A_1379[%gather3A_1515] in [0] : vector<16xf32>, vector<16xi32> -> vector<16xf32>
    %broadcast_in_dim3A_1517 = arith.constant 11 : i32
    %broadcast_in_dim3A_1518 = vector.broadcast %broadcast_in_dim3A_1517 : i32 to vector<16xi32>
    %lt3A_1519 = arith.constant 0 : i32
    %lt3A_1520 = vector.broadcast %lt3A_1519 : i32 to vector<16xi32>
    %lt3A_1521 = arith.cmpi slt, %broadcast_in_dim3A_1518, %lt3A_1520 : vector<16xi32>
    %add3A_1522 = arith.constant 16 : i32
    %add3A_1523 = vector.broadcast %add3A_1522 : i32 to vector<16xi32>
    %add3A_1524 = arith.addi %broadcast_in_dim3A_1518, %add3A_1523 : vector<16xi32>
    %select_n3A_1525 = arith.select %lt3A_1521, %add3A_1524, %broadcast_in_dim3A_1518 : vector<16xi1>, vector<16xi32>
    %broadcast_in_dim3A_1526 = vector.shape_cast %select_n3A_1525 : vector<16xi32> to vector<16x1xi32>
    %gather3A_1527 = vector.shape_cast %broadcast_in_dim3A_1526 : vector<16x1xi32> to vector<16xi32>
    %gather3A_1528 = tpu.dynamic_gather %get3A_1379[%gather3A_1527] in [0] : vector<16xf32>, vector<16xi32> -> vector<16xf32>
    %broadcast_in_dim3A_1529 = arith.constant 12 : i32
    %broadcast_in_dim3A_1530 = vector.broadcast %broadcast_in_dim3A_1529 : i32 to vector<16xi32>
    %lt3A_1531 = arith.constant 0 : i32
    %lt3A_1532 = vector.broadcast %lt3A_1531 : i32 to vector<16xi32>
    %lt3A_1533 = arith.cmpi slt, %broadcast_in_dim3A_1530, %lt3A_1532 : vector<16xi32>
    %add3A_1534 = arith.constant 16 : i32
    %add3A_1535 = vector.broadcast %add3A_1534 : i32 to vector<16xi32>
    %add3A_1536 = arith.addi %broadcast_in_dim3A_1530, %add3A_1535 : vector<16xi32>
    %select_n3A_1537 = arith.select %lt3A_1533, %add3A_1536, %broadcast_in_dim3A_1530 : vector<16xi1>, vector<16xi32>
    %broadcast_in_dim3A_1538 = vector.shape_cast %select_n3A_1537 : vector<16xi32> to vector<16x1xi32>
    %gather3A_1539 = vector.shape_cast %broadcast_in_dim3A_1538 : vector<16x1xi32> to vector<16xi32>
    %gather3A_1540 = tpu.dynamic_gather %get3A_1379[%gather3A_1539] in [0] : vector<16xf32>, vector<16xi32> -> vector<16xf32>
    %broadcast_in_dim3A_1541 = arith.constant 13 : i32
    %broadcast_in_dim3A_1542 = vector.broadcast %broadcast_in_dim3A_1541 : i32 to vector<16xi32>
    %lt3A_1543 = arith.constant 0 : i32
    %lt3A_1544 = vector.broadcast %lt3A_1543 : i32 to vector<16xi32>
    %lt3A_1545 = arith.cmpi slt, %broadcast_in_dim3A_1542, %lt3A_1544 : vector<16xi32>
    %add3A_1546 = arith.constant 16 : i32
    %add3A_1547 = vector.broadcast %add3A_1546 : i32 to vector<16xi32>
    %add3A_1548 = arith.addi %broadcast_in_dim3A_1542, %add3A_1547 : vector<16xi32>
    %select_n3A_1549 = arith.select %lt3A_1545, %add3A_1548, %broadcast_in_dim3A_1542 : vector<16xi1>, vector<16xi32>
    %broadcast_in_dim3A_1550 = vector.shape_cast %select_n3A_1549 : vector<16xi32> to vector<16x1xi32>
    %gather3A_1551 = vector.shape_cast %broadcast_in_dim3A_1550 : vector<16x1xi32> to vector<16xi32>
    %gather3A_1552 = tpu.dynamic_gather %get3A_1379[%gather3A_1551] in [0] : vector<16xf32>, vector<16xi32> -> vector<16xf32>
    %broadcast_in_dim3A_1553 = arith.constant 14 : i32
    %broadcast_in_dim3A_1554 = vector.broadcast %broadcast_in_dim3A_1553 : i32 to vector<16xi32>
    %lt3A_1555 = arith.constant 0 : i32
    %lt3A_1556 = vector.broadcast %lt3A_1555 : i32 to vector<16xi32>
    %lt3A_1557 = arith.cmpi slt, %broadcast_in_dim3A_1554, %lt3A_1556 : vector<16xi32>
    %add3A_1558 = arith.constant 16 : i32
    %add3A_1559 = vector.broadcast %add3A_1558 : i32 to vector<16xi32>
    %add3A_1560 = arith.addi %broadcast_in_dim3A_1554, %add3A_1559 : vector<16xi32>
    %select_n3A_1561 = arith.select %lt3A_1557, %add3A_1560, %broadcast_in_dim3A_1554 : vector<16xi1>, vector<16xi32>
    %broadcast_in_dim3A_1562 = vector.shape_cast %select_n3A_1561 : vector<16xi32> to vector<16x1xi32>
    %gather3A_1563 = vector.shape_cast %broadcast_in_dim3A_1562 : vector<16x1xi32> to vector<16xi32>
    %gather3A_1564 = tpu.dynamic_gather %get3A_1379[%gather3A_1563] in [0] : vector<16xf32>, vector<16xi32> -> vector<16xf32>
    %broadcast_in_dim3A_1565 = arith.constant 15 : i32
    %broadcast_in_dim3A_1566 = vector.broadcast %broadcast_in_dim3A_1565 : i32 to vector<16xi32>
    %lt3A_1567 = arith.constant 0 : i32
    %lt3A_1568 = vector.broadcast %lt3A_1567 : i32 to vector<16xi32>
    %lt3A_1569 = arith.cmpi slt, %broadcast_in_dim3A_1566, %lt3A_1568 : vector<16xi32>
    %add3A_1570 = arith.constant 16 : i32
    %add3A_1571 = vector.broadcast %add3A_1570 : i32 to vector<16xi32>
    %add3A_1572 = arith.addi %broadcast_in_dim3A_1566, %add3A_1571 : vector<16xi32>
    %select_n3A_1573 = arith.select %lt3A_1569, %add3A_1572, %broadcast_in_dim3A_1566 : vector<16xi1>, vector<16xi32>
    %broadcast_in_dim3A_1574 = vector.shape_cast %select_n3A_1573 : vector<16xi32> to vector<16x1xi32>
    %gather3A_1575 = vector.shape_cast %broadcast_in_dim3A_1574 : vector<16x1xi32> to vector<16xi32>
    %gather3A_1576 = tpu.dynamic_gather %get3A_1379[%gather3A_1575] in [0] : vector<16xf32>, vector<16xi32> -> vector<16xf32>
    %broadcast_in_dim3A_1577 = arith.constant 0 : i32
    %broadcast_in_dim3A_1578 = vector.broadcast %broadcast_in_dim3A_1577 : i32 to vector<16xi32>
    %lt3A_1579 = arith.constant 0 : i32
    %lt3A_1580 = vector.broadcast %lt3A_1579 : i32 to vector<16xi32>
    %lt3A_1581 = arith.cmpi slt, %broadcast_in_dim3A_1578, %lt3A_1580 : vector<16xi32>
    %add3A_1582 = arith.constant 16 : i32
    %add3A_1583 = vector.broadcast %add3A_1582 : i32 to vector<16xi32>
    %add3A_1584 = arith.addi %broadcast_in_dim3A_1578, %add3A_1583 : vector<16xi32>
    %select_n3A_1585 = arith.select %lt3A_1581, %add3A_1584, %broadcast_in_dim3A_1578 : vector<16xi1>, vector<16xi32>
    %broadcast_in_dim3A_1586 = vector.shape_cast %select_n3A_1585 : vector<16xi32> to vector<16x1xi32>
    %gather3A_1587 = vector.shape_cast %broadcast_in_dim3A_1586 : vector<16x1xi32> to vector<16xi32>
    %gather3A_1588 = tpu.dynamic_gather %get3A_1384[%gather3A_1587] in [0] : vector<16xf32>, vector<16xi32> -> vector<16xf32>
    %broadcast_in_dim3A_1589 = arith.constant 1 : i32
    %broadcast_in_dim3A_1590 = vector.broadcast %broadcast_in_dim3A_1589 : i32 to vector<16xi32>
    %lt3A_1591 = arith.constant 0 : i32
    %lt3A_1592 = vector.broadcast %lt3A_1591 : i32 to vector<16xi32>
    %lt3A_1593 = arith.cmpi slt, %broadcast_in_dim3A_1590, %lt3A_1592 : vector<16xi32>
    %add3A_1594 = arith.constant 16 : i32
    %add3A_1595 = vector.broadcast %add3A_1594 : i32 to vector<16xi32>
    %add3A_1596 = arith.addi %broadcast_in_dim3A_1590, %add3A_1595 : vector<16xi32>
    %select_n3A_1597 = arith.select %lt3A_1593, %add3A_1596, %broadcast_in_dim3A_1590 : vector<16xi1>, vector<16xi32>
    %broadcast_in_dim3A_1598 = vector.shape_cast %select_n3A_1597 : vector<16xi32> to vector<16x1xi32>
    %gather3A_1599 = vector.shape_cast %broadcast_in_dim3A_1598 : vector<16x1xi32> to vector<16xi32>
    %gather3A_1600 = tpu.dynamic_gather %get3A_1384[%gather3A_1599] in [0] : vector<16xf32>, vector<16xi32> -> vector<16xf32>
    %broadcast_in_dim3A_1601 = arith.constant 2 : i32
    %broadcast_in_dim3A_1602 = vector.broadcast %broadcast_in_dim3A_1601 : i32 to vector<16xi32>
    %lt3A_1603 = arith.constant 0 : i32
    %lt3A_1604 = vector.broadcast %lt3A_1603 : i32 to vector<16xi32>
    %lt3A_1605 = arith.cmpi slt, %broadcast_in_dim3A_1602, %lt3A_1604 : vector<16xi32>
    %add3A_1606 = arith.constant 16 : i32
    %add3A_1607 = vector.broadcast %add3A_1606 : i32 to vector<16xi32>
    %add3A_1608 = arith.addi %broadcast_in_dim3A_1602, %add3A_1607 : vector<16xi32>
    %select_n3A_1609 = arith.select %lt3A_1605, %add3A_1608, %broadcast_in_dim3A_1602 : vector<16xi1>, vector<16xi32>
    %broadcast_in_dim3A_1610 = vector.shape_cast %select_n3A_1609 : vector<16xi32> to vector<16x1xi32>
    %gather3A_1611 = vector.shape_cast %broadcast_in_dim3A_1610 : vector<16x1xi32> to vector<16xi32>
    %gather3A_1612 = tpu.dynamic_gather %get3A_1384[%gather3A_1611] in [0] : vector<16xf32>, vector<16xi32> -> vector<16xf32>
    %broadcast_in_dim3A_1613 = arith.constant 3 : i32
    %broadcast_in_dim3A_1614 = vector.broadcast %broadcast_in_dim3A_1613 : i32 to vector<16xi32>
    %lt3A_1615 = arith.constant 0 : i32
    %lt3A_1616 = vector.broadcast %lt3A_1615 : i32 to vector<16xi32>
    %lt3A_1617 = arith.cmpi slt, %broadcast_in_dim3A_1614, %lt3A_1616 : vector<16xi32>
    %add3A_1618 = arith.constant 16 : i32
    %add3A_1619 = vector.broadcast %add3A_1618 : i32 to vector<16xi32>
    %add3A_1620 = arith.addi %broadcast_in_dim3A_1614, %add3A_1619 : vector<16xi32>
    %select_n3A_1621 = arith.select %lt3A_1617, %add3A_1620, %broadcast_in_dim3A_1614 : vector<16xi1>, vector<16xi32>
    %broadcast_in_dim3A_1622 = vector.shape_cast %select_n3A_1621 : vector<16xi32> to vector<16x1xi32>
    %gather3A_1623 = vector.shape_cast %broadcast_in_dim3A_1622 : vector<16x1xi32> to vector<16xi32>
    %gather3A_1624 = tpu.dynamic_gather %get3A_1384[%gather3A_1623] in [0] : vector<16xf32>, vector<16xi32> -> vector<16xf32>
    %broadcast_in_dim3A_1625 = arith.constant 4 : i32
    %broadcast_in_dim3A_1626 = vector.broadcast %broadcast_in_dim3A_1625 : i32 to vector<16xi32>
    %lt3A_1627 = arith.constant 0 : i32
    %lt3A_1628 = vector.broadcast %lt3A_1627 : i32 to vector<16xi32>
    %lt3A_1629 = arith.cmpi slt, %broadcast_in_dim3A_1626, %lt3A_1628 : vector<16xi32>
    %add3A_1630 = arith.constant 16 : i32
    %add3A_1631 = vector.broadcast %add3A_1630 : i32 to vector<16xi32>
    %add3A_1632 = arith.addi %broadcast_in_dim3A_1626, %add3A_1631 : vector<16xi32>
    %select_n3A_1633 = arith.select %lt3A_1629, %add3A_1632, %broadcast_in_dim3A_1626 : vector<16xi1>, vector<16xi32>
    %broadcast_in_dim3A_1634 = vector.shape_cast %select_n3A_1633 : vector<16xi32> to vector<16x1xi32>
    %gather3A_1635 = vector.shape_cast %broadcast_in_dim3A_1634 : vector<16x1xi32> to vector<16xi32>
    %gather3A_1636 = tpu.dynamic_gather %get3A_1384[%gather3A_1635] in [0] : vector<16xf32>, vector<16xi32> -> vector<16xf32>
    %broadcast_in_dim3A_1637 = arith.constant 5 : i32
    %broadcast_in_dim3A_1638 = vector.broadcast %broadcast_in_dim3A_1637 : i32 to vector<16xi32>
    %lt3A_1639 = arith.constant 0 : i32
    %lt3A_1640 = vector.broadcast %lt3A_1639 : i32 to vector<16xi32>
    %lt3A_1641 = arith.cmpi slt, %broadcast_in_dim3A_1638, %lt3A_1640 : vector<16xi32>
    %add3A_1642 = arith.constant 16 : i32
    %add3A_1643 = vector.broadcast %add3A_1642 : i32 to vector<16xi32>
    %add3A_1644 = arith.addi %broadcast_in_dim3A_1638, %add3A_1643 : vector<16xi32>
    %select_n3A_1645 = arith.select %lt3A_1641, %add3A_1644, %broadcast_in_dim3A_1638 : vector<16xi1>, vector<16xi32>
    %broadcast_in_dim3A_1646 = vector.shape_cast %select_n3A_1645 : vector<16xi32> to vector<16x1xi32>
    %gather3A_1647 = vector.shape_cast %broadcast_in_dim3A_1646 : vector<16x1xi32> to vector<16xi32>
    %gather3A_1648 = tpu.dynamic_gather %get3A_1384[%gather3A_1647] in [0] : vector<16xf32>, vector<16xi32> -> vector<16xf32>
    %broadcast_in_dim3A_1649 = arith.constant 6 : i32
    %broadcast_in_dim3A_1650 = vector.broadcast %broadcast_in_dim3A_1649 : i32 to vector<16xi32>
    %lt3A_1651 = arith.constant 0 : i32
    %lt3A_1652 = vector.broadcast %lt3A_1651 : i32 to vector<16xi32>
    %lt3A_1653 = arith.cmpi slt, %broadcast_in_dim3A_1650, %lt3A_1652 : vector<16xi32>
    %add3A_1654 = arith.constant 16 : i32
    %add3A_1655 = vector.broadcast %add3A_1654 : i32 to vector<16xi32>
    %add3A_1656 = arith.addi %broadcast_in_dim3A_1650, %add3A_1655 : vector<16xi32>
    %select_n3A_1657 = arith.select %lt3A_1653, %add3A_1656, %broadcast_in_dim3A_1650 : vector<16xi1>, vector<16xi32>
    %broadcast_in_dim3A_1658 = vector.shape_cast %select_n3A_1657 : vector<16xi32> to vector<16x1xi32>
    %gather3A_1659 = vector.shape_cast %broadcast_in_dim3A_1658 : vector<16x1xi32> to vector<16xi32>
    %gather3A_1660 = tpu.dynamic_gather %get3A_1384[%gather3A_1659] in [0] : vector<16xf32>, vector<16xi32> -> vector<16xf32>
    %broadcast_in_dim3A_1661 = arith.constant 7 : i32
    %broadcast_in_dim3A_1662 = vector.broadcast %broadcast_in_dim3A_1661 : i32 to vector<16xi32>
    %lt3A_1663 = arith.constant 0 : i32
    %lt3A_1664 = vector.broadcast %lt3A_1663 : i32 to vector<16xi32>
    %lt3A_1665 = arith.cmpi slt, %broadcast_in_dim3A_1662, %lt3A_1664 : vector<16xi32>
    %add3A_1666 = arith.constant 16 : i32
    %add3A_1667 = vector.broadcast %add3A_1666 : i32 to vector<16xi32>
    %add3A_1668 = arith.addi %broadcast_in_dim3A_1662, %add3A_1667 : vector<16xi32>
    %select_n3A_1669 = arith.select %lt3A_1665, %add3A_1668, %broadcast_in_dim3A_1662 : vector<16xi1>, vector<16xi32>
    %broadcast_in_dim3A_1670 = vector.shape_cast %select_n3A_1669 : vector<16xi32> to vector<16x1xi32>
    %gather3A_1671 = vector.shape_cast %broadcast_in_dim3A_1670 : vector<16x1xi32> to vector<16xi32>
    %gather3A_1672 = tpu.dynamic_gather %get3A_1384[%gather3A_1671] in [0] : vector<16xf32>, vector<16xi32> -> vector<16xf32>
    %broadcast_in_dim3A_1673 = arith.constant 8 : i32
    %broadcast_in_dim3A_1674 = vector.broadcast %broadcast_in_dim3A_1673 : i32 to vector<16xi32>
    %lt3A_1675 = arith.constant 0 : i32
    %lt3A_1676 = vector.broadcast %lt3A_1675 : i32 to vector<16xi32>
    %lt3A_1677 = arith.cmpi slt, %broadcast_in_dim3A_1674, %lt3A_1676 : vector<16xi32>
    %add3A_1678 = arith.constant 16 : i32
    %add3A_1679 = vector.broadcast %add3A_1678 : i32 to vector<16xi32>
    %add3A_1680 = arith.addi %broadcast_in_dim3A_1674, %add3A_1679 : vector<16xi32>
    %select_n3A_1681 = arith.select %lt3A_1677, %add3A_1680, %broadcast_in_dim3A_1674 : vector<16xi1>, vector<16xi32>
    %broadcast_in_dim3A_1682 = vector.shape_cast %select_n3A_1681 : vector<16xi32> to vector<16x1xi32>
    %gather3A_1683 = vector.shape_cast %broadcast_in_dim3A_1682 : vector<16x1xi32> to vector<16xi32>
    %gather3A_1684 = tpu.dynamic_gather %get3A_1384[%gather3A_1683] in [0] : vector<16xf32>, vector<16xi32> -> vector<16xf32>
    %broadcast_in_dim3A_1685 = arith.constant 9 : i32
    %broadcast_in_dim3A_1686 = vector.broadcast %broadcast_in_dim3A_1685 : i32 to vector<16xi32>
    %lt3A_1687 = arith.constant 0 : i32
    %lt3A_1688 = vector.broadcast %lt3A_1687 : i32 to vector<16xi32>
    %lt3A_1689 = arith.cmpi slt, %broadcast_in_dim3A_1686, %lt3A_1688 : vector<16xi32>
    %add3A_1690 = arith.constant 16 : i32
    %add3A_1691 = vector.broadcast %add3A_1690 : i32 to vector<16xi32>
    %add3A_1692 = arith.addi %broadcast_in_dim3A_1686, %add3A_1691 : vector<16xi32>
    %select_n3A_1693 = arith.select %lt3A_1689, %add3A_1692, %broadcast_in_dim3A_1686 : vector<16xi1>, vector<16xi32>
    %broadcast_in_dim3A_1694 = vector.shape_cast %select_n3A_1693 : vector<16xi32> to vector<16x1xi32>
    %gather3A_1695 = vector.shape_cast %broadcast_in_dim3A_1694 : vector<16x1xi32> to vector<16xi32>
    %gather3A_1696 = tpu.dynamic_gather %get3A_1384[%gather3A_1695] in [0] : vector<16xf32>, vector<16xi32> -> vector<16xf32>
    %broadcast_in_dim3A_1697 = arith.constant 10 : i32
    %broadcast_in_dim3A_1698 = vector.broadcast %broadcast_in_dim3A_1697 : i32 to vector<16xi32>
    %lt3A_1699 = arith.constant 0 : i32
    %lt3A_1700 = vector.broadcast %lt3A_1699 : i32 to vector<16xi32>
    %lt3A_1701 = arith.cmpi slt, %broadcast_in_dim3A_1698, %lt3A_1700 : vector<16xi32>
    %add3A_1702 = arith.constant 16 : i32
    %add3A_1703 = vector.broadcast %add3A_1702 : i32 to vector<16xi32>
    %add3A_1704 = arith.addi %broadcast_in_dim3A_1698, %add3A_1703 : vector<16xi32>
    %select_n3A_1705 = arith.select %lt3A_1701, %add3A_1704, %broadcast_in_dim3A_1698 : vector<16xi1>, vector<16xi32>
    %broadcast_in_dim3A_1706 = vector.shape_cast %select_n3A_1705 : vector<16xi32> to vector<16x1xi32>
    %gather3A_1707 = vector.shape_cast %broadcast_in_dim3A_1706 : vector<16x1xi32> to vector<16xi32>
    %gather3A_1708 = tpu.dynamic_gather %get3A_1384[%gather3A_1707] in [0] : vector<16xf32>, vector<16xi32> -> vector<16xf32>
    %broadcast_in_dim3A_1709 = arith.constant 11 : i32
    %broadcast_in_dim3A_1710 = vector.broadcast %broadcast_in_dim3A_1709 : i32 to vector<16xi32>
    %lt3A_1711 = arith.constant 0 : i32
    %lt3A_1712 = vector.broadcast %lt3A_1711 : i32 to vector<16xi32>
    %lt3A_1713 = arith.cmpi slt, %broadcast_in_dim3A_1710, %lt3A_1712 : vector<16xi32>
    %add3A_1714 = arith.constant 16 : i32
    %add3A_1715 = vector.broadcast %add3A_1714 : i32 to vector<16xi32>
    %add3A_1716 = arith.addi %broadcast_in_dim3A_1710, %add3A_1715 : vector<16xi32>
    %select_n3A_1717 = arith.select %lt3A_1713, %add3A_1716, %broadcast_in_dim3A_1710 : vector<16xi1>, vector<16xi32>
    %broadcast_in_dim3A_1718 = vector.shape_cast %select_n3A_1717 : vector<16xi32> to vector<16x1xi32>
    %gather3A_1719 = vector.shape_cast %broadcast_in_dim3A_1718 : vector<16x1xi32> to vector<16xi32>
    %gather3A_1720 = tpu.dynamic_gather %get3A_1384[%gather3A_1719] in [0] : vector<16xf32>, vector<16xi32> -> vector<16xf32>
    %broadcast_in_dim3A_1721 = arith.constant 12 : i32
    %broadcast_in_dim3A_1722 = vector.broadcast %broadcast_in_dim3A_1721 : i32 to vector<16xi32>
    %lt3A_1723 = arith.constant 0 : i32
    %lt3A_1724 = vector.broadcast %lt3A_1723 : i32 to vector<16xi32>
    %lt3A_1725 = arith.cmpi slt, %broadcast_in_dim3A_1722, %lt3A_1724 : vector<16xi32>
    %add3A_1726 = arith.constant 16 : i32
    %add3A_1727 = vector.broadcast %add3A_1726 : i32 to vector<16xi32>
    %add3A_1728 = arith.addi %broadcast_in_dim3A_1722, %add3A_1727 : vector<16xi32>
    %select_n3A_1729 = arith.select %lt3A_1725, %add3A_1728, %broadcast_in_dim3A_1722 : vector<16xi1>, vector<16xi32>
    %broadcast_in_dim3A_1730 = vector.shape_cast %select_n3A_1729 : vector<16xi32> to vector<16x1xi32>
    %gather3A_1731 = vector.shape_cast %broadcast_in_dim3A_1730 : vector<16x1xi32> to vector<16xi32>
    %gather3A_1732 = tpu.dynamic_gather %get3A_1384[%gather3A_1731] in [0] : vector<16xf32>, vector<16xi32> -> vector<16xf32>
    %broadcast_in_dim3A_1733 = arith.constant 13 : i32
    %broadcast_in_dim3A_1734 = vector.broadcast %broadcast_in_dim3A_1733 : i32 to vector<16xi32>
    %lt3A_1735 = arith.constant 0 : i32
    %lt3A_1736 = vector.broadcast %lt3A_1735 : i32 to vector<16xi32>
    %lt3A_1737 = arith.cmpi slt, %broadcast_in_dim3A_1734, %lt3A_1736 : vector<16xi32>
    %add3A_1738 = arith.constant 16 : i32
    %add3A_1739 = vector.broadcast %add3A_1738 : i32 to vector<16xi32>
    %add3A_1740 = arith.addi %broadcast_in_dim3A_1734, %add3A_1739 : vector<16xi32>
    %select_n3A_1741 = arith.select %lt3A_1737, %add3A_1740, %broadcast_in_dim3A_1734 : vector<16xi1>, vector<16xi32>
    %broadcast_in_dim3A_1742 = vector.shape_cast %select_n3A_1741 : vector<16xi32> to vector<16x1xi32>
    %gather3A_1743 = vector.shape_cast %broadcast_in_dim3A_1742 : vector<16x1xi32> to vector<16xi32>
    %gather3A_1744 = tpu.dynamic_gather %get3A_1384[%gather3A_1743] in [0] : vector<16xf32>, vector<16xi32> -> vector<16xf32>
    %broadcast_in_dim3A_1745 = arith.constant 14 : i32
    %broadcast_in_dim3A_1746 = vector.broadcast %broadcast_in_dim3A_1745 : i32 to vector<16xi32>
    %lt3A_1747 = arith.constant 0 : i32
    %lt3A_1748 = vector.broadcast %lt3A_1747 : i32 to vector<16xi32>
    %lt3A_1749 = arith.cmpi slt, %broadcast_in_dim3A_1746, %lt3A_1748 : vector<16xi32>
    %add3A_1750 = arith.constant 16 : i32
    %add3A_1751 = vector.broadcast %add3A_1750 : i32 to vector<16xi32>
    %add3A_1752 = arith.addi %broadcast_in_dim3A_1746, %add3A_1751 : vector<16xi32>
    %select_n3A_1753 = arith.select %lt3A_1749, %add3A_1752, %broadcast_in_dim3A_1746 : vector<16xi1>, vector<16xi32>
    %broadcast_in_dim3A_1754 = vector.shape_cast %select_n3A_1753 : vector<16xi32> to vector<16x1xi32>
    %gather3A_1755 = vector.shape_cast %broadcast_in_dim3A_1754 : vector<16x1xi32> to vector<16xi32>
    %gather3A_1756 = tpu.dynamic_gather %get3A_1384[%gather3A_1755] in [0] : vector<16xf32>, vector<16xi32> -> vector<16xf32>
    %broadcast_in_dim3A_1757 = arith.constant 15 : i32
    %broadcast_in_dim3A_1758 = vector.broadcast %broadcast_in_dim3A_1757 : i32 to vector<16xi32>
    %lt3A_1759 = arith.constant 0 : i32
    %lt3A_1760 = vector.broadcast %lt3A_1759 : i32 to vector<16xi32>
    %lt3A_1761 = arith.cmpi slt, %broadcast_in_dim3A_1758, %lt3A_1760 : vector<16xi32>
    %add3A_1762 = arith.constant 16 : i32
    %add3A_1763 = vector.broadcast %add3A_1762 : i32 to vector<16xi32>
    %add3A_1764 = arith.addi %broadcast_in_dim3A_1758, %add3A_1763 : vector<16xi32>
    %select_n3A_1765 = arith.select %lt3A_1761, %add3A_1764, %broadcast_in_dim3A_1758 : vector<16xi1>, vector<16xi32>
    %broadcast_in_dim3A_1766 = vector.shape_cast %select_n3A_1765 : vector<16xi32> to vector<16x1xi32>
    %gather3A_1767 = vector.shape_cast %broadcast_in_dim3A_1766 : vector<16x1xi32> to vector<16xi32>
    %gather3A_1768 = tpu.dynamic_gather %get3A_1384[%gather3A_1767] in [0] : vector<16xf32>, vector<16xi32> -> vector<16xf32>
    %scan3A_1769 = arith.constant 0 : i32
    %scan3A_1770 = arith.constant 0 : i32
    %scan3A_1771 = arith.constant 64 : i32
    %scan3A_1772 = arith.addi %scan3A_1770, %scan3A_1771 : i32
    %scan3A_1773 = arith.constant 1 : i32
    %scan3A_1774 = scf.for %scan3A_1790 = %scan3A_1770 to %scan3A_1772 step %scan3A_1773 iter_args(%scan3A_1791 = %scan3A_1769) -> (i32)  : i32 {
      %mul3A_1792 = arith.constant 16 : i32
      %mul3A_1793 = arith.muli %scan3A_1790, %mul3A_1792 : i32
      %get3A_1794 = arith.constant 0 : i32
      %get3A_1795 = arith.index_cast %get3A_1794 : i32 to index
      %get3A_1796 = arith.index_cast %mul3A_1793 : i32 to index
      %get3A_1797 = tpu.vector_load %arg11[%get3A_1795, %get3A_1796] {strides = array<i32>} : memref<16x1024xf32, #tpu.memory_space<vmem>>, vector<1x16xf32>,
      %get3A_1798 = vector.shape_cast %get3A_1797 : vector<1x16xf32> to vector<16xf32>
      %mul3A_1799 = arith.mulf %gather3A_1396, %get3A_1798 : vector<16xf32>
      %get3A_1800 = arith.constant 0 : i32
      %get3A_1801 = arith.index_cast %get3A_1800 : i32 to index
      %get3A_1802 = arith.index_cast %mul3A_1793 : i32 to index
      %get3A_1803 = tpu.vector_load %arg13[%get3A_1801, %get3A_1802] {strides = array<i32>} : memref<16x1024xf32, #tpu.memory_space<vmem>>, vector<1x16xf32>,
      %get3A_1804 = vector.shape_cast %get3A_1803 : vector<1x16xf32> to vector<16xf32>
      %mul3A_1805 = arith.mulf %gather3A_1588, %get3A_1804 : vector<16xf32>
      %add3A_1806 = arith.addf %mul3A_1799, %mul3A_1805 : vector<16xf32>
      %swap3A = arith.constant 0 : i32
      %swap3A_1807 = arith.index_cast %swap3A : i32 to index
      %swap3A_1808 = arith.index_cast %mul3A_1793 : i32 to index
      %swap3A_1809 = tpu.vector_load %arg11[%swap3A_1807, %swap3A_1808] {strides = array<i32>} : memref<16x1024xf32, #tpu.memory_space<vmem>>, vector<1x16xf32>,
      %swap3A_1810 = vector.shape_cast %swap3A_1809 : vector<1x16xf32> to vector<16xf32>
      %swap3A_1811 = vector.shape_cast %add3A_1806 : vector<16xf32> to vector<1x16xf32>
      tpu.vector_store %arg11[%swap3A_1807, %swap3A_1808], %swap3A_1811 {strides = array<i32>} : memref<16x1024xf32, #tpu.memory_space<vmem>>, vector<1x16xf32>,
      %mul3A_1812 = arith.constant 16 : i32
      %mul3A_1813 = arith.muli %scan3A_1790, %mul3A_1812 : i32
      %get3A_1814 = arith.constant 1 : i32
      %get3A_1815 = arith.index_cast %get3A_1814 : i32 to index
      %get3A_1816 = arith.index_cast %mul3A_1813 : i32 to index
      %get3A_1817 = tpu.vector_load %arg11[%get3A_1815, %get3A_1816] {strides = array<i32>} : memref<16x1024xf32, #tpu.memory_space<vmem>>, vector<1x16xf32>,
      %get3A_1818 = vector.shape_cast %get3A_1817 : vector<1x16xf32> to vector<16xf32>
      %mul3A_1819 = arith.mulf %gather3A_1408, %get3A_1818 : vector<16xf32>
      %get3A_1820 = arith.constant 1 : i32
      %get3A_1821 = arith.index_cast %get3A_1820 : i32 to index
      %get3A_1822 = arith.index_cast %mul3A_1813 : i32 to index
      %get3A_1823 = tpu.vector_load %arg13[%get3A_1821, %get3A_1822] {strides = array<i32>} : memref<16x1024xf32, #tpu.memory_space<vmem>>, vector<1x16xf32>,
      %get3A_1824 = vector.shape_cast %get3A_1823 : vector<1x16xf32> to vector<16xf32>
      %mul3A_1825 = arith.mulf %gather3A_1600, %get3A_1824 : vector<16xf32>
      %add3A_1826 = arith.addf %mul3A_1819, %mul3A_1825 : vector<16xf32>
      %swap3A_1827 = arith.constant 1 : i32
      %swap3A_1828 = arith.index_cast %swap3A_1827 : i32 to index
      %swap3A_1829 = arith.index_cast %mul3A_1813 : i32 to index
      %swap3A_1830 = tpu.vector_load %arg11[%swap3A_1828, %swap3A_1829] {strides = array<i32>} : memref<16x1024xf32, #tpu.memory_space<vmem>>, vector<1x16xf32>,
      %swap3A_1831 = vector.shape_cast %swap3A_1830 : vector<1x16xf32> to vector<16xf32>
      %swap3A_1832 = vector.shape_cast %add3A_1826 : vector<16xf32> to vector<1x16xf32>
      tpu.vector_store %arg11[%swap3A_1828, %swap3A_1829], %swap3A_1832 {strides = array<i32>} : memref<16x1024xf32, #tpu.memory_space<vmem>>, vector<1x16xf32>,
      %mul3A_1833 = arith.constant 16 : i32
      %mul3A_1834 = arith.muli %scan3A_1790, %mul3A_1833 : i32
      %get3A_1835 = arith.constant 2 : i32
      %get3A_1836 = arith.index_cast %get3A_1835 : i32 to index
      %get3A_1837 = arith.index_cast %mul3A_1834 : i32 to index
      %get3A_1838 = tpu.vector_load %arg11[%get3A_1836, %get3A_1837] {strides = array<i32>} : memref<16x1024xf32, #tpu.memory_space<vmem>>, vector<1x16xf32>,
      %get3A_1839 = vector.shape_cast %get3A_1838 : vector<1x16xf32> to vector<16xf32>
      %mul3A_1840 = arith.mulf %gather3A_1420, %get3A_1839 : vector<16xf32>
      %get3A_1841 = arith.constant 2 : i32
      %get3A_1842 = arith.index_cast %get3A_1841 : i32 to index
      %get3A_1843 = arith.index_cast %mul3A_1834 : i32 to index
      %get3A_1844 = tpu.vector_load %arg13[%get3A_1842, %get3A_1843] {strides = array<i32>} : memref<16x1024xf32, #tpu.memory_space<vmem>>, vector<1x16xf32>,
      %get3A_1845 = vector.shape_cast %get3A_1844 : vector<1x16xf32> to vector<16xf32>
      %mul3A_1846 = arith.mulf %gather3A_1612, %get3A_1845 : vector<16xf32>
      %add3A_1847 = arith.addf %mul3A_1840, %mul3A_1846 : vector<16xf32>
      %swap3A_1848 = arith.constant 2 : i32
      %swap3A_1849 = arith.index_cast %swap3A_1848 : i32 to index
      %swap3A_1850 = arith.index_cast %mul3A_1834 : i32 to index
      %swap3A_1851 = tpu.vector_load %arg11[%swap3A_1849, %swap3A_1850] {strides = array<i32>} : memref<16x1024xf32, #tpu.memory_space<vmem>>, vector<1x16xf32>,
      %swap3A_1852 = vector.shape_cast %swap3A_1851 : vector<1x16xf32> to vector<16xf32>
      %swap3A_1853 = vector.shape_cast %add3A_1847 : vector<16xf32> to vector<1x16xf32>
      tpu.vector_store %arg11[%swap3A_1849, %swap3A_1850], %swap3A_1853 {strides = array<i32>} : memref<16x1024xf32, #tpu.memory_space<vmem>>, vector<1x16xf32>,
      %mul3A_1854 = arith.constant 16 : i32
      %mul3A_1855 = arith.muli %scan3A_1790, %mul3A_1854 : i32
      %get3A_1856 = arith.constant 3 : i32
      %get3A_1857 = arith.index_cast %get3A_1856 : i32 to index
      %get3A_1858 = arith.index_cast %mul3A_1855 : i32 to index
      %get3A_1859 = tpu.vector_load %arg11[%get3A_1857, %get3A_1858] {strides = array<i32>} : memref<16x1024xf32, #tpu.memory_space<vmem>>, vector<1x16xf32>,
      %get3A_1860 = vector.shape_cast %get3A_1859 : vector<1x16xf32> to vector<16xf32>
      %mul3A_1861 = arith.mulf %gather3A_1432, %get3A_1860 : vector<16xf32>
      %get3A_1862 = arith.constant 3 : i32
      %get3A_1863 = arith.index_cast %get3A_1862 : i32 to index
      %get3A_1864 = arith.index_cast %mul3A_1855 : i32 to index
      %get3A_1865 = tpu.vector_load %arg13[%get3A_1863, %get3A_1864] {strides = array<i32>} : memref<16x1024xf32, #tpu.memory_space<vmem>>, vector<1x16xf32>,
      %get3A_1866 = vector.shape_cast %get3A_1865 : vector<1x16xf32> to vector<16xf32>
      %mul3A_1867 = arith.mulf %gather3A_1624, %get3A_1866 : vector<16xf32>
      %add3A_1868 = arith.addf %mul3A_1861, %mul3A_1867 : vector<16xf32>
      %swap3A_1869 = arith.constant 3 : i32
      %swap3A_1870 = arith.index_cast %swap3A_1869 : i32 to index
      %swap3A_1871 = arith.index_cast %mul3A_1855 : i32 to index
      %swap3A_1872 = tpu.vector_load %arg11[%swap3A_1870, %swap3A_1871] {strides = array<i32>} : memref<16x1024xf32, #tpu.memory_space<vmem>>, vector<1x16xf32>,
      %swap3A_1873 = vector.shape_cast %swap3A_1872 : vector<1x16xf32> to vector<16xf32>
      %swap3A_1874 = vector.shape_cast %add3A_1868 : vector<16xf32> to vector<1x16xf32>
      tpu.vector_store %arg11[%swap3A_1870, %swap3A_1871], %swap3A_1874 {strides = array<i32>} : memref<16x1024xf32, #tpu.memory_space<vmem>>, vector<1x16xf32>,
      %mul3A_1875 = arith.constant 16 : i32
      %mul3A_1876 = arith.muli %scan3A_1790, %mul3A_1875 : i32
      %get3A_1877 = arith.constant 4 : i32
      %get3A_1878 = arith.index_cast %get3A_1877 : i32 to index
      %get3A_1879 = arith.index_cast %mul3A_1876 : i32 to index
      %get3A_1880 = tpu.vector_load %arg11[%get3A_1878, %get3A_1879] {strides = array<i32>} : memref<16x1024xf32, #tpu.memory_space<vmem>>, vector<1x16xf32>,
      %get3A_1881 = vector.shape_cast %get3A_1880 : vector<1x16xf32> to vector<16xf32>
      %mul3A_1882 = arith.mulf %gather3A_1444, %get3A_1881 : vector<16xf32>
      %get3A_1883 = arith.constant 4 : i32
      %get3A_1884 = arith.index_cast %get3A_1883 : i32 to index
      %get3A_1885 = arith.index_cast %mul3A_1876 : i32 to index
      %get3A_1886 = tpu.vector_load %arg13[%get3A_1884, %get3A_1885] {strides = array<i32>} : memref<16x1024xf32, #tpu.memory_space<vmem>>, vector<1x16xf32>,
      %get3A_1887 = vector.shape_cast %get3A_1886 : vector<1x16xf32> to vector<16xf32>
      %mul3A_1888 = arith.mulf %gather3A_1636, %get3A_1887 : vector<16xf32>
      %add3A_1889 = arith.addf %mul3A_1882, %mul3A_1888 : vector<16xf32>
      %swap3A_1890 = arith.constant 4 : i32
      %swap3A_1891 = arith.index_cast %swap3A_1890 : i32 to index
      %swap3A_1892 = arith.index_cast %mul3A_1876 : i32 to index
      %swap3A_1893 = tpu.vector_load %arg11[%swap3A_1891, %swap3A_1892] {strides = array<i32>} : memref<16x1024xf32, #tpu.memory_space<vmem>>, vector<1x16xf32>,
      %swap3A_1894 = vector.shape_cast %swap3A_1893 : vector<1x16xf32> to vector<16xf32>
      %swap3A_1895 = vector.shape_cast %add3A_1889 : vector<16xf32> to vector<1x16xf32>
      tpu.vector_store %arg11[%swap3A_1891, %swap3A_1892], %swap3A_1895 {strides = array<i32>} : memref<16x1024xf32, #tpu.memory_space<vmem>>, vector<1x16xf32>,
      %mul3A_1896 = arith.constant 16 : i32
      %mul3A_1897 = arith.muli %scan3A_1790, %mul3A_1896 : i32
      %get3A_1898 = arith.constant 5 : i32
      %get3A_1899 = arith.index_cast %get3A_1898 : i32 to index
      %get3A_1900 = arith.index_cast %mul3A_1897 : i32 to index
      %get3A_1901 = tpu.vector_load %arg11[%get3A_1899, %get3A_1900] {strides = array<i32>} : memref<16x1024xf32, #tpu.memory_space<vmem>>, vector<1x16xf32>,
      %get3A_1902 = vector.shape_cast %get3A_1901 : vector<1x16xf32> to vector<16xf32>
      %mul3A_1903 = arith.mulf %gather3A_1456, %get3A_1902 : vector<16xf32>
      %get3A_1904 = arith.constant 5 : i32
      %get3A_1905 = arith.index_cast %get3A_1904 : i32 to index
      %get3A_1906 = arith.index_cast %mul3A_1897 : i32 to index
      %get3A_1907 = tpu.vector_load %arg13[%get3A_1905, %get3A_1906] {strides = array<i32>} : memref<16x1024xf32, #tpu.memory_space<vmem>>, vector<1x16xf32>,
      %get3A_1908 = vector.shape_cast %get3A_1907 : vector<1x16xf32> to vector<16xf32>
      %mul3A_1909 = arith.mulf %gather3A_1648, %get3A_1908 : vector<16xf32>
      %add3A_1910 = arith.addf %mul3A_1903, %mul3A_1909 : vector<16xf32>
      %swap3A_1911 = arith.constant 5 : i32
      %swap3A_1912 = arith.index_cast %swap3A_1911 : i32 to index
      %swap3A_1913 = arith.index_cast %mul3A_1897 : i32 to index
      %swap3A_1914 = tpu.vector_load %arg11[%swap3A_1912, %swap3A_1913] {strides = array<i32>} : memref<16x1024xf32, #tpu.memory_space<vmem>>, vector<1x16xf32>,
      %swap3A_1915 = vector.shape_cast %swap3A_1914 : vector<1x16xf32> to vector<16xf32>
      %swap3A_1916 = vector.shape_cast %add3A_1910 : vector<16xf32> to vector<1x16xf32>
      tpu.vector_store %arg11[%swap3A_1912, %swap3A_1913], %swap3A_1916 {strides = array<i32>} : memref<16x1024xf32, #tpu.memory_space<vmem>>, vector<1x16xf32>,
      %mul3A_1917 = arith.constant 16 : i32
      %mul3A_1918 = arith.muli %scan3A_1790, %mul3A_1917 : i32
      %get3A_1919 = arith.constant 6 : i32
      %get3A_1920 = arith.index_cast %get3A_1919 : i32 to index
      %get3A_1921 = arith.index_cast %mul3A_1918 : i32 to index
      %get3A_1922 = tpu.vector_load %arg11[%get3A_1920, %get3A_1921] {strides = array<i32>} : memref<16x1024xf32, #tpu.memory_space<vmem>>, vector<1x16xf32>,
      %get3A_1923 = vector.shape_cast %get3A_1922 : vector<1x16xf32> to vector<16xf32>
      %mul3A_1924 = arith.mulf %gather3A_1468, %get3A_1923 : vector<16xf32>
      %get3A_1925 = arith.constant 6 : i32
      %get3A_1926 = arith.index_cast %get3A_1925 : i32 to index
      %get3A_1927 = arith.index_cast %mul3A_1918 : i32 to index
      %get3A_1928 = tpu.vector_load %arg13[%get3A_1926, %get3A_1927] {strides = array<i32>} : memref<16x1024xf32, #tpu.memory_space<vmem>>, vector<1x16xf32>,
      %get3A_1929 = vector.shape_cast %get3A_1928 : vector<1x16xf32> to vector<16xf32>
      %mul3A_1930 = arith.mulf %gather3A_1660, %get3A_1929 : vector<16xf32>
      %add3A_1931 = arith.addf %mul3A_1924, %mul3A_1930 : vector<16xf32>
      %swap3A_1932 = arith.constant 6 : i32
      %swap3A_1933 = arith.index_cast %swap3A_1932 : i32 to index
      %swap3A_1934 = arith.index_cast %mul3A_1918 : i32 to index
      %swap3A_1935 = tpu.vector_load %arg11[%swap3A_1933, %swap3A_1934] {strides = array<i32>} : memref<16x1024xf32, #tpu.memory_space<vmem>>, vector<1x16xf32>,
      %swap3A_1936 = vector.shape_cast %swap3A_1935 : vector<1x16xf32> to vector<16xf32>
      %swap3A_1937 = vector.shape_cast %add3A_1931 : vector<16xf32> to vector<1x16xf32>
      tpu.vector_store %arg11[%swap3A_1933, %swap3A_1934], %swap3A_1937 {strides = array<i32>} : memref<16x1024xf32, #tpu.memory_space<vmem>>, vector<1x16xf32>,
      %mul3A_1938 = arith.constant 16 : i32
      %mul3A_1939 = arith.muli %scan3A_1790, %mul3A_1938 : i32
      %get3A_1940 = arith.constant 7 : i32
      %get3A_1941 = arith.index_cast %get3A_1940 : i32 to index
      %get3A_1942 = arith.index_cast %mul3A_1939 : i32 to index
      %get3A_1943 = tpu.vector_load %arg11[%get3A_1941, %get3A_1942] {strides = array<i32>} : memref<16x1024xf32, #tpu.memory_space<vmem>>, vector<1x16xf32>,
      %get3A_1944 = vector.shape_cast %get3A_1943 : vector<1x16xf32> to vector<16xf32>
      %mul3A_1945 = arith.mulf %gather3A_1480, %get3A_1944 : vector<16xf32>
      %get3A_1946 = arith.constant 7 : i32
      %get3A_1947 = arith.index_cast %get3A_1946 : i32 to index
      %get3A_1948 = arith.index_cast %mul3A_1939 : i32 to index
      %get3A_1949 = tpu.vector_load %arg13[%get3A_1947, %get3A_1948] {strides = array<i32>} : memref<16x1024xf32, #tpu.memory_space<vmem>>, vector<1x16xf32>,
      %get3A_1950 = vector.shape_cast %get3A_1949 : vector<1x16xf32> to vector<16xf32>
      %mul3A_1951 = arith.mulf %gather3A_1672, %get3A_1950 : vector<16xf32>
      %add3A_1952 = arith.addf %mul3A_1945, %mul3A_1951 : vector<16xf32>
      %swap3A_1953 = arith.constant 7 : i32
      %swap3A_1954 = arith.index_cast %swap3A_1953 : i32 to index
      %swap3A_1955 = arith.index_cast %mul3A_1939 : i32 to index
      %swap3A_1956 = tpu.vector_load %arg11[%swap3A_1954, %swap3A_1955] {strides = array<i32>} : memref<16x1024xf32, #tpu.memory_space<vmem>>, vector<1x16xf32>,
      %swap3A_1957 = vector.shape_cast %swap3A_1956 : vector<1x16xf32> to vector<16xf32>
      %swap3A_1958 = vector.shape_cast %add3A_1952 : vector<16xf32> to vector<1x16xf32>
      tpu.vector_store %arg11[%swap3A_1954, %swap3A_1955], %swap3A_1958 {strides = array<i32>} : memref<16x1024xf32, #tpu.memory_space<vmem>>, vector<1x16xf32>,
      %mul3A_1959 = arith.constant 16 : i32
      %mul3A_1960 = arith.muli %scan3A_1790, %mul3A_1959 : i32
      %get3A_1961 = arith.constant 8 : i32
      %get3A_1962 = arith.index_cast %get3A_1961 : i32 to index
      %get3A_1963 = arith.index_cast %mul3A_1960 : i32 to index
      %get3A_1964 = tpu.vector_load %arg11[%get3A_1962, %get3A_1963] {strides = array<i32>} : memref<16x1024xf32, #tpu.memory_space<vmem>>, vector<1x16xf32>,
      %get3A_1965 = vector.shape_cast %get3A_1964 : vector<1x16xf32> to vector<16xf32>
      %mul3A_1966 = arith.mulf %gather3A_1492, %get3A_1965 : vector<16xf32>
      %get3A_1967 = arith.constant 8 : i32
      %get3A_1968 = arith.index_cast %get3A_1967 : i32 to index
      %get3A_1969 = arith.index_cast %mul3A_1960 : i32 to index
      %get3A_1970 = tpu.vector_load %arg13[%get3A_1968, %get3A_1969] {strides = array<i32>} : memref<16x1024xf32, #tpu.memory_space<vmem>>, vector<1x16xf32>,
      %get3A_1971 = vector.shape_cast %get3A_1970 : vector<1x16xf32> to vector<16xf32>
      %mul3A_1972 = arith.mulf %gather3A_1684, %get3A_1971 : vector<16xf32>
      %add3A_1973 = arith.addf %mul3A_1966, %mul3A_1972 : vector<16xf32>
      %swap3A_1974 = arith.constant 8 : i32
      %swap3A_1975 = arith.index_cast %swap3A_1974 : i32 to index
      %swap3A_1976 = arith.index_cast %mul3A_1960 : i32 to index
      %swap3A_1977 = tpu.vector_load %arg11[%swap3A_1975, %swap3A_1976] {strides = array<i32>} : memref<16x1024xf32, #tpu.memory_space<vmem>>, vector<1x16xf32>,
      %swap3A_1978 = vector.shape_cast %swap3A_1977 : vector<1x16xf32> to vector<16xf32>
      %swap3A_1979 = vector.shape_cast %add3A_1973 : vector<16xf32> to vector<1x16xf32>
      tpu.vector_store %arg11[%swap3A_1975, %swap3A_1976], %swap3A_1979 {strides = array<i32>} : memref<16x1024xf32, #tpu.memory_space<vmem>>, vector<1x16xf32>,
      %mul3A_1980 = arith.constant 16 : i32
      %mul3A_1981 = arith.muli %scan3A_1790, %mul3A_1980 : i32
      %get3A_1982 = arith.constant 9 : i32
      %get3A_1983 = arith.index_cast %get3A_1982 : i32 to index
      %get3A_1984 = arith.index_cast %mul3A_1981 : i32 to index
      %get3A_1985 = tpu.vector_load %arg11[%get3A_1983, %get3A_1984] {strides = array<i32>} : memref<16x1024xf32, #tpu.memory_space<vmem>>, vector<1x16xf32>,
      %get3A_1986 = vector.shape_cast %get3A_1985 : vector<1x16xf32> to vector<16xf32>
      %mul3A_1987 = arith.mulf %gather3A_1504, %get3A_1986 : vector<16xf32>
      %get3A_1988 = arith.constant 9 : i32
      %get3A_1989 = arith.index_cast %get3A_1988 : i32 to index
      %get3A_1990 = arith.index_cast %mul3A_1981 : i32 to index
      %get3A_1991 = tpu.vector_load %arg13[%get3A_1989, %get3A_1990] {strides = array<i32>} : memref<16x1024xf32, #tpu.memory_space<vmem>>, vector<1x16xf32>,
      %get3A_1992 = vector.shape_cast %get3A_1991 : vector<1x16xf32> to vector<16xf32>
      %mul3A_1993 = arith.mulf %gather3A_1696, %get3A_1992 : vector<16xf32>
      %add3A_1994 = arith.addf %mul3A_1987, %mul3A_1993 : vector<16xf32>
      %swap3A_1995 = arith.constant 9 : i32
      %swap3A_1996 = arith.index_cast %swap3A_1995 : i32 to index
      %swap3A_1997 = arith.index_cast %mul3A_1981 : i32 to index
      %swap3A_1998 = tpu.vector_load %arg11[%swap3A_1996, %swap3A_1997] {strides = array<i32>} : memref<16x1024xf32, #tpu.memory_space<vmem>>, vector<1x16xf32>,
      %swap3A_1999 = vector.shape_cast %swap3A_1998 : vector<1x16xf32> to vector<16xf32>
      %swap3A_2000 = vector.shape_cast %add3A_1994 : vector<16xf32> to vector<1x16xf32>
      tpu.vector_store %arg11[%swap3A_1996, %swap3A_1997], %swap3A_2000 {strides = array<i32>} : memref<16x1024xf32, #tpu.memory_space<vmem>>, vector<1x16xf32>,
      %mul3A_2001 = arith.constant 16 : i32
      %mul3A_2002 = arith.muli %scan3A_1790, %mul3A_2001 : i32
      %get3A_2003 = arith.constant 10 : i32
      %get3A_2004 = arith.index_cast %get3A_2003 : i32 to index
      %get3A_2005 = arith.index_cast %mul3A_2002 : i32 to index
      %get3A_2006 = tpu.vector_load %arg11[%get3A_2004, %get3A_2005] {strides = array<i32>} : memref<16x1024xf32, #tpu.memory_space<vmem>>, vector<1x16xf32>,
      %get3A_2007 = vector.shape_cast %get3A_2006 : vector<1x16xf32> to vector<16xf32>
      %mul3A_2008 = arith.mulf %gather3A_1516, %get3A_2007 : vector<16xf32>
      %get3A_2009 = arith.constant 10 : i32
      %get3A_2010 = arith.index_cast %get3A_2009 : i32 to index
      %get3A_2011 = arith.index_cast %mul3A_2002 : i32 to index
      %get3A_2012 = tpu.vector_load %arg13[%get3A_2010, %get3A_2011] {strides = array<i32>} : memref<16x1024xf32, #tpu.memory_space<vmem>>, vector<1x16xf32>,
      %get3A_2013 = vector.shape_cast %get3A_2012 : vector<1x16xf32> to vector<16xf32>
      %mul3A_2014 = arith.mulf %gather3A_1708, %get3A_2013 : vector<16xf32>
      %add3A_2015 = arith.addf %mul3A_2008, %mul3A_2014 : vector<16xf32>
      %swap3A_2016 = arith.constant 10 : i32
      %swap3A_2017 = arith.index_cast %swap3A_2016 : i32 to index
      %swap3A_2018 = arith.index_cast %mul3A_2002 : i32 to index
      %swap3A_2019 = tpu.vector_load %arg11[%swap3A_2017, %swap3A_2018] {strides = array<i32>} : memref<16x1024xf32, #tpu.memory_space<vmem>>, vector<1x16xf32>,
      %swap3A_2020 = vector.shape_cast %swap3A_2019 : vector<1x16xf32> to vector<16xf32>
      %swap3A_2021 = vector.shape_cast %add3A_2015 : vector<16xf32> to vector<1x16xf32>
      tpu.vector_store %arg11[%swap3A_2017, %swap3A_2018], %swap3A_2021 {strides = array<i32>} : memref<16x1024xf32, #tpu.memory_space<vmem>>, vector<1x16xf32>,
      %mul3A_2022 = arith.constant 16 : i32
      %mul3A_2023 = arith.muli %scan3A_1790, %mul3A_2022 : i32
      %get3A_2024 = arith.constant 11 : i32
      %get3A_2025 = arith.index_cast %get3A_2024 : i32 to index
      %get3A_2026 = arith.index_cast %mul3A_2023 : i32 to index
      %get3A_2027 = tpu.vector_load %arg11[%get3A_2025, %get3A_2026] {strides = array<i32>} : memref<16x1024xf32, #tpu.memory_space<vmem>>, vector<1x16xf32>,
      %get3A_2028 = vector.shape_cast %get3A_2027 : vector<1x16xf32> to vector<16xf32>
      %mul3A_2029 = arith.mulf %gather3A_1528, %get3A_2028 : vector<16xf32>
      %get3A_2030 = arith.constant 11 : i32
      %get3A_2031 = arith.index_cast %get3A_2030 : i32 to index
      %get3A_2032 = arith.index_cast %mul3A_2023 : i32 to index
      %get3A_2033 = tpu.vector_load %arg13[%get3A_2031, %get3A_2032] {strides = array<i32>} : memref<16x1024xf32, #tpu.memory_space<vmem>>, vector<1x16xf32>,
      %get3A_2034 = vector.shape_cast %get3A_2033 : vector<1x16xf32> to vector<16xf32>
      %mul3A_2035 = arith.mulf %gather3A_1720, %get3A_2034 : vector<16xf32>
      %add3A_2036 = arith.addf %mul3A_2029, %mul3A_2035 : vector<16xf32>
      %swap3A_2037 = arith.constant 11 : i32
      %swap3A_2038 = arith.index_cast %swap3A_2037 : i32 to index
      %swap3A_2039 = arith.index_cast %mul3A_2023 : i32 to index
      %swap3A_2040 = tpu.vector_load %arg11[%swap3A_2038, %swap3A_2039] {strides = array<i32>} : memref<16x1024xf32, #tpu.memory_space<vmem>>, vector<1x16xf32>,
      %swap3A_2041 = vector.shape_cast %swap3A_2040 : vector<1x16xf32> to vector<16xf32>
      %swap3A_2042 = vector.shape_cast %add3A_2036 : vector<16xf32> to vector<1x16xf32>
      tpu.vector_store %arg11[%swap3A_2038, %swap3A_2039], %swap3A_2042 {strides = array<i32>} : memref<16x1024xf32, #tpu.memory_space<vmem>>, vector<1x16xf32>,
      %mul3A_2043 = arith.constant 16 : i32
      %mul3A_2044 = arith.muli %scan3A_1790, %mul3A_2043 : i32
      %get3A_2045 = arith.constant 12 : i32
      %get3A_2046 = arith.index_cast %get3A_2045 : i32 to index
      %get3A_2047 = arith.index_cast %mul3A_2044 : i32 to index
      %get3A_2048 = tpu.vector_load %arg11[%get3A_2046, %get3A_2047] {strides = array<i32>} : memref<16x1024xf32, #tpu.memory_space<vmem>>, vector<1x16xf32>,
      %get3A_2049 = vector.shape_cast %get3A_2048 : vector<1x16xf32> to vector<16xf32>
      %mul3A_2050 = arith.mulf %gather3A_1540, %get3A_2049 : vector<16xf32>
      %get3A_2051 = arith.constant 12 : i32
      %get3A_2052 = arith.index_cast %get3A_2051 : i32 to index
      %get3A_2053 = arith.index_cast %mul3A_2044 : i32 to index
      %get3A_2054 = tpu.vector_load %arg13[%get3A_2052, %get3A_2053] {strides = array<i32>} : memref<16x1024xf32, #tpu.memory_space<vmem>>, vector<1x16xf32>,
      %get3A_2055 = vector.shape_cast %get3A_2054 : vector<1x16xf32> to vector<16xf32>
      %mul3A_2056 = arith.mulf %gather3A_1732, %get3A_2055 : vector<16xf32>
      %add3A_2057 = arith.addf %mul3A_2050, %mul3A_2056 : vector<16xf32>
      %swap3A_2058 = arith.constant 12 : i32
      %swap3A_2059 = arith.index_cast %swap3A_2058 : i32 to index
      %swap3A_2060 = arith.index_cast %mul3A_2044 : i32 to index
      %swap3A_2061 = tpu.vector_load %arg11[%swap3A_2059, %swap3A_2060] {strides = array<i32>} : memref<16x1024xf32, #tpu.memory_space<vmem>>, vector<1x16xf32>,
      %swap3A_2062 = vector.shape_cast %swap3A_2061 : vector<1x16xf32> to vector<16xf32>
      %swap3A_2063 = vector.shape_cast %add3A_2057 : vector<16xf32> to vector<1x16xf32>
      tpu.vector_store %arg11[%swap3A_2059, %swap3A_2060], %swap3A_2063 {strides = array<i32>} : memref<16x1024xf32, #tpu.memory_space<vmem>>, vector<1x16xf32>,
      %mul3A_2064 = arith.constant 16 : i32
      %mul3A_2065 = arith.muli %scan3A_1790, %mul3A_2064 : i32
      %get3A_2066 = arith.constant 13 : i32
      %get3A_2067 = arith.index_cast %get3A_2066 : i32 to index
      %get3A_2068 = arith.index_cast %mul3A_2065 : i32 to index
      %get3A_2069 = tpu.vector_load %arg11[%get3A_2067, %get3A_2068] {strides = array<i32>} : memref<16x1024xf32, #tpu.memory_space<vmem>>, vector<1x16xf32>,
      %get3A_2070 = vector.shape_cast %get3A_2069 : vector<1x16xf32> to vector<16xf32>
      %mul3A_2071 = arith.mulf %gather3A_1552, %get3A_2070 : vector<16xf32>
      %get3A_2072 = arith.constant 13 : i32
      %get3A_2073 = arith.index_cast %get3A_2072 : i32 to index
      %get3A_2074 = arith.index_cast %mul3A_2065 : i32 to index
      %get3A_2075 = tpu.vector_load %arg13[%get3A_2073, %get3A_2074] {strides = array<i32>} : memref<16x1024xf32, #tpu.memory_space<vmem>>, vector<1x16xf32>,
      %get3A_2076 = vector.shape_cast %get3A_2075 : vector<1x16xf32> to vector<16xf32>
      %mul3A_2077 = arith.mulf %gather3A_1744, %get3A_2076 : vector<16xf32>
      %add3A_2078 = arith.addf %mul3A_2071, %mul3A_2077 : vector<16xf32>
      %swap3A_2079 = arith.constant 13 : i32
      %swap3A_2080 = arith.index_cast %swap3A_2079 : i32 to index
      %swap3A_2081 = arith.index_cast %mul3A_2065 : i32 to index
      %swap3A_2082 = tpu.vector_load %arg11[%swap3A_2080, %swap3A_2081] {strides = array<i32>} : memref<16x1024xf32, #tpu.memory_space<vmem>>, vector<1x16xf32>,
      %swap3A_2083 = vector.shape_cast %swap3A_2082 : vector<1x16xf32> to vector<16xf32>
      %swap3A_2084 = vector.shape_cast %add3A_2078 : vector<16xf32> to vector<1x16xf32>
      tpu.vector_store %arg11[%swap3A_2080, %swap3A_2081], %swap3A_2084 {strides = array<i32>} : memref<16x1024xf32, #tpu.memory_space<vmem>>, vector<1x16xf32>,
      %mul3A_2085 = arith.constant 16 : i32
      %mul3A_2086 = arith.muli %scan3A_1790, %mul3A_2085 : i32
      %get3A_2087 = arith.constant 14 : i32
      %get3A_2088 = arith.index_cast %get3A_2087 : i32 to index
      %get3A_2089 = arith.index_cast %mul3A_2086 : i32 to index
      %get3A_2090 = tpu.vector_load %arg11[%get3A_2088, %get3A_2089] {strides = array<i32>} : memref<16x1024xf32, #tpu.memory_space<vmem>>, vector<1x16xf32>,
      %get3A_2091 = vector.shape_cast %get3A_2090 : vector<1x16xf32> to vector<16xf32>
      %mul3A_2092 = arith.mulf %gather3A_1564, %get3A_2091 : vector<16xf32>
      %get3A_2093 = arith.constant 14 : i32
      %get3A_2094 = arith.index_cast %get3A_2093 : i32 to index
      %get3A_2095 = arith.index_cast %mul3A_2086 : i32 to index
      %get3A_2096 = tpu.vector_load %arg13[%get3A_2094, %get3A_2095] {strides = array<i32>} : memref<16x1024xf32, #tpu.memory_space<vmem>>, vector<1x16xf32>,
      %get3A_2097 = vector.shape_cast %get3A_2096 : vector<1x16xf32> to vector<16xf32>
      %mul3A_2098 = arith.mulf %gather3A_1756, %get3A_2097 : vector<16xf32>
      %add3A_2099 = arith.addf %mul3A_2092, %mul3A_2098 : vector<16xf32>
      %swap3A_2100 = arith.constant 14 : i32
      %swap3A_2101 = arith.index_cast %swap3A_2100 : i32 to index
      %swap3A_2102 = arith.index_cast %mul3A_2086 : i32 to index
      %swap3A_2103 = tpu.vector_load %arg11[%swap3A_2101, %swap3A_2102] {strides = array<i32>} : memref<16x1024xf32, #tpu.memory_space<vmem>>, vector<1x16xf32>,
      %swap3A_2104 = vector.shape_cast %swap3A_2103 : vector<1x16xf32> to vector<16xf32>
      %swap3A_2105 = vector.shape_cast %add3A_2099 : vector<16xf32> to vector<1x16xf32>
      tpu.vector_store %arg11[%swap3A_2101, %swap3A_2102], %swap3A_2105 {strides = array<i32>} : memref<16x1024xf32, #tpu.memory_space<vmem>>, vector<1x16xf32>,
      %mul3A_2106 = arith.constant 16 : i32
      %mul3A_2107 = arith.muli %scan3A_1790, %mul3A_2106 : i32
      %get3A_2108 = arith.constant 15 : i32
      %get3A_2109 = arith.index_cast %get3A_2108 : i32 to index
      %get3A_2110 = arith.index_cast %mul3A_2107 : i32 to index
      %get3A_2111 = tpu.vector_load %arg11[%get3A_2109, %get3A_2110] {strides = array<i32>} : memref<16x1024xf32, #tpu.memory_space<vmem>>, vector<1x16xf32>,
      %get3A_2112 = vector.shape_cast %get3A_2111 : vector<1x16xf32> to vector<16xf32>
      %mul3A_2113 = arith.mulf %gather3A_1576, %get3A_2112 : vector<16xf32>
      %get3A_2114 = arith.constant 15 : i32
      %get3A_2115 = arith.index_cast %get3A_2114 : i32 to index
      %get3A_2116 = arith.index_cast %mul3A_2107 : i32 to index
      %get3A_2117 = tpu.vector_load %arg13[%get3A_2115, %get3A_2116] {strides = array<i32>} : memref<16x1024xf32, #tpu.memory_space<vmem>>, vector<1x16xf32>,
      %get3A_2118 = vector.shape_cast %get3A_2117 : vector<1x16xf32> to vector<16xf32>
      %mul3A_2119 = arith.mulf %gather3A_1768, %get3A_2118 : vector<16xf32>
      %add3A_2120 = arith.addf %mul3A_2113, %mul3A_2119 : vector<16xf32>
      %swap3A_2121 = arith.constant 15 : i32
      %swap3A_2122 = arith.index_cast %swap3A_2121 : i32 to index
      %swap3A_2123 = arith.index_cast %mul3A_2107 : i32 to index
      %swap3A_2124 = tpu.vector_load %arg11[%swap3A_2122, %swap3A_2123] {strides = array<i32>} : memref<16x1024xf32, #tpu.memory_space<vmem>>, vector<1x16xf32>,
      %swap3A_2125 = vector.shape_cast %swap3A_2124 : vector<1x16xf32> to vector<16xf32>
      %swap3A_2126 = vector.shape_cast %add3A_2120 : vector<16xf32> to vector<1x16xf32>
      tpu.vector_store %arg11[%swap3A_2122, %swap3A_2123], %swap3A_2126 {strides = array<i32>} : memref<16x1024xf32, #tpu.memory_space<vmem>>, vector<1x16xf32>,
      %scan3A_2127 = arith.constant 0 : i32
      scf.yield %scan3A_2127 : i32
    }
    %scan3A_1775 = arith.constant 64 : i32
    %add3A_1776 = arith.constant 48 : i32
    %add3A_1777 = arith.addi %mul3A_2, %add3A_1776 : i32
    %dma_start3A_1778 = arith.constant 0 : i32
    %dma_start3A_1779 = tpu.memref_slice %arg5[%add3A_1777, %dma_start3A_1778] : memref<2048x1024xf32, #tpu.memory_space<hbm>> -> memref<16x1024xf32, #tpu.memory_space<hbm>>
    %dma_start3A_1780 = arith.constant 0 : i32
    %dma_start3A_1781 = tpu.memref_slice %arg5[%add3A_1777, %dma_start3A_1780] : memref<2048x1024xf32, #tpu.memory_space<hbm>> -> memref<16x1024xf32, #tpu.memory_space<hbm>>
    tpu.enqueue_dma source(%arg11 : memref<16x1024xf32, #tpu.memory_space<vmem>>) target(%dma_start3A_1781 : memref<16x1024xf32, #tpu.memory_space<hbm>>) target_semaphore(%arg19 : memref<!tpu.dma_semaphore, #tpu.memory_space<semaphore_mem>>)
    %dma_wait3A_1782 = arith.constant 0 : i32
    %dma_wait3A_1783 = tpu.memref_slice %arg5[%add3A_1356, %dma_wait3A_1782] : memref<2048x1024xf32, #tpu.memory_space<hbm>> -> memref<16x1024xf32, #tpu.memory_space<hbm>>
    %dma_wait3A_1784 = arith.constant 0 : i32
    %dma_wait3A_1785 = tpu.memref_slice %arg5[%add3A_1356, %dma_wait3A_1784] : memref<2048x1024xf32, #tpu.memory_space<hbm>> -> memref<16x1024xf32, #tpu.memory_space<hbm>>
    tpu.wait_dma2 semaphore(%arg18 : memref<!tpu.dma_semaphore, #tpu.memory_space<semaphore_mem>>) src(%arg10 : memref<16x1024xf32, #tpu.memory_space<vmem>>) dst(%dma_wait3A_1785 : memref<16x1024xf32, #tpu.memory_space<hbm>>)
    %dma_wait3A_1786 = arith.constant 0 : i32
    %dma_wait3A_1787 = tpu.memref_slice %arg5[%add3A_1777, %dma_wait3A_1786] : memref<2048x1024xf32, #tpu.memory_space<hbm>> -> memref<16x1024xf32, #tpu.memory_space<hbm>>
    %dma_wait3A_1788 = arith.constant 0 : i32
    %dma_wait3A_1789 = tpu.memref_slice %arg5[%add3A_1777, %dma_wait3A_1788] : memref<2048x1024xf32, #tpu.memory_space<hbm>> -> memref<16x1024xf32, #tpu.memory_space<hbm>>
    tpu.wait_dma2 semaphore(%arg19 : memref<!tpu.dma_semaphore, #tpu.memory_space<semaphore_mem>>) src(%arg11 : memref<16x1024xf32, #tpu.memory_space<vmem>>) dst(%dma_wait3A_1789 : memref<16x1024xf32, #tpu.memory_space<hbm>>)
    return
  }
}

module attributes {stable_mosaic.version = 14 : i64} {
  func.func @_ffn_body(%arg0: i32, %arg1: memref<128xi32, #tpu.memory_space<smem>>, %arg2: memref<128x512xi32, #tpu.memory_space<vmem>>, %arg3: memref<1x1024x1024xf32, #tpu.memory_space<vmem>>, %arg4: memref<1x1024x1024xf32, #tpu.memory_space<vmem>>, %arg5: memref<1x1024x1024xf32, #tpu.memory_space<vmem>>, %arg6: memref<128x1024xf32, #tpu.memory_space<vmem>>) attributes {dimension_semantics = [#tpu.dimension_semantics<arbitrary>], iteration_bounds = array<i64: 40>, scalar_prefetch = 1 : i64, scratch_operands = 0 : i64, tpu.core_type = #tpu.core_type<tc>, window_params = [{transform_indices = @transform_0, window_bounds = array<i64: 128, 512>}, {transform_indices = @transform_1, window_bounds = array<i64: 1, 1024, 1024>}, {transform_indices = @transform_2, window_bounds = array<i64: 1, 1024, 1024>}, {transform_indices = @transform_3, window_bounds = array<i64: 1, 1024, 1024>}, {transform_indices = @transform_4, window_bounds = array<i64: 128, 1024>}]} {
    %get3A = arith.constant 0 : index
    %get3A_0 = arith.constant 0 : index
    %get3A_1 = vector.load %arg2[%get3A, %get3A_0] : memref<128x512xi32, #tpu.memory_space<vmem>>, vector<128x512xi32>
    %bitcast_convert_type3A = tpu.bitcast %get3A_1 : vector<128x512xi32> -> vector<128x512xi32>
    %and3A = arith.constant 65535 : i32
    %and3A_2 = vector.broadcast %and3A : i32 to vector<128x512xi32>
    %and3A_3 = arith.andi %bitcast_convert_type3A, %and3A_2 : vector<128x512xi32>
    %convert_element_type3A = arith.trunci %and3A_3 : vector<128x512xi32> to vector<128x512xi16>
    %bitcast_convert_type3A_4 = tpu.bitcast %convert_element_type3A : vector<128x512xi16> -> vector<128x512xbf16>
    %shift_right_logical3A = arith.constant 16 : i32
    %shift_right_logical3A_5 = vector.broadcast %shift_right_logical3A : i32 to vector<128x512xi32>
    %shift_right_logical3A_6 = arith.shrui %bitcast_convert_type3A, %shift_right_logical3A_5 : vector<128x512xi32>
    %convert_element_type3A_7 = arith.trunci %shift_right_logical3A_6 : vector<128x512xi32> to vector<128x512xi16>
    %bitcast_convert_type3A_8 = tpu.bitcast %convert_element_type3A_7 : vector<128x512xi16> -> vector<128x512xbf16>
    %concatenate3A = tpu.concatenate %bitcast_convert_type3A_4, %bitcast_convert_type3A_8 in 1 : vector<128x512xbf16>, vector<128x512xbf16> -> vector<128x1024xbf16>
    %get3A_9 = arith.constant 0 : index
    %get3A_10 = arith.constant 0 : index
    %get3A_11 = arith.constant 0 : index
    %get3A_12 = vector.load %arg3[%get3A_9, %get3A_10, %get3A_11] : memref<1x1024x1024xf32, #tpu.memory_space<vmem>>, vector<1x1024x1024xf32>
    %get3A_13 = vector.shape_cast %get3A_12 : vector<1x1024x1024xf32> to vector<1024x1024xf32>
    %convert_element_type3A_14 = arith.truncf %get3A_13 : vector<1024x1024xf32> to vector<1024x1024xbf16>
    %dot_general3A = arith.constant dense<0.000000e+00> : vector<128x1024xf32>
    %dot_general3A_15 = tpu.matmul %concatenate3A, %convert_element_type3A_14, %dot_general3A {dimension_numbers = #tpu.dot_dimension_numbers<[1], [0], [0], [1], [0, 0, 1, 1], [], []>, transpose_lhs_hint = false} : vector<128x1024xbf16>, vector<1024x1024xbf16>, vector<128x1024xf32> -> vector<128x1024xf32>
    %get3A_16 = arith.constant 0 : index
    %get3A_17 = arith.constant 0 : index
    %get3A_18 = arith.constant 0 : index
    %get3A_19 = vector.load %arg4[%get3A_16, %get3A_17, %get3A_18] : memref<1x1024x1024xf32, #tpu.memory_space<vmem>>, vector<1x1024x1024xf32>
    %get3A_20 = vector.shape_cast %get3A_19 : vector<1x1024x1024xf32> to vector<1024x1024xf32>
    %convert_element_type3A_21 = arith.truncf %get3A_20 : vector<1024x1024xf32> to vector<1024x1024xbf16>
    %dot_general3A_22 = arith.constant dense<0.000000e+00> : vector<128x1024xf32>
    %dot_general3A_23 = tpu.matmul %concatenate3A, %convert_element_type3A_21, %dot_general3A_22 {dimension_numbers = #tpu.dot_dimension_numbers<[1], [0], [0], [1], [0, 0, 1, 1], [], []>, transpose_lhs_hint = false} : vector<128x1024xbf16>, vector<1024x1024xbf16>, vector<128x1024xf32> -> vector<128x1024xf32>
    %logistic3A = arith.negf %dot_general3A_15 : vector<128x1024xf32>
    %logistic3A_24 = math.exp %logistic3A : vector<128x1024xf32>
    %logistic3A_25 = arith.constant 1.000000e+00 : f32
    %logistic3A_26 = vector.broadcast %logistic3A_25 : f32 to vector<128x1024xf32>
    %logistic3A_27 = arith.addf %logistic3A_26, %logistic3A_24 : vector<128x1024xf32>
    %logistic3A_28 = arith.divf %logistic3A_26, %logistic3A_27 : vector<128x1024xf32>
    %mul3A = arith.mulf %dot_general3A_15, %logistic3A_28 : vector<128x1024xf32>
    %mul3A_29 = arith.mulf %mul3A, %dot_general3A_23 : vector<128x1024xf32>
    %convert_element_type3A_30 = arith.truncf %mul3A_29 : vector<128x1024xf32> to vector<128x1024xbf16>
    %get3A_31 = arith.constant 0 : index
    %get3A_32 = arith.constant 0 : index
    %get3A_33 = arith.constant 0 : index
    %get3A_34 = vector.load %arg5[%get3A_31, %get3A_32, %get3A_33] : memref<1x1024x1024xf32, #tpu.memory_space<vmem>>, vector<1x1024x1024xf32>
    %get3A_35 = vector.shape_cast %get3A_34 : vector<1x1024x1024xf32> to vector<1024x1024xf32>
    %convert_element_type3A_36 = arith.truncf %get3A_35 : vector<1024x1024xf32> to vector<1024x1024xbf16>
    %dot_general3A_37 = arith.constant dense<0.000000e+00> : vector<128x1024xf32>
    %dot_general3A_38 = tpu.matmul %convert_element_type3A_30, %convert_element_type3A_36, %dot_general3A_37 {dimension_numbers = #tpu.dot_dimension_numbers<[1], [0], [0], [1], [0, 0, 1, 1], [], []>, transpose_lhs_hint = false} : vector<128x1024xbf16>, vector<1024x1024xbf16>, vector<128x1024xf32> -> vector<128x1024xf32>
    %swap3A = arith.constant 0 : index
    %swap3A_39 = arith.constant 0 : index
    %swap3A_40 = vector.load %arg6[%swap3A, %swap3A_39] : memref<128x1024xf32, #tpu.memory_space<vmem>>, vector<128x1024xf32>
    tpu.vector_store %arg6[%swap3A, %swap3A_39], %dot_general3A_38 {strides = array<i32>} : memref<128x1024xf32, #tpu.memory_space<vmem>>, vector<128x1024xf32>,
    return
  }
  func.func @transform_0(%arg0: i32, %arg1: memref<128xi32, #tpu.memory_space<smem>>) -> (i32, i32) {
    %c0_i32 = arith.constant 0 : i32
    %c0_i32_0 = arith.constant 0 : i32
    return %arg0, %c0_i32 : i32, i32
  }
  func.func @transform_1(%arg0: i32, %arg1: memref<128xi32, #tpu.memory_space<smem>>) -> (i32, i32, i32) {
    %get3A = arith.index_cast %arg0 : i32 to index
    %get3A_0 = memref.load %arg1[%get3A] : memref<128xi32, #tpu.memory_space<smem>>
    %c0_i32 = arith.constant 0 : i32
    %c0_i32_1 = arith.constant 0 : i32
    %c0_i32_2 = arith.constant 0 : i32
    return %get3A_0, %c0_i32, %c0_i32_1 : i32, i32, i32
  }
  func.func @transform_2(%arg0: i32, %arg1: memref<128xi32, #tpu.memory_space<smem>>) -> (i32, i32, i32) {
    %get3A = arith.index_cast %arg0 : i32 to index
    %get3A_0 = memref.load %arg1[%get3A] : memref<128xi32, #tpu.memory_space<smem>>
    %c0_i32 = arith.constant 0 : i32
    %c0_i32_1 = arith.constant 0 : i32
    %c0_i32_2 = arith.constant 0 : i32
    return %get3A_0, %c0_i32, %c0_i32_1 : i32, i32, i32
  }
  func.func @transform_3(%arg0: i32, %arg1: memref<128xi32, #tpu.memory_space<smem>>) -> (i32, i32, i32) {
    %get3A = arith.index_cast %arg0 : i32 to index
    %get3A_0 = memref.load %arg1[%get3A] : memref<128xi32, #tpu.memory_space<smem>>
    %c0_i32 = arith.constant 0 : i32
    %c0_i32_1 = arith.constant 0 : i32
    %c0_i32_2 = arith.constant 0 : i32
    return %get3A_0, %c0_i32, %c0_i32_1 : i32, i32, i32
  }
  func.func @transform_4(%arg0: i32, %arg1: memref<128xi32, #tpu.memory_space<smem>>) -> (i32, i32) {
    %c0_i32 = arith.constant 0 : i32
    %c0_i32_0 = arith.constant 0 : i32
    return %arg0, %c0_i32 : i32, i32
  }
}

module attributes {stable_mosaic.version = 14 : i64} {
  func.func @_router_body(%arg0: i32, %arg1: memref<256x1024xf32, #tpu.memory_space<vmem>>, %arg2: memref<1024x8xf32, #tpu.memory_space<vmem>>, %arg3: memref<2x8x256xi32, #tpu.memory_space<vmem>>, %arg4: memref<2x8x256xf32, #tpu.memory_space<vmem>>, %arg5: memref<1x128xi32, #tpu.memory_space<vmem>>, %arg6: memref<256x512xi32, #tpu.memory_space<vmem>>, %arg7: memref<8x256x8xf32, #tpu.memory_space<vmem>>, %arg8: memref<8x256x8xf32, #tpu.memory_space<vmem>>, %arg9: memref<8x256x8xf32, #tpu.memory_space<vmem>>, %arg10: memref<8x256x8xf32, #tpu.memory_space<vmem>>, %arg11: memref<8x256x1xf32, #tpu.memory_space<vmem>>, %arg12: memref<8x256x1xf32, #tpu.memory_space<vmem>>, %arg13: memref<1x8xf32, #tpu.memory_space<vmem>>, %arg14: memref<256x256xbf16, #tpu.memory_space<vmem>>) attributes {dimension_semantics = [#tpu.dimension_semantics<arbitrary>], iteration_bounds = array<i64: 9>, scalar_prefetch = 0 : i64, scratch_operands = 8 : i64, tpu.core_type = #tpu.core_type<tc>, window_params = [{transform_indices = @transform_0, window_bounds = array<i64: 256, 1024>}, {pipeline_mode = #tpu.pipeline_mode<synchronous>, transform_indices = @transform_1, window_bounds = array<i64: 1024, 8>}, {pipeline_mode = #tpu.pipeline_mode<synchronous>, transform_indices = @transform_2, window_bounds = array<i64: 2, 8, 256>}, {pipeline_mode = #tpu.pipeline_mode<synchronous>, transform_indices = @transform_3, window_bounds = array<i64: 2, 8, 256>}, {pipeline_mode = #tpu.pipeline_mode<synchronous>, transform_indices = @transform_4, window_bounds = array<i64: 1, 128>}, {transform_indices = @transform_5, window_bounds = array<i64: 256, 512>}]} {
    %eq3A = arith.constant 0 : i32
    %eq3A_0 = arith.cmpi eq, %arg0, %eq3A : i32
    %convert_element_type3A = arith.extui %eq3A_0 : i1 to i32
    %cond3A = arith.constant 0 : i32
    %cond3A_1 = arith.cmpi ne, %convert_element_type3A, %cond3A : i32
    scf.if %cond3A_1 {
      %broadcast_in_dim3A = arith.constant 0.000000e+00 : f32
      %broadcast_in_dim3A_11 = vector.broadcast %broadcast_in_dim3A : f32 to vector<1x8xf32>
      %swap3A = arith.constant 0 : index
      %swap3A_12 = arith.constant 0 : index
      %swap3A_13 = vector.load %arg13[%swap3A, %swap3A_12] : memref<1x8xf32, #tpu.memory_space<vmem>>, vector<1x8xf32>
      tpu.vector_store %arg13[%swap3A, %swap3A_12], %broadcast_in_dim3A_11 {strides = array<i32>} : memref<1x8xf32, #tpu.memory_space<vmem>>, vector<1x8xf32>,
      %iota3A = tpu.iota {dimensions = array<i32: 0>} : vector<256x256xi32>
      %iota3A_14 = tpu.iota {dimensions = array<i32: 1>} : vector<256x256xi32>
      %gt3A = arith.cmpi sgt, %iota3A, %iota3A_14 : vector<256x256xi32>
      %convert_element_type3A_15 = arith.extui %gt3A : vector<256x256xi1> to vector<256x256xi32>
      %convert_element_type3A_16 = arith.sitofp %convert_element_type3A_15 : vector<256x256xi32> to vector<256x256xf32>
      %convert_element_type3A_17 = arith.truncf %convert_element_type3A_16 : vector<256x256xf32> to vector<256x256xbf16>
      %swap3A_18 = arith.constant 0 : index
      %swap3A_19 = arith.constant 0 : index
      %swap3A_20 = vector.load %arg14[%swap3A_18, %swap3A_19] : memref<256x256xbf16, #tpu.memory_space<vmem>>, vector<256x256xbf16>
      tpu.vector_store %arg14[%swap3A_18, %swap3A_19], %convert_element_type3A_17 {strides = array<i32>} : memref<256x256xbf16, #tpu.memory_space<vmem>>, vector<256x256xbf16>,
    } else {
    }
    %lt3A = arith.constant 8 : i32
    %lt3A_2 = arith.cmpi slt, %arg0, %lt3A : i32
    %convert_element_type3A_3 = arith.extui %lt3A_2 : i1 to i32
    %cond3A_4 = arith.constant 0 : i32
    %cond3A_5 = arith.cmpi ne, %convert_element_type3A_3, %cond3A_4 : i32
    scf.if %cond3A_5 {
      %get3A = arith.constant 0 : index
      %get3A_11 = arith.constant 0 : index
      %get3A_12 = vector.load %arg1[%get3A, %get3A_11] : memref<256x1024xf32, #tpu.memory_space<vmem>>, vector<256x1024xf32>
      %get3A_13 = arith.constant 0 : index
      %get3A_14 = arith.constant 0 : index
      %get3A_15 = vector.load %arg2[%get3A_13, %get3A_14] : memref<1024x8xf32, #tpu.memory_space<vmem>>, vector<1024x8xf32>
      %dot_general3A = arith.constant dense<0.000000e+00> : vector<256x8xf32>
      %dot_general3A_16 = tpu.matmul %get3A_12, %get3A_15, %dot_general3A {dimension_numbers = #tpu.dot_dimension_numbers<[1], [0], [0], [1], [0, 0, 1, 1], [], []>, transpose_lhs_hint = false} : vector<256x1024xf32>, vector<1024x8xf32>, vector<256x8xf32> -> vector<256x8xf32>
      %reduce_max3A = arith.constant dense<0xFF800000> : vector<256xf32>
      %reduce_max3A_17 = vector.multi_reduction <maximumf>, %dot_general3A_16, %reduce_max3A [1] : vector<256x8xf32> to vector<256xf32>
      %broadcast_in_dim3A = vector.shape_cast %reduce_max3A_17 : vector<256xf32> to vector<256x1xf32>
      %sub3A = vector.broadcast %broadcast_in_dim3A : vector<256x1xf32> to vector<256x8xf32>
      %sub3A_18 = arith.subf %dot_general3A_16, %sub3A : vector<256x8xf32>
      %exp3A = math.exp %sub3A_18 : vector<256x8xf32>
      %reduce_sum3A = arith.constant dense<0.000000e+00> : vector<256xf32>
      %reduce_sum3A_19 = vector.multi_reduction <add>, %exp3A, %reduce_sum3A [1] : vector<256x8xf32> to vector<256xf32>
      %broadcast_in_dim3A_20 = vector.shape_cast %reduce_sum3A_19 : vector<256xf32> to vector<256x1xf32>
      %div3A = vector.broadcast %broadcast_in_dim3A_20 : vector<256x1xf32> to vector<256x8xf32>
      %div3A_21 = arith.divf %exp3A, %div3A : vector<256x8xf32>
      %iota3A = tpu.iota {dimensions = array<i32: 1>} : vector<256x8xi32>
      %reduce_max3A_22 = arith.constant dense<0xFF800000> : vector<256xf32>
      %reduce_max3A_23 = vector.multi_reduction <maximumf>, %div3A_21, %reduce_max3A_22 [1] : vector<256x8xf32> to vector<256xf32>
      %broadcast_in_dim3A_24 = vector.shape_cast %reduce_max3A_23 : vector<256xf32> to vector<256x1xf32>
      %eq3A_25 = vector.broadcast %broadcast_in_dim3A_24 : vector<256x1xf32> to vector<256x8xf32>
      %eq3A_26 = arith.cmpf oeq, %div3A_21, %eq3A_25 : vector<256x8xf32>
      %jit3A = arith.constant 8 : i32
      %broadcast_in_dim3A_27 = vector.broadcast %jit3A : i32 to vector<256x8xi32>
      %select_n3A = arith.select %eq3A_26, %iota3A, %broadcast_in_dim3A_27 : vector<256x8xi1>, vector<256x8xi32>
      %reduce_min3A = arith.constant dense<2147483647> : vector<256xi32>
      %reduce_min3A_28 = vector.multi_reduction <minsi>, %select_n3A, %reduce_min3A [1] : vector<256x8xi32> to vector<256xi32>
      %broadcast_in_dim3A_29 = vector.shape_cast %reduce_min3A_28 : vector<256xi32> to vector<256x1xi32>
      %eq3A_30 = vector.broadcast %broadcast_in_dim3A_29 : vector<256x1xi32> to vector<256x8xi32>
      %eq3A_31 = arith.cmpi eq, %iota3A, %eq3A_30 : vector<256x8xi32>
      %convert_element_type3A_32 = arith.extui %eq3A_31 : vector<256x8xi1> to vector<256x8xi32>
      %convert_element_type3A_33 = arith.sitofp %convert_element_type3A_32 : vector<256x8xi32> to vector<256x8xf32>
      %eq3A_34 = vector.broadcast %broadcast_in_dim3A_29 : vector<256x1xi32> to vector<256x8xi32>
      %eq3A_35 = arith.cmpi eq, %iota3A, %eq3A_34 : vector<256x8xi32>
      %jit3A_36 = arith.constant 0xFF800000 : f32
      %broadcast_in_dim3A_37 = vector.broadcast %jit3A_36 : f32 to vector<256x8xf32>
      %select_n3A_38 = arith.select %eq3A_35, %broadcast_in_dim3A_37, %div3A_21 : vector<256x8xi1>, vector<256x8xf32>
      %reduce_max3A_39 = arith.constant dense<0xFF800000> : vector<256xf32>
      %reduce_max3A_40 = vector.multi_reduction <maximumf>, %select_n3A_38, %reduce_max3A_39 [1] : vector<256x8xf32> to vector<256xf32>
      %broadcast_in_dim3A_41 = vector.shape_cast %reduce_max3A_40 : vector<256xf32> to vector<256x1xf32>
      %eq3A_42 = vector.broadcast %broadcast_in_dim3A_41 : vector<256x1xf32> to vector<256x8xf32>
      %eq3A_43 = arith.cmpf oeq, %select_n3A_38, %eq3A_42 : vector<256x8xf32>
      %jit3A_44 = arith.constant 8 : i32
      %broadcast_in_dim3A_45 = vector.broadcast %jit3A_44 : i32 to vector<256x8xi32>
      %select_n3A_46 = arith.select %eq3A_43, %iota3A, %broadcast_in_dim3A_45 : vector<256x8xi1>, vector<256x8xi32>
      %reduce_min3A_47 = arith.constant dense<2147483647> : vector<256xi32>
      %reduce_min3A_48 = vector.multi_reduction <minsi>, %select_n3A_46, %reduce_min3A_47 [1] : vector<256x8xi32> to vector<256xi32>
      %broadcast_in_dim3A_49 = vector.shape_cast %reduce_min3A_48 : vector<256xi32> to vector<256x1xi32>
      %eq3A_50 = vector.broadcast %broadcast_in_dim3A_49 : vector<256x1xi32> to vector<256x8xi32>
      %eq3A_51 = arith.cmpi eq, %iota3A, %eq3A_50 : vector<256x8xi32>
      %convert_element_type3A_52 = arith.extui %eq3A_51 : vector<256x8xi1> to vector<256x8xi32>
      %convert_element_type3A_53 = arith.sitofp %convert_element_type3A_52 : vector<256x8xi32> to vector<256x8xf32>
      %add3A = arith.addf %broadcast_in_dim3A_24, %broadcast_in_dim3A_41 : vector<256x1xf32>
      %div3A_54 = arith.divf %broadcast_in_dim3A_24, %add3A : vector<256x1xf32>
      %div3A_55 = arith.divf %broadcast_in_dim3A_41, %add3A : vector<256x1xf32>
      %get3A_56 = arith.constant 0 : index
      %get3A_57 = arith.constant 0 : index
      %get3A_58 = vector.load %arg14[%get3A_56, %get3A_57] : memref<256x256xbf16, #tpu.memory_space<vmem>>, vector<256x256xbf16>
      %get3A_59 = arith.constant 0 : index
      %get3A_60 = arith.constant 0 : index
      %get3A_61 = vector.load %arg13[%get3A_59, %get3A_60] : memref<1x8xf32, #tpu.memory_space<vmem>>, vector<1x8xf32>
      %convert_element_type3A_62 = arith.truncf %convert_element_type3A_33 : vector<256x8xf32> to vector<256x8xbf16>
      %dot_general3A_63 = arith.constant dense<0.000000e+00> : vector<256x8xf32>
      %dot_general3A_64 = tpu.matmul %get3A_58, %convert_element_type3A_62, %dot_general3A_63 {dimension_numbers = #tpu.dot_dimension_numbers<[1], [0], [0], [1], [0, 0, 1, 1], [], []>, transpose_lhs_hint = false} : vector<256x256xbf16>, vector<256x8xbf16>, vector<256x8xf32> -> vector<256x8xf32>
      %add3A_65 = vector.broadcast %get3A_61 : vector<1x8xf32> to vector<256x8xf32>
      %add3A_66 = arith.addf %dot_general3A_64, %add3A_65 : vector<256x8xf32>
      %reduce_sum3A_67 = arith.constant dense<0.000000e+00> : vector<8xf32>
      %reduce_sum3A_68 = vector.multi_reduction <add>, %convert_element_type3A_33, %reduce_sum3A_67 [0] : vector<256x8xf32> to vector<8xf32>
      %broadcast_in_dim3A_69 = vector.shape_cast %reduce_sum3A_68 : vector<8xf32> to vector<1x8xf32>
      %add3A_70 = arith.addf %get3A_61, %broadcast_in_dim3A_69 : vector<1x8xf32>
      %convert_element_type3A_71 = arith.truncf %convert_element_type3A_53 : vector<256x8xf32> to vector<256x8xbf16>
      %dot_general3A_72 = arith.constant dense<0.000000e+00> : vector<256x8xf32>
      %dot_general3A_73 = tpu.matmul %get3A_58, %convert_element_type3A_71, %dot_general3A_72 {dimension_numbers = #tpu.dot_dimension_numbers<[1], [0], [0], [1], [0, 0, 1, 1], [], []>, transpose_lhs_hint = false} : vector<256x256xbf16>, vector<256x8xbf16>, vector<256x8xf32> -> vector<256x8xf32>
      %add3A_74 = vector.broadcast %add3A_70 : vector<1x8xf32> to vector<256x8xf32>
      %add3A_75 = arith.addf %dot_general3A_73, %add3A_74 : vector<256x8xf32>
      %reduce_sum3A_76 = arith.constant dense<0.000000e+00> : vector<8xf32>
      %reduce_sum3A_77 = vector.multi_reduction <add>, %convert_element_type3A_53, %reduce_sum3A_76 [0] : vector<256x8xf32> to vector<8xf32>
      %broadcast_in_dim3A_78 = vector.shape_cast %reduce_sum3A_77 : vector<8xf32> to vector<1x8xf32>
      %add3A_79 = arith.addf %add3A_70, %broadcast_in_dim3A_78 : vector<1x8xf32>
      %swap3A = arith.constant 0 : index
      %swap3A_80 = arith.constant 0 : index
      %swap3A_81 = vector.load %arg13[%swap3A, %swap3A_80] : memref<1x8xf32, #tpu.memory_space<vmem>>, vector<1x8xf32>
      tpu.vector_store %arg13[%swap3A, %swap3A_80], %add3A_79 {strides = array<i32>} : memref<1x8xf32, #tpu.memory_space<vmem>>, vector<1x8xf32>,
      %mul3A = arith.mulf %add3A_66, %convert_element_type3A_33 : vector<256x8xf32>
      %swap3A_82 = arith.index_cast %arg0 : i32 to index
      %swap3A_83 = arith.constant 0 : index
      %swap3A_84 = arith.constant 0 : index
      %swap3A_85 = vector.load %arg7[%swap3A_82, %swap3A_83, %swap3A_84] : memref<8x256x8xf32, #tpu.memory_space<vmem>>, vector<1x256x8xf32>
      %swap3A_86 = vector.shape_cast %swap3A_85 : vector<1x256x8xf32> to vector<256x8xf32>
      %swap3A_87 = vector.shape_cast %mul3A : vector<256x8xf32> to vector<1x256x8xf32>
      tpu.vector_store %arg7[%swap3A_82, %swap3A_83, %swap3A_84], %swap3A_87 {strides = array<i32>} : memref<8x256x8xf32, #tpu.memory_space<vmem>>, vector<1x256x8xf32>,
      %swap3A_88 = arith.index_cast %arg0 : i32 to index
      %swap3A_89 = arith.constant 0 : index
      %swap3A_90 = arith.constant 0 : index
      %swap3A_91 = vector.load %arg8[%swap3A_88, %swap3A_89, %swap3A_90] : memref<8x256x8xf32, #tpu.memory_space<vmem>>, vector<1x256x8xf32>
      %swap3A_92 = vector.shape_cast %swap3A_91 : vector<1x256x8xf32> to vector<256x8xf32>
      %swap3A_93 = vector.shape_cast %convert_element_type3A_33 : vector<256x8xf32> to vector<1x256x8xf32>
      tpu.vector_store %arg8[%swap3A_88, %swap3A_89, %swap3A_90], %swap3A_93 {strides = array<i32>} : memref<8x256x8xf32, #tpu.memory_space<vmem>>, vector<1x256x8xf32>,
      %mul3A_94 = arith.mulf %add3A_75, %convert_element_type3A_53 : vector<256x8xf32>
      %swap3A_95 = arith.index_cast %arg0 : i32 to index
      %swap3A_96 = arith.constant 0 : index
      %swap3A_97 = arith.constant 0 : index
      %swap3A_98 = vector.load %arg9[%swap3A_95, %swap3A_96, %swap3A_97] : memref<8x256x8xf32, #tpu.memory_space<vmem>>, vector<1x256x8xf32>
      %swap3A_99 = vector.shape_cast %swap3A_98 : vector<1x256x8xf32> to vector<256x8xf32>
      %swap3A_100 = vector.shape_cast %mul3A_94 : vector<256x8xf32> to vector<1x256x8xf32>
      tpu.vector_store %arg9[%swap3A_95, %swap3A_96, %swap3A_97], %swap3A_100 {strides = array<i32>} : memref<8x256x8xf32, #tpu.memory_space<vmem>>, vector<1x256x8xf32>,
      %swap3A_101 = arith.index_cast %arg0 : i32 to index
      %swap3A_102 = arith.constant 0 : index
      %swap3A_103 = arith.constant 0 : index
      %swap3A_104 = vector.load %arg10[%swap3A_101, %swap3A_102, %swap3A_103] : memref<8x256x8xf32, #tpu.memory_space<vmem>>, vector<1x256x8xf32>
      %swap3A_105 = vector.shape_cast %swap3A_104 : vector<1x256x8xf32> to vector<256x8xf32>
      %swap3A_106 = vector.shape_cast %convert_element_type3A_53 : vector<256x8xf32> to vector<1x256x8xf32>
      tpu.vector_store %arg10[%swap3A_101, %swap3A_102, %swap3A_103], %swap3A_106 {strides = array<i32>} : memref<8x256x8xf32, #tpu.memory_space<vmem>>, vector<1x256x8xf32>,
      %swap3A_107 = arith.index_cast %arg0 : i32 to index
      %swap3A_108 = arith.constant 0 : index
      %swap3A_109 = arith.constant 0 : index
      %swap3A_110 = vector.load %arg11[%swap3A_107, %swap3A_108, %swap3A_109] : memref<8x256x1xf32, #tpu.memory_space<vmem>>, vector<1x256x1xf32>
      %swap3A_111 = vector.shape_cast %swap3A_110 : vector<1x256x1xf32> to vector<256x1xf32>
      %swap3A_112 = vector.shape_cast %div3A_54 : vector<256x1xf32> to vector<1x256x1xf32>
      tpu.vector_store %arg11[%swap3A_107, %swap3A_108, %swap3A_109], %swap3A_112 {strides = array<i32>} : memref<8x256x1xf32, #tpu.memory_space<vmem>>, vector<1x256x1xf32>,
      %swap3A_113 = arith.index_cast %arg0 : i32 to index
      %swap3A_114 = arith.constant 0 : index
      %swap3A_115 = arith.constant 0 : index
      %swap3A_116 = vector.load %arg12[%swap3A_113, %swap3A_114, %swap3A_115] : memref<8x256x1xf32, #tpu.memory_space<vmem>>, vector<1x256x1xf32>
      %swap3A_117 = vector.shape_cast %swap3A_116 : vector<1x256x1xf32> to vector<256x1xf32>
      %swap3A_118 = vector.shape_cast %div3A_55 : vector<256x1xf32> to vector<1x256x1xf32>
      tpu.vector_store %arg12[%swap3A_113, %swap3A_114, %swap3A_115], %swap3A_118 {strides = array<i32>} : memref<8x256x1xf32, #tpu.memory_space<vmem>>, vector<1x256x1xf32>,
      %convert_element_type3A_119 = arith.truncf %get3A_12 : vector<256x1024xf32> to vector<256x1024xbf16>
      %slice3A = vector.extract_strided_slice %convert_element_type3A_119 {offsets = [0, 0], sizes = [256, 512], strides = [1, 1]} : vector<256x1024xbf16> to vector<256x512xbf16>
      %bitcast_convert_type3A = tpu.bitcast %slice3A : vector<256x512xbf16> -> vector<256x512xi16>
      %convert_element_type3A_120 = arith.extui %bitcast_convert_type3A : vector<256x512xi16> to vector<256x512xi32>
      %slice3A_121 = vector.extract_strided_slice %convert_element_type3A_119 {offsets = [0, 512], sizes = [256, 512], strides = [1, 1]} : vector<256x1024xbf16> to vector<256x512xbf16>
      %bitcast_convert_type3A_122 = tpu.bitcast %slice3A_121 : vector<256x512xbf16> -> vector<256x512xi16>
      %convert_element_type3A_123 = arith.extui %bitcast_convert_type3A_122 : vector<256x512xi16> to vector<256x512xi32>
      %shift_left3A = arith.constant 16 : i32
      %shift_left3A_124 = vector.broadcast %shift_left3A : i32 to vector<256x512xi32>
      %shift_left3A_125 = arith.shli %convert_element_type3A_123, %shift_left3A_124 : vector<256x512xi32>
      %or3A = arith.ori %convert_element_type3A_120, %shift_left3A_125 : vector<256x512xi32>
      %bitcast_convert_type3A_126 = tpu.bitcast %or3A : vector<256x512xi32> -> vector<256x512xi32>
      %swap3A_127 = arith.constant 0 : index
      %swap3A_128 = arith.constant 0 : index
      %swap3A_129 = vector.load %arg6[%swap3A_127, %swap3A_128] : memref<256x512xi32, #tpu.memory_space<vmem>>, vector<256x512xi32>
      tpu.vector_store %arg6[%swap3A_127, %swap3A_128], %bitcast_convert_type3A_126 {strides = array<i32>} : memref<256x512xi32, #tpu.memory_space<vmem>>, vector<256x512xi32>,
    } else {
    }
    %eq3A_6 = arith.constant 8 : i32
    %eq3A_7 = arith.cmpi eq, %arg0, %eq3A_6 : i32
    %convert_element_type3A_8 = arith.extui %eq3A_7 : i1 to i32
    %cond3A_9 = arith.constant 0 : i32
    %cond3A_10 = arith.cmpi ne, %convert_element_type3A_8, %cond3A_9 : i32
    scf.if %cond3A_10 {
      %get3A = arith.constant 0 : index
      %get3A_11 = arith.constant 0 : index
      %get3A_12 = vector.load %arg13[%get3A, %get3A_11] : memref<1x8xf32, #tpu.memory_space<vmem>>, vector<1x8xf32>
      %div3A = arith.constant 1.280000e+02 : f32
      %div3A_13 = vector.broadcast %div3A : f32 to vector<1x8xf32>
      %div3A_14 = arith.divf %get3A_12, %div3A_13 : vector<1x8xf32>
      %ceil3A = math.ceil %div3A_14 : vector<1x8xf32>
      %mul3A = arith.constant 1.280000e+02 : f32
      %mul3A_15 = vector.broadcast %mul3A : f32 to vector<1x8xf32>
      %mul3A_16 = arith.mulf %ceil3A, %mul3A_15 : vector<1x8xf32>
      %iota3A = tpu.iota {dimensions = array<i32: 0>} : vector<8x8xi32>
      %iota3A_17 = tpu.iota {dimensions = array<i32: 1>} : vector<8x8xi32>
      %lt3A_18 = arith.cmpi slt, %iota3A, %iota3A_17 : vector<8x8xi32>
      %convert_element_type3A_19 = arith.extui %lt3A_18 : vector<8x8xi1> to vector<8x8xi32>
      %convert_element_type3A_20 = arith.sitofp %convert_element_type3A_19 : vector<8x8xi32> to vector<8x8xf32>
      %le3A = arith.cmpi sle, %iota3A, %iota3A_17 : vector<8x8xi32>
      %convert_element_type3A_21 = arith.extui %le3A : vector<8x8xi1> to vector<8x8xi32>
      %convert_element_type3A_22 = arith.sitofp %convert_element_type3A_21 : vector<8x8xi32> to vector<8x8xf32>
      %dot_general3A = arith.constant dense<0.000000e+00> : vector<1x8xf32>
      %dot_general3A_23 = tpu.matmul %mul3A_16, %convert_element_type3A_20, %dot_general3A {dimension_numbers = #tpu.dot_dimension_numbers<[1], [0], [0], [1], [0, 0, 1, 1], [], []>, transpose_lhs_hint = false} : vector<1x8xf32>, vector<8x8xf32>, vector<1x8xf32> -> vector<1x8xf32>
      %dot_general3A_24 = arith.constant dense<0.000000e+00> : vector<1x8xf32>
      %dot_general3A_25 = tpu.matmul %mul3A_16, %convert_element_type3A_22, %dot_general3A_24 {dimension_numbers = #tpu.dot_dimension_numbers<[1], [0], [0], [1], [0, 0, 1, 1], [], []>, transpose_lhs_hint = false} : vector<1x8xf32>, vector<8x8xf32>, vector<1x8xf32> -> vector<1x8xf32>
      %div3A_26 = arith.constant 1.280000e+02 : f32
      %div3A_27 = vector.broadcast %div3A_26 : f32 to vector<1x8xf32>
      %div3A_28 = arith.divf %dot_general3A_25, %div3A_27 : vector<1x8xf32>
      %get3A_29 = arith.constant 0 : index
      %get3A_30 = arith.constant 0 : index
      %get3A_31 = arith.constant 0 : index
      %get3A_32 = vector.load %arg8[%get3A_29, %get3A_30, %get3A_31] : memref<8x256x8xf32, #tpu.memory_space<vmem>>, vector<1x256x8xf32>
      %get3A_33 = vector.shape_cast %get3A_32 : vector<1x256x8xf32> to vector<256x8xf32>
      %get3A_34 = arith.constant 0 : index
      %get3A_35 = arith.constant 0 : index
      %get3A_36 = arith.constant 0 : index
      %get3A_37 = vector.load %arg10[%get3A_34, %get3A_35, %get3A_36] : memref<8x256x8xf32, #tpu.memory_space<vmem>>, vector<1x256x8xf32>
      %get3A_38 = vector.shape_cast %get3A_37 : vector<1x256x8xf32> to vector<256x8xf32>
      %get3A_39 = arith.constant 0 : index
      %get3A_40 = arith.constant 0 : index
      %get3A_41 = arith.constant 0 : index
      %get3A_42 = vector.load %arg7[%get3A_39, %get3A_40, %get3A_41] : memref<8x256x8xf32, #tpu.memory_space<vmem>>, vector<1x256x8xf32>
      %get3A_43 = vector.shape_cast %get3A_42 : vector<1x256x8xf32> to vector<256x8xf32>
      %mul3A_44 = vector.broadcast %dot_general3A_23 : vector<1x8xf32> to vector<256x8xf32>
      %mul3A_45 = arith.mulf %mul3A_44, %get3A_33 : vector<256x8xf32>
      %add3A = arith.addf %get3A_43, %mul3A_45 : vector<256x8xf32>
      %reduce_sum3A = arith.constant dense<0.000000e+00> : vector<256xf32>
      %reduce_sum3A_46 = vector.multi_reduction <add>, %add3A, %reduce_sum3A [1] : vector<256x8xf32> to vector<256xf32>
      %broadcast_in_dim3A = vector.shape_cast %reduce_sum3A_46 : vector<256xf32> to vector<256x1xf32>
      %get3A_47 = arith.constant 0 : index
      %get3A_48 = arith.constant 0 : index
      %get3A_49 = arith.constant 0 : index
      %get3A_50 = vector.load %arg9[%get3A_47, %get3A_48, %get3A_49] : memref<8x256x8xf32, #tpu.memory_space<vmem>>, vector<1x256x8xf32>
      %get3A_51 = vector.shape_cast %get3A_50 : vector<1x256x8xf32> to vector<256x8xf32>
      %mul3A_52 = vector.broadcast %dot_general3A_23 : vector<1x8xf32> to vector<256x8xf32>
      %mul3A_53 = arith.mulf %mul3A_52, %get3A_38 : vector<256x8xf32>
      %add3A_54 = arith.addf %get3A_51, %mul3A_53 : vector<256x8xf32>
      %reduce_sum3A_55 = arith.constant dense<0.000000e+00> : vector<256xf32>
      %reduce_sum3A_56 = vector.multi_reduction <add>, %add3A_54, %reduce_sum3A_55 [1] : vector<256x8xf32> to vector<256xf32>
      %broadcast_in_dim3A_57 = vector.shape_cast %reduce_sum3A_56 : vector<256xf32> to vector<256x1xf32>
      %get3A_58 = arith.constant 1 : index
      %get3A_59 = arith.constant 0 : index
      %get3A_60 = arith.constant 0 : index
      %get3A_61 = vector.load %arg8[%get3A_58, %get3A_59, %get3A_60] : memref<8x256x8xf32, #tpu.memory_space<vmem>>, vector<1x256x8xf32>
      %get3A_62 = vector.shape_cast %get3A_61 : vector<1x256x8xf32> to vector<256x8xf32>
      %get3A_63 = arith.constant 1 : index
      %get3A_64 = arith.constant 0 : index
      %get3A_65 = arith.constant 0 : index
      %get3A_66 = vector.load %arg10[%get3A_63, %get3A_64, %get3A_65] : memref<8x256x8xf32, #tpu.memory_space<vmem>>, vector<1x256x8xf32>
      %get3A_67 = vector.shape_cast %get3A_66 : vector<1x256x8xf32> to vector<256x8xf32>
      %get3A_68 = arith.constant 1 : index
      %get3A_69 = arith.constant 0 : index
      %get3A_70 = arith.constant 0 : index
      %get3A_71 = vector.load %arg7[%get3A_68, %get3A_69, %get3A_70] : memref<8x256x8xf32, #tpu.memory_space<vmem>>, vector<1x256x8xf32>
      %get3A_72 = vector.shape_cast %get3A_71 : vector<1x256x8xf32> to vector<256x8xf32>
      %mul3A_73 = vector.broadcast %dot_general3A_23 : vector<1x8xf32> to vector<256x8xf32>
      %mul3A_74 = arith.mulf %mul3A_73, %get3A_62 : vector<256x8xf32>
      %add3A_75 = arith.addf %get3A_72, %mul3A_74 : vector<256x8xf32>
      %reduce_sum3A_76 = arith.constant dense<0.000000e+00> : vector<256xf32>
      %reduce_sum3A_77 = vector.multi_reduction <add>, %add3A_75, %reduce_sum3A_76 [1] : vector<256x8xf32> to vector<256xf32>
      %broadcast_in_dim3A_78 = vector.shape_cast %reduce_sum3A_77 : vector<256xf32> to vector<256x1xf32>
      %get3A_79 = arith.constant 1 : index
      %get3A_80 = arith.constant 0 : index
      %get3A_81 = arith.constant 0 : index
      %get3A_82 = vector.load %arg9[%get3A_79, %get3A_80, %get3A_81] : memref<8x256x8xf32, #tpu.memory_space<vmem>>, vector<1x256x8xf32>
      %get3A_83 = vector.shape_cast %get3A_82 : vector<1x256x8xf32> to vector<256x8xf32>
      %mul3A_84 = vector.broadcast %dot_general3A_23 : vector<1x8xf32> to vector<256x8xf32>
      %mul3A_85 = arith.mulf %mul3A_84, %get3A_67 : vector<256x8xf32>
      %add3A_86 = arith.addf %get3A_83, %mul3A_85 : vector<256x8xf32>
      %reduce_sum3A_87 = arith.constant dense<0.000000e+00> : vector<256xf32>
      %reduce_sum3A_88 = vector.multi_reduction <add>, %add3A_86, %reduce_sum3A_87 [1] : vector<256x8xf32> to vector<256xf32>
      %broadcast_in_dim3A_89 = vector.shape_cast %reduce_sum3A_88 : vector<256xf32> to vector<256x1xf32>
      %get3A_90 = arith.constant 2 : index
      %get3A_91 = arith.constant 0 : index
      %get3A_92 = arith.constant 0 : index
      %get3A_93 = vector.load %arg8[%get3A_90, %get3A_91, %get3A_92] : memref<8x256x8xf32, #tpu.memory_space<vmem>>, vector<1x256x8xf32>
      %get3A_94 = vector.shape_cast %get3A_93 : vector<1x256x8xf32> to vector<256x8xf32>
      %get3A_95 = arith.constant 2 : index
      %get3A_96 = arith.constant 0 : index
      %get3A_97 = arith.constant 0 : index
      %get3A_98 = vector.load %arg10[%get3A_95, %get3A_96, %get3A_97] : memref<8x256x8xf32, #tpu.memory_space<vmem>>, vector<1x256x8xf32>
      %get3A_99 = vector.shape_cast %get3A_98 : vector<1x256x8xf32> to vector<256x8xf32>
      %get3A_100 = arith.constant 2 : index
      %get3A_101 = arith.constant 0 : index
      %get3A_102 = arith.constant 0 : index
      %get3A_103 = vector.load %arg7[%get3A_100, %get3A_101, %get3A_102] : memref<8x256x8xf32, #tpu.memory_space<vmem>>, vector<1x256x8xf32>
      %get3A_104 = vector.shape_cast %get3A_103 : vector<1x256x8xf32> to vector<256x8xf32>
      %mul3A_105 = vector.broadcast %dot_general3A_23 : vector<1x8xf32> to vector<256x8xf32>
      %mul3A_106 = arith.mulf %mul3A_105, %get3A_94 : vector<256x8xf32>
      %add3A_107 = arith.addf %get3A_104, %mul3A_106 : vector<256x8xf32>
      %reduce_sum3A_108 = arith.constant dense<0.000000e+00> : vector<256xf32>
      %reduce_sum3A_109 = vector.multi_reduction <add>, %add3A_107, %reduce_sum3A_108 [1] : vector<256x8xf32> to vector<256xf32>
      %broadcast_in_dim3A_110 = vector.shape_cast %reduce_sum3A_109 : vector<256xf32> to vector<256x1xf32>
      %get3A_111 = arith.constant 2 : index
      %get3A_112 = arith.constant 0 : index
      %get3A_113 = arith.constant 0 : index
      %get3A_114 = vector.load %arg9[%get3A_111, %get3A_112, %get3A_113] : memref<8x256x8xf32, #tpu.memory_space<vmem>>, vector<1x256x8xf32>
      %get3A_115 = vector.shape_cast %get3A_114 : vector<1x256x8xf32> to vector<256x8xf32>
      %mul3A_116 = vector.broadcast %dot_general3A_23 : vector<1x8xf32> to vector<256x8xf32>
      %mul3A_117 = arith.mulf %mul3A_116, %get3A_99 : vector<256x8xf32>
      %add3A_118 = arith.addf %get3A_115, %mul3A_117 : vector<256x8xf32>
      %reduce_sum3A_119 = arith.constant dense<0.000000e+00> : vector<256xf32>
      %reduce_sum3A_120 = vector.multi_reduction <add>, %add3A_118, %reduce_sum3A_119 [1] : vector<256x8xf32> to vector<256xf32>
      %broadcast_in_dim3A_121 = vector.shape_cast %reduce_sum3A_120 : vector<256xf32> to vector<256x1xf32>
      %get3A_122 = arith.constant 3 : index
      %get3A_123 = arith.constant 0 : index
      %get3A_124 = arith.constant 0 : index
      %get3A_125 = vector.load %arg8[%get3A_122, %get3A_123, %get3A_124] : memref<8x256x8xf32, #tpu.memory_space<vmem>>, vector<1x256x8xf32>
      %get3A_126 = vector.shape_cast %get3A_125 : vector<1x256x8xf32> to vector<256x8xf32>
      %get3A_127 = arith.constant 3 : index
      %get3A_128 = arith.constant 0 : index
      %get3A_129 = arith.constant 0 : index
      %get3A_130 = vector.load %arg10[%get3A_127, %get3A_128, %get3A_129] : memref<8x256x8xf32, #tpu.memory_space<vmem>>, vector<1x256x8xf32>
      %get3A_131 = vector.shape_cast %get3A_130 : vector<1x256x8xf32> to vector<256x8xf32>
      %get3A_132 = arith.constant 3 : index
      %get3A_133 = arith.constant 0 : index
      %get3A_134 = arith.constant 0 : index
      %get3A_135 = vector.load %arg7[%get3A_132, %get3A_133, %get3A_134] : memref<8x256x8xf32, #tpu.memory_space<vmem>>, vector<1x256x8xf32>
      %get3A_136 = vector.shape_cast %get3A_135 : vector<1x256x8xf32> to vector<256x8xf32>
      %mul3A_137 = vector.broadcast %dot_general3A_23 : vector<1x8xf32> to vector<256x8xf32>
      %mul3A_138 = arith.mulf %mul3A_137, %get3A_126 : vector<256x8xf32>
      %add3A_139 = arith.addf %get3A_136, %mul3A_138 : vector<256x8xf32>
      %reduce_sum3A_140 = arith.constant dense<0.000000e+00> : vector<256xf32>
      %reduce_sum3A_141 = vector.multi_reduction <add>, %add3A_139, %reduce_sum3A_140 [1] : vector<256x8xf32> to vector<256xf32>
      %broadcast_in_dim3A_142 = vector.shape_cast %reduce_sum3A_141 : vector<256xf32> to vector<256x1xf32>
      %get3A_143 = arith.constant 3 : index
      %get3A_144 = arith.constant 0 : index
      %get3A_145 = arith.constant 0 : index
      %get3A_146 = vector.load %arg9[%get3A_143, %get3A_144, %get3A_145] : memref<8x256x8xf32, #tpu.memory_space<vmem>>, vector<1x256x8xf32>
      %get3A_147 = vector.shape_cast %get3A_146 : vector<1x256x8xf32> to vector<256x8xf32>
      %mul3A_148 = vector.broadcast %dot_general3A_23 : vector<1x8xf32> to vector<256x8xf32>
      %mul3A_149 = arith.mulf %mul3A_148, %get3A_131 : vector<256x8xf32>
      %add3A_150 = arith.addf %get3A_147, %mul3A_149 : vector<256x8xf32>
      %reduce_sum3A_151 = arith.constant dense<0.000000e+00> : vector<256xf32>
      %reduce_sum3A_152 = vector.multi_reduction <add>, %add3A_150, %reduce_sum3A_151 [1] : vector<256x8xf32> to vector<256xf32>
      %broadcast_in_dim3A_153 = vector.shape_cast %reduce_sum3A_152 : vector<256xf32> to vector<256x1xf32>
      %get3A_154 = arith.constant 4 : index
      %get3A_155 = arith.constant 0 : index
      %get3A_156 = arith.constant 0 : index
      %get3A_157 = vector.load %arg8[%get3A_154, %get3A_155, %get3A_156] : memref<8x256x8xf32, #tpu.memory_space<vmem>>, vector<1x256x8xf32>
      %get3A_158 = vector.shape_cast %get3A_157 : vector<1x256x8xf32> to vector<256x8xf32>
      %get3A_159 = arith.constant 4 : index
      %get3A_160 = arith.constant 0 : index
      %get3A_161 = arith.constant 0 : index
      %get3A_162 = vector.load %arg10[%get3A_159, %get3A_160, %get3A_161] : memref<8x256x8xf32, #tpu.memory_space<vmem>>, vector<1x256x8xf32>
      %get3A_163 = vector.shape_cast %get3A_162 : vector<1x256x8xf32> to vector<256x8xf32>
      %get3A_164 = arith.constant 4 : index
      %get3A_165 = arith.constant 0 : index
      %get3A_166 = arith.constant 0 : index
      %get3A_167 = vector.load %arg7[%get3A_164, %get3A_165, %get3A_166] : memref<8x256x8xf32, #tpu.memory_space<vmem>>, vector<1x256x8xf32>
      %get3A_168 = vector.shape_cast %get3A_167 : vector<1x256x8xf32> to vector<256x8xf32>
      %mul3A_169 = vector.broadcast %dot_general3A_23 : vector<1x8xf32> to vector<256x8xf32>
      %mul3A_170 = arith.mulf %mul3A_169, %get3A_158 : vector<256x8xf32>
      %add3A_171 = arith.addf %get3A_168, %mul3A_170 : vector<256x8xf32>
      %reduce_sum3A_172 = arith.constant dense<0.000000e+00> : vector<256xf32>
      %reduce_sum3A_173 = vector.multi_reduction <add>, %add3A_171, %reduce_sum3A_172 [1] : vector<256x8xf32> to vector<256xf32>
      %broadcast_in_dim3A_174 = vector.shape_cast %reduce_sum3A_173 : vector<256xf32> to vector<256x1xf32>
      %get3A_175 = arith.constant 4 : index
      %get3A_176 = arith.constant 0 : index
      %get3A_177 = arith.constant 0 : index
      %get3A_178 = vector.load %arg9[%get3A_175, %get3A_176, %get3A_177] : memref<8x256x8xf32, #tpu.memory_space<vmem>>, vector<1x256x8xf32>
      %get3A_179 = vector.shape_cast %get3A_178 : vector<1x256x8xf32> to vector<256x8xf32>
      %mul3A_180 = vector.broadcast %dot_general3A_23 : vector<1x8xf32> to vector<256x8xf32>
      %mul3A_181 = arith.mulf %mul3A_180, %get3A_163 : vector<256x8xf32>
      %add3A_182 = arith.addf %get3A_179, %mul3A_181 : vector<256x8xf32>
      %reduce_sum3A_183 = arith.constant dense<0.000000e+00> : vector<256xf32>
      %reduce_sum3A_184 = vector.multi_reduction <add>, %add3A_182, %reduce_sum3A_183 [1] : vector<256x8xf32> to vector<256xf32>
      %broadcast_in_dim3A_185 = vector.shape_cast %reduce_sum3A_184 : vector<256xf32> to vector<256x1xf32>
      %get3A_186 = arith.constant 5 : index
      %get3A_187 = arith.constant 0 : index
      %get3A_188 = arith.constant 0 : index
      %get3A_189 = vector.load %arg8[%get3A_186, %get3A_187, %get3A_188] : memref<8x256x8xf32, #tpu.memory_space<vmem>>, vector<1x256x8xf32>
      %get3A_190 = vector.shape_cast %get3A_189 : vector<1x256x8xf32> to vector<256x8xf32>
      %get3A_191 = arith.constant 5 : index
      %get3A_192 = arith.constant 0 : index
      %get3A_193 = arith.constant 0 : index
      %get3A_194 = vector.load %arg10[%get3A_191, %get3A_192, %get3A_193] : memref<8x256x8xf32, #tpu.memory_space<vmem>>, vector<1x256x8xf32>
      %get3A_195 = vector.shape_cast %get3A_194 : vector<1x256x8xf32> to vector<256x8xf32>
      %get3A_196 = arith.constant 5 : index
      %get3A_197 = arith.constant 0 : index
      %get3A_198 = arith.constant 0 : index
      %get3A_199 = vector.load %arg7[%get3A_196, %get3A_197, %get3A_198] : memref<8x256x8xf32, #tpu.memory_space<vmem>>, vector<1x256x8xf32>
      %get3A_200 = vector.shape_cast %get3A_199 : vector<1x256x8xf32> to vector<256x8xf32>
      %mul3A_201 = vector.broadcast %dot_general3A_23 : vector<1x8xf32> to vector<256x8xf32>
      %mul3A_202 = arith.mulf %mul3A_201, %get3A_190 : vector<256x8xf32>
      %add3A_203 = arith.addf %get3A_200, %mul3A_202 : vector<256x8xf32>
      %reduce_sum3A_204 = arith.constant dense<0.000000e+00> : vector<256xf32>
      %reduce_sum3A_205 = vector.multi_reduction <add>, %add3A_203, %reduce_sum3A_204 [1] : vector<256x8xf32> to vector<256xf32>
      %broadcast_in_dim3A_206 = vector.shape_cast %reduce_sum3A_205 : vector<256xf32> to vector<256x1xf32>
      %get3A_207 = arith.constant 5 : index
      %get3A_208 = arith.constant 0 : index
      %get3A_209 = arith.constant 0 : index
      %get3A_210 = vector.load %arg9[%get3A_207, %get3A_208, %get3A_209] : memref<8x256x8xf32, #tpu.memory_space<vmem>>, vector<1x256x8xf32>
      %get3A_211 = vector.shape_cast %get3A_210 : vector<1x256x8xf32> to vector<256x8xf32>
      %mul3A_212 = vector.broadcast %dot_general3A_23 : vector<1x8xf32> to vector<256x8xf32>
      %mul3A_213 = arith.mulf %mul3A_212, %get3A_195 : vector<256x8xf32>
      %add3A_214 = arith.addf %get3A_211, %mul3A_213 : vector<256x8xf32>
      %reduce_sum3A_215 = arith.constant dense<0.000000e+00> : vector<256xf32>
      %reduce_sum3A_216 = vector.multi_reduction <add>, %add3A_214, %reduce_sum3A_215 [1] : vector<256x8xf32> to vector<256xf32>
      %broadcast_in_dim3A_217 = vector.shape_cast %reduce_sum3A_216 : vector<256xf32> to vector<256x1xf32>
      %get3A_218 = arith.constant 6 : index
      %get3A_219 = arith.constant 0 : index
      %get3A_220 = arith.constant 0 : index
      %get3A_221 = vector.load %arg8[%get3A_218, %get3A_219, %get3A_220] : memref<8x256x8xf32, #tpu.memory_space<vmem>>, vector<1x256x8xf32>
      %get3A_222 = vector.shape_cast %get3A_221 : vector<1x256x8xf32> to vector<256x8xf32>
      %get3A_223 = arith.constant 6 : index
      %get3A_224 = arith.constant 0 : index
      %get3A_225 = arith.constant 0 : index
      %get3A_226 = vector.load %arg10[%get3A_223, %get3A_224, %get3A_225] : memref<8x256x8xf32, #tpu.memory_space<vmem>>, vector<1x256x8xf32>
      %get3A_227 = vector.shape_cast %get3A_226 : vector<1x256x8xf32> to vector<256x8xf32>
      %get3A_228 = arith.constant 6 : index
      %get3A_229 = arith.constant 0 : index
      %get3A_230 = arith.constant 0 : index
      %get3A_231 = vector.load %arg7[%get3A_228, %get3A_229, %get3A_230] : memref<8x256x8xf32, #tpu.memory_space<vmem>>, vector<1x256x8xf32>
      %get3A_232 = vector.shape_cast %get3A_231 : vector<1x256x8xf32> to vector<256x8xf32>
      %mul3A_233 = vector.broadcast %dot_general3A_23 : vector<1x8xf32> to vector<256x8xf32>
      %mul3A_234 = arith.mulf %mul3A_233, %get3A_222 : vector<256x8xf32>
      %add3A_235 = arith.addf %get3A_232, %mul3A_234 : vector<256x8xf32>
      %reduce_sum3A_236 = arith.constant dense<0.000000e+00> : vector<256xf32>
      %reduce_sum3A_237 = vector.multi_reduction <add>, %add3A_235, %reduce_sum3A_236 [1] : vector<256x8xf32> to vector<256xf32>
      %broadcast_in_dim3A_238 = vector.shape_cast %reduce_sum3A_237 : vector<256xf32> to vector<256x1xf32>
      %get3A_239 = arith.constant 6 : index
      %get3A_240 = arith.constant 0 : index
      %get3A_241 = arith.constant 0 : index
      %get3A_242 = vector.load %arg9[%get3A_239, %get3A_240, %get3A_241] : memref<8x256x8xf32, #tpu.memory_space<vmem>>, vector<1x256x8xf32>
      %get3A_243 = vector.shape_cast %get3A_242 : vector<1x256x8xf32> to vector<256x8xf32>
      %mul3A_244 = vector.broadcast %dot_general3A_23 : vector<1x8xf32> to vector<256x8xf32>
      %mul3A_245 = arith.mulf %mul3A_244, %get3A_227 : vector<256x8xf32>
      %add3A_246 = arith.addf %get3A_243, %mul3A_245 : vector<256x8xf32>
      %reduce_sum3A_247 = arith.constant dense<0.000000e+00> : vector<256xf32>
      %reduce_sum3A_248 = vector.multi_reduction <add>, %add3A_246, %reduce_sum3A_247 [1] : vector<256x8xf32> to vector<256xf32>
      %broadcast_in_dim3A_249 = vector.shape_cast %reduce_sum3A_248 : vector<256xf32> to vector<256x1xf32>
      %get3A_250 = arith.constant 7 : index
      %get3A_251 = arith.constant 0 : index
      %get3A_252 = arith.constant 0 : index
      %get3A_253 = vector.load %arg8[%get3A_250, %get3A_251, %get3A_252] : memref<8x256x8xf32, #tpu.memory_space<vmem>>, vector<1x256x8xf32>
      %get3A_254 = vector.shape_cast %get3A_253 : vector<1x256x8xf32> to vector<256x8xf32>
      %get3A_255 = arith.constant 7 : index
      %get3A_256 = arith.constant 0 : index
      %get3A_257 = arith.constant 0 : index
      %get3A_258 = vector.load %arg10[%get3A_255, %get3A_256, %get3A_257] : memref<8x256x8xf32, #tpu.memory_space<vmem>>, vector<1x256x8xf32>
      %get3A_259 = vector.shape_cast %get3A_258 : vector<1x256x8xf32> to vector<256x8xf32>
      %get3A_260 = arith.constant 7 : index
      %get3A_261 = arith.constant 0 : index
      %get3A_262 = arith.constant 0 : index
      %get3A_263 = vector.load %arg7[%get3A_260, %get3A_261, %get3A_262] : memref<8x256x8xf32, #tpu.memory_space<vmem>>, vector<1x256x8xf32>
      %get3A_264 = vector.shape_cast %get3A_263 : vector<1x256x8xf32> to vector<256x8xf32>
      %mul3A_265 = vector.broadcast %dot_general3A_23 : vector<1x8xf32> to vector<256x8xf32>
      %mul3A_266 = arith.mulf %mul3A_265, %get3A_254 : vector<256x8xf32>
      %add3A_267 = arith.addf %get3A_264, %mul3A_266 : vector<256x8xf32>
      %reduce_sum3A_268 = arith.constant dense<0.000000e+00> : vector<256xf32>
      %reduce_sum3A_269 = vector.multi_reduction <add>, %add3A_267, %reduce_sum3A_268 [1] : vector<256x8xf32> to vector<256xf32>
      %broadcast_in_dim3A_270 = vector.shape_cast %reduce_sum3A_269 : vector<256xf32> to vector<256x1xf32>
      %get3A_271 = arith.constant 7 : index
      %get3A_272 = arith.constant 0 : index
      %get3A_273 = arith.constant 0 : index
      %get3A_274 = vector.load %arg9[%get3A_271, %get3A_272, %get3A_273] : memref<8x256x8xf32, #tpu.memory_space<vmem>>, vector<1x256x8xf32>
      %get3A_275 = vector.shape_cast %get3A_274 : vector<1x256x8xf32> to vector<256x8xf32>
      %mul3A_276 = vector.broadcast %dot_general3A_23 : vector<1x8xf32> to vector<256x8xf32>
      %mul3A_277 = arith.mulf %mul3A_276, %get3A_259 : vector<256x8xf32>
      %add3A_278 = arith.addf %get3A_275, %mul3A_277 : vector<256x8xf32>
      %reduce_sum3A_279 = arith.constant dense<0.000000e+00> : vector<256xf32>
      %reduce_sum3A_280 = vector.multi_reduction <add>, %add3A_278, %reduce_sum3A_279 [1] : vector<256x8xf32> to vector<256xf32>
      %broadcast_in_dim3A_281 = vector.shape_cast %reduce_sum3A_280 : vector<256xf32> to vector<256x1xf32>
      %concatenate3A = tpu.concatenate %broadcast_in_dim3A, %broadcast_in_dim3A_78, %broadcast_in_dim3A_110, %broadcast_in_dim3A_142, %broadcast_in_dim3A_174, %broadcast_in_dim3A_206, %broadcast_in_dim3A_238, %broadcast_in_dim3A_270 in 1 : vector<256x1xf32>, vector<256x1xf32>, vector<256x1xf32>, vector<256x1xf32>, vector<256x1xf32>, vector<256x1xf32>, vector<256x1xf32>, vector<256x1xf32> -> vector<256x8xf32>
      %convert_element_type3A_282 = arith.fptosi %concatenate3A : vector<256x8xf32> to vector<256x8xi32>
      %concatenate3A_283 = tpu.concatenate %broadcast_in_dim3A_57, %broadcast_in_dim3A_89, %broadcast_in_dim3A_121, %broadcast_in_dim3A_153, %broadcast_in_dim3A_185, %broadcast_in_dim3A_217, %broadcast_in_dim3A_249, %broadcast_in_dim3A_281 in 1 : vector<256x1xf32>, vector<256x1xf32>, vector<256x1xf32>, vector<256x1xf32>, vector<256x1xf32>, vector<256x1xf32>, vector<256x1xf32>, vector<256x1xf32> -> vector<256x8xf32>
      %convert_element_type3A_284 = arith.fptosi %concatenate3A_283 : vector<256x8xf32> to vector<256x8xi32>
      %transpose3A = tpu.transpose %convert_element_type3A_282, [1, 0] : vector<256x8xi32> -> vector<8x256xi32>
      %swap3A = arith.constant 0 : index
      %swap3A_285 = arith.constant 0 : index
      %swap3A_286 = arith.constant 0 : index
      %swap3A_287 = vector.load %arg3[%swap3A, %swap3A_285, %swap3A_286] : memref<2x8x256xi32, #tpu.memory_space<vmem>>, vector<1x8x256xi32>
      %swap3A_288 = vector.shape_cast %swap3A_287 : vector<1x8x256xi32> to vector<8x256xi32>
      %swap3A_289 = vector.shape_cast %transpose3A : vector<8x256xi32> to vector<1x8x256xi32>
      tpu.vector_store %arg3[%swap3A, %swap3A_285, %swap3A_286], %swap3A_289 {strides = array<i32>} : memref<2x8x256xi32, #tpu.memory_space<vmem>>, vector<1x8x256xi32>,
      %transpose3A_290 = tpu.transpose %convert_element_type3A_284, [1, 0] : vector<256x8xi32> -> vector<8x256xi32>
      %swap3A_291 = arith.constant 1 : index
      %swap3A_292 = arith.constant 0 : index
      %swap3A_293 = arith.constant 0 : index
      %swap3A_294 = vector.load %arg3[%swap3A_291, %swap3A_292, %swap3A_293] : memref<2x8x256xi32, #tpu.memory_space<vmem>>, vector<1x8x256xi32>
      %swap3A_295 = vector.shape_cast %swap3A_294 : vector<1x8x256xi32> to vector<8x256xi32>
      %swap3A_296 = vector.shape_cast %transpose3A_290 : vector<8x256xi32> to vector<1x8x256xi32>
      tpu.vector_store %arg3[%swap3A_291, %swap3A_292, %swap3A_293], %swap3A_296 {strides = array<i32>} : memref<2x8x256xi32, #tpu.memory_space<vmem>>, vector<1x8x256xi32>,
      %get3A_297 = arith.constant 0 : index
      %get3A_298 = arith.constant 0 : index
      %get3A_299 = arith.constant 0 : index
      %get3A_300 = vector.load %arg11[%get3A_297, %get3A_298, %get3A_299] : memref<8x256x1xf32, #tpu.memory_space<vmem>>, vector<1x256x1xf32>
      %get3A_301 = vector.shape_cast %get3A_300 : vector<1x256x1xf32> to vector<256x1xf32>
      %get3A_302 = arith.constant 1 : index
      %get3A_303 = arith.constant 0 : index
      %get3A_304 = arith.constant 0 : index
      %get3A_305 = vector.load %arg11[%get3A_302, %get3A_303, %get3A_304] : memref<8x256x1xf32, #tpu.memory_space<vmem>>, vector<1x256x1xf32>
      %get3A_306 = vector.shape_cast %get3A_305 : vector<1x256x1xf32> to vector<256x1xf32>
      %get3A_307 = arith.constant 2 : index
      %get3A_308 = arith.constant 0 : index
      %get3A_309 = arith.constant 0 : index
      %get3A_310 = vector.load %arg11[%get3A_307, %get3A_308, %get3A_309] : memref<8x256x1xf32, #tpu.memory_space<vmem>>, vector<1x256x1xf32>
      %get3A_311 = vector.shape_cast %get3A_310 : vector<1x256x1xf32> to vector<256x1xf32>
      %get3A_312 = arith.constant 3 : index
      %get3A_313 = arith.constant 0 : index
      %get3A_314 = arith.constant 0 : index
      %get3A_315 = vector.load %arg11[%get3A_312, %get3A_313, %get3A_314] : memref<8x256x1xf32, #tpu.memory_space<vmem>>, vector<1x256x1xf32>
      %get3A_316 = vector.shape_cast %get3A_315 : vector<1x256x1xf32> to vector<256x1xf32>
      %get3A_317 = arith.constant 4 : index
      %get3A_318 = arith.constant 0 : index
      %get3A_319 = arith.constant 0 : index
      %get3A_320 = vector.load %arg11[%get3A_317, %get3A_318, %get3A_319] : memref<8x256x1xf32, #tpu.memory_space<vmem>>, vector<1x256x1xf32>
      %get3A_321 = vector.shape_cast %get3A_320 : vector<1x256x1xf32> to vector<256x1xf32>
      %get3A_322 = arith.constant 5 : index
      %get3A_323 = arith.constant 0 : index
      %get3A_324 = arith.constant 0 : index
      %get3A_325 = vector.load %arg11[%get3A_322, %get3A_323, %get3A_324] : memref<8x256x1xf32, #tpu.memory_space<vmem>>, vector<1x256x1xf32>
      %get3A_326 = vector.shape_cast %get3A_325 : vector<1x256x1xf32> to vector<256x1xf32>
      %get3A_327 = arith.constant 6 : index
      %get3A_328 = arith.constant 0 : index
      %get3A_329 = arith.constant 0 : index
      %get3A_330 = vector.load %arg11[%get3A_327, %get3A_328, %get3A_329] : memref<8x256x1xf32, #tpu.memory_space<vmem>>, vector<1x256x1xf32>
      %get3A_331 = vector.shape_cast %get3A_330 : vector<1x256x1xf32> to vector<256x1xf32>
      %get3A_332 = arith.constant 7 : index
      %get3A_333 = arith.constant 0 : index
      %get3A_334 = arith.constant 0 : index
      %get3A_335 = vector.load %arg11[%get3A_332, %get3A_333, %get3A_334] : memref<8x256x1xf32, #tpu.memory_space<vmem>>, vector<1x256x1xf32>
      %get3A_336 = vector.shape_cast %get3A_335 : vector<1x256x1xf32> to vector<256x1xf32>
      %concatenate3A_337 = tpu.concatenate %get3A_301, %get3A_306, %get3A_311, %get3A_316, %get3A_321, %get3A_326, %get3A_331, %get3A_336 in 1 : vector<256x1xf32>, vector<256x1xf32>, vector<256x1xf32>, vector<256x1xf32>, vector<256x1xf32>, vector<256x1xf32>, vector<256x1xf32>, vector<256x1xf32> -> vector<256x8xf32>
      %get3A_338 = arith.constant 0 : index
      %get3A_339 = arith.constant 0 : index
      %get3A_340 = arith.constant 0 : index
      %get3A_341 = vector.load %arg12[%get3A_338, %get3A_339, %get3A_340] : memref<8x256x1xf32, #tpu.memory_space<vmem>>, vector<1x256x1xf32>
      %get3A_342 = vector.shape_cast %get3A_341 : vector<1x256x1xf32> to vector<256x1xf32>
      %get3A_343 = arith.constant 1 : index
      %get3A_344 = arith.constant 0 : index
      %get3A_345 = arith.constant 0 : index
      %get3A_346 = vector.load %arg12[%get3A_343, %get3A_344, %get3A_345] : memref<8x256x1xf32, #tpu.memory_space<vmem>>, vector<1x256x1xf32>
      %get3A_347 = vector.shape_cast %get3A_346 : vector<1x256x1xf32> to vector<256x1xf32>
      %get3A_348 = arith.constant 2 : index
      %get3A_349 = arith.constant 0 : index
      %get3A_350 = arith.constant 0 : index
      %get3A_351 = vector.load %arg12[%get3A_348, %get3A_349, %get3A_350] : memref<8x256x1xf32, #tpu.memory_space<vmem>>, vector<1x256x1xf32>
      %get3A_352 = vector.shape_cast %get3A_351 : vector<1x256x1xf32> to vector<256x1xf32>
      %get3A_353 = arith.constant 3 : index
      %get3A_354 = arith.constant 0 : index
      %get3A_355 = arith.constant 0 : index
      %get3A_356 = vector.load %arg12[%get3A_353, %get3A_354, %get3A_355] : memref<8x256x1xf32, #tpu.memory_space<vmem>>, vector<1x256x1xf32>
      %get3A_357 = vector.shape_cast %get3A_356 : vector<1x256x1xf32> to vector<256x1xf32>
      %get3A_358 = arith.constant 4 : index
      %get3A_359 = arith.constant 0 : index
      %get3A_360 = arith.constant 0 : index
      %get3A_361 = vector.load %arg12[%get3A_358, %get3A_359, %get3A_360] : memref<8x256x1xf32, #tpu.memory_space<vmem>>, vector<1x256x1xf32>
      %get3A_362 = vector.shape_cast %get3A_361 : vector<1x256x1xf32> to vector<256x1xf32>
      %get3A_363 = arith.constant 5 : index
      %get3A_364 = arith.constant 0 : index
      %get3A_365 = arith.constant 0 : index
      %get3A_366 = vector.load %arg12[%get3A_363, %get3A_364, %get3A_365] : memref<8x256x1xf32, #tpu.memory_space<vmem>>, vector<1x256x1xf32>
      %get3A_367 = vector.shape_cast %get3A_366 : vector<1x256x1xf32> to vector<256x1xf32>
      %get3A_368 = arith.constant 6 : index
      %get3A_369 = arith.constant 0 : index
      %get3A_370 = arith.constant 0 : index
      %get3A_371 = vector.load %arg12[%get3A_368, %get3A_369, %get3A_370] : memref<8x256x1xf32, #tpu.memory_space<vmem>>, vector<1x256x1xf32>
      %get3A_372 = vector.shape_cast %get3A_371 : vector<1x256x1xf32> to vector<256x1xf32>
      %get3A_373 = arith.constant 7 : index
      %get3A_374 = arith.constant 0 : index
      %get3A_375 = arith.constant 0 : index
      %get3A_376 = vector.load %arg12[%get3A_373, %get3A_374, %get3A_375] : memref<8x256x1xf32, #tpu.memory_space<vmem>>, vector<1x256x1xf32>
      %get3A_377 = vector.shape_cast %get3A_376 : vector<1x256x1xf32> to vector<256x1xf32>
      %concatenate3A_378 = tpu.concatenate %get3A_342, %get3A_347, %get3A_352, %get3A_357, %get3A_362, %get3A_367, %get3A_372, %get3A_377 in 1 : vector<256x1xf32>, vector<256x1xf32>, vector<256x1xf32>, vector<256x1xf32>, vector<256x1xf32>, vector<256x1xf32>, vector<256x1xf32>, vector<256x1xf32> -> vector<256x8xf32>
      %transpose3A_379 = tpu.transpose %concatenate3A_337, [1, 0] : vector<256x8xf32> -> vector<8x256xf32>
      %swap3A_380 = arith.constant 0 : index
      %swap3A_381 = arith.constant 0 : index
      %swap3A_382 = arith.constant 0 : index
      %swap3A_383 = vector.load %arg4[%swap3A_380, %swap3A_381, %swap3A_382] : memref<2x8x256xf32, #tpu.memory_space<vmem>>, vector<1x8x256xf32>
      %swap3A_384 = vector.shape_cast %swap3A_383 : vector<1x8x256xf32> to vector<8x256xf32>
      %swap3A_385 = vector.shape_cast %transpose3A_379 : vector<8x256xf32> to vector<1x8x256xf32>
      tpu.vector_store %arg4[%swap3A_380, %swap3A_381, %swap3A_382], %swap3A_385 {strides = array<i32>} : memref<2x8x256xf32, #tpu.memory_space<vmem>>, vector<1x8x256xf32>,
      %transpose3A_386 = tpu.transpose %concatenate3A_378, [1, 0] : vector<256x8xf32> -> vector<8x256xf32>
      %swap3A_387 = arith.constant 1 : index
      %swap3A_388 = arith.constant 0 : index
      %swap3A_389 = arith.constant 0 : index
      %swap3A_390 = vector.load %arg4[%swap3A_387, %swap3A_388, %swap3A_389] : memref<2x8x256xf32, #tpu.memory_space<vmem>>, vector<1x8x256xf32>
      %swap3A_391 = vector.shape_cast %swap3A_390 : vector<1x8x256xf32> to vector<8x256xf32>
      %swap3A_392 = vector.shape_cast %transpose3A_386 : vector<8x256xf32> to vector<1x8x256xf32>
      tpu.vector_store %arg4[%swap3A_387, %swap3A_388, %swap3A_389], %swap3A_392 {strides = array<i32>} : memref<2x8x256xf32, #tpu.memory_space<vmem>>, vector<1x8x256xf32>,
      %transpose3A_393 = tpu.transpose %div3A_28, [1, 0] : vector<1x8xf32> -> vector<8x1xf32>
      %convert_element_type3A_394 = arith.fptosi %transpose3A_393 : vector<8x1xf32> to vector<8x1xi32>
      %iota3A_395 = tpu.iota {dimensions = array<i32: 1>} : vector<8x128xi32>
      %ge3A = vector.broadcast %convert_element_type3A_394 : vector<8x1xi32> to vector<8x128xi32>
      %ge3A_396 = arith.cmpi sge, %iota3A_395, %ge3A : vector<8x128xi32>
      %convert_element_type3A_397 = arith.extui %ge3A_396 : vector<8x128xi1> to vector<8x128xi32>
      %reduce_sum3A_398 = arith.constant dense<0> : vector<128xi32>
      %reduce_sum3A_399 = vector.multi_reduction <add>, %convert_element_type3A_397, %reduce_sum3A_398 [0] : vector<8x128xi32> to vector<128xi32>
      %broadcast_in_dim3A_400 = vector.shape_cast %reduce_sum3A_399 : vector<128xi32> to vector<1x128xi32>
      %min3A = arith.constant 7 : i32
      %min3A_401 = vector.broadcast %min3A : i32 to vector<1x128xi32>
      %min3A_402 = arith.minsi %broadcast_in_dim3A_400, %min3A_401 : vector<1x128xi32>
      %swap3A_403 = arith.constant 0 : index
      %swap3A_404 = arith.constant 0 : index
      %swap3A_405 = vector.load %arg5[%swap3A_403, %swap3A_404] : memref<1x128xi32, #tpu.memory_space<vmem>>, vector<1x128xi32>
      tpu.vector_store %arg5[%swap3A_403, %swap3A_404], %min3A_402 {strides = array<i32>} : memref<1x128xi32, #tpu.memory_space<vmem>>, vector<1x128xi32>,
    } else {
    }
    return
  }
  func.func @transform_0(%arg0: i32) -> (i32, i32) {
    %min3A = arith.constant 7 : i32
    %min3A_0 = arith.minsi %arg0, %min3A : i32
    %c0_i32 = arith.constant 0 : i32
    %c0_i32_1 = arith.constant 0 : i32
    return %min3A_0, %c0_i32 : i32, i32
  }
  func.func @transform_1(%arg0: i32) -> (i32, i32) {
    %c0_i32 = arith.constant 0 : i32
    %c0_i32_0 = arith.constant 0 : i32
    %c0_i32_1 = arith.constant 0 : i32
    return %c0_i32, %c0_i32_0 : i32, i32
  }
  func.func @transform_2(%arg0: i32) -> (i32, i32, i32) {
    %c0_i32 = arith.constant 0 : i32
    %c0_i32_0 = arith.constant 0 : i32
    %c0_i32_1 = arith.constant 0 : i32
    %c0_i32_2 = arith.constant 0 : i32
    return %c0_i32, %c0_i32_0, %c0_i32_1 : i32, i32, i32
  }
  func.func @transform_3(%arg0: i32) -> (i32, i32, i32) {
    %c0_i32 = arith.constant 0 : i32
    %c0_i32_0 = arith.constant 0 : i32
    %c0_i32_1 = arith.constant 0 : i32
    %c0_i32_2 = arith.constant 0 : i32
    return %c0_i32, %c0_i32_0, %c0_i32_1 : i32, i32, i32
  }
  func.func @transform_4(%arg0: i32) -> (i32, i32) {
    %c0_i32 = arith.constant 0 : i32
    %c0_i32_0 = arith.constant 0 : i32
    %c0_i32_1 = arith.constant 0 : i32
    return %c0_i32, %c0_i32_0 : i32, i32
  }
  func.func @transform_5(%arg0: i32) -> (i32, i32) {
    %min3A = arith.constant 7 : i32
    %min3A_0 = arith.minsi %arg0, %min3A : i32
    %c0_i32 = arith.constant 0 : i32
    %c0_i32_1 = arith.constant 0 : i32
    return %min3A_0, %c0_i32 : i32, i32
  }
}

</mosaic_0001>

<sc_bundles>
// kernel: kernel.6.cloned.1.call-start
scs
__scs_entry_jumppad:
0x0: {  	(pc) =	sbr.rel $0x88, $3  }
0x1: {  	(tag) =	ssettag $0x0;
	lr =	simm.s32 $0x1  }
0x2: {  	[smem:$0x3F9C] =	sst lr;
	_ =	strace $0xD0000000  }
0x3: {  	_ = 	snop  }
0x4: {  	_ = 	snop  }
0x5: {  	_ = 	snop  }
0x6: {  	_ = 	snop  }
0x7: {  	_ = 	snop  }
__scs_overlays_trampoline_lowered:
0x8: {  	[smem:$0x3FAB] =	sst s0  }
0x9: {  	[smem:$0x3FAC] =	sst s1  }
0xa: {  	[smem:$0x3FAD] =	sst s2  }
0xb: {  	[smem:$0x3FAE] =	sst s3  }
0xc: {  	[smem:$0x3FAF] =	sst s4  }
0xd: {  	[smem:$0x3FB0] =	sst s5  }
0xe: {  	[smem:$0x3FB1] =	sst s6  }
0xf: {  	[smem:$0x3FB2] =	sst s7  }
0x10: {  	[smem:$0x3FB3] =	sst s8  }
0x11: {  	[smem:$0x3FB4] =	sst s9;
	s0 =	simm.s32 @!p0 $0x0  }
0x12: {  	s1 =	sld [smem:$0x3F9A];
	s0 =	simm.s32 @p0 $0x1  }
0x13: {  	[smem:$0x3FB5] =	sst s0;
	s0 =	simm.s32 @!p1 $0x0  }
0x14: {  	s2 =	sld [smem:$0x3F99];
	s0 =	simm.s32 @p1 $0x1  }
0x15: {  	[smem:$0x3FB6] =	sst s0;
	s0 =	simm.s32 @!p2 $0x0  }
0x16: {  	s3 =	sld [smem:$0x3FDB];
	s0 =	simm.s32 @p2 $0x1  }
0x17: {  	s4 =	simm.s32 $0x1BF5;
	[smem:$0x3FB8] =	sst s0  }
0x18: {  	s0 =	sld [smem:$0x3F9B];
	_ =	swait.ge [sflag:s4], $0x0  }
0x19: {  	s7 =	sld [smem:$0x3F9C]  }
0x1a: {  	s8 =	sadd.s32 $0xFFFFE003, lr  }
0x1b: {  	s9 =	sadd.s32 $0xFFFFFEF7, lr;
	s5 =	simm.s32 $0xFFFFFFFF;
	p2 =	slt.u32 s8, $0xFFFFF086  }
0x1c: {  	p1 =	slt.u32 s9, $0xF7A;
	s5 =	simm.s32 @!p2 $0x0  }
0x1d: {  	s5 =	simm.s32 @p1 $0x1;
	p0 =	seq.s32 s7, s2  }
0x1e: {  	s7 =	smul.u32 @!p0 $0xF7A, s2;
	p2 =	seq.s32 @!p0 s5, $0x0  }
0x1f: {  	s9 =	smul.u32 $0xF7A, s1;
	s8 =	simm.s32 @!p0 $0x1BF5;
	p2 =	por !p2, p0  }
0x20: {  	[sflag:s8] =	ssyncset.s32 @!p0 $0xFFFFF086;
	s6 =	sadd.s32 @!p0 s3, s7;
	s7 =	simm.s32 @!p0 $0x108  }
0x21: {  	s3 =	sadd.s32 s3, s9;
	s6 =	sadd.s32 @!p0 $0x88, s6;
	s7 =	simm.s32 @p2 $0x1082  }
0x22: {  	[simem:s7], [sflag:s8] =	dma.local @!p0 [hbm:s6], $0xF7A  }
0x23: {  	s9 =	sor.u32 $0xD0000000, s2;
	s6 =	simm.s32 $0x108;
	_ =	swait.ge @!p0 [sflag:s8], $0x0  }
0x24: {  	s3 =	sadd.s32 $0x88, s3;
	s6 =	simm.s32 @!p1 $0x1082;
	[sflag:s4] =	ssyncset.s32 $0xFFFFF086  }
0x25: {  	[simem:s6], [sflag:s4] =	dma.local [hbm:s3], $0xF7A  }
0x26: {  	[smem:$0x3F9C] =	sst s1;
	(tag) =	ssettag s2;
	_ =	strace s9  }
0x27: {  	s1 =	sld [smem:$0x3FAC]  }
0x28: {  	s2 =	sld [smem:$0x3FAD]  }
0x29: {  	s4 =	sld [smem:$0x3FAF]  }
0x2a: {  	p0 =	seq.s32 s5, $0x0;
	s5 =	sld [smem:$0x3FB0]  }
0x2b: {  	s6 =	sld [smem:$0x3FB1]  }
0x2c: {  	s7 =	sld [smem:$0x3FB2]  }
0x2d: {  	s3 =	simm.s32 $0x108;
	s8 =	sld [smem:$0x3FB3]  }
0x2e: {  	s3 =	simm.s32 @!p0 $0x1082;
	s9 =	sld [smem:$0x3FB4]  }
0x2f: {  	lr =	sadd.s32 s0, s3;
	s0 =	sld [smem:$0x3FAB]  }
0x30: {  	s3 =	sld [smem:$0x3FAE]  }
0x31: {  	[smem:$0x3FB7] =	sst s10  }
0x32: {  	s10 =	sld [smem:$0x3FB5];
	_ =	sdelay $0x3  }
0x33: {  	p0 =	seq.s32 s10, $0x1;
	s10 =	sld [smem:$0x3FB7];
	_ =	sdelay $0x3  }
0x34: {  	[smem:$0x3FB7] =	sst s10  }
0x35: {  	s10 =	sld [smem:$0x3FB6];
	_ =	sdelay $0x3  }
0x36: {  	p1 =	seq.s32 s10, $0x1;
	s10 =	sld [smem:$0x3FB7];
	_ =	sdelay $0x3  }
0x37: {  	[smem:$0x3FB7] =	sst s10  }
0x38: {  	s10 =	sld [smem:$0x3FB8]  }
0x39: {  	_ = 	snop;
	(pc) =	sbr.ind lr, $3  }
0x3a: {  	_ = 	snop  }
0x3b: {  	_ = 	snop  }
0x3c: {  	p2 =	seq.s32 s10, $0x1;
	s10 =	sld [smem:$0x3FB7]  }
0x3d: {  	_ =	shalt  }
0x3e: {  	_ =	shalt  }
0x3f: {  	_ =	shalt  }
0x40: {  	_ =	shalt  }
0x41: {  	_ =	shalt  }
0x42: {  	_ =	shalt  }
0x43: {  	_ =	shalt  }
0x44: {  	_ =	shalt  }
0x45: {  	_ =	shalt  }
0x46: {  	_ =	shalt  }
0x47: {  	_ =	shalt  }
0x48: {  	_ =	shalt  }
0x49: {  	_ =	shalt  }
0x4a: {  	_ =	shalt  }
0x4b: {  	_ =	shalt  }
0x4c: {  	_ =	shalt  }
0x4d: {  	_ =	shalt  }
0x4e: {  	_ =	shalt  }
0x4f: {  	_ =	shalt  }
0x50: {  	_ =	shalt  }
0x51: {  	_ =	shalt  }
0x52: {  	_ =	shalt  }
0x53: {  	_ =	shalt  }
0x54: {  	_ =	shalt  }
0x55: {  	_ =	shalt  }
0x56: {  	_ =	shalt  }
0x57: {  	_ =	shalt  }
0x58: {  	_ =	shalt  }
0x59: {  	_ =	shalt  }
0x5a: {  	_ =	shalt  }
0x5b: {  	_ =	shalt  }
0x5c: {  	_ =	shalt  }
0x5d: {  	_ =	shalt  }
0x5e: {  	_ =	shalt  }
0x5f: {  	_ =	shalt  }
0x60: {  	_ =	shalt  }
0x61: {  	_ =	shalt  }
0x62: {  	_ =	shalt  }
0x63: {  	_ =	shalt  }
0x64: {  	_ =	shalt  }
0x65: {  	_ =	shalt  }
0x66: {  	_ =	shalt  }
0x67: {  	_ =	shalt  }
0x68: {  	_ =	shalt  }
0x69: {  	_ =	shalt  }
0x6a: {  	_ =	shalt  }
0x6b: {  	_ =	shalt  }
0x6c: {  	_ =	shalt  }
0x6d: {  	_ =	shalt  }
0x6e: {  	_ =	shalt  }
0x6f: {  	_ =	shalt  }
0x70: {  	_ =	shalt  }
0x71: {  	_ =	shalt  }
0x72: {  	_ =	shalt  }
0x73: {  	_ =	shalt  }
0x74: {  	_ =	shalt  }
0x75: {  	_ =	shalt  }
0x76: {  	_ =	shalt  }
0x77: {  	_ =	shalt  }
0x78: {  	_ =	shalt  }
0x79: {  	_ =	shalt  }
0x7a: {  	_ =	shalt  }
0x7b: {  	_ =	shalt  }
0x7c: {  	_ =	shalt  }
0x7d: {  	_ =	shalt  }
0x7e: {  	_ =	shalt  }
0x7f: {  	_ =	shalt  }
0x80: {  	_ =	shalt  }
0x81: {  	_ =	shalt  }
0x82: {  	_ =	shalt  }
0x83: {  	_ =	shalt  }
0x84: {  	_ =	shalt  }
0x85: {  	_ =	shalt  }
0x86: {  	_ =	shalt  }
0x87: {  	_ =	shalt  }
.Lfunc_end0:
.L_simem_size_0:
called_computation_lowered:
.L_overlay_start_0:
0x88: {  	s2 =	sld [smem:$0x3FD9]  }
0x89: {  	s3 =	sld [smem:$0x3FFE];
	_ =	sdelay $0x1  }
0x8a: {  	s1 =	srdreg.scid  }
0x8b: {  	s0 =	sand.u32 $0x1, s1  }
0x8c: {  	s17 =	sshll.u32 s0, $0xA;
	s2 =	sadd.s32 s3, s2  }
0x8d: {  	s2 =	sadd.s32 s2, s17  }
0x8e: {  	[smem:$0x3FC3] =	sst s2  }
0x8f: {  	_ = 	snop  }
0x90: {  	s2 =	sld [smem:$0x3FD0];
	(tm) =	ssettm $0x1  }
0x91: {  	s18 =	sld [smem:$0x3FFB];
	_ =	sdelay $0x3  }
0x92: {  	_ =	strace s18  }
0x93: {  	s3 =	sld [smem:$0x3FFC];
	_ =	sdelay $0x3  }
0x94: {  	_ =	strace s3  }
0x95: {  	s3 =	sld [smem:$0x3FFD];
	_ =	sdelay $0x3  }
0x96: {  	_ =	strace s3  }
0x97: {  	_ =	strace $0x8FFFFFFF  }
0x98: {  	s19 =	sld [smem:$0x3FDB];
	_ =	sdelay $0x1  }
0x99: {  	s4 =	simm.s32 $_scs_section_size  }
0x9a: {  	s5 =	simm.s32 $_size__tile_overlayer_lowered;
	s6 =	simm.s32 $_tile_overlayer_lowered  }
0x9b: {  	s22 =	simm.s32 $0x1BFF;
	s21 =	sshll.u32 s6, $0x1;
	s3 =	sadd.s32 s4, s19  }
0x9c: {  	s7 =	simm.s32 $0x0;
	s20 =	sshll.u32 s5, $0x1;
	s5 =	sadd.s32 s21, s3  }
0x9d: {  	[timem:s7], [sflag:s22] =	dma.local [hbm:s5], s20  }
0x9e: {  	_ =	swait.ge [sflag:s22], s20  }
0x9f: {  	s4 =	ssub.s32 $0x0, s20;
	[sflag:s22] =	ssyncset.done $0x0  }
0xa0: {  	[sflag:s22] =	ssyncadd.s32 s4;
	_ =	sdelay $0x1  }
0xa1: {  	s23 =	simm.s32 $0x1B8B  }
0xa2: {  	_ =	swait.ge [sflag:s23], $0x1  }
0xa3: {  	[sflag:s23] =	ssyncset.done $0x0  }
0xa4: {  	s25 =	simm.s32 $0x1B8E;
	s24 =	sld [smem:$0x3FFE];
	[sflag:s23] =	ssyncadd.s32 $0xFFFFFFFF  }
0xa5: {  	s26 =	simm.s32 $execute0_lowered;
	[smem:$0x3FD2] =	sst s25  }
0xa6: {  	s5 =	sshll.u32 s26, $0x1;
	_ =	strace $0x80000046;
	[dreg:$0x1] =	wrdreg $0xFFFFFFFF  }
0xa7: {  	s28 =	simm.s32 $_size_execute0_lowered;
	s3 =	sadd.s32 s3, s5;
	[dreg:$0x0] =	wrdreg $0x0  }
0xa8: {  	s5 =	sshll.u32 s28, $0x1;
	[dreg:$0x2] =	wrdreg s3  }
0xa9: {  	[dreg:$0x3] =	wrdreg s5  }
0xaa: {  	[dreg:$0x4] =	wrdreg $0xC0  }
0xab: {  	_ =	task [dreg:s7], $0x5FFFF  }
0xac: {  	[dreg:$0x1] =	wrdreg $0xFFFFFFFF  }
0xad: {  	[dreg:$0x0] =	wrdreg $0x60  }
0xae: {  	[dreg:$0x2] =	wrdreg s2  }
0xaf: {  	[dreg:$0x3] =	wrdreg s24  }
0xb0: {  	[dreg:$0x4] =	wrdreg $0x9  }
0xb1: {  	_ =	task.clear_ibuf [dreg:s7], $0x5FFFF;
	_ =	strace $0x90000046  }
0xb2: {  	s29 =	simm.s32 $0x9;
	_ =	strace $0x80000048  }
0xb3: {  	_ =	swait.ge [sflag:s29], $0x1  }
0xb4: {  	[sflag:s29] =	ssyncadd.s32 $0xFFFFFFFF  }
0xb5: {  	_ =	strace $0x90000048  }
0xb6: {  	_ =	sfence  }
0xb7: {  	s30 =	sld [smem:$0x0];
	_ =	sdelay $0x2  }
0xb8: {  	s31 =	sshll.u32 s1, $0xD;
	s1 =	sshrl.u32 s1, $0x2  }
0xb9: {  	s3 =	sand.u32 $0x4000, s31;
	s1 =	sadd.s32 s1, s30  }
0xba: {  	s0 =	sor.u32 s3, s0;
	s1 =	sshll.u32 s1, $0x11  }
0xbb: {  	s0 =	sor.u32 s1, s0  }
0xbc: {  	s0 =	sadd.s32 $0x8F2B, s0  }
0xbd: {  	[sflag:s0] =	ssyncadd.remote.s32 $0x1  }
0xbe: {  	_ =	sfence.sel $0xFFFF  }
0xbf: {  	[dreg:$0x0] =	wrdreg $0xFFFFFFFF;
	(pc) =	sbr.abs _section_cstart, $3  }
0xc0: {  	[dreg:$0x1] =	wrdreg $0xFFFFFFFF  }
0xc1: {  	_ =	task.clear_ibuf [dreg:s7], $0x2FFFF;
	_ =	strace $0x9FFFFFFF  }
0xc2: {  	(tm) =	ssettm $0x7FFFFFFF  }
0xc3: {  	_ =	shalt  }
tec
execute0_lowered:
.L_overlay_start_1:
0x0: {  	(tag) =	ssettag $0x1  }
0x1: {  	s0 =	rddreg [dreg:$0x0]  }
0x2: {  	s7 =	rddreg [dreg:$0x1]  }
0x3: {  	s2 =	srdreg.scid;
	s1 =	stileid.u32  }
0x4: {  	s13 =	simm.s32 $0x200;
	s14 =	simm.s32 $0x4200;
	s15 =	simm.s32 $0x1  }
0x5: {  	s16 =	simm.s32 $0xA00;
	s17 =	simm.s32 $0x1200;
	s18 =	simm.s32 $0x1A00  }
0x6: {  	s19 =	simm.s32 $0x2200;
	s20 =	simm.s32 $0x2A00;
	s21 =	simm.s32 $0x3200  }
0x7: {  	s22 =	simm.s32 $0x3A00;
	s28 =	simm.s32 $0x6200;
	s29 =	simm.s32 $0x6A00  }
0x8: {  	s30 =	simm.s32 $0x7200;
	s31 =	simm.s32 $0x7A00;
	s5 =	sand.u32 $0x1, s2  }
0x9: {  	s2 =	simm.s32 $0x0;
	s3 =	sshll.u32 s1, $0x7;
	s8 =	sadd.s32 $0x1000, s7  }
0xa: {  	s4 =	sshll.u32 s5, $0x6;
	[smem:$0x7FF] =	sst s2;
	s5 =	ssub.s32 $0x2, s5  }
0xb: {  	s6 =	sor.u32 s4, s3;
	_ =	strace $0x80000047;
	s3 =	sadd.s32 $0x1200, s7  }
0xc: {  	s12 =	sshrl.u32 s5, $0x1;
	s7 =	sadd.s32 $0x1300, s7;
	s4 =	sshrl.u32 s6, $0x3  }
0xd: {  	s9 =	sor.u32 $0x20, s6;
	s23 =	ssub.s32 s5, s12;
	s25 =	sshll.u32 s6, $0x6  }
0xe: {  	s12 =	simm.s32 $0x180;
	s4 =	sadd.s32 s8, s4;
	s11 =	sshrl.u32 s9, $0x3  }
0xf: {  	s26 =	sshll.u32 s9, $0x6;
	s5 =	sadd.s32 s0, s25;
	s9 =	simm.s32 $0x4  }
0x10: {  	s25 =	simm.s32 $0x5200;
	s10 =	sadd.s32 $0x100, s4;
	s8 =	sadd.s32 s8, s11  }
0x11: {  	s24 =	sadd.s32 $0x104, s4;
	s6 =	sadd.s32 s0, s26;
	[dreg:$0x3] =	wrdreg s10  }
0x12: {  	v2 =	vlaneseq.u32;
	s11 =	simm.s32 $0x80;
	s26 =	simm.s32 $0x5A00;
	[dreg:$0x4] =	wrdreg s8  }
0x13: {  	vm0 =	vmmov $0xffff;
	v1 =	vshrl.u32 v2, $0x3;
	s0 =	simm.s32 $0x3;
	[dreg:$0x5] =	wrdreg s24;
	s8 =	smax.u32 s23, $0x1  }
0x14: {  	v0 =	vand.u32 $0x7, v2;
	v2 =	vor.u32 $0x8, v2;
	v1 =	vmul.u32 $0x8, v1;
	s10 =	simm.s32 $0x100;
	s23 =	simm.s32 $0x2;
	s24 =	simm.s32 $0x4A00  }
.LBB2_1:
0x15: {  	[tilespmem:s2], [sflag:$0x4] =	stream.linear.gather [hbm4b:s4+s2], $0x20, $0x38;
	[tilespmem:$0x8200] =	vst v63  }
0x16: {  	_ =	swait.ge [sflag:s9], $0x20  }
0x17: {  	[sflag:s9] =	ssyncset.done $0x0  }
0x18: {  	s1 =	rddreg [dreg:$0x3];
	[sflag:s9] =	ssyncadd.s32 $0xFFFFFFE0  }
0x19: {  	[tilespmem:s10], [sflag:$0x4] =	stream.linear.gather [hbm4b:s1+s2], $0x20, $0x38;
	[tilespmem:$0x8200] =	vst v63  }
0x1a: {  	_ =	swait.ge [sflag:s9], $0x20  }
0x1b: {  	[sflag:s9] =	ssyncset.done $0x0  }
0x1c: {  	s1 =	rddreg [dreg:$0x4];
	[sflag:s9] =	ssyncadd.s32 $0xFFFFFFE0  }
0x1d: {  	[tilespmem:s11], [sflag:$0x4] =	stream.linear.gather [hbm4b:s1+s2], $0x20, $0x38;
	[tilespmem:$0x8200] =	vst v63  }
0x1e: {  	_ =	swait.ge [sflag:s9], $0x20  }
0x1f: {  	[sflag:s9] =	ssyncset.done $0x0  }
0x20: {  	s1 =	rddreg [dreg:$0x5];
	[sflag:s9] =	ssyncadd.s32 $0xFFFFFFE0  }
0x21: {  	[tilespmem:s12], [sflag:$0x4] =	stream.linear.gather [hbm4b:s1+s2], $0x20, $0x38;
	[tilespmem:$0x8200] =	vst v63  }
0x22: {  	_ =	swait.ge [sflag:s9], $0x20  }
0x23: {  	[sflag:s9] =	ssyncset.done $0x0  }
0x24: {  	[sflag:s9] =	ssyncadd.s32 $0xFFFFFFE0  }
0x25: {  	[tilespmem:s13], [sflag:$0x1] =	stream.linear.gather [hbm4b:s5+s2], $0x4000, $0x38;
	[tilespmem:$0x8200] =	vst v63  }
0x26: {  	_ = 	snop  }
0x27: {  	[tilespmem:s14], [sflag:$0x2] =	stream.linear.gather [hbm4b:s6+s2], $0x4000, $0x38;
	[tilespmem:$0x8200] =	vst v63  }
0x28: {  	_ =	swait.ge [sflag:s15], $0x4000  }
0x29: {  	[sflag:s15] =	ssyncset.done $0x0  }
0x2a: {  	[sflag:s15] =	ssyncadd.s32 $0xFFFFC000  }
0x2b: {  	v3 =	vld [tilespmem:$0x0];
	_ =	sdelay $0x4  }
0x2c: {  	v4 =	vshll.u32 v3, $0x2  }
0x2d: {  	v3 =	vand.u32 $0x7, v3;
	v4 =	vand.u32 $0xFFFFFFE0, v4  }
0x2e: {  	v3 =	vor.u32 v3, v4  }
0x2f: {  	v4 =	vperm.xlane v3, v0;
	_ =	sdelay $0x1  }
0x30: {  	v4 =	vadd.s32 v1, v4;
	_ =	sdelay $0x1  }
0x31: {  	v3 =	vperm.xlane v3, v2;
	_ =	sdelay $0x1  }
0x32: {  	v3 =	vadd.s32 v1, v3  }
0x33: {  	[hbm4b:s3+s2] =	stream.indirect_vreg.scatter [tilespmem:s13], [sflag:$0x3], $0x80, v4, vm0, $0xb8;
	[tilespmem:$0x8200] =	vst v63  }
0x34: {  	_ = 	snop  }
0x35: {  	[hbm4b:s7+s2] =	stream.indirect_vreg.scatter [tilespmem:s16], [sflag:$0x3], $0x80, v4, vm0, $0xb8;
	[tilespmem:$0x8200] =	vst v63  }
0x36: {  	_ = 	snop  }
0x37: {  	[hbm4b:s3+s2] =	stream.indirect_vreg.scatter [tilespmem:s17], [sflag:$0x3], $0x80, v3, vm0, $0xb8;
	[tilespmem:$0x8200] =	vst v63  }
0x38: {  	_ = 	snop  }
0x39: {  	[hbm4b:s7+s2] =	stream.indirect_vreg.scatter [tilespmem:s18], [sflag:$0x3], $0x80, v3, vm0, $0xb8;
	[tilespmem:$0x8200] =	vst v63  }
0x3a: {  	v3 =	vld [tilespmem:$0x10];
	_ =	sdelay $0x4  }
0x3b: {  	v57 =	vshll.u32 v3, $0x2  }
0x3c: {  	v3 =	vand.u32 $0x7, v3;
	v4 =	vand.u32 $0xFFFFFFE0, v57  }
0x3d: {  	v3 =	vor.u32 v3, v4  }
0x3e: {  	v4 =	vperm.xlane v3, v0;
	_ =	sdelay $0x1  }
0x3f: {  	v4 =	vadd.s32 v1, v4;
	_ =	sdelay $0x1  }
0x40: {  	v3 =	vperm.xlane v3, v2;
	_ =	sdelay $0x1  }
0x41: {  	v3 =	vadd.s32 v1, v3  }
0x42: {  	[hbm4b:s3+s2] =	stream.indirect_vreg.scatter [tilespmem:s19], [sflag:$0x3], $0x80, v4, vm0, $0xb8;
	[tilespmem:$0x8200] =	vst v63  }
0x43: {  	_ = 	snop  }
0x44: {  	[hbm4b:s7+s2] =	stream.indirect_vreg.scatter [tilespmem:s20], [sflag:$0x3], $0x80, v4, vm0, $0xb8;
	[tilespmem:$0x8200] =	vst v63  }
0x45: {  	_ = 	snop  }
0x46: {  	[hbm4b:s3+s2] =	stream.indirect_vreg.scatter [tilespmem:s21], [sflag:$0x3], $0x80, v3, vm0, $0xb8;
	[tilespmem:$0x8200] =	vst v63  }
0x47: {  	_ = 	snop  }
0x48: {  	[hbm4b:s7+s2] =	stream.indirect_vreg.scatter [tilespmem:s22], [sflag:$0x3], $0x80, v3, vm0, $0xb8;
	[tilespmem:$0x8200] =	vst v63  }
0x49: {  	v3 =	vld [tilespmem:$0x100];
	_ =	sdelay $0x4  }
0x4a: {  	v58 =	vshll.u32 v3, $0x2  }
0x4b: {  	v3 =	vand.u32 $0x7, v3;
	v4 =	vand.u32 $0xFFFFFFE0, v58  }
0x4c: {  	v3 =	vor.u32 v3, v4  }
0x4d: {  	v4 =	vperm.xlane v3, v0;
	_ =	sdelay $0x1  }
0x4e: {  	v4 =	vadd.s32 v1, v4;
	_ =	sdelay $0x1  }
0x4f: {  	v3 =	vperm.xlane v3, v2;
	_ =	sdelay $0x1  }
0x50: {  	v3 =	vadd.s32 v1, v3  }
0x51: {  	[hbm4b:s3+s2] =	stream.indirect_vreg.scatter [tilespmem:s13], [sflag:$0x3], $0x80, v4, vm0, $0xb8;
	[tilespmem:$0x8200] =	vst v63  }
0x52: {  	_ = 	snop  }
0x53: {  	[hbm4b:s7+s2] =	stream.indirect_vreg.scatter [tilespmem:s16], [sflag:$0x3], $0x80, v4, vm0, $0xb8;
	[tilespmem:$0x8200] =	vst v63  }
0x54: {  	_ = 	snop  }
0x55: {  	[hbm4b:s3+s2] =	stream.indirect_vreg.scatter [tilespmem:s17], [sflag:$0x3], $0x80, v3, vm0, $0xb8;
	[tilespmem:$0x8200] =	vst v63  }
0x56: {  	_ = 	snop  }
0x57: {  	[hbm4b:s7+s2] =	stream.indirect_vreg.scatter [tilespmem:s18], [sflag:$0x3], $0x80, v3, vm0, $0xb8;
	[tilespmem:$0x8200] =	vst v63  }
0x58: {  	v3 =	vld [tilespmem:$0x110];
	_ =	sdelay $0x4  }
0x59: {  	v59 =	vshll.u32 v3, $0x2  }
0x5a: {  	v3 =	vand.u32 $0x7, v3;
	v4 =	vand.u32 $0xFFFFFFE0, v59  }
0x5b: {  	v3 =	vor.u32 v3, v4  }
0x5c: {  	v4 =	vperm.xlane v3, v0;
	_ =	sdelay $0x1  }
0x5d: {  	v4 =	vadd.s32 v1, v4;
	_ =	sdelay $0x1  }
0x5e: {  	v3 =	vperm.xlane v3, v2;
	_ =	sdelay $0x1  }
0x5f: {  	v3 =	vadd.s32 v1, v3  }
0x60: {  	[hbm4b:s3+s2] =	stream.indirect_vreg.scatter [tilespmem:s19], [sflag:$0x3], $0x80, v4, vm0, $0xb8;
	[tilespmem:$0x8200] =	vst v63  }
0x61: {  	_ = 	snop  }
0x62: {  	[hbm4b:s7+s2] =	stream.indirect_vreg.scatter [tilespmem:s20], [sflag:$0x3], $0x80, v4, vm0, $0xb8;
	[tilespmem:$0x8200] =	vst v63  }
0x63: {  	_ = 	snop  }
0x64: {  	[hbm4b:s3+s2] =	stream.indirect_vreg.scatter [tilespmem:s21], [sflag:$0x3], $0x80, v3, vm0, $0xb8;
	[tilespmem:$0x8200] =	vst v63  }
0x65: {  	_ = 	snop  }
0x66: {  	[hbm4b:s7+s2] =	stream.indirect_vreg.scatter [tilespmem:s22], [sflag:$0x3], $0x80, v3, vm0, $0xb8;
	[tilespmem:$0x8200] =	vst v63  }
0x67: {  	_ =	swait.ge [sflag:s23], $0x4000  }
0x68: {  	[sflag:s23] =	ssyncset.done $0x0  }
0x69: {  	[sflag:s23] =	ssyncadd.s32 $0xFFFFC000  }
0x6a: {  	v3 =	vld [tilespmem:$0x80];
	_ =	sdelay $0x4  }
0x6b: {  	v60 =	vshll.u32 v3, $0x2  }
0x6c: {  	v3 =	vand.u32 $0x7, v3;
	v4 =	vand.u32 $0xFFFFFFE0, v60  }
0x6d: {  	v3 =	vor.u32 v3, v4  }
0x6e: {  	v4 =	vperm.xlane v3, v0;
	_ =	sdelay $0x1  }
0x6f: {  	v4 =	vadd.s32 v1, v4;
	_ =	sdelay $0x1  }
0x70: {  	v3 =	vperm.xlane v3, v2;
	_ =	sdelay $0x1  }
0x71: {  	v3 =	vadd.s32 v1, v3  }
0x72: {  	[hbm4b:s3+s2] =	stream.indirect_vreg.scatter [tilespmem:s14], [sflag:$0x3], $0x80, v4, vm0, $0xb8;
	[tilespmem:$0x8200] =	vst v63  }
0x73: {  	_ = 	snop  }
0x74: {  	[hbm4b:s7+s2] =	stream.indirect_vreg.scatter [tilespmem:s24], [sflag:$0x3], $0x80, v4, vm0, $0xb8;
	[tilespmem:$0x8200] =	vst v63  }
0x75: {  	_ = 	snop  }
0x76: {  	[hbm4b:s3+s2] =	stream.indirect_vreg.scatter [tilespmem:s25], [sflag:$0x3], $0x80, v3, vm0, $0xb8;
	[tilespmem:$0x8200] =	vst v63  }
0x77: {  	_ = 	snop  }
0x78: {  	[hbm4b:s7+s2] =	stream.indirect_vreg.scatter [tilespmem:s26], [sflag:$0x3], $0x80, v3, vm0, $0xb8;
	[tilespmem:$0x8200] =	vst v63  }
0x79: {  	v3 =	vld [tilespmem:$0x90];
	_ =	sdelay $0x4  }
0x7a: {  	v61 =	vshll.u32 v3, $0x2  }
0x7b: {  	v3 =	vand.u32 $0x7, v3;
	v4 =	vand.u32 $0xFFFFFFE0, v61  }
0x7c: {  	v3 =	vor.u32 v3, v4  }
0x7d: {  	v4 =	vperm.xlane v3, v0;
	_ =	sdelay $0x1  }
0x7e: {  	v4 =	vadd.s32 v1, v4;
	_ =	sdelay $0x1  }
0x7f: {  	v3 =	vperm.xlane v3, v2;
	_ =	sdelay $0x1  }
0x80: {  	v3 =	vadd.s32 v1, v3  }
0x81: {  	[hbm4b:s3+s2] =	stream.indirect_vreg.scatter [tilespmem:s28], [sflag:$0x3], $0x80, v4, vm0, $0xb8;
	[tilespmem:$0x8200] =	vst v63  }
0x82: {  	_ = 	snop  }
0x83: {  	[hbm4b:s7+s2] =	stream.indirect_vreg.scatter [tilespmem:s29], [sflag:$0x3], $0x80, v4, vm0, $0xb8;
	[tilespmem:$0x8200] =	vst v63  }
0x84: {  	_ = 	snop  }
0x85: {  	[hbm4b:s3+s2] =	stream.indirect_vreg.scatter [tilespmem:s30], [sflag:$0x3], $0x80, v3, vm0, $0xb8;
	[tilespmem:$0x8200] =	vst v63  }
0x86: {  	_ = 	snop  }
0x87: {  	[hbm4b:s7+s2] =	stream.indirect_vreg.scatter [tilespmem:s31], [sflag:$0x3], $0x80, v3, vm0, $0xb8;
	[tilespmem:$0x8200] =	vst v63  }
0x88: {  	v3 =	vld [tilespmem:$0x180];
	_ =	sdelay $0x4  }
0x89: {  	v62 =	vshll.u32 v3, $0x2  }
0x8a: {  	v3 =	vand.u32 $0x7, v3;
	v4 =	vand.u32 $0xFFFFFFE0, v62  }
0x8b: {  	v3 =	vor.u32 v3, v4  }
0x8c: {  	v4 =	vperm.xlane v3, v0;
	_ =	sdelay $0x1  }
0x8d: {  	v4 =	vadd.s32 v1, v4;
	_ =	sdelay $0x1  }
0x8e: {  	v3 =	vperm.xlane v3, v2;
	_ =	sdelay $0x1  }
0x8f: {  	v3 =	vadd.s32 v1, v3  }
0x90: {  	[hbm4b:s3+s2] =	stream.indirect_vreg.scatter [tilespmem:s14], [sflag:$0x3], $0x80, v4, vm0, $0xb8;
	[tilespmem:$0x8200] =	vst v63  }
0x91: {  	_ = 	snop  }
0x92: {  	[hbm4b:s7+s2] =	stream.indirect_vreg.scatter [tilespmem:s24], [sflag:$0x3], $0x80, v4, vm0, $0xb8;
	[tilespmem:$0x8200] =	vst v63  }
0x93: {  	_ = 	snop  }
0x94: {  	[hbm4b:s3+s2] =	stream.indirect_vreg.scatter [tilespmem:s25], [sflag:$0x3], $0x80, v3, vm0, $0xb8;
	[tilespmem:$0x8200] =	vst v63  }
0x95: {  	_ = 	snop  }
0x96: {  	[hbm4b:s7+s2] =	stream.indirect_vreg.scatter [tilespmem:s26], [sflag:$0x3], $0x80, v3, vm0, $0xb8;
	[tilespmem:$0x8200] =	vst v63  }
0x97: {  	v3 =	vld [tilespmem:$0x190];
	_ =	sdelay $0x4  }
0x98: {  	v63 =	vshll.u32 v3, $0x2  }
0x99: {  	v3 =	vand.u32 $0x7, v3;
	v4 =	vand.u32 $0xFFFFFFE0, v63  }
0x9a: {  	v3 =	vor.u32 v3, v4  }
0x9b: {  	v4 =	vperm.xlane v3, v0;
	_ =	sdelay $0x1  }
0x9c: {  	v4 =	vadd.s32 v1, v4;
	_ =	sdelay $0x1  }
0x9d: {  	v3 =	vperm.xlane v3, v2;
	_ =	sdelay $0x1  }
0x9e: {  	v3 =	vadd.s32 v1, v3  }
0x9f: {  	[hbm4b:s3+s2] =	stream.indirect_vreg.scatter [tilespmem:s28], [sflag:$0x3], $0x80, v4, vm0, $0xb8;
	[tilespmem:$0x8200] =	vst v63  }
0xa0: {  	_ = 	snop  }
0xa1: {  	[hbm4b:s7+s2] =	stream.indirect_vreg.scatter [tilespmem:s29], [sflag:$0x3], $0x80, v4, vm0, $0xb8;
	[tilespmem:$0x8200] =	vst v63  }
0xa2: {  	_ = 	snop  }
0xa3: {  	[hbm4b:s3+s2] =	stream.indirect_vreg.scatter [tilespmem:s30], [sflag:$0x3], $0x80, v3, vm0, $0xb8;
	[tilespmem:$0x8200] =	vst v63  }
0xa4: {  	_ = 	snop  }
0xa5: {  	[hbm4b:s7+s2] =	stream.indirect_vreg.scatter [tilespmem:s31], [sflag:$0x3], $0x80, v3, vm0, $0xb8;
	[tilespmem:$0x8200] =	vst v63  }
0xa6: {  	_ =	swait.ge [sflag:s0], $0x4000  }
0xa7: {  	[sflag:s0] =	ssyncset.done $0x0  }
0xa8: {  	[sflag:s0] =	ssyncadd.s32 $0xFFFFC000  }
0xa9: {  	_ =	swait.ge [sflag:s0], $0x4000  }
0xaa: {  	[sflag:s0] =	ssyncset.done $0x0  }
0xab: {  	[sflag:s0] =	ssyncadd.s32 $0xFFFFC000  }
0xac: {  	p0 =	sne.s32 s8, $0x1;
	_ =	swait.ge [sflag:s0], $0x4000  }
.Ltmp0:
0xad: {  	[sflag:s0] =	ssyncset.done $0x0;
	(pc) =	sbr.rel @p0 .LBB2_1-.Ltmp0, $4  }
0xae: {  	[sflag:s0] =	ssyncadd.s32 $0xFFFFC000  }
0xaf: {  	_ =	swait.ge [sflag:s0], $0x4000  }
0xb0: {  	[sflag:s0] =	ssyncset.done $0x0  }
0xb1: {  	s8 =	sadd.s32 $0xFFFFFFFF, s8;
	[sflag:s0] =	ssyncadd.s32 $0xFFFFC000  }
0xb2: {  	_ =	sfence.sel $0x180000  }
0xb3: {  	[bflag:$0x0] =	sbarrier.arrive $0xFFFF  }
0xb4: {  	_ =	strace $0x90000047  }
0xb5: {  	s0 =	stileid.u32;
	[bflag:$0x2] =	sbarrier.arrive $0xFFFF  }
0xb6: {  	p0 =	sne.s32 s0, $0x0;
	s0 =	rddreg [dreg:$0x2]  }
0xb7: {  	s0 =	sadd.s32 @!p0 $0x100000, s0  }
0xb8: {  	[sflag:s0] =	ssyncadd.tile.s32 @!p0 $0x1;
	_ =	shalt  }
.Lfunc_end2:
_tile_overlayer_lowered:
.L_overlay_start_2:
0xb9: {  	(tag) =	ssettag $0x2  }
0xba: {  	s0 =	rddreg [dreg:$0x0];
	s2 =	stileid.u32  }
0xbb: {  	s1 =	rddreg [dreg:$0x1];
	p0 =	sne.s32 s2, $0x0  }
0xbc: {  	s3 =	rddreg [dreg:$0x2];
	[bflag:$0x3] =	sbarrier.arrive $0xFFFF;
	s2 =	simm.s32 @!p0 $0x1C04  }
0xbd: {  	[timem:s3], [sflag:s2] =	dma.local @!p0 [hbm:s0], s1  }
0xbe: {  	s0 =	simm.s32 @!p0 $0x4  }
0xbf: {  	_ =	swait.ge @!p0 [sflag:s0], s1  }
0xc0: {  	s1 =	ssub.s32 @!p0 $0x0, s1;
	[sflag:s0] =	ssyncset.done @!p0 $0x0  }
0xc1: {  	[sflag:s0] =	ssyncadd.s32 @!p0 s1  }
0xc2: {  	[bflag:$0x3] =	sbarrier.arrive $0xFFFF  }
0xc3: {  	_ =	shalt  }

// kernel: kernel.9.cloned.1.call-start
scs
__scs_entry_jumppad:
0x0: {  	(pc) =	sbr.rel $0x88, $3  }
0x1: {  	(tag) =	ssettag $0x0;
	lr =	simm.s32 $0x1  }
0x2: {  	[smem:$0x3F9C] =	sst lr;
	_ =	strace $0xD0000000  }
0x3: {  	_ = 	snop  }
0x4: {  	_ = 	snop  }
0x5: {  	_ = 	snop  }
0x6: {  	_ = 	snop  }
0x7: {  	_ = 	snop  }
__scs_overlays_trampoline_lowered:
0x8: {  	[smem:$0x3FAB] =	sst s0  }
0x9: {  	[smem:$0x3FAC] =	sst s1  }
0xa: {  	[smem:$0x3FAD] =	sst s2  }
0xb: {  	[smem:$0x3FAE] =	sst s3  }
0xc: {  	[smem:$0x3FAF] =	sst s4  }
0xd: {  	[smem:$0x3FB0] =	sst s5  }
0xe: {  	[smem:$0x3FB1] =	sst s6  }
0xf: {  	[smem:$0x3FB2] =	sst s7  }
0x10: {  	[smem:$0x3FB3] =	sst s8  }
0x11: {  	[smem:$0x3FB4] =	sst s9;
	s0 =	simm.s32 @!p0 $0x0  }
0x12: {  	s1 =	sld [smem:$0x3F9A];
	s0 =	simm.s32 @p0 $0x1  }
0x13: {  	[smem:$0x3FB5] =	sst s0;
	s0 =	simm.s32 @!p1 $0x0  }
0x14: {  	s2 =	sld [smem:$0x3F99];
	s0 =	simm.s32 @p1 $0x1  }
0x15: {  	[smem:$0x3FB6] =	sst s0;
	s0 =	simm.s32 @!p2 $0x0  }
0x16: {  	s3 =	sld [smem:$0x3FDB];
	s0 =	simm.s32 @p2 $0x1  }
0x17: {  	s4 =	simm.s32 $0x1BF5;
	[smem:$0x3FB8] =	sst s0  }
0x18: {  	s0 =	sld [smem:$0x3F9B];
	_ =	swait.ge [sflag:s4], $0x0  }
0x19: {  	s7 =	sld [smem:$0x3F9C]  }
0x1a: {  	s8 =	sadd.s32 $0xFFFFE003, lr  }
0x1b: {  	s9 =	sadd.s32 $0xFFFFFEF7, lr;
	s5 =	simm.s32 $0xFFFFFFFF;
	p2 =	slt.u32 s8, $0xFFFFF086  }
0x1c: {  	p1 =	slt.u32 s9, $0xF7A;
	s5 =	simm.s32 @!p2 $0x0  }
0x1d: {  	s5 =	simm.s32 @p1 $0x1;
	p0 =	seq.s32 s7, s2  }
0x1e: {  	s7 =	smul.u32 @!p0 $0xF7A, s2;
	p2 =	seq.s32 @!p0 s5, $0x0  }
0x1f: {  	s9 =	smul.u32 $0xF7A, s1;
	s8 =	simm.s32 @!p0 $0x1BF5;
	p2 =	por !p2, p0  }
0x20: {  	[sflag:s8] =	ssyncset.s32 @!p0 $0xFFFFF086;
	s6 =	sadd.s32 @!p0 s3, s7;
	s7 =	simm.s32 @!p0 $0x108  }
0x21: {  	s3 =	sadd.s32 s3, s9;
	s6 =	sadd.s32 @!p0 $0x88, s6;
	s7 =	simm.s32 @p2 $0x1082  }
0x22: {  	[simem:s7], [sflag:s8] =	dma.local @!p0 [hbm:s6], $0xF7A  }
0x23: {  	s9 =	sor.u32 $0xD0000000, s2;
	s6 =	simm.s32 $0x108;
	_ =	swait.ge @!p0 [sflag:s8], $0x0  }
0x24: {  	s3 =	sadd.s32 $0x88, s3;
	s6 =	simm.s32 @!p1 $0x1082;
	[sflag:s4] =	ssyncset.s32 $0xFFFFF086  }
0x25: {  	[simem:s6], [sflag:s4] =	dma.local [hbm:s3], $0xF7A  }
0x26: {  	[smem:$0x3F9C] =	sst s1;
	(tag) =	ssettag s2;
	_ =	strace s9  }
0x27: {  	s1 =	sld [smem:$0x3FAC]  }
0x28: {  	s2 =	sld [smem:$0x3FAD]  }
0x29: {  	s4 =	sld [smem:$0x3FAF]  }
0x2a: {  	p0 =	seq.s32 s5, $0x0;
	s5 =	sld [smem:$0x3FB0]  }
0x2b: {  	s6 =	sld [smem:$0x3FB1]  }
0x2c: {  	s7 =	sld [smem:$0x3FB2]  }
0x2d: {  	s3 =	simm.s32 $0x108;
	s8 =	sld [smem:$0x3FB3]  }
0x2e: {  	s3 =	simm.s32 @!p0 $0x1082;
	s9 =	sld [smem:$0x3FB4]  }
0x2f: {  	lr =	sadd.s32 s0, s3;
	s0 =	sld [smem:$0x3FAB]  }
0x30: {  	s3 =	sld [smem:$0x3FAE]  }
0x31: {  	[smem:$0x3FB7] =	sst s10  }
0x32: {  	s10 =	sld [smem:$0x3FB5];
	_ =	sdelay $0x3  }
0x33: {  	p0 =	seq.s32 s10, $0x1;
	s10 =	sld [smem:$0x3FB7];
	_ =	sdelay $0x3  }
0x34: {  	[smem:$0x3FB7] =	sst s10  }
0x35: {  	s10 =	sld [smem:$0x3FB6];
	_ =	sdelay $0x3  }
0x36: {  	p1 =	seq.s32 s10, $0x1;
	s10 =	sld [smem:$0x3FB7];
	_ =	sdelay $0x3  }
0x37: {  	[smem:$0x3FB7] =	sst s10  }
0x38: {  	s10 =	sld [smem:$0x3FB8]  }
0x39: {  	_ = 	snop;
	(pc) =	sbr.ind lr, $3  }
0x3a: {  	_ = 	snop  }
0x3b: {  	_ = 	snop  }
0x3c: {  	p2 =	seq.s32 s10, $0x1;
	s10 =	sld [smem:$0x3FB7]  }
0x3d: {  	_ =	shalt  }
0x3e: {  	_ =	shalt  }
0x3f: {  	_ =	shalt  }
0x40: {  	_ =	shalt  }
0x41: {  	_ =	shalt  }
0x42: {  	_ =	shalt  }
0x43: {  	_ =	shalt  }
0x44: {  	_ =	shalt  }
0x45: {  	_ =	shalt  }
0x46: {  	_ =	shalt  }
0x47: {  	_ =	shalt  }
0x48: {  	_ =	shalt  }
0x49: {  	_ =	shalt  }
0x4a: {  	_ =	shalt  }
0x4b: {  	_ =	shalt  }
0x4c: {  	_ =	shalt  }
0x4d: {  	_ =	shalt  }
0x4e: {  	_ =	shalt  }
0x4f: {  	_ =	shalt  }
0x50: {  	_ =	shalt  }
0x51: {  	_ =	shalt  }
0x52: {  	_ =	shalt  }
0x53: {  	_ =	shalt  }
0x54: {  	_ =	shalt  }
0x55: {  	_ =	shalt  }
0x56: {  	_ =	shalt  }
0x57: {  	_ =	shalt  }
0x58: {  	_ =	shalt  }
0x59: {  	_ =	shalt  }
0x5a: {  	_ =	shalt  }
0x5b: {  	_ =	shalt  }
0x5c: {  	_ =	shalt  }
0x5d: {  	_ =	shalt  }
0x5e: {  	_ =	shalt  }
0x5f: {  	_ =	shalt  }
0x60: {  	_ =	shalt  }
0x61: {  	_ =	shalt  }
0x62: {  	_ =	shalt  }
0x63: {  	_ =	shalt  }
0x64: {  	_ =	shalt  }
0x65: {  	_ =	shalt  }
0x66: {  	_ =	shalt  }
0x67: {  	_ =	shalt  }
0x68: {  	_ =	shalt  }
0x69: {  	_ =	shalt  }
0x6a: {  	_ =	shalt  }
0x6b: {  	_ =	shalt  }
0x6c: {  	_ =	shalt  }
0x6d: {  	_ =	shalt  }
0x6e: {  	_ =	shalt  }
0x6f: {  	_ =	shalt  }
0x70: {  	_ =	shalt  }
0x71: {  	_ =	shalt  }
0x72: {  	_ =	shalt  }
0x73: {  	_ =	shalt  }
0x74: {  	_ =	shalt  }
0x75: {  	_ =	shalt  }
0x76: {  	_ =	shalt  }
0x77: {  	_ =	shalt  }
0x78: {  	_ =	shalt  }
0x79: {  	_ =	shalt  }
0x7a: {  	_ =	shalt  }
0x7b: {  	_ =	shalt  }
0x7c: {  	_ =	shalt  }
0x7d: {  	_ =	shalt  }
0x7e: {  	_ =	shalt  }
0x7f: {  	_ =	shalt  }
0x80: {  	_ =	shalt  }
0x81: {  	_ =	shalt  }
0x82: {  	_ =	shalt  }
0x83: {  	_ =	shalt  }
0x84: {  	_ =	shalt  }
0x85: {  	_ =	shalt  }
0x86: {  	_ =	shalt  }
0x87: {  	_ =	shalt  }
.Lfunc_end0:
.L_simem_size_0:
called_computation.1_lowered:
.L_overlay_start_0:
0x88: {  	s2 =	sld [smem:$0x3FD9]  }
0x89: {  	s3 =	sld [smem:$0x3FFE];
	_ =	sdelay $0x1  }
0x8a: {  	s1 =	srdreg.scid  }
0x8b: {  	s0 =	sand.u32 $0x1, s1  }
0x8c: {  	s17 =	sshll.u32 s0, $0xA;
	s2 =	sadd.s32 s3, s2  }
0x8d: {  	s2 =	sadd.s32 s2, s17  }
0x8e: {  	[smem:$0x3FC3] =	sst s2  }
0x8f: {  	_ = 	snop  }
0x90: {  	s2 =	sld [smem:$0x3FD0];
	(tm) =	ssettm $0x1  }
0x91: {  	s18 =	sld [smem:$0x3FFB];
	_ =	sdelay $0x3  }
0x92: {  	_ =	strace s18  }
0x93: {  	s3 =	sld [smem:$0x3FFC];
	_ =	sdelay $0x3  }
0x94: {  	_ =	strace s3  }
0x95: {  	s3 =	sld [smem:$0x3FFD];
	_ =	sdelay $0x3  }
0x96: {  	_ =	strace s3  }
0x97: {  	_ =	strace $0x8FFFFFFF  }
0x98: {  	s19 =	sld [smem:$0x3FDB];
	_ =	sdelay $0x1  }
0x99: {  	s4 =	simm.s32 $_scs_section_size  }
0x9a: {  	s5 =	simm.s32 $_size__tile_overlayer_lowered;
	s6 =	simm.s32 $_tile_overlayer_lowered  }
0x9b: {  	s22 =	simm.s32 $0x1BFF;
	s21 =	sshll.u32 s6, $0x1;
	s3 =	sadd.s32 s4, s19  }
0x9c: {  	s7 =	simm.s32 $0x0;
	s20 =	sshll.u32 s5, $0x1;
	s5 =	sadd.s32 s21, s3  }
0x9d: {  	[timem:s7], [sflag:s22] =	dma.local [hbm:s5], s20  }
0x9e: {  	_ =	swait.ge [sflag:s22], s20  }
0x9f: {  	s4 =	ssub.s32 $0x0, s20;
	[sflag:s22] =	ssyncset.done $0x0  }
0xa0: {  	[sflag:s22] =	ssyncadd.s32 s4;
	_ =	sdelay $0x1  }
0xa1: {  	s23 =	simm.s32 $0x1B8B  }
0xa2: {  	_ =	swait.ge [sflag:s23], $0x1  }
0xa3: {  	[sflag:s23] =	ssyncset.done $0x0  }
0xa4: {  	s25 =	simm.s32 $0x1B8E;
	s24 =	sld [smem:$0x3FFE];
	[sflag:s23] =	ssyncadd.s32 $0xFFFFFFFF  }
0xa5: {  	s26 =	simm.s32 $execute0_lowered;
	[smem:$0x3FD2] =	sst s25  }
0xa6: {  	s5 =	sshll.u32 s26, $0x1;
	_ =	strace $0x80000049;
	[dreg:$0x1] =	wrdreg $0xFFFFFFFF  }
0xa7: {  	s28 =	simm.s32 $_size_execute0_lowered;
	s3 =	sadd.s32 s3, s5;
	[dreg:$0x0] =	wrdreg $0x0  }
0xa8: {  	s5 =	sshll.u32 s28, $0x1;
	[dreg:$0x2] =	wrdreg s3  }
0xa9: {  	[dreg:$0x3] =	wrdreg s5  }
0xaa: {  	[dreg:$0x4] =	wrdreg $0xC0  }
0xab: {  	_ =	task [dreg:s7], $0x5FFFF  }
0xac: {  	[dreg:$0x1] =	wrdreg $0xFFFFFFFF  }
0xad: {  	[dreg:$0x0] =	wrdreg $0x60  }
0xae: {  	[dreg:$0x2] =	wrdreg s24  }
0xaf: {  	[dreg:$0x3] =	wrdreg s2  }
0xb0: {  	[dreg:$0x4] =	wrdreg $0x9  }
0xb1: {  	_ =	task.clear_ibuf [dreg:s7], $0x5FFFF;
	_ =	strace $0x90000049  }
0xb2: {  	s29 =	simm.s32 $0x9;
	_ =	strace $0x8000004B  }
0xb3: {  	_ =	swait.ge [sflag:s29], $0x1  }
0xb4: {  	[sflag:s29] =	ssyncadd.s32 $0xFFFFFFFF  }
0xb5: {  	_ =	strace $0x9000004B  }
0xb6: {  	_ =	sfence  }
0xb7: {  	s30 =	sld [smem:$0x0];
	_ =	sdelay $0x2  }
0xb8: {  	s31 =	sshll.u32 s1, $0xD;
	s1 =	sshrl.u32 s1, $0x2  }
0xb9: {  	s3 =	sand.u32 $0x4000, s31;
	s1 =	sadd.s32 s1, s30  }
0xba: {  	s0 =	sor.u32 s3, s0;
	s1 =	sshll.u32 s1, $0x11  }
0xbb: {  	s0 =	sor.u32 s1, s0  }
0xbc: {  	s0 =	sadd.s32 $0x8F2B, s0  }
0xbd: {  	[sflag:s0] =	ssyncadd.remote.s32 $0x1  }
0xbe: {  	_ =	sfence.sel $0xFFFF  }
0xbf: {  	[dreg:$0x0] =	wrdreg $0xFFFFFFFF;
	(pc) =	sbr.abs _section_cstart, $3  }
0xc0: {  	[dreg:$0x1] =	wrdreg $0xFFFFFFFF  }
0xc1: {  	_ =	task.clear_ibuf [dreg:s7], $0x2FFFF;
	_ =	strace $0x9FFFFFFF  }
0xc2: {  	(tm) =	ssettm $0x7FFFFFFF  }
0xc3: {  	_ =	shalt  }
tec
execute0_lowered:
.L_overlay_start_1:
0x0: {  	(tag) =	ssettag $0x1  }
0x1: {  	s0 =	rddreg [dreg:$0x0]  }
0x2: {  	s2 =	rddreg [dreg:$0x1];
	s1 =	simm.s32 $0x0  }
0x3: {  	s3 =	srdreg.scid;
	s5 =	stileid.u32;
	s29 =	simm.s32 $0x7  }
0x4: {  	s31 =	simm.s32 $0xC800;
	s28 =	simm.s32 $0x10000;
	s3 =	sand.u32 $0x1, s3  }
0x5: {  	[smem:$0x7FF] =	sst s1;
	s5 =	sshll.u32 s5, $0x7;
	s4 =	ssub.s32 $0x2, s3  }
0x6: {  	s6 =	sadd.s32 $0x1000, s0;
	s3 =	sshll.u32 s3, $0x6;
	s7 =	sshrl.u32 s4, $0x1  }
0x7: {  	s25 =	sadd.s32 $0x51200, s0;
	s3 =	sor.u32 s3, s5;
	s4 =	ssub.s32 s4, s7  }
0x8: {  	s26 =	sshrl.u32 s3, $0x3;
	s9 =	sor.u32 $0x10, s3;
	s15 =	sor.u32 $0x20, s3  }
0x9: {  	s19 =	sor.u32 $0x30, s3;
	s3 =	sshll.u32 s3, $0x7;
	s8 =	sadd.s32 s6, s26  }
0xa: {  	s30 =	sor.u32 $0x100, s26;
	s11 =	sadd.s32 s25, s26;
	s12 =	sshrl.u32 s9, $0x3  }
0xb: {  	s14 =	sor.u32 $0x102, s26;
	s16 =	sshrl.u32 s15, $0x3;
	s17 =	sor.u32 $0x104, s26  }
0xc: {  	s20 =	sshrl.u32 s19, $0x3;
	s7 =	sor.u32 $0x106, s26;
	[dreg:$0x3] =	wrdreg s8  }
0xd: {  	s3 =	sadd.s32 s2, s3;
	s10 =	sadd.s32 s6, s30;
	[dreg:$0x5] =	wrdreg s11  }
0xe: {  	s23 =	sshll.u32 s9, $0x7;
	s8 =	sadd.s32 s25, s30;
	[dreg:$0x4] =	wrdreg s10  }
0xf: {  	s24 =	sshll.u32 s15, $0x7;
	s13 =	sadd.s32 s6, s12;
	[dreg:$0x6] =	wrdreg s8  }
0x10: {  	s15 =	simm.s32 $0x4800;
	s11 =	sadd.s32 s6, s14;
	[dreg:$0x7] =	wrdreg s13  }
0x11: {  	s9 =	simm.s32 $0x2;
	s18 =	sadd.s32 s6, s17;
	[dreg:$0x8] =	wrdreg s11  }
0x12: {  	s21 =	sadd.s32 s6, s20;
	s22 =	sadd.s32 s25, s20;
	[dreg:$0xc] =	wrdreg s18  }
0x13: {  	s5 =	sadd.s32 s25, s7;
	s26 =	sadd.s32 s2, s24;
	[dreg:$0xf] =	wrdreg s21  }
0x14: {  	s24 =	sadd.s32 $0x51500, s0;
	s30 =	smax.u32 s4, $0x1;
	[dreg:$0x11] =	wrdreg s22  }
0x15: {  	s4 =	simm.s32 $0xF000;
	s10 =	sadd.s32 s25, s12;
	[dreg:$0x12] =	wrdreg s5  }
0x16: {  	s8 =	sadd.s32 s25, s14;
	s12 =	sadd.s32 s6, s16;
	[dreg:$0x9] =	wrdreg s10  }
0x17: {  	s11 =	sadd.s32 s25, s17;
	s6 =	sadd.s32 s6, s7;
	[dreg:$0xa] =	wrdreg s8  }
0x18: {  	s21 =	simm.s32 $0x8000;
	s22 =	simm.s32 $0xD000;
	[dreg:$0xb] =	wrdreg s12  }
0x19: {  	s13 =	simm.s32 $0xD800;
	s5 =	simm.s32 $0xF800;
	[dreg:$0xe] =	wrdreg s11  }
0x1a: {  	s7 =	simm.s32 $0x3;
	s8 =	sadd.s32 s25, s16;
	[dreg:$0x10] =	wrdreg s6  }
0x1b: {  	v4 =	vlaneseq.u32;
	v3 =	vimm.s32 $0x3;
	vm0 =	vmmov $0xffff;
	s25 =	sshll.u32 s19, $0x7;
	s6 =	simm.s32 $0x1;
	s10 =	simm.s32 $0x4  }
0x1c: {  	v5 =	vimm.s32 $0x0;
	v6 =	vimm.s32 $0x1;
	v7 =	vimm.s32 $0x2;
	s11 =	simm.s32 $0x6;
	s12 =	simm.s32 $0x0;
	[dreg:$0xd] =	wrdreg s8  }
0x1d: {  	v8 =	vimm.s32 $0x4;
	v9 =	vimm.s32 $0x5;
	v10 =	vimm.s32 $0x6;
	s8 =	simm.s32 $0x5;
	_ =	strace $0x8000004A;
	[dreg:$0x13] =	wrdreg s3  }
0x1e: {  	v11 =	vimm.s32 $0x8;
	v12 =	vimm.s32 $0x9;
	v13 =	vimm.s32 $0xA;
	s3 =	sadd.s32 s2, s23;
	[dreg:$0x15] =	wrdreg s26;
	s2 =	sadd.s32 s2, s25  }
0x1f: {  	v14 =	vimm.s32 $0xB;
	v15 =	vimm.s32 $0xC;
	v16 =	vimm.s32 $0xD;
	s23 =	sadd.s32 $0x51400, s0;
	s25 =	sadd.s32 $0x51600, s0;
	[dreg:$0x17] =	wrdreg s30  }
0x20: {  	v17 =	vimm.s32 $0xE;
	v18 =	vimm.s32 $0xF;
	v2 =	vshrl.u32 v4, $0x3;
	s26 =	sadd.s32 $0x51700, s0;
	s0 =	simm.s32 $0x800;
	[dreg:$0x14] =	wrdreg s3  }
0x21: {  	v0 =	vand.u32 $0x7, v4;
	v4 =	vor.u32 $0x8, v4;
	v2 =	vmul.u32 $0x8, v2;
	[dreg:$0x16] =	wrdreg s2;
	s2 =	simm.s32 $0xE000;
	s3 =	simm.s32 $0xE800  }
.LBB2_1:
0x22: {  	s14 =	rddreg [dreg:$0x3]  }
0x23: {  	[tilespmem:s1], [sflag:$0x7] =	stream.linear.gather [hbm4b:s14+s1], $0x10, $0x38;
	[tilespmem:$0x10800] =	vst v63  }
0x24: {  	_ =	swait.ge [sflag:s29], $0x10  }
0x25: {  	[sflag:s29] =	ssyncset.done $0x0  }
0x26: {  	s16 =	simm.s32 $0x200;
	s17 =	rddreg [dreg:$0x4];
	[sflag:s29] =	ssyncadd.s32 $0xFFFFFFF0  }
0x27: {  	[tilespmem:s16], [sflag:$0x7] =	stream.linear.gather [hbm4b:s17+s1], $0x10, $0x38;
	[tilespmem:$0x10800] =	vst v63  }
0x28: {  	_ =	swait.ge [sflag:s29], $0x10  }
0x29: {  	[sflag:s29] =	ssyncset.done $0x0  }
0x2a: {  	s19 =	simm.s32 $0x400;
	s18 =	rddreg [dreg:$0x5];
	[sflag:s29] =	ssyncadd.s32 $0xFFFFFFF0  }
0x2b: {  	[tilespmem:s19], [sflag:$0x7] =	stream.linear.gather [hbm4b:s18+s1], $0x10, $0x38;
	[tilespmem:$0x10800] =	vst v63  }
0x2c: {  	_ =	swait.ge [sflag:s29], $0x10  }
0x2d: {  	[sflag:s29] =	ssyncset.done $0x0  }
0x2e: {  	s30 =	simm.s32 $0x600;
	s20 =	rddreg [dreg:$0x6];
	[sflag:s29] =	ssyncadd.s32 $0xFFFFFFF0  }
0x2f: {  	[tilespmem:s30], [sflag:$0x7] =	stream.linear.gather [hbm4b:s20+s1], $0x10, $0x38;
	[tilespmem:$0x10800] =	vst v63  }
0x30: {  	_ =	swait.ge [sflag:s29], $0x10  }
0x31: {  	[sflag:s29] =	ssyncset.done $0x0  }
0x32: {  	s17 =	simm.s32 $0x80;
	s16 =	rddreg [dreg:$0x7];
	[sflag:s29] =	ssyncadd.s32 $0xFFFFFFF0  }
0x33: {  	[tilespmem:s17], [sflag:$0x7] =	stream.linear.gather [hbm4b:s16+s1], $0x10, $0x38;
	[tilespmem:$0x10800] =	vst v63  }
0x34: {  	_ =	swait.ge [sflag:s29], $0x10  }
0x35: {  	[sflag:s29] =	ssyncset.done $0x0  }
0x36: {  	s19 =	simm.s32 $0x280;
	s18 =	rddreg [dreg:$0x8];
	[sflag:s29] =	ssyncadd.s32 $0xFFFFFFF0  }
0x37: {  	[tilespmem:s19], [sflag:$0x7] =	stream.linear.gather [hbm4b:s18+s1], $0x10, $0x38;
	[tilespmem:$0x10800] =	vst v63  }
0x38: {  	_ =	swait.ge [sflag:s29], $0x10  }
0x39: {  	[sflag:s29] =	ssyncset.done $0x0  }
0x3a: {  	s30 =	simm.s32 $0x480;
	s20 =	rddreg [dreg:$0x9];
	[sflag:s29] =	ssyncadd.s32 $0xFFFFFFF0  }
0x3b: {  	[tilespmem:s30], [sflag:$0x7] =	stream.linear.gather [hbm4b:s20+s1], $0x10, $0x38;
	[tilespmem:$0x10800] =	vst v63  }
0x3c: {  	_ =	swait.ge [sflag:s29], $0x10  }
0x3d: {  	[sflag:s29] =	ssyncset.done $0x0  }
0x3e: {  	s17 =	simm.s32 $0x680;
	s16 =	rddreg [dreg:$0xa];
	[sflag:s29] =	ssyncadd.s32 $0xFFFFFFF0  }
0x3f: {  	[tilespmem:s17], [sflag:$0x7] =	stream.linear.gather [hbm4b:s16+s1], $0x10, $0x38;
	[tilespmem:$0x10800] =	vst v63  }
0x40: {  	_ =	swait.ge [sflag:s29], $0x10  }
0x41: {  	[sflag:s29] =	ssyncset.done $0x0  }
0x42: {  	s19 =	simm.s32 $0x100;
	s18 =	rddreg [dreg:$0xb];
	[sflag:s29] =	ssyncadd.s32 $0xFFFFFFF0  }
0x43: {  	[tilespmem:s19], [sflag:$0x7] =	stream.linear.gather [hbm4b:s18+s1], $0x10, $0x38;
	[tilespmem:$0x10800] =	vst v63  }
0x44: {  	_ =	swait.ge [sflag:s29], $0x10  }
0x45: {  	[sflag:s29] =	ssyncset.done $0x0  }
0x46: {  	s30 =	simm.s32 $0x300;
	s20 =	rddreg [dreg:$0xc];
	[sflag:s29] =	ssyncadd.s32 $0xFFFFFFF0  }
0x47: {  	[tilespmem:s30], [sflag:$0x7] =	stream.linear.gather [hbm4b:s20+s1], $0x10, $0x38;
	[tilespmem:$0x10800] =	vst v63  }
0x48: {  	_ =	swait.ge [sflag:s29], $0x10  }
0x49: {  	[sflag:s29] =	ssyncset.done $0x0  }
0x4a: {  	s17 =	simm.s32 $0x500;
	s16 =	rddreg [dreg:$0xd];
	[sflag:s29] =	ssyncadd.s32 $0xFFFFFFF0  }
0x4b: {  	[tilespmem:s17], [sflag:$0x7] =	stream.linear.gather [hbm4b:s16+s1], $0x10, $0x38;
	[tilespmem:$0x10800] =	vst v63  }
0x4c: {  	_ =	swait.ge [sflag:s29], $0x10  }
0x4d: {  	[sflag:s29] =	ssyncset.done $0x0  }
0x4e: {  	s19 =	simm.s32 $0x700;
	s18 =	rddreg [dreg:$0xe];
	[sflag:s29] =	ssyncadd.s32 $0xFFFFFFF0  }
0x4f: {  	[tilespmem:s19], [sflag:$0x7] =	stream.linear.gather [hbm4b:s18+s1], $0x10, $0x38;
	[tilespmem:$0x10800] =	vst v63  }
0x50: {  	_ =	swait.ge [sflag:s29], $0x10  }
0x51: {  	[sflag:s29] =	ssyncset.done $0x0  }
0x52: {  	s30 =	simm.s32 $0x180;
	s20 =	rddreg [dreg:$0xf];
	[sflag:s29] =	ssyncadd.s32 $0xFFFFFFF0  }
0x53: {  	[tilespmem:s30], [sflag:$0x7] =	stream.linear.gather [hbm4b:s20+s1], $0x10, $0x38;
	[tilespmem:$0x10800] =	vst v63  }
0x54: {  	_ =	swait.ge [sflag:s29], $0x10  }
0x55: {  	[sflag:s29] =	ssyncset.done $0x0  }
0x56: {  	s17 =	simm.s32 $0x380;
	s16 =	rddreg [dreg:$0x10];
	[sflag:s29] =	ssyncadd.s32 $0xFFFFFFF0  }
0x57: {  	[tilespmem:s17], [sflag:$0x7] =	stream.linear.gather [hbm4b:s16+s1], $0x10, $0x38;
	[tilespmem:$0x10800] =	vst v63  }
0x58: {  	_ =	swait.ge [sflag:s29], $0x10  }
0x59: {  	[sflag:s29] =	ssyncset.done $0x0  }
0x5a: {  	s19 =	simm.s32 $0x580;
	s18 =	rddreg [dreg:$0x11];
	[sflag:s29] =	ssyncadd.s32 $0xFFFFFFF0  }
0x5b: {  	[tilespmem:s19], [sflag:$0x7] =	stream.linear.gather [hbm4b:s18+s1], $0x10, $0x38;
	[tilespmem:$0x10800] =	vst v63  }
0x5c: {  	_ =	swait.ge [sflag:s29], $0x10  }
0x5d: {  	[sflag:s29] =	ssyncset.done $0x0  }
0x5e: {  	s30 =	simm.s32 $0x780;
	s20 =	rddreg [dreg:$0x12];
	[sflag:s29] =	ssyncadd.s32 $0xFFFFFFF0  }
0x5f: {  	[tilespmem:s30], [sflag:$0x7] =	stream.linear.gather [hbm4b:s20+s1], $0x10, $0x38;
	[tilespmem:$0x10800] =	vst v63  }
0x60: {  	_ =	swait.ge [sflag:s29], $0x10  }
0x61: {  	[sflag:s29] =	ssyncset.done $0x0  }
0x62: {  	[sflag:s29] =	ssyncadd.s32 $0xFFFFFFF0  }
0x63: {  	v19 =	vld [tilespmem:$0x0];
	_ =	sdelay $0x4  }
0x64: {  	v20 =	vshll.u32 v19, $0x3  }
0x65: {  	v19 =	vand.u32 $0x7, v19;
	v20 =	vand.u32 $0xFFFFFFC0, v20  }
0x66: {  	v19 =	vor.u32 v19, v20  }
0x67: {  	v20 =	vperm.xlane v19, v0;
	_ =	sdelay $0x1  }
0x68: {  	v20 =	vadd.s32 v2, v20;
	_ =	sdelay $0x4  }
0x69: {  	[tilespmem:s0], [sflag:$0x1] =	stream.indirect_vreg.gather [hbm4b:s23+s1], $0x80, v20, vm0, $0xb8;
	[tilespmem:$0x10800] =	vst v63  }
0x6a: {  	s17 =	simm.s32 $0x1000;
	v19 =	vperm.xlane v19, v4  }
0x6b: {  	[tilespmem:s17], [sflag:$0x1] =	stream.indirect_vreg.gather [hbm4b:s24+s1], $0x80, v20, vm0, $0xb8;
	[tilespmem:$0x10800] =	vst v63  }
0x6c: {  	s18 =	simm.s32 $0x1800;
	v19 =	vadd.s32 v2, v19  }
0x6d: {  	[tilespmem:s18], [sflag:$0x1] =	stream.indirect_vreg.gather [hbm4b:s25+s1], $0x80, v20, vm0, $0xb8;
	[tilespmem:$0x10800] =	vst v63  }
0x6e: {  	s19 =	simm.s32 $0x2000  }
0x6f: {  	[tilespmem:s19], [sflag:$0x1] =	stream.indirect_vreg.gather [hbm4b:s26+s1], $0x80, v20, vm0, $0xb8;
	[tilespmem:$0x10800] =	vst v63  }
0x70: {  	s20 =	simm.s32 $0x2800  }
0x71: {  	[tilespmem:s20], [sflag:$0x1] =	stream.indirect_vreg.gather [hbm4b:s23+s1], $0x80, v19, vm0, $0xb8;
	[tilespmem:$0x10800] =	vst v63  }
0x72: {  	s30 =	simm.s32 $0x3000  }
0x73: {  	[tilespmem:s30], [sflag:$0x1] =	stream.indirect_vreg.gather [hbm4b:s24+s1], $0x80, v19, vm0, $0xb8;
	[tilespmem:$0x10800] =	vst v63  }
0x74: {  	s16 =	simm.s32 $0x3800  }
0x75: {  	[tilespmem:s16], [sflag:$0x1] =	stream.indirect_vreg.gather [hbm4b:s25+s1], $0x80, v19, vm0, $0xb8;
	[tilespmem:$0x10800] =	vst v63  }
0x76: {  	s17 =	simm.s32 $0x4000  }
0x77: {  	[tilespmem:s17], [sflag:$0x1] =	stream.indirect_vreg.gather [hbm4b:s26+s1], $0x80, v19, vm0, $0xb8;
	[tilespmem:$0x10800] =	vst v63  }
0x78: {  	v19 =	vld [tilespmem:$0x200];
	_ =	sdelay $0x4  }
0x79: {  	v20 =	vshll.u32 v19, $0x3  }
0x7a: {  	v19 =	vand.u32 $0x7, v19;
	v20 =	vand.u32 $0xFFFFFFC0, v20  }
0x7b: {  	v19 =	vor.u32 v19, v20  }
0x7c: {  	v20 =	vperm.xlane v19, v0;
	_ =	sdelay $0x1  }
0x7d: {  	v20 =	vadd.s32 v2, v20;
	_ =	sdelay $0x3  }
0x7e: {  	s18 =	simm.s32 $0x8800  }
0x7f: {  	[tilespmem:s18], [sflag:$0x3] =	stream.indirect_vreg.gather [hbm4b:s23+s1], $0x80, v20, vm0, $0xb8;
	[tilespmem:$0x10800] =	vst v63  }
0x80: {  	s19 =	simm.s32 $0x9000;
	v19 =	vperm.xlane v19, v4  }
0x81: {  	[tilespmem:s19], [sflag:$0x3] =	stream.indirect_vreg.gather [hbm4b:s24+s1], $0x80, v20, vm0, $0xb8;
	[tilespmem:$0x10800] =	vst v63  }
0x82: {  	s20 =	simm.s32 $0x9800;
	v19 =	vadd.s32 v2, v19  }
0x83: {  	[tilespmem:s20], [sflag:$0x3] =	stream.indirect_vreg.gather [hbm4b:s25+s1], $0x80, v20, vm0, $0xb8;
	[tilespmem:$0x10800] =	vst v63  }
0x84: {  	s30 =	simm.s32 $0xA000  }
0x85: {  	[tilespmem:s30], [sflag:$0x3] =	stream.indirect_vreg.gather [hbm4b:s26+s1], $0x80, v20, vm0, $0xb8;
	[tilespmem:$0x10800] =	vst v63  }
0x86: {  	s16 =	simm.s32 $0xA800  }
0x87: {  	[tilespmem:s16], [sflag:$0x3] =	stream.indirect_vreg.gather [hbm4b:s23+s1], $0x80, v19, vm0, $0xb8;
	[tilespmem:$0x10800] =	vst v63  }
0x88: {  	s17 =	simm.s32 $0xB000  }
0x89: {  	[tilespmem:s17], [sflag:$0x3] =	stream.indirect_vreg.gather [hbm4b:s24+s1], $0x80, v19, vm0, $0xb8;
	[tilespmem:$0x10800] =	vst v63  }
0x8a: {  	s18 =	simm.s32 $0xB800  }
0x8b: {  	[tilespmem:s18], [sflag:$0x3] =	stream.indirect_vreg.gather [hbm4b:s25+s1], $0x80, v19, vm0, $0xb8;
	[tilespmem:$0x10800] =	vst v63  }
0x8c: {  	s19 =	simm.s32 $0xC000  }
0x8d: {  	[tilespmem:s19], [sflag:$0x3] =	stream.indirect_vreg.gather [hbm4b:s26+s1], $0x80, v19, vm0, $0xb8;
	[tilespmem:$0x10800] =	vst v63  }
0x8e: {  	v19 =	vld [tilespmem:$0x80];
	_ =	sdelay $0x4  }
0x8f: {  	v20 =	vshll.u32 v19, $0x3  }
0x90: {  	v19 =	vand.u32 $0x7, v19;
	v20 =	vand.u32 $0xFFFFFFC0, v20  }
0x91: {  	v19 =	vor.u32 v19, v20  }
0x92: {  	v20 =	vperm.xlane v19, v0;
	_ =	sdelay $0x1  }
0x93: {  	v20 =	vadd.s32 v2, v20;
	_ =	sdelay $0x4  }
0x94: {  	[tilespmem:s15], [sflag:$0x2] =	stream.indirect_vreg.gather [hbm4b:s23+s1], $0x80, v20, vm0, $0xb8;
	[tilespmem:$0x10800] =	vst v63  }
0x95: {  	s20 =	simm.s32 $0x5000;
	v19 =	vperm.xlane v19, v4  }
0x96: {  	[tilespmem:s20], [sflag:$0x2] =	stream.indirect_vreg.gather [hbm4b:s24+s1], $0x80, v20, vm0, $0xb8;
	[tilespmem:$0x10800] =	vst v63  }
0x97: {  	s30 =	simm.s32 $0x5800;
	v19 =	vadd.s32 v2, v19  }
0x98: {  	[tilespmem:s30], [sflag:$0x2] =	stream.indirect_vreg.gather [hbm4b:s25+s1], $0x80, v20, vm0, $0xb8;
	[tilespmem:$0x10800] =	vst v63  }
0x99: {  	s16 =	simm.s32 $0x6000  }
0x9a: {  	[tilespmem:s16], [sflag:$0x2] =	stream.indirect_vreg.gather [hbm4b:s26+s1], $0x80, v20, vm0, $0xb8;
	[tilespmem:$0x10800] =	vst v63  }
0x9b: {  	s17 =	simm.s32 $0x6800  }
0x9c: {  	[tilespmem:s17], [sflag:$0x2] =	stream.indirect_vreg.gather [hbm4b:s23+s1], $0x80, v19, vm0, $0xb8;
	[tilespmem:$0x10800] =	vst v63  }
0x9d: {  	s18 =	simm.s32 $0x7000  }
0x9e: {  	[tilespmem:s18], [sflag:$0x2] =	stream.indirect_vreg.gather [hbm4b:s24+s1], $0x80, v19, vm0, $0xb8;
	[tilespmem:$0x10800] =	vst v63  }
0x9f: {  	s19 =	simm.s32 $0x7800  }
0xa0: {  	[tilespmem:s19], [sflag:$0x2] =	stream.indirect_vreg.gather [hbm4b:s25+s1], $0x80, v19, vm0, $0xb8;
	[tilespmem:$0x10800] =	vst v63  }
0xa1: {  	_ = 	snop  }
0xa2: {  	[tilespmem:s21], [sflag:$0x2] =	stream.indirect_vreg.gather [hbm4b:s26+s1], $0x80, v19, vm0, $0xb8;
	[tilespmem:$0x10800] =	vst v63  }
0xa3: {  	v19 =	vld [tilespmem:$0x280];
	_ =	sdelay $0x4  }
0xa4: {  	v20 =	vshll.u32 v19, $0x3  }
0xa5: {  	v19 =	vand.u32 $0x7, v19;
	v20 =	vand.u32 $0xFFFFFFC0, v20  }
0xa6: {  	v19 =	vor.u32 v19, v20  }
0xa7: {  	v20 =	vperm.xlane v19, v0;
	_ =	sdelay $0x1  }
0xa8: {  	v20 =	vadd.s32 v2, v20;
	_ =	sdelay $0x4  }
0xa9: {  	[tilespmem:s31], [sflag:$0x4] =	stream.indirect_vreg.gather [hbm4b:s23+s1], $0x80, v20, vm0, $0xb8;
	[tilespmem:$0x10800] =	vst v63  }
0xaa: {  	v19 =	vperm.xlane v19, v4  }
0xab: {  	[tilespmem:s22], [sflag:$0x4] =	stream.indirect_vreg.gather [hbm4b:s24+s1], $0x80, v20, vm0, $0xb8;
	[tilespmem:$0x10800] =	vst v63  }
0xac: {  	v19 =	vadd.s32 v2, v19  }
0xad: {  	[tilespmem:s13], [sflag:$0x4] =	stream.indirect_vreg.gather [hbm4b:s25+s1], $0x80, v20, vm0, $0xb8;
	[tilespmem:$0x10800] =	vst v63  }
0xae: {  	_ = 	snop  }
0xaf: {  	[tilespmem:s2], [sflag:$0x4] =	stream.indirect_vreg.gather [hbm4b:s26+s1], $0x80, v20, vm0, $0xb8;
	[tilespmem:$0x10800] =	vst v63  }
0xb0: {  	_ = 	snop  }
0xb1: {  	[tilespmem:s3], [sflag:$0x4] =	stream.indirect_vreg.gather [hbm4b:s23+s1], $0x80, v19, vm0, $0xb8;
	[tilespmem:$0x10800] =	vst v63  }
0xb2: {  	_ = 	snop  }
0xb3: {  	[tilespmem:s4], [sflag:$0x4] =	stream.indirect_vreg.gather [hbm4b:s24+s1], $0x80, v19, vm0, $0xb8;
	[tilespmem:$0x10800] =	vst v63  }
0xb4: {  	_ = 	snop  }
0xb5: {  	[tilespmem:s5], [sflag:$0x4] =	stream.indirect_vreg.gather [hbm4b:s25+s1], $0x80, v19, vm0, $0xb8;
	[tilespmem:$0x10800] =	vst v63  }
0xb6: {  	_ = 	snop  }
0xb7: {  	[tilespmem:s28], [sflag:$0x4] =	stream.indirect_vreg.gather [hbm4b:s26+s1], $0x80, v19, vm0, $0xb8;
	[tilespmem:$0x10800] =	vst v63  }
0xb8: {  	_ =	swait.ge [sflag:s6], $0x4000  }
0xb9: {  	[sflag:s6] =	ssyncset.done $0x0  }
0xba: {  	[sflag:s6] =	ssyncadd.s32 $0xFFFFC000  }
0xbb: {  	_ =	swait.ge [sflag:s7], $0x4000  }
0xbc: {  	[sflag:s7] =	ssyncset.done $0x0  }
0xbd: {  	[sflag:s7] =	ssyncadd.s32 $0xFFFFC000  }
0xbe: {  	v19 =	vld [tilespmem:$0x400];
	_ =	sdelay $0x4  }
0xbf: {  	v27 =	vperm.xlane v19, v5  }
0xc0: {  	s20 =	sand.u32 $0x70, s1;
	s30 =	sand.u32 $0x1C00, s1;
	v28 =	vperm.xlane v19, v6;
	v31 =	vperm.xlane v19, v7  }
0xc1: {  	s14 =	sor.u32 s20, s30;
	v38 =	vld [tilespmem:$0x600];
	v32 =	vperm.xlane v19, v3;
	v33 =	vperm.xlane v19, v8  }
0xc2: {  	v1 =	vimm.s32 $0x7;
	v40 =	vld [tilespmem:s14+$0x900];
	v34 =	vperm.xlane v19, v9;
	v35 =	vperm.xlane v19, v10  }
0xc3: {  	v45 =	vld [tilespmem:s14+$0x880];
	v30 =	vperm.xlane v19, v1;
	v26 =	vperm.xlane v19, v11  }
0xc4: {  	v46 =	vld [tilespmem:s14+$0x800];
	v25 =	vperm.xlane v19, v12;
	v24 =	vperm.xlane v19, v13  }
0xc5: {  	v52 =	vld [tilespmem:s14+$0x980];
	v21 =	vperm.xlane v19, v14;
	v20 =	vperm.xlane v19, v15  }
0xc6: {  	v51 =	vld [tilespmem:s14+$0xA00];
	v23 =	vperm.xlane v19, v16;
	v22 =	vperm.xlane v19, v17  }
0xc7: {  	v53 =	vld [tilespmem:s14+$0xB00];
	v19 =	vperm.xlane v19, v18;
	v41 =	vperm.xlane v38, v5  }
0xc8: {  	v55 =	vld [tilespmem:s14+$0x8900];
	v42 =	vperm.xlane v38, v6;
	v44 =	vperm.xlane v38, v7  }
0xc9: {  	v56 =	vld [tilespmem:s14+$0x8880];
	v47 =	vperm.xlane v38, v3;
	v48 =	vperm.xlane v38, v8  }
0xca: {  	v57 =	vld [tilespmem:s14+$0x8A00];
	v49 =	vperm.xlane v38, v9;
	v50 =	vperm.xlane v38, v10  }
0xcb: {  	v58 =	vld [tilespmem:s14+$0x8A80];
	v43 =	vperm.xlane v38, v1;
	v39 =	vperm.xlane v38, v11  }
0xcc: {  	v54 =	vld [tilespmem:s14+$0xA80];
	v37 =	vperm.xlane v38, v12;
	v36 =	vperm.xlane v38, v13  }
0xcd: {  	v59 =	vld [tilespmem:s14+$0x8800];
	v29 =	vperm.xlane v38, v14;
	v40 =	vmul.f32 v40, v31  }
0xce: {  	v60 =	vld [tilespmem:s14+$0x8980];
	v55 =	vmul.f32 v55, v44;
	v45 =	vmul.f32 v45, v28  }
0xcf: {  	v61 =	vld [tilespmem:s14+$0x8B00];
	v56 =	vmul.f32 v56, v42;
	v63 =	vmul.f32 v51, v33  }
0xd0: {  	v57 =	vmul.f32 v57, v48;
	v62 =	vmul.f32 v58, v49  }
0xd1: {  	v40 =	vadd.f32 v55, v40;
	v51 =	vadd.f32 v56, v45;
	v45 =	vmul.f32 v54, v34  }
0xd2: {  	v46 =	vmul.f32 v46, v27;
	v55 =	vadd.f32 v57, v63;
	v63 =	vmul.f32 v59, v41  }
0xd3: {  	v59 =	vmul.f32 v52, v32;
	[tilespmem:s14+$0x900] =	vst v40;
	v45 =	vadd.f32 v62, v45;
	v62 =	vmul.f32 v60, v47  }
0xd4: {  	v53 =	vmul.f32 v53, v35;
	v46 =	vadd.f32 v63, v46;
	[tilespmem:s14+$0xA00] =	vst v55;
	v63 =	vmul.f32 v61, v50  }
0xd5: {  	v40 =	vperm.xlane v38, v15;
	v52 =	vadd.f32 v62, v59;
	[tilespmem:s14+$0xA80] =	vst v45;
	v45 =	vperm.xlane v38, v16  }
0xd6: {  	s16 =	sor.u32 s1, s1;
	s17 =	simm.s32 $0x10;
	s18 =	simm.s32 $0x0;
	[tilespmem:s14+$0x800] =	vst v46;
	v53 =	vadd.f32 v63, v53;
	v46 =	vperm.xlane v38, v17;
	v38 =	vperm.xlane v38, v18  }
.LBB2_2:
0xd7: {  	p0 =	sne.s32 s17, $0x3F0  }
0xd8: {  	[tilespmem:s14+$0x880] =	vst v51;
	s18 =	sadd.s32 $0x80, s18;
	s20 =	smov.u32 s17;
	s17 =	sadd.s32 $0x10, s17  }
0xd9: {  	s19 =	sor.u32 s20, s18;
	[tilespmem:s14+$0xB00] =	vst v53  }
0xda: {  	s30 =	sor.u32 $0x380, s16;
	[tilespmem:s14+$0x980] =	vst v52  }
0xdb: {  	v51 =	vld [tilespmem:s30+$0x800]  }
0xdc: {  	v52 =	vld [tilespmem:s30+$0x8800];
	_ =	sdelay $0x4  }
0xdd: {  	v51 =	vmul.f32 v51, v30;
	v52 =	vmul.f32 v52, v43;
	_ =	sdelay $0x1  }
0xde: {  	v51 =	vadd.f32 v52, v51;
	_ =	sdelay $0x1  }
0xdf: {  	[tilespmem:s30+$0x800] =	vst v51  }
0xe0: {  	v51 =	vld [tilespmem:s14+$0x2800]  }
0xe1: {  	v52 =	vld [tilespmem:s14+$0xA800]  }
0xe2: {  	v53 =	vld [tilespmem:s14+$0x2880]  }
0xe3: {  	v54 =	vld [tilespmem:s14+$0xA880]  }
0xe4: {  	v55 =	vld [tilespmem:s14+$0x2900]  }
0xe5: {  	v56 =	vld [tilespmem:s14+$0xA900]  }
0xe6: {  	v51 =	vmul.f32 v51, v26;
	v52 =	vmul.f32 v52, v39;
	v57 =	vld [tilespmem:s14+$0x2980]  }
0xe7: {  	v58 =	vld [tilespmem:s14+$0xA980]  }
0xe8: {  	s20 =	sand.u32 $0x70, s20;
	s30 =	sand.u32 $0x1C00, s18;
	v51 =	vadd.f32 v52, v51;
	v52 =	vmul.f32 v53, v25;
	v53 =	vmul.f32 v54, v37;
	v54 =	vld [tilespmem:s14+$0x2A00]  }
0xe9: {  	s20 =	sor.u32 s20, s30;
	v59 =	vld [tilespmem:s14+$0x2A80]  }
0xea: {  	[tilespmem:s14+$0x2800] =	vst v51;
	v51 =	vadd.f32 v53, v52;
	v52 =	vmul.f32 v55, v24;
	v53 =	vmul.f32 v56, v36;
	v55 =	vld [tilespmem:s14+$0xAA80]  }
0xeb: {  	v56 =	vmul.f32 v57, v21;
	v57 =	vld [tilespmem:s14+$0x2B00]  }
0xec: {  	[tilespmem:s14+$0x2880] =	vst v51;
	v51 =	vadd.f32 v53, v52;
	v52 =	vmul.f32 v58, v29;
	v53 =	vld [tilespmem:s14+$0xAB00]  }
0xed: {  	v58 =	vld [tilespmem:s20+$0x900];
	v54 =	vmul.f32 v54, v20  }
0xee: {  	[tilespmem:s14+$0x2900] =	vst v51;
	v51 =	vadd.f32 v52, v56;
	v52 =	vld [tilespmem:s14+$0xAA00]  }
0xef: {  	v59 =	vmul.f32 v59, v23;
	v56 =	vld [tilespmem:s20+$0x880];
	v55 =	vmul.f32 v55, v45  }
0xf0: {  	v60 =	vld [tilespmem:s20+$0x800];
	[tilespmem:s14+$0x2980] =	vst v51;
	v51 =	vmul.f32 v57, v22  }
0xf1: {  	v57 =	vld [tilespmem:s20+$0x980];
	v55 =	vadd.f32 v55, v59;
	v53 =	vmul.f32 v53, v46  }
0xf2: {  	v59 =	vld [tilespmem:s20+$0xA00]  }
0xf3: {  	v58 =	vmul.f32 v58, v31;
	v52 =	vmul.f32 v52, v40;
	[tilespmem:s14+$0x2A80] =	vst v55;
	v51 =	vadd.f32 v53, v51  }
0xf4: {  	v53 =	vmul.f32 v56, v28  }
0xf5: {  	v55 =	vld [tilespmem:s20+$0xB00];
	v52 =	vadd.f32 v52, v54;
	[tilespmem:s14+$0x2B00] =	vst v51;
	_ =	sdelay $0x1  }
0xf6: {  	s30 =	sor.u32 $0x2380, s16;
	s16 =	smov.u32 s19;
	v54 =	vmul.f32 v59, v33;
	v51 =	vld [tilespmem:s20+$0xA80];
	[tilespmem:s14+$0x2A00] =	vst v52;
	s14 =	smov.u32 s20  }
0xf7: {  	v52 =	vmul.f32 v57, v32;
	v56 =	vld [tilespmem:s30+$0x800]  }
0xf8: {  	v57 =	vmul.f32 v60, v27;
	v59 =	vld [tilespmem:s30+$0x8800]  }
0xf9: {  	v55 =	vmul.f32 v55, v35;
	_ =	sdelay $0x1  }
0xfa: {  	v60 =	vmul.f32 v51, v34  }
0xfb: {  	v51 =	vmul.f32 v56, v19  }
0xfc: {  	v56 =	vmul.f32 v59, v38;
	_ =	sdelay $0x1  }
0xfd: {  	v51 =	vadd.f32 v56, v51;
	_ =	sdelay $0x1  }
0xfe: {  	[tilespmem:s30+$0x800] =	vst v51  }
0xff: {  	v51 =	vld [tilespmem:s14+$0x8880]  }
0x100: {  	v56 =	vld [tilespmem:s14+$0x8900]  }
0x101: {  	v59 =	vld [tilespmem:s14+$0x8A00]  }
0x102: {  	v61 =	vld [tilespmem:s14+$0x8A80]  }
0x103: {  	v62 =	vld [tilespmem:s14+$0x8800]  }
0x104: {  	v63 =	vld [tilespmem:s14+$0x8980]  }
0x105: {  	v56 =	vmul.f32 v56, v44;
	v1 =	vld [tilespmem:s14+$0x8B00]  }
0x106: {  	v51 =	vmul.f32 v51, v42;
	v59 =	vmul.f32 v59, v48  }
0x107: {  	v56 =	vadd.f32 v56, v58;
	v58 =	vmul.f32 v61, v49  }
.Ltmp0:
0x108: {  	v51 =	vadd.f32 v51, v53;
	v61 =	vmul.f32 v62, v41;
	v53 =	vadd.f32 v59, v54;
	(pc) =	sbr.rel @p0 .LBB2_2-.Ltmp0, $4  }
0x109: {  	[tilespmem:s14+$0x900] =	vst v56;
	v54 =	vmul.f32 v63, v47;
	v56 =	vadd.f32 v58, v60  }
0x10a: {  	v57 =	vadd.f32 v61, v57;
	[tilespmem:s14+$0xA00] =	vst v53;
	v1 =	vmul.f32 v1, v50  }
0x10b: {  	v52 =	vadd.f32 v54, v52;
	[tilespmem:s14+$0xA80] =	vst v56  }
0x10c: {  	[tilespmem:s14+$0x800] =	vst v57;
	v53 =	vadd.f32 v1, v55  }
0x10d: {  	[tilespmem:s14+$0x880] =	vst v51  }
0x10e: {  	[tilespmem:s14+$0x980] =	vst v52  }
0x10f: {  	s17 =	sor.u32 $0x380, s16;
	[tilespmem:s14+$0xB00] =	vst v53  }
0x110: {  	v1 =	vld [tilespmem:s17+$0x800]  }
0x111: {  	v27 =	vld [tilespmem:s17+$0x8800];
	_ =	sdelay $0x4  }
0x112: {  	v1 =	vmul.f32 v1, v30;
	v27 =	vmul.f32 v27, v43;
	_ =	sdelay $0x1  }
0x113: {  	v1 =	vadd.f32 v27, v1;
	_ =	sdelay $0x1  }
0x114: {  	[tilespmem:s17+$0x800] =	vst v1  }
0x115: {  	v1 =	vld [tilespmem:s14+$0x2800]  }
0x116: {  	v27 =	vld [tilespmem:s14+$0xA800]  }
0x117: {  	v28 =	vld [tilespmem:s14+$0x2880]  }
0x118: {  	v30 =	vld [tilespmem:s14+$0xA880]  }
0x119: {  	v31 =	vld [tilespmem:s14+$0x2900]  }
0x11a: {  	v32 =	vld [tilespmem:s14+$0xA900]  }
0x11b: {  	v1 =	vmul.f32 v1, v26;
	v26 =	vmul.f32 v27, v39  }
0x11c: {  	v27 =	vld [tilespmem:s14+$0x2980]  }
0x11d: {  	v25 =	vmul.f32 v28, v25;
	v28 =	vld [tilespmem:s14+$0xA980];
	v1 =	vadd.f32 v26, v1;
	v26 =	vmul.f32 v30, v37  }
0x11e: {  	v24 =	vmul.f32 v31, v24;
	v31 =	vld [tilespmem:s14+$0x2A80]  }
0x11f: {  	v30 =	vld [tilespmem:s14+$0x2A00];
	[tilespmem:s14+$0x2800] =	vst v1;
	v1 =	vadd.f32 v26, v25;
	v25 =	vmul.f32 v32, v36  }
0x120: {  	v26 =	vld [tilespmem:s14+$0xAA80]  }
0x121: {  	[tilespmem:s14+$0x2880] =	vst v1;
	v1 =	vadd.f32 v25, v24;
	v24 =	vld [tilespmem:s14+$0xAB00]  }
0x122: {  	v25 =	vld [tilespmem:s14+$0x2B00]  }
0x123: {  	[tilespmem:s14+$0x2900] =	vst v1;
	v1 =	vld [tilespmem:s14+$0xAA00];
	_ =	sdelay $0x1  }
0x124: {  	v21 =	vmul.f32 v27, v21;
	v27 =	vmul.f32 v28, v29  }
0x125: {  	v23 =	vmul.f32 v31, v23;
	v26 =	vmul.f32 v26, v45  }
0x126: {  	v21 =	vadd.f32 v27, v21;
	v22 =	vmul.f32 v25, v22;
	v24 =	vmul.f32 v24, v46  }
0x127: {  	v20 =	vmul.f32 v30, v20;
	v23 =	vadd.f32 v26, v23;
	v1 =	vmul.f32 v1, v40  }
0x128: {  	[tilespmem:s14+$0x2980] =	vst v21;
	v21 =	vadd.f32 v24, v22  }
0x129: {  	[tilespmem:s14+$0x2A80] =	vst v23;
	v1 =	vadd.f32 v1, v20  }
0x12a: {  	[tilespmem:s14+$0x2B00] =	vst v21  }
0x12b: {  	s18 =	sor.u32 $0x2380, s16;
	[tilespmem:s14+$0x2A00] =	vst v1  }
0x12c: {  	v1 =	vld [tilespmem:s18+$0x800]  }
0x12d: {  	v20 =	vld [tilespmem:s18+$0x8800];
	_ =	sdelay $0x4  }
0x12e: {  	v1 =	vmul.f32 v1, v19;
	v19 =	vmul.f32 v20, v38;
	_ =	sdelay $0x1  }
0x12f: {  	v1 =	vadd.f32 v19, v1;
	_ =	sdelay $0x1  }
0x130: {  	s19 =	rddreg [dreg:$0x13];
	s14 =	simm.s32 $0x0;
	[tilespmem:s18+$0x800] =	vst v1  }
0x131: {  	[hbm4b:s19+s14] =	stream.linear.scatter [tilespmem:s0], [sflag:$0x5], $0x4000, $0x38;
	[tilespmem:$0x10800] =	vst v63  }
0x132: {  	_ =	swait.ge [sflag:s8], $0x4000  }
0x133: {  	[sflag:s8] =	ssyncset.done $0x0  }
0x134: {  	[sflag:s8] =	ssyncadd.s32 $0xFFFFC000  }
0x135: {  	v1 =	vld [tilespmem:$0x100];
	_ =	sdelay $0x4  }
0x136: {  	v19 =	vshll.u32 v1, $0x3  }
0x137: {  	v1 =	vand.u32 $0x7, v1;
	v19 =	vand.u32 $0xFFFFFFC0, v19  }
0x138: {  	v1 =	vor.u32 v1, v19  }
0x139: {  	v19 =	vperm.xlane v1, v0;
	_ =	sdelay $0x1  }
0x13a: {  	v19 =	vadd.s32 v2, v19;
	_ =	sdelay $0x4  }
0x13b: {  	[tilespmem:s0], [sflag:$0x1] =	stream.indirect_vreg.gather [hbm4b:s23+s14], $0x80, v19, vm0, $0xb8;
	[tilespmem:$0x10800] =	vst v63  }
0x13c: {  	s20 =	simm.s32 $0x1000;
	v1 =	vperm.xlane v1, v4  }
0x13d: {  	[tilespmem:s20], [sflag:$0x1] =	stream.indirect_vreg.gather [hbm4b:s24+s14], $0x80, v19, vm0, $0xb8;
	[tilespmem:$0x10800] =	vst v63  }
0x13e: {  	s30 =	simm.s32 $0x1800;
	v1 =	vadd.s32 v2, v1  }
0x13f: {  	[tilespmem:s30], [sflag:$0x1] =	stream.indirect_vreg.gather [hbm4b:s25+s14], $0x80, v19, vm0, $0xb8;
	[tilespmem:$0x10800] =	vst v63  }
0x140: {  	s17 =	simm.s32 $0x2000  }
0x141: {  	[tilespmem:s17], [sflag:$0x1] =	stream.indirect_vreg.gather [hbm4b:s26+s14], $0x80, v19, vm0, $0xb8;
	[tilespmem:$0x10800] =	vst v63  }
0x142: {  	s18 =	simm.s32 $0x2800  }
0x143: {  	[tilespmem:s18], [sflag:$0x1] =	stream.indirect_vreg.gather [hbm4b:s23+s14], $0x80, v1, vm0, $0xb8;
	[tilespmem:$0x10800] =	vst v63  }
0x144: {  	s19 =	simm.s32 $0x3000  }
0x145: {  	[tilespmem:s19], [sflag:$0x1] =	stream.indirect_vreg.gather [hbm4b:s24+s14], $0x80, v1, vm0, $0xb8;
	[tilespmem:$0x10800] =	vst v63  }
0x146: {  	s20 =	simm.s32 $0x3800  }
0x147: {  	[tilespmem:s20], [sflag:$0x1] =	stream.indirect_vreg.gather [hbm4b:s25+s14], $0x80, v1, vm0, $0xb8;
	[tilespmem:$0x10800] =	vst v63  }
0x148: {  	s30 =	simm.s32 $0x4000  }
0x149: {  	[tilespmem:s30], [sflag:$0x1] =	stream.indirect_vreg.gather [hbm4b:s26+s14], $0x80, v1, vm0, $0xb8;
	[tilespmem:$0x10800] =	vst v63  }
0x14a: {  	v1 =	vld [tilespmem:$0x300];
	_ =	sdelay $0x4  }
0x14b: {  	v19 =	vshll.u32 v1, $0x3  }
0x14c: {  	v1 =	vand.u32 $0x7, v1;
	v19 =	vand.u32 $0xFFFFFFC0, v19  }
0x14d: {  	v1 =	vor.u32 v1, v19  }
0x14e: {  	v19 =	vperm.xlane v1, v0;
	_ =	sdelay $0x1  }
0x14f: {  	v19 =	vadd.s32 v2, v19;
	_ =	sdelay $0x3  }
0x150: {  	s17 =	simm.s32 $0x8800  }
0x151: {  	[tilespmem:s17], [sflag:$0x3] =	stream.indirect_vreg.gather [hbm4b:s23+s14], $0x80, v19, vm0, $0xb8;
	[tilespmem:$0x10800] =	vst v63  }
0x152: {  	s18 =	simm.s32 $0x9000;
	v1 =	vperm.xlane v1, v4  }
0x153: {  	[tilespmem:s18], [sflag:$0x3] =	stream.indirect_vreg.gather [hbm4b:s24+s14], $0x80, v19, vm0, $0xb8;
	[tilespmem:$0x10800] =	vst v63  }
0x154: {  	s19 =	simm.s32 $0x9800;
	v1 =	vadd.s32 v2, v1  }
0x155: {  	[tilespmem:s19], [sflag:$0x3] =	stream.indirect_vreg.gather [hbm4b:s25+s14], $0x80, v19, vm0, $0xb8;
	[tilespmem:$0x10800] =	vst v63  }
0x156: {  	s20 =	simm.s32 $0xA000  }
0x157: {  	[tilespmem:s20], [sflag:$0x3] =	stream.indirect_vreg.gather [hbm4b:s26+s14], $0x80, v19, vm0, $0xb8;
	[tilespmem:$0x10800] =	vst v63  }
0x158: {  	s30 =	simm.s32 $0xA800  }
0x159: {  	[tilespmem:s30], [sflag:$0x3] =	stream.indirect_vreg.gather [hbm4b:s23+s14], $0x80, v1, vm0, $0xb8;
	[tilespmem:$0x10800] =	vst v63  }
0x15a: {  	s17 =	simm.s32 $0xB000  }
0x15b: {  	[tilespmem:s17], [sflag:$0x3] =	stream.indirect_vreg.gather [hbm4b:s24+s14], $0x80, v1, vm0, $0xb8;
	[tilespmem:$0x10800] =	vst v63  }
0x15c: {  	s18 =	simm.s32 $0xB800  }
0x15d: {  	[tilespmem:s18], [sflag:$0x3] =	stream.indirect_vreg.gather [hbm4b:s25+s14], $0x80, v1, vm0, $0xb8;
	[tilespmem:$0x10800] =	vst v63  }
0x15e: {  	s19 =	simm.s32 $0xC000  }
0x15f: {  	[tilespmem:s19], [sflag:$0x3] =	stream.indirect_vreg.gather [hbm4b:s26+s14], $0x80, v1, vm0, $0xb8;
	[tilespmem:$0x10800] =	vst v63  }
0x160: {  	_ =	swait.ge [sflag:s9], $0x4000  }
0x161: {  	[sflag:s9] =	ssyncset.done $0x0  }
0x162: {  	[sflag:s9] =	ssyncadd.s32 $0xFFFFC000  }
0x163: {  	_ =	swait.ge [sflag:s10], $0x4000  }
0x164: {  	[sflag:s10] =	ssyncset.done $0x0  }
0x165: {  	[sflag:s10] =	ssyncadd.s32 $0xFFFFC000  }
0x166: {  	v1 =	vld [tilespmem:$0x480];
	_ =	sdelay $0x4  }
0x167: {  	v27 =	vperm.xlane v1, v5  }
0x168: {  	s20 =	sand.u32 $0x70, s14;
	s30 =	sand.u32 $0x1C00, s14;
	v28 =	vperm.xlane v1, v6;
	v31 =	vperm.xlane v1, v7  }
0x169: {  	s16 =	sor.u32 s20, s30;
	v38 =	vld [tilespmem:$0x680];
	v32 =	vperm.xlane v1, v3;
	v33 =	vperm.xlane v1, v8  }
0x16a: {  	v29 =	vimm.s32 $0x7;
	v60 =	vld [tilespmem:s16+$0x4900];
	v34 =	vperm.xlane v1, v9;
	v35 =	vperm.xlane v1, v10  }
0x16b: {  	v61 =	vld [tilespmem:s16+$0x4880];
	v30 =	vperm.xlane v1, v29;
	v26 =	vperm.xlane v1, v11  }
0x16c: {  	v46 =	vld [tilespmem:s16+$0x4800];
	v25 =	vperm.xlane v1, v12;
	v24 =	vperm.xlane v1, v13  }
0x16d: {  	v52 =	vld [tilespmem:s16+$0x4980];
	v21 =	vperm.xlane v1, v14;
	v20 =	vperm.xlane v1, v15  }
0x16e: {  	v51 =	vld [tilespmem:s16+$0x4A00];
	v23 =	vperm.xlane v1, v16;
	v22 =	vperm.xlane v1, v17  }
0x16f: {  	v53 =	vld [tilespmem:s16+$0x4A80];
	v19 =	vperm.xlane v1, v18;
	v41 =	vperm.xlane v38, v5  }
0x170: {  	v54 =	vld [tilespmem:s16+$0xC900];
	v42 =	vperm.xlane v38, v6;
	v44 =	vperm.xlane v38, v7  }
0x171: {  	v55 =	vld [tilespmem:s16+$0xC880];
	v47 =	vperm.xlane v38, v3;
	v48 =	vperm.xlane v38, v8  }
0x172: {  	v56 =	vld [tilespmem:s16+$0xCA00];
	v49 =	vperm.xlane v38, v9;
	v50 =	vperm.xlane v38, v10  }
0x173: {  	v57 =	vld [tilespmem:s16+$0xCA80];
	v43 =	vperm.xlane v38, v29;
	v39 =	vperm.xlane v38, v11  }
0x174: {  	v58 =	vld [tilespmem:s16+$0xC800];
	v37 =	vperm.xlane v38, v12;
	v36 =	vperm.xlane v38, v13  }
0x175: {  	v59 =	vld [tilespmem:s16+$0xC980];
	v29 =	vperm.xlane v38, v14;
	v40 =	vmul.f32 v60, v31  }
0x176: {  	v1 =	vld [tilespmem:s16+$0x4B00];
	v54 =	vmul.f32 v54, v44;
	v45 =	vmul.f32 v61, v28  }
0x177: {  	v60 =	vld [tilespmem:s16+$0xCB00];
	v55 =	vmul.f32 v55, v42;
	v62 =	vmul.f32 v51, v33  }
0x178: {  	v56 =	vmul.f32 v56, v48;
	v63 =	vmul.f32 v53, v34  }
0x179: {  	v57 =	vmul.f32 v57, v49;
	v46 =	vmul.f32 v46, v27;
	v40 =	vadd.f32 v54, v40  }
0x17a: {  	v58 =	vmul.f32 v58, v41;
	v61 =	vmul.f32 v52, v32;
	v54 =	vadd.f32 v56, v62  }
0x17b: {  	v51 =	vadd.f32 v55, v45;
	v45 =	vadd.f32 v57, v63;
	v62 =	vmul.f32 v59, v47;
	[tilespmem:s16+$0x4900] =	vst v40  }
0x17c: {  	v46 =	vadd.f32 v58, v46;
	v1 =	vmul.f32 v1, v35;
	[tilespmem:s16+$0x4A00] =	vst v54;
	v63 =	vmul.f32 v60, v50  }
0x17d: {  	v52 =	vadd.f32 v62, v61;
	v40 =	vperm.xlane v38, v15;
	[tilespmem:s16+$0x4A80] =	vst v45;
	v45 =	vperm.xlane v38, v16  }
0x17e: {  	s17 =	sor.u32 s14, s14;
	s18 =	simm.s32 $0x10;
	[tilespmem:s16+$0x4800] =	vst v46;
	v46 =	vperm.xlane v38, v17;
	v38 =	vperm.xlane v38, v18;
	v53 =	vadd.f32 v63, v1  }
.LBB2_4:
0x17f: {  	p0 =	sne.s32 s18, $0x3F0  }
0x180: {  	[tilespmem:s16+$0x4880] =	vst v51;
	s14 =	sadd.s32 $0x80, s14;
	s20 =	smov.u32 s18;
	s18 =	sadd.s32 $0x10, s18  }
0x181: {  	s19 =	sor.u32 s20, s14;
	[tilespmem:s16+$0x4B00] =	vst v53  }
0x182: {  	s30 =	sor.u32 $0x380, s17;
	[tilespmem:s16+$0x4980] =	vst v52  }
0x183: {  	v1 =	vld [tilespmem:s30+$0x4800]  }
0x184: {  	v51 =	vld [tilespmem:s30+$0xC800];
	_ =	sdelay $0x4  }
0x185: {  	v1 =	vmul.f32 v1, v30;
	v51 =	vmul.f32 v51, v43;
	_ =	sdelay $0x1  }
0x186: {  	v1 =	vadd.f32 v51, v1;
	_ =	sdelay $0x1  }
0x187: {  	[tilespmem:s30+$0x4800] =	vst v1  }
0x188: {  	v1 =	vld [tilespmem:s16+$0x6800]  }
0x189: {  	v51 =	vld [tilespmem:s16+$0xE800]  }
0x18a: {  	v52 =	vld [tilespmem:s16+$0x6880]  }
0x18b: {  	v53 =	vld [tilespmem:s16+$0xE880]  }
0x18c: {  	v54 =	vld [tilespmem:s16+$0x6900]  }
0x18d: {  	v55 =	vld [tilespmem:s16+$0xE900]  }
0x18e: {  	v1 =	vmul.f32 v1, v26;
	v51 =	vmul.f32 v51, v39;
	v56 =	vld [tilespmem:s16+$0x6980]  }
0x18f: {  	v57 =	vld [tilespmem:s16+$0xE980]  }
0x190: {  	s20 =	sand.u32 $0x70, s20;
	s30 =	sand.u32 $0x1C00, s14;
	v1 =	vadd.f32 v51, v1;
	v51 =	vmul.f32 v52, v25;
	v52 =	vmul.f32 v53, v37;
	v53 =	vld [tilespmem:s16+$0x6A00]  }
0x191: {  	s20 =	sor.u32 s20, s30;
	v58 =	vld [tilespmem:s16+$0x6A80]  }
0x192: {  	[tilespmem:s16+$0x6800] =	vst v1;
	v1 =	vadd.f32 v52, v51;
	v51 =	vmul.f32 v54, v24;
	v52 =	vmul.f32 v55, v36;
	v54 =	vld [tilespmem:s16+$0xEA80]  }
0x193: {  	v55 =	vmul.f32 v56, v21;
	v56 =	vld [tilespmem:s16+$0x6B00]  }
0x194: {  	[tilespmem:s16+$0x6880] =	vst v1;
	v1 =	vadd.f32 v52, v51;
	v51 =	vmul.f32 v57, v29;
	v52 =	vld [tilespmem:s16+$0xEB00]  }
0x195: {  	v57 =	vld [tilespmem:s20+$0x4900];
	v53 =	vmul.f32 v53, v20  }
0x196: {  	[tilespmem:s16+$0x6900] =	vst v1;
	v1 =	vadd.f32 v51, v55;
	v51 =	vld [tilespmem:s16+$0xEA00]  }
0x197: {  	v58 =	vmul.f32 v58, v23;
	v55 =	vld [tilespmem:s20+$0x4880];
	v54 =	vmul.f32 v54, v45  }
0x198: {  	v59 =	vld [tilespmem:s20+$0x4800];
	[tilespmem:s16+$0x6980] =	vst v1;
	v1 =	vmul.f32 v56, v22  }
0x199: {  	v56 =	vld [tilespmem:s20+$0x4980];
	v54 =	vadd.f32 v54, v58;
	v52 =	vmul.f32 v52, v46  }
0x19a: {  	v58 =	vld [tilespmem:s20+$0x4A00]  }
0x19b: {  	v57 =	vmul.f32 v57, v31;
	v51 =	vmul.f32 v51, v40;
	[tilespmem:s16+$0x6A80] =	vst v54;
	v1 =	vadd.f32 v52, v1  }
0x19c: {  	v52 =	vmul.f32 v55, v28  }
0x19d: {  	v54 =	vld [tilespmem:s20+$0x4B00];
	v51 =	vadd.f32 v51, v53;
	[tilespmem:s16+$0x6B00] =	vst v1;
	_ =	sdelay $0x1  }
0x19e: {  	s30 =	sor.u32 $0x2380, s17;
	s17 =	smov.u32 s19;
	v1 =	vmul.f32 v58, v33;
	v53 =	vld [tilespmem:s20+$0x4A80];
	[tilespmem:s16+$0x6A00] =	vst v51;
	s16 =	smov.u32 s20  }
0x19f: {  	v55 =	vmul.f32 v56, v32;
	v51 =	vld [tilespmem:s30+$0x4800]  }
0x1a0: {  	v56 =	vmul.f32 v59, v27;
	v58 =	vld [tilespmem:s30+$0xC800]  }
0x1a1: {  	v54 =	vmul.f32 v54, v35;
	_ =	sdelay $0x1  }
0x1a2: {  	v53 =	vmul.f32 v53, v34  }
0x1a3: {  	v51 =	vmul.f32 v51, v19  }
0x1a4: {  	v58 =	vmul.f32 v58, v38;
	_ =	sdelay $0x1  }
0x1a5: {  	v51 =	vadd.f32 v58, v51;
	_ =	sdelay $0x1  }
0x1a6: {  	[tilespmem:s30+$0x4800] =	vst v51  }
0x1a7: {  	v51 =	vld [tilespmem:s16+$0xC880]  }
0x1a8: {  	v58 =	vld [tilespmem:s16+$0xC900]  }
0x1a9: {  	v59 =	vld [tilespmem:s16+$0xCA00]  }
0x1aa: {  	v60 =	vld [tilespmem:s16+$0xCA80]  }
0x1ab: {  	v61 =	vld [tilespmem:s16+$0xC800]  }
0x1ac: {  	v62 =	vld [tilespmem:s16+$0xC980]  }
0x1ad: {  	v58 =	vmul.f32 v58, v44;
	v63 =	vld [tilespmem:s16+$0xCB00]  }
0x1ae: {  	v51 =	vmul.f32 v51, v42;
	v59 =	vmul.f32 v59, v48  }
0x1af: {  	v57 =	vadd.f32 v58, v57;
	v58 =	vmul.f32 v60, v49  }
.Ltmp1:
0x1b0: {  	v51 =	vadd.f32 v51, v52;
	v60 =	vmul.f32 v61, v41;
	v1 =	vadd.f32 v59, v1;
	(pc) =	sbr.rel @p0 .LBB2_4-.Ltmp1, $4  }
0x1b1: {  	[tilespmem:s16+$0x4900] =	vst v57;
	v52 =	vmul.f32 v62, v47;
	v53 =	vadd.f32 v58, v53  }
0x1b2: {  	v56 =	vadd.f32 v60, v56;
	[tilespmem:s16+$0x4A00] =	vst v1;
	v1 =	vmul.f32 v63, v50  }
0x1b3: {  	v52 =	vadd.f32 v52, v55;
	[tilespmem:s16+$0x4A80] =	vst v53  }
0x1b4: {  	[tilespmem:s16+$0x4800] =	vst v56;
	v53 =	vadd.f32 v1, v54  }
0x1b5: {  	[tilespmem:s16+$0x4880] =	vst v51  }
0x1b6: {  	[tilespmem:s16+$0x4980] =	vst v52  }
0x1b7: {  	s14 =	sor.u32 $0x380, s17;
	[tilespmem:s16+$0x4B00] =	vst v53  }
0x1b8: {  	v1 =	vld [tilespmem:s14+$0x4800]  }
0x1b9: {  	v27 =	vld [tilespmem:s14+$0xC800];
	_ =	sdelay $0x4  }
0x1ba: {  	v1 =	vmul.f32 v1, v30;
	v27 =	vmul.f32 v27, v43;
	_ =	sdelay $0x1  }
0x1bb: {  	v1 =	vadd.f32 v27, v1;
	_ =	sdelay $0x1  }
0x1bc: {  	[tilespmem:s14+$0x4800] =	vst v1  }
0x1bd: {  	v1 =	vld [tilespmem:s16+$0x6800]  }
0x1be: {  	v27 =	vld [tilespmem:s16+$0xE800]  }
0x1bf: {  	v28 =	vld [tilespmem:s16+$0x6880]  }
0x1c0: {  	v30 =	vld [tilespmem:s16+$0xE880]  }
0x1c1: {  	v31 =	vld [tilespmem:s16+$0x6900]  }
0x1c2: {  	v32 =	vld [tilespmem:s16+$0xE900]  }
0x1c3: {  	v1 =	vmul.f32 v1, v26;
	v26 =	vmul.f32 v27, v39  }
0x1c4: {  	v27 =	vld [tilespmem:s16+$0x6980]  }
0x1c5: {  	v25 =	vmul.f32 v28, v25;
	v28 =	vld [tilespmem:s16+$0xE980];
	v1 =	vadd.f32 v26, v1;
	v26 =	vmul.f32 v30, v37  }
0x1c6: {  	v24 =	vmul.f32 v31, v24;
	v31 =	vld [tilespmem:s16+$0x6A80]  }
0x1c7: {  	v30 =	vld [tilespmem:s16+$0x6A00];
	[tilespmem:s16+$0x6800] =	vst v1;
	v1 =	vadd.f32 v26, v25;
	v25 =	vmul.f32 v32, v36  }
0x1c8: {  	v26 =	vld [tilespmem:s16+$0xEA80]  }
0x1c9: {  	[tilespmem:s16+$0x6880] =	vst v1;
	v1 =	vadd.f32 v25, v24;
	v24 =	vld [tilespmem:s16+$0xEB00]  }
0x1ca: {  	v25 =	vld [tilespmem:s16+$0x6B00]  }
0x1cb: {  	[tilespmem:s16+$0x6900] =	vst v1;
	v1 =	vld [tilespmem:s16+$0xEA00];
	_ =	sdelay $0x1  }
0x1cc: {  	v21 =	vmul.f32 v27, v21;
	v27 =	vmul.f32 v28, v29  }
0x1cd: {  	v23 =	vmul.f32 v31, v23;
	v26 =	vmul.f32 v26, v45  }
0x1ce: {  	v21 =	vadd.f32 v27, v21;
	v22 =	vmul.f32 v25, v22;
	v24 =	vmul.f32 v24, v46  }
0x1cf: {  	v20 =	vmul.f32 v30, v20;
	v23 =	vadd.f32 v26, v23;
	v1 =	vmul.f32 v1, v40  }
0x1d0: {  	[tilespmem:s16+$0x6980] =	vst v21;
	v21 =	vadd.f32 v24, v22  }
0x1d1: {  	[tilespmem:s16+$0x6A80] =	vst v23;
	v1 =	vadd.f32 v1, v20  }
0x1d2: {  	[tilespmem:s16+$0x6B00] =	vst v21  }
0x1d3: {  	s17 =	sor.u32 $0x2380, s17;
	[tilespmem:s16+$0x6A00] =	vst v1  }
0x1d4: {  	v1 =	vld [tilespmem:s17+$0x4800]  }
0x1d5: {  	v20 =	vld [tilespmem:s17+$0xC800];
	_ =	sdelay $0x4  }
0x1d6: {  	v1 =	vmul.f32 v1, v19;
	v19 =	vmul.f32 v20, v38;
	_ =	sdelay $0x1  }
0x1d7: {  	v1 =	vadd.f32 v19, v1;
	_ =	sdelay $0x1  }
0x1d8: {  	s18 =	rddreg [dreg:$0x14];
	s14 =	simm.s32 $0x0;
	[tilespmem:s17+$0x4800] =	vst v1  }
0x1d9: {  	[hbm4b:s18+s14] =	stream.linear.scatter [tilespmem:s15], [sflag:$0x6], $0x4000, $0x38;
	[tilespmem:$0x10800] =	vst v63  }
0x1da: {  	_ =	swait.ge [sflag:s11], $0x4000  }
0x1db: {  	[sflag:s11] =	ssyncset.done $0x0  }
0x1dc: {  	[sflag:s11] =	ssyncadd.s32 $0xFFFFC000  }
0x1dd: {  	v1 =	vld [tilespmem:$0x180];
	_ =	sdelay $0x4  }
0x1de: {  	v19 =	vshll.u32 v1, $0x3  }
0x1df: {  	v1 =	vand.u32 $0x7, v1;
	v19 =	vand.u32 $0xFFFFFFC0, v19  }
0x1e0: {  	v1 =	vor.u32 v1, v19  }
0x1e1: {  	v19 =	vperm.xlane v1, v0;
	_ =	sdelay $0x1  }
0x1e2: {  	v19 =	vadd.s32 v2, v19;
	_ =	sdelay $0x4  }
0x1e3: {  	[tilespmem:s15], [sflag:$0x2] =	stream.indirect_vreg.gather [hbm4b:s23+s14], $0x80, v19, vm0, $0xb8;
	[tilespmem:$0x10800] =	vst v63  }
0x1e4: {  	s19 =	simm.s32 $0x5000;
	v1 =	vperm.xlane v1, v4  }
0x1e5: {  	[tilespmem:s19], [sflag:$0x2] =	stream.indirect_vreg.gather [hbm4b:s24+s14], $0x80, v19, vm0, $0xb8;
	[tilespmem:$0x10800] =	vst v63  }
0x1e6: {  	s20 =	simm.s32 $0x5800;
	v1 =	vadd.s32 v2, v1  }
0x1e7: {  	[tilespmem:s20], [sflag:$0x2] =	stream.indirect_vreg.gather [hbm4b:s25+s14], $0x80, v19, vm0, $0xb8;
	[tilespmem:$0x10800] =	vst v63  }
0x1e8: {  	s30 =	simm.s32 $0x6000  }
0x1e9: {  	[tilespmem:s30], [sflag:$0x2] =	stream.indirect_vreg.gather [hbm4b:s26+s14], $0x80, v19, vm0, $0xb8;
	[tilespmem:$0x10800] =	vst v63  }
0x1ea: {  	s17 =	simm.s32 $0x6800  }
0x1eb: {  	[tilespmem:s17], [sflag:$0x2] =	stream.indirect_vreg.gather [hbm4b:s23+s14], $0x80, v1, vm0, $0xb8;
	[tilespmem:$0x10800] =	vst v63  }
0x1ec: {  	s18 =	simm.s32 $0x7000  }
0x1ed: {  	[tilespmem:s18], [sflag:$0x2] =	stream.indirect_vreg.gather [hbm4b:s24+s14], $0x80, v1, vm0, $0xb8;
	[tilespmem:$0x10800] =	vst v63  }
0x1ee: {  	s19 =	simm.s32 $0x7800  }
0x1ef: {  	[tilespmem:s19], [sflag:$0x2] =	stream.indirect_vreg.gather [hbm4b:s25+s14], $0x80, v1, vm0, $0xb8;
	[tilespmem:$0x10800] =	vst v63  }
0x1f0: {  	_ = 	snop  }
0x1f1: {  	[tilespmem:s21], [sflag:$0x2] =	stream.indirect_vreg.gather [hbm4b:s26+s14], $0x80, v1, vm0, $0xb8;
	[tilespmem:$0x10800] =	vst v63  }
0x1f2: {  	v1 =	vld [tilespmem:$0x380];
	_ =	sdelay $0x4  }
0x1f3: {  	v19 =	vshll.u32 v1, $0x3  }
0x1f4: {  	v1 =	vand.u32 $0x7, v1;
	v19 =	vand.u32 $0xFFFFFFC0, v19  }
0x1f5: {  	v1 =	vor.u32 v1, v19  }
0x1f6: {  	v19 =	vperm.xlane v1, v0;
	_ =	sdelay $0x1  }
0x1f7: {  	v19 =	vadd.s32 v2, v19;
	_ =	sdelay $0x4  }
0x1f8: {  	[tilespmem:s31], [sflag:$0x4] =	stream.indirect_vreg.gather [hbm4b:s23+s14], $0x80, v19, vm0, $0xb8;
	[tilespmem:$0x10800] =	vst v63  }
0x1f9: {  	v1 =	vperm.xlane v1, v4  }
0x1fa: {  	[tilespmem:s22], [sflag:$0x4] =	stream.indirect_vreg.gather [hbm4b:s24+s14], $0x80, v19, vm0, $0xb8;
	[tilespmem:$0x10800] =	vst v63  }
0x1fb: {  	v1 =	vadd.s32 v2, v1  }
0x1fc: {  	[tilespmem:s13], [sflag:$0x4] =	stream.indirect_vreg.gather [hbm4b:s25+s14], $0x80, v19, vm0, $0xb8;
	[tilespmem:$0x10800] =	vst v63  }
0x1fd: {  	_ = 	snop  }
0x1fe: {  	[tilespmem:s2], [sflag:$0x4] =	stream.indirect_vreg.gather [hbm4b:s26+s14], $0x80, v19, vm0, $0xb8;
	[tilespmem:$0x10800] =	vst v63  }
0x1ff: {  	_ = 	snop  }
0x200: {  	[tilespmem:s3], [sflag:$0x4] =	stream.indirect_vreg.gather [hbm4b:s23+s14], $0x80, v1, vm0, $0xb8;
	[tilespmem:$0x10800] =	vst v63  }
0x201: {  	_ = 	snop  }
0x202: {  	[tilespmem:s4], [sflag:$0x4] =	stream.indirect_vreg.gather [hbm4b:s24+s14], $0x80, v1, vm0, $0xb8;
	[tilespmem:$0x10800] =	vst v63  }
0x203: {  	_ = 	snop  }
0x204: {  	[tilespmem:s5], [sflag:$0x4] =	stream.indirect_vreg.gather [hbm4b:s25+s14], $0x80, v1, vm0, $0xb8;
	[tilespmem:$0x10800] =	vst v63  }
0x205: {  	_ = 	snop  }
0x206: {  	[tilespmem:s28], [sflag:$0x4] =	stream.indirect_vreg.gather [hbm4b:s26+s14], $0x80, v1, vm0, $0xb8;
	[tilespmem:$0x10800] =	vst v63  }
0x207: {  	_ =	swait.ge [sflag:s6], $0x4000  }
0x208: {  	[sflag:s6] =	ssyncset.done $0x0  }
0x209: {  	[sflag:s6] =	ssyncadd.s32 $0xFFFFC000  }
0x20a: {  	_ =	swait.ge [sflag:s7], $0x4000  }
0x20b: {  	[sflag:s7] =	ssyncset.done $0x0  }
0x20c: {  	[sflag:s7] =	ssyncadd.s32 $0xFFFFC000  }
0x20d: {  	v1 =	vld [tilespmem:$0x500];
	_ =	sdelay $0x4  }
0x20e: {  	v27 =	vperm.xlane v1, v5  }
0x20f: {  	s20 =	sand.u32 $0x70, s14;
	s30 =	sand.u32 $0x1C00, s14;
	v28 =	vperm.xlane v1, v6;
	v31 =	vperm.xlane v1, v7  }
0x210: {  	s16 =	sor.u32 s20, s30;
	v38 =	vld [tilespmem:$0x700];
	v32 =	vperm.xlane v1, v3;
	v33 =	vperm.xlane v1, v8  }
0x211: {  	v29 =	vimm.s32 $0x7;
	v60 =	vld [tilespmem:s16+$0x900];
	v34 =	vperm.xlane v1, v9;
	v35 =	vperm.xlane v1, v10  }
0x212: {  	v61 =	vld [tilespmem:s16+$0x880];
	v30 =	vperm.xlane v1, v29;
	v26 =	vperm.xlane v1, v11  }
0x213: {  	v46 =	vld [tilespmem:s16+$0x800];
	v25 =	vperm.xlane v1, v12;
	v24 =	vperm.xlane v1, v13  }
0x214: {  	v52 =	vld [tilespmem:s16+$0x980];
	v21 =	vperm.xlane v1, v14;
	v20 =	vperm.xlane v1, v15  }
0x215: {  	v51 =	vld [tilespmem:s16+$0xA00];
	v23 =	vperm.xlane v1, v16;
	v22 =	vperm.xlane v1, v17  }
0x216: {  	v53 =	vld [tilespmem:s16+$0xA80];
	v19 =	vperm.xlane v1, v18;
	v41 =	vperm.xlane v38, v5  }
0x217: {  	v54 =	vld [tilespmem:s16+$0x8900];
	v42 =	vperm.xlane v38, v6;
	v44 =	vperm.xlane v38, v7  }
0x218: {  	v55 =	vld [tilespmem:s16+$0x8880];
	v47 =	vperm.xlane v38, v3;
	v48 =	vperm.xlane v38, v8  }
0x219: {  	v56 =	vld [tilespmem:s16+$0x8A00];
	v49 =	vperm.xlane v38, v9;
	v50 =	vperm.xlane v38, v10  }
0x21a: {  	v57 =	vld [tilespmem:s16+$0x8A80];
	v43 =	vperm.xlane v38, v29;
	v39 =	vperm.xlane v38, v11  }
0x21b: {  	v58 =	vld [tilespmem:s16+$0x8800];
	v37 =	vperm.xlane v38, v12;
	v36 =	vperm.xlane v38, v13  }
0x21c: {  	v59 =	vld [tilespmem:s16+$0x8980];
	v29 =	vperm.xlane v38, v14;
	v40 =	vmul.f32 v60, v31  }
0x21d: {  	v1 =	vld [tilespmem:s16+$0xB00];
	v54 =	vmul.f32 v54, v44;
	v45 =	vmul.f32 v61, v28  }
0x21e: {  	v60 =	vld [tilespmem:s16+$0x8B00];
	v55 =	vmul.f32 v55, v42;
	v62 =	vmul.f32 v51, v33  }
0x21f: {  	v56 =	vmul.f32 v56, v48;
	v63 =	vmul.f32 v53, v34  }
0x220: {  	v57 =	vmul.f32 v57, v49;
	v46 =	vmul.f32 v46, v27;
	v40 =	vadd.f32 v54, v40  }
0x221: {  	v58 =	vmul.f32 v58, v41;
	v61 =	vmul.f32 v52, v32;
	v54 =	vadd.f32 v56, v62  }
0x222: {  	v51 =	vadd.f32 v55, v45;
	v45 =	vadd.f32 v57, v63;
	v62 =	vmul.f32 v59, v47;
	[tilespmem:s16+$0x900] =	vst v40  }
0x223: {  	v46 =	vadd.f32 v58, v46;
	v1 =	vmul.f32 v1, v35;
	[tilespmem:s16+$0xA00] =	vst v54;
	v63 =	vmul.f32 v60, v50  }
0x224: {  	v52 =	vadd.f32 v62, v61;
	v40 =	vperm.xlane v38, v15;
	[tilespmem:s16+$0xA80] =	vst v45;
	v45 =	vperm.xlane v38, v16  }
0x225: {  	s17 =	sor.u32 s14, s14;
	s18 =	simm.s32 $0x10;
	[tilespmem:s16+$0x800] =	vst v46;
	v46 =	vperm.xlane v38, v17;
	v38 =	vperm.xlane v38, v18;
	v53 =	vadd.f32 v63, v1  }
.LBB2_6:
0x226: {  	p0 =	sne.s32 s18, $0x3F0  }
0x227: {  	[tilespmem:s16+$0x880] =	vst v51;
	s14 =	sadd.s32 $0x80, s14;
	s20 =	smov.u32 s18;
	s18 =	sadd.s32 $0x10, s18  }
0x228: {  	s19 =	sor.u32 s20, s14;
	[tilespmem:s16+$0xB00] =	vst v53  }
0x229: {  	s30 =	sor.u32 $0x380, s17;
	[tilespmem:s16+$0x980] =	vst v52  }
0x22a: {  	v1 =	vld [tilespmem:s30+$0x800]  }
0x22b: {  	v51 =	vld [tilespmem:s30+$0x8800];
	_ =	sdelay $0x4  }
0x22c: {  	v1 =	vmul.f32 v1, v30;
	v51 =	vmul.f32 v51, v43;
	_ =	sdelay $0x1  }
0x22d: {  	v1 =	vadd.f32 v51, v1;
	_ =	sdelay $0x1  }
0x22e: {  	[tilespmem:s30+$0x800] =	vst v1  }
0x22f: {  	v1 =	vld [tilespmem:s16+$0x2800]  }
0x230: {  	v51 =	vld [tilespmem:s16+$0xA800]  }
0x231: {  	v52 =	vld [tilespmem:s16+$0x2880]  }
0x232: {  	v53 =	vld [tilespmem:s16+$0xA880]  }
0x233: {  	v54 =	vld [tilespmem:s16+$0x2900]  }
0x234: {  	v55 =	vld [tilespmem:s16+$0xA900]  }
0x235: {  	v1 =	vmul.f32 v1, v26;
	v51 =	vmul.f32 v51, v39;
	v56 =	vld [tilespmem:s16+$0x2980]  }
0x236: {  	v57 =	vld [tilespmem:s16+$0xA980]  }
0x237: {  	s20 =	sand.u32 $0x70, s20;
	s30 =	sand.u32 $0x1C00, s14;
	v1 =	vadd.f32 v51, v1;
	v51 =	vmul.f32 v52, v25;
	v52 =	vmul.f32 v53, v37;
	v53 =	vld [tilespmem:s16+$0x2A00]  }
0x238: {  	s20 =	sor.u32 s20, s30;
	v58 =	vld [tilespmem:s16+$0x2A80]  }
0x239: {  	[tilespmem:s16+$0x2800] =	vst v1;
	v1 =	vadd.f32 v52, v51;
	v51 =	vmul.f32 v54, v24;
	v52 =	vmul.f32 v55, v36;
	v54 =	vld [tilespmem:s16+$0xAA80]  }
0x23a: {  	v55 =	vmul.f32 v56, v21;
	v56 =	vld [tilespmem:s16+$0x2B00]  }
0x23b: {  	[tilespmem:s16+$0x2880] =	vst v1;
	v1 =	vadd.f32 v52, v51;
	v51 =	vmul.f32 v57, v29;
	v52 =	vld [tilespmem:s16+$0xAB00]  }
0x23c: {  	v57 =	vld [tilespmem:s20+$0x900];
	v53 =	vmul.f32 v53, v20  }
0x23d: {  	[tilespmem:s16+$0x2900] =	vst v1;
	v1 =	vadd.f32 v51, v55;
	v51 =	vld [tilespmem:s16+$0xAA00]  }
0x23e: {  	v58 =	vmul.f32 v58, v23;
	v55 =	vld [tilespmem:s20+$0x880];
	v54 =	vmul.f32 v54, v45  }
0x23f: {  	v59 =	vld [tilespmem:s20+$0x800];
	[tilespmem:s16+$0x2980] =	vst v1;
	v1 =	vmul.f32 v56, v22  }
0x240: {  	v56 =	vld [tilespmem:s20+$0x980];
	v54 =	vadd.f32 v54, v58;
	v52 =	vmul.f32 v52, v46  }
0x241: {  	v58 =	vld [tilespmem:s20+$0xA00]  }
0x242: {  	v57 =	vmul.f32 v57, v31;
	v51 =	vmul.f32 v51, v40;
	[tilespmem:s16+$0x2A80] =	vst v54;
	v1 =	vadd.f32 v52, v1  }
0x243: {  	v52 =	vmul.f32 v55, v28  }
0x244: {  	v54 =	vld [tilespmem:s20+$0xB00];
	v51 =	vadd.f32 v51, v53;
	[tilespmem:s16+$0x2B00] =	vst v1;
	_ =	sdelay $0x1  }
0x245: {  	s30 =	sor.u32 $0x2380, s17;
	s17 =	smov.u32 s19;
	v1 =	vmul.f32 v58, v33;
	v53 =	vld [tilespmem:s20+$0xA80];
	[tilespmem:s16+$0x2A00] =	vst v51;
	s16 =	smov.u32 s20  }
0x246: {  	v55 =	vmul.f32 v56, v32;
	v51 =	vld [tilespmem:s30+$0x800]  }
0x247: {  	v56 =	vmul.f32 v59, v27;
	v58 =	vld [tilespmem:s30+$0x8800]  }
0x248: {  	v54 =	vmul.f32 v54, v35;
	_ =	sdelay $0x1  }
0x249: {  	v53 =	vmul.f32 v53, v34  }
0x24a: {  	v51 =	vmul.f32 v51, v19  }
0x24b: {  	v58 =	vmul.f32 v58, v38;
	_ =	sdelay $0x1  }
0x24c: {  	v51 =	vadd.f32 v58, v51;
	_ =	sdelay $0x1  }
0x24d: {  	[tilespmem:s30+$0x800] =	vst v51  }
0x24e: {  	v51 =	vld [tilespmem:s16+$0x8880]  }
0x24f: {  	v58 =	vld [tilespmem:s16+$0x8900]  }
0x250: {  	v59 =	vld [tilespmem:s16+$0x8A00]  }
0x251: {  	v60 =	vld [tilespmem:s16+$0x8A80]  }
0x252: {  	v61 =	vld [tilespmem:s16+$0x8800]  }
0x253: {  	v62 =	vld [tilespmem:s16+$0x8980]  }
0x254: {  	v58 =	vmul.f32 v58, v44;
	v63 =	vld [tilespmem:s16+$0x8B00]  }
0x255: {  	v51 =	vmul.f32 v51, v42;
	v59 =	vmul.f32 v59, v48  }
0x256: {  	v57 =	vadd.f32 v58, v57;
	v58 =	vmul.f32 v60, v49  }
.Ltmp2:
0x257: {  	v51 =	vadd.f32 v51, v52;
	v60 =	vmul.f32 v61, v41;
	v1 =	vadd.f32 v59, v1;
	(pc) =	sbr.rel @p0 .LBB2_6-.Ltmp2, $4  }
0x258: {  	[tilespmem:s16+$0x900] =	vst v57;
	v52 =	vmul.f32 v62, v47;
	v53 =	vadd.f32 v58, v53  }
0x259: {  	v56 =	vadd.f32 v60, v56;
	[tilespmem:s16+$0xA00] =	vst v1;
	v1 =	vmul.f32 v63, v50  }
0x25a: {  	v52 =	vadd.f32 v52, v55;
	[tilespmem:s16+$0xA80] =	vst v53  }
0x25b: {  	[tilespmem:s16+$0x800] =	vst v56;
	v53 =	vadd.f32 v1, v54  }
0x25c: {  	[tilespmem:s16+$0x880] =	vst v51  }
0x25d: {  	[tilespmem:s16+$0x980] =	vst v52  }
0x25e: {  	s14 =	sor.u32 $0x380, s17;
	[tilespmem:s16+$0xB00] =	vst v53  }
0x25f: {  	v1 =	vld [tilespmem:s14+$0x800]  }
0x260: {  	v27 =	vld [tilespmem:s14+$0x8800];
	_ =	sdelay $0x4  }
0x261: {  	v1 =	vmul.f32 v1, v30;
	v27 =	vmul.f32 v27, v43;
	_ =	sdelay $0x1  }
0x262: {  	v1 =	vadd.f32 v27, v1;
	_ =	sdelay $0x1  }
0x263: {  	[tilespmem:s14+$0x800] =	vst v1  }
0x264: {  	v1 =	vld [tilespmem:s16+$0x2800]  }
0x265: {  	v27 =	vld [tilespmem:s16+$0xA800]  }
0x266: {  	v28 =	vld [tilespmem:s16+$0x2880]  }
0x267: {  	v30 =	vld [tilespmem:s16+$0xA880]  }
0x268: {  	v31 =	vld [tilespmem:s16+$0x2900]  }
0x269: {  	v32 =	vld [tilespmem:s16+$0xA900]  }
0x26a: {  	v1 =	vmul.f32 v1, v26;
	v26 =	vmul.f32 v27, v39  }
0x26b: {  	v27 =	vld [tilespmem:s16+$0x2980]  }
0x26c: {  	v25 =	vmul.f32 v28, v25;
	v28 =	vld [tilespmem:s16+$0xA980];
	v1 =	vadd.f32 v26, v1;
	v26 =	vmul.f32 v30, v37  }
0x26d: {  	v24 =	vmul.f32 v31, v24;
	v31 =	vld [tilespmem:s16+$0x2A80]  }
0x26e: {  	v30 =	vld [tilespmem:s16+$0x2A00];
	[tilespmem:s16+$0x2800] =	vst v1;
	v1 =	vadd.f32 v26, v25;
	v25 =	vmul.f32 v32, v36  }
0x26f: {  	v26 =	vld [tilespmem:s16+$0xAA80]  }
0x270: {  	[tilespmem:s16+$0x2880] =	vst v1;
	v1 =	vadd.f32 v25, v24;
	v24 =	vld [tilespmem:s16+$0xAB00]  }
0x271: {  	v25 =	vld [tilespmem:s16+$0x2B00]  }
0x272: {  	[tilespmem:s16+$0x2900] =	vst v1;
	v1 =	vld [tilespmem:s16+$0xAA00];
	_ =	sdelay $0x1  }
0x273: {  	v21 =	vmul.f32 v27, v21;
	v27 =	vmul.f32 v28, v29  }
0x274: {  	v23 =	vmul.f32 v31, v23;
	v26 =	vmul.f32 v26, v45  }
0x275: {  	v21 =	vadd.f32 v27, v21;
	v22 =	vmul.f32 v25, v22;
	v24 =	vmul.f32 v24, v46  }
0x276: {  	v20 =	vmul.f32 v30, v20;
	v23 =	vadd.f32 v26, v23;
	v1 =	vmul.f32 v1, v40  }
0x277: {  	[tilespmem:s16+$0x2980] =	vst v21;
	v21 =	vadd.f32 v24, v22  }
0x278: {  	[tilespmem:s16+$0x2A80] =	vst v23;
	v1 =	vadd.f32 v1, v20  }
0x279: {  	[tilespmem:s16+$0x2B00] =	vst v21  }
0x27a: {  	s18 =	sor.u32 $0x2380, s17;
	[tilespmem:s16+$0x2A00] =	vst v1  }
0x27b: {  	v1 =	vld [tilespmem:s18+$0x800]  }
0x27c: {  	v20 =	vld [tilespmem:s18+$0x8800];
	_ =	sdelay $0x4  }
0x27d: {  	v1 =	vmul.f32 v1, v19;
	v19 =	vmul.f32 v20, v38;
	_ =	sdelay $0x1  }
0x27e: {  	v1 =	vadd.f32 v19, v1;
	_ =	sdelay $0x1  }
0x27f: {  	s19 =	rddreg [dreg:$0x15];
	s16 =	simm.s32 $0x0;
	[tilespmem:s18+$0x800] =	vst v1  }
0x280: {  	[hbm4b:s19+s16] =	stream.linear.scatter [tilespmem:s0], [sflag:$0x5], $0x4000, $0x38;
	[tilespmem:$0x10800] =	vst v63  }
0x281: {  	_ =	swait.ge [sflag:s9], $0x4000  }
0x282: {  	[sflag:s9] =	ssyncset.done $0x0  }
0x283: {  	[sflag:s9] =	ssyncadd.s32 $0xFFFFC000  }
0x284: {  	_ =	swait.ge [sflag:s10], $0x4000  }
0x285: {  	[sflag:s10] =	ssyncset.done $0x0  }
0x286: {  	[sflag:s10] =	ssyncadd.s32 $0xFFFFC000  }
0x287: {  	v1 =	vld [tilespmem:$0x580];
	_ =	sdelay $0x4  }
0x288: {  	v28 =	vperm.xlane v1, v5  }
0x289: {  	s20 =	sand.u32 $0x70, s16;
	s30 =	sand.u32 $0x1C00, s16;
	v29 =	vperm.xlane v1, v6;
	v30 =	vperm.xlane v1, v7  }
0x28a: {  	s14 =	sor.u32 s20, s30;
	v38 =	vld [tilespmem:$0x780];
	v33 =	vperm.xlane v1, v3;
	v34 =	vperm.xlane v1, v8  }
0x28b: {  	v27 =	vimm.s32 $0x7;
	v41 =	vld [tilespmem:s14+$0x4900];
	v35 =	vperm.xlane v1, v9;
	v36 =	vperm.xlane v1, v10  }
0x28c: {  	v61 =	vld [tilespmem:s14+$0x4880];
	v32 =	vperm.xlane v1, v27;
	v26 =	vperm.xlane v1, v11  }
0x28d: {  	v51 =	vld [tilespmem:s14+$0x4800];
	v25 =	vperm.xlane v1, v12;
	v24 =	vperm.xlane v1, v13  }
0x28e: {  	v52 =	vld [tilespmem:s14+$0x4980];
	v22 =	vperm.xlane v1, v14;
	v20 =	vperm.xlane v1, v15  }
0x28f: {  	v53 =	vld [tilespmem:s14+$0x4A00];
	v23 =	vperm.xlane v1, v16;
	v21 =	vperm.xlane v1, v17  }
0x290: {  	v54 =	vld [tilespmem:s14+$0x4A80];
	v19 =	vperm.xlane v1, v18;
	v42 =	vperm.xlane v38, v5  }
0x291: {  	v55 =	vld [tilespmem:s14+$0xC880];
	v44 =	vperm.xlane v38, v6;
	v46 =	vperm.xlane v38, v7  }
0x292: {  	v56 =	vld [tilespmem:s14+$0xC900];
	v47 =	vperm.xlane v38, v3;
	v48 =	vperm.xlane v38, v8  }
0x293: {  	v57 =	vld [tilespmem:s14+$0xCA00];
	v49 =	vperm.xlane v38, v9;
	v50 =	vperm.xlane v38, v10  }
0x294: {  	v58 =	vld [tilespmem:s14+$0xCA80];
	v45 =	vperm.xlane v38, v27;
	v40 =	vperm.xlane v38, v11  }
0x295: {  	v59 =	vld [tilespmem:s14+$0xC800];
	v39 =	vperm.xlane v38, v12;
	v37 =	vperm.xlane v38, v13  }
0x296: {  	v43 =	vld [tilespmem:s14+$0xC980];
	v31 =	vperm.xlane v38, v14;
	v27 =	vperm.xlane v38, v15  }
0x297: {  	v1 =	vld [tilespmem:s14+$0x4B00];
	v41 =	vmul.f32 v41, v30;
	v60 =	vmul.f32 v61, v29  }
0x298: {  	v53 =	vmul.f32 v53, v34;
	v56 =	vmul.f32 v56, v46;
	v61 =	vld [tilespmem:s14+$0xCB00]  }
0x299: {  	v52 =	vmul.f32 v52, v33;
	v57 =	vmul.f32 v57, v48  }
0x29a: {  	v54 =	vmul.f32 v54, v35;
	v62 =	vmul.f32 v58, v49;
	v41 =	vadd.f32 v56, v41  }
0x29b: {  	v51 =	vmul.f32 v51, v28;
	v63 =	vmul.f32 v59, v42;
	v53 =	vadd.f32 v57, v53  }
0x29c: {  	v55 =	vmul.f32 v55, v44;
	v54 =	vadd.f32 v62, v54;
	v56 =	vmul.f32 v43, v47;
	[tilespmem:s14+$0x4900] =	vst v41  }
0x29d: {  	v62 =	vadd.f32 v63, v51;
	v1 =	vmul.f32 v1, v36;
	[tilespmem:s14+$0x4A00] =	vst v53;
	v63 =	vmul.f32 v61, v50  }
0x29e: {  	v43 =	vperm.xlane v38, v16;
	v51 =	vadd.f32 v55, v60;
	v41 =	vperm.xlane v38, v17;
	[tilespmem:s14+$0x4A80] =	vst v54  }
0x29f: {  	s17 =	sor.u32 s16, s16;
	s18 =	simm.s32 $0x10;
	v38 =	vperm.xlane v38, v18;
	v52 =	vadd.f32 v56, v52;
	[tilespmem:s14+$0x4800] =	vst v62;
	v53 =	vadd.f32 v63, v1  }
.LBB2_8:
0x2a0: {  	p0 =	sne.s32 s18, $0x3F0  }
0x2a1: {  	[tilespmem:s14+$0x4880] =	vst v51;
	s16 =	sadd.s32 $0x80, s16;
	s20 =	smov.u32 s18;
	s18 =	sadd.s32 $0x10, s18  }
0x2a2: {  	s19 =	sor.u32 s20, s16;
	[tilespmem:s14+$0x4B00] =	vst v53  }
0x2a3: {  	s30 =	sor.u32 $0x380, s17;
	[tilespmem:s14+$0x4980] =	vst v52  }
0x2a4: {  	v1 =	vld [tilespmem:s30+$0x4800]  }
0x2a5: {  	v51 =	vld [tilespmem:s30+$0xC800];
	_ =	sdelay $0x4  }
0x2a6: {  	v1 =	vmul.f32 v1, v32;
	v51 =	vmul.f32 v51, v45;
	_ =	sdelay $0x1  }
0x2a7: {  	v1 =	vadd.f32 v51, v1;
	_ =	sdelay $0x1  }
0x2a8: {  	[tilespmem:s30+$0x4800] =	vst v1  }
0x2a9: {  	v1 =	vld [tilespmem:s14+$0x6800]  }
0x2aa: {  	v51 =	vld [tilespmem:s14+$0xE800]  }
0x2ab: {  	v52 =	vld [tilespmem:s14+$0x6880]  }
0x2ac: {  	v53 =	vld [tilespmem:s14+$0xE880]  }
0x2ad: {  	v54 =	vld [tilespmem:s14+$0x6900]  }
0x2ae: {  	v55 =	vld [tilespmem:s14+$0xE900]  }
0x2af: {  	v1 =	vmul.f32 v1, v26;
	v51 =	vmul.f32 v51, v40;
	v56 =	vld [tilespmem:s14+$0x6980]  }
0x2b0: {  	v57 =	vld [tilespmem:s14+$0xE980]  }
0x2b1: {  	s20 =	sand.u32 $0x70, s20;
	s30 =	sand.u32 $0x1C00, s16;
	v1 =	vadd.f32 v51, v1;
	v51 =	vmul.f32 v52, v25;
	v52 =	vmul.f32 v53, v39;
	v53 =	vld [tilespmem:s14+$0x6A00]  }
0x2b2: {  	s20 =	sor.u32 s20, s30;
	v58 =	vld [tilespmem:s14+$0x6A80]  }
0x2b3: {  	[tilespmem:s14+$0x6800] =	vst v1;
	v1 =	vadd.f32 v52, v51;
	v51 =	vmul.f32 v54, v24;
	v52 =	vmul.f32 v55, v37;
	v54 =	vld [tilespmem:s14+$0xEA80]  }
0x2b4: {  	v55 =	vmul.f32 v56, v22;
	v56 =	vld [tilespmem:s14+$0x6B00]  }
0x2b5: {  	[tilespmem:s14+$0x6880] =	vst v1;
	v1 =	vadd.f32 v52, v51;
	v51 =	vmul.f32 v57, v31;
	v52 =	vld [tilespmem:s14+$0xEB00]  }
0x2b6: {  	v57 =	vld [tilespmem:s20+$0x4900];
	v53 =	vmul.f32 v53, v20  }
0x2b7: {  	[tilespmem:s14+$0x6900] =	vst v1;
	v1 =	vadd.f32 v51, v55;
	v51 =	vld [tilespmem:s14+$0xEA00]  }
0x2b8: {  	v58 =	vmul.f32 v58, v23;
	v55 =	vld [tilespmem:s20+$0x4880];
	v54 =	vmul.f32 v54, v43  }
0x2b9: {  	v59 =	vld [tilespmem:s20+$0x4800];
	[tilespmem:s14+$0x6980] =	vst v1;
	v1 =	vmul.f32 v56, v21  }
0x2ba: {  	v56 =	vld [tilespmem:s20+$0x4980];
	v54 =	vadd.f32 v54, v58;
	v52 =	vmul.f32 v52, v41  }
0x2bb: {  	v58 =	vld [tilespmem:s20+$0x4A00]  }
0x2bc: {  	v57 =	vmul.f32 v57, v30;
	v51 =	vmul.f32 v51, v27;
	[tilespmem:s14+$0x6A80] =	vst v54;
	v1 =	vadd.f32 v52, v1  }
0x2bd: {  	v52 =	vmul.f32 v55, v29  }
0x2be: {  	v54 =	vld [tilespmem:s20+$0x4B00];
	v51 =	vadd.f32 v51, v53;
	[tilespmem:s14+$0x6B00] =	vst v1;
	_ =	sdelay $0x1  }
0x2bf: {  	s30 =	sor.u32 $0x2380, s17;
	s17 =	smov.u32 s19;
	v1 =	vmul.f32 v58, v34;
	v53 =	vld [tilespmem:s20+$0x4A80];
	[tilespmem:s14+$0x6A00] =	vst v51;
	s14 =	smov.u32 s20  }
0x2c0: {  	v55 =	vmul.f32 v56, v33;
	v51 =	vld [tilespmem:s30+$0x4800]  }
0x2c1: {  	v56 =	vmul.f32 v59, v28;
	v58 =	vld [tilespmem:s30+$0xC800]  }
0x2c2: {  	v54 =	vmul.f32 v54, v36;
	_ =	sdelay $0x1  }
0x2c3: {  	v53 =	vmul.f32 v53, v35  }
0x2c4: {  	v51 =	vmul.f32 v51, v19  }
0x2c5: {  	v58 =	vmul.f32 v58, v38;
	_ =	sdelay $0x1  }
0x2c6: {  	v51 =	vadd.f32 v58, v51;
	_ =	sdelay $0x1  }
0x2c7: {  	[tilespmem:s30+$0x4800] =	vst v51  }
0x2c8: {  	v51 =	vld [tilespmem:s14+$0xC880]  }
0x2c9: {  	v58 =	vld [tilespmem:s14+$0xC900]  }
0x2ca: {  	v59 =	vld [tilespmem:s14+$0xCA00]  }
0x2cb: {  	v60 =	vld [tilespmem:s14+$0xCA80]  }
0x2cc: {  	v61 =	vld [tilespmem:s14+$0xC800]  }
0x2cd: {  	v62 =	vld [tilespmem:s14+$0xC980]  }
0x2ce: {  	v58 =	vmul.f32 v58, v46;
	v63 =	vld [tilespmem:s14+$0xCB00]  }
0x2cf: {  	v51 =	vmul.f32 v51, v44;
	v59 =	vmul.f32 v59, v48  }
0x2d0: {  	v57 =	vadd.f32 v58, v57;
	v58 =	vmul.f32 v60, v49  }
.Ltmp3:
0x2d1: {  	v51 =	vadd.f32 v51, v52;
	v60 =	vmul.f32 v61, v42;
	v1 =	vadd.f32 v59, v1;
	(pc) =	sbr.rel @p0 .LBB2_8-.Ltmp3, $4  }
0x2d2: {  	[tilespmem:s14+$0x4900] =	vst v57;
	v52 =	vmul.f32 v62, v47;
	v53 =	vadd.f32 v58, v53  }
0x2d3: {  	v56 =	vadd.f32 v60, v56;
	[tilespmem:s14+$0x4A00] =	vst v1;
	v1 =	vmul.f32 v63, v50  }
0x2d4: {  	v52 =	vadd.f32 v52, v55;
	[tilespmem:s14+$0x4A80] =	vst v53  }
0x2d5: {  	[tilespmem:s14+$0x4800] =	vst v56;
	v53 =	vadd.f32 v1, v54  }
0x2d6: {  	[tilespmem:s14+$0x4880] =	vst v51  }
0x2d7: {  	[tilespmem:s14+$0x4980] =	vst v52  }
0x2d8: {  	s16 =	sor.u32 $0x380, s17;
	[tilespmem:s14+$0x4B00] =	vst v53  }
0x2d9: {  	v1 =	vld [tilespmem:s16+$0x4800]  }
0x2da: {  	v28 =	vld [tilespmem:s16+$0xC800];
	_ =	sdelay $0x4  }
0x2db: {  	v1 =	vmul.f32 v1, v32;
	v28 =	vmul.f32 v28, v45;
	_ =	sdelay $0x1  }
0x2dc: {  	v1 =	vadd.f32 v28, v1;
	_ =	sdelay $0x1  }
0x2dd: {  	[tilespmem:s16+$0x4800] =	vst v1  }
0x2de: {  	v1 =	vld [tilespmem:s14+$0x6800]  }
0x2df: {  	v51 =	vld [tilespmem:s14+$0xE800]  }
0x2e0: {  	v29 =	vld [tilespmem:s14+$0x6880]  }
0x2e1: {  	v30 =	vld [tilespmem:s14+$0xE880]  }
0x2e2: {  	v52 =	vld [tilespmem:s14+$0x6900]  }
0x2e3: {  	v33 =	vld [tilespmem:s14+$0xE900]  }
0x2e4: {  	v1 =	vmul.f32 v1, v26;
	v53 =	vmul.f32 v51, v40  }
0x2e5: {  	v54 =	vld [tilespmem:s14+$0x6980]  }
0x2e6: {  	v56 =	vld [tilespmem:s14+$0xE980];
	v25 =	vmul.f32 v29, v25;
	v55 =	vmul.f32 v30, v39;
	v1 =	vadd.f32 v53, v1  }
0x2e7: {  	v57 =	vld [tilespmem:s14+$0x6A00]  }
0x2e8: {  	v59 =	vld [tilespmem:s14+$0xEA80];
	v24 =	vmul.f32 v52, v24;
	v58 =	vmul.f32 v33, v37;
	[tilespmem:s14+$0x6800] =	vst v1;
	v1 =	vadd.f32 v55, v25  }
0x2e9: {  	v60 =	vld [tilespmem:s14+$0x6A80]  }
0x2ea: {  	v61 =	vld [tilespmem:s14+$0xEB00];
	[tilespmem:s14+$0x6880] =	vst v1;
	v1 =	vadd.f32 v58, v24  }
0x2eb: {  	v62 =	vld [tilespmem:s14+$0x6B00]  }
0x2ec: {  	[tilespmem:s14+$0x6900] =	vst v1;
	v1 =	vld [tilespmem:s14+$0xEA00];
	_ =	sdelay $0x1  }
0x2ed: {  	v22 =	vmul.f32 v54, v22;
	v63 =	vmul.f32 v56, v31  }
0x2ee: {  	v23 =	vmul.f32 v60, v23;
	v26 =	vmul.f32 v59, v43  }
0x2ef: {  	v21 =	vmul.f32 v62, v21;
	v22 =	vadd.f32 v63, v22;
	v24 =	vmul.f32 v61, v41  }
0x2f0: {  	v20 =	vmul.f32 v57, v20;
	v23 =	vadd.f32 v26, v23;
	v1 =	vmul.f32 v1, v27  }
0x2f1: {  	[tilespmem:s14+$0x6980] =	vst v22;
	v21 =	vadd.f32 v24, v21  }
0x2f2: {  	[tilespmem:s14+$0x6A80] =	vst v23;
	v1 =	vadd.f32 v1, v20  }
0x2f3: {  	[tilespmem:s14+$0x6B00] =	vst v21  }
0x2f4: {  	s19 =	sor.u32 $0x2380, s17;
	[tilespmem:s14+$0x6A00] =	vst v1  }
0x2f5: {  	v1 =	vld [tilespmem:s19+$0x4800]  }
0x2f6: {  	v20 =	vld [tilespmem:s19+$0xC800];
	_ =	sdelay $0x4  }
0x2f7: {  	v1 =	vmul.f32 v1, v19;
	v19 =	vmul.f32 v20, v38;
	_ =	sdelay $0x1  }
0x2f8: {  	v1 =	vadd.f32 v19, v1;
	_ =	sdelay $0x1  }
0x2f9: {  	s20 =	rddreg [dreg:$0x16];
	[tilespmem:s19+$0x4800] =	vst v1  }
0x2fa: {  	[hbm4b:s20+s1] =	stream.linear.scatter [tilespmem:s15], [sflag:$0x6], $0x4000, $0x38;
	[tilespmem:$0x10800] =	vst v63  }
0x2fb: {  	_ =	swait.ge [sflag:s8], $0x4000  }
0x2fc: {  	[sflag:s8] =	ssyncset.done $0x0  }
0x2fd: {  	[sflag:s8] =	ssyncadd.s32 $0xFFFFC000  }
0x2fe: {  	_ =	swait.ge [sflag:s11], $0x4000  }
0x2ff: {  	s12 =	sadd.s32 $0x1, s12;
	s30 =	rddreg [dreg:$0x17]  }
0x300: {  	p0 =	sne.s32 s12, s30  }
.Ltmp4:
0x301: {  	_ = 	snop;
	(pc) =	sbr.rel @p0 .LBB2_1-.Ltmp4, $3  }
0x302: {  	_ =	sdelay $0x1  }
0x303: {  	[sflag:s11] =	ssyncset.done $0x0  }
0x304: {  	[sflag:s11] =	ssyncadd.s32 $0xFFFFC000  }
0x305: {  	_ =	sfence.sel $0x180000  }
0x306: {  	[bflag:$0x0] =	sbarrier.arrive $0xFFFF  }
0x307: {  	_ =	strace $0x9000004A  }
0x308: {  	s0 =	stileid.u32;
	[bflag:$0x2] =	sbarrier.arrive $0xFFFF  }
0x309: {  	p0 =	sne.s32 s0, $0x0;
	s0 =	rddreg [dreg:$0x2]  }
0x30a: {  	s0 =	sadd.s32 @!p0 $0x100000, s0  }
0x30b: {  	[sflag:s0] =	ssyncadd.tile.s32 @!p0 $0x1;
	_ =	shalt  }
.Lfunc_end2:
_tile_overlayer_lowered:
.L_overlay_start_2:
0x30c: {  	(tag) =	ssettag $0x2  }
0x30d: {  	s0 =	rddreg [dreg:$0x0];
	s2 =	stileid.u32  }
0x30e: {  	s1 =	rddreg [dreg:$0x1];
	p0 =	sne.s32 s2, $0x0  }
0x30f: {  	s3 =	rddreg [dreg:$0x2];
	[bflag:$0x3] =	sbarrier.arrive $0xFFFF;
	s2 =	simm.s32 @!p0 $0x1C07  }
0x310: {  	[timem:s3], [sflag:s2] =	dma.local @!p0 [hbm:s0], s1  }
0x311: {  	s0 =	simm.s32 @!p0 $0x7  }
0x312: {  	_ =	swait.ge @!p0 [sflag:s0], s1  }
0x313: {  	s1 =	ssub.s32 @!p0 $0x0, s1;
	[sflag:s0] =	ssyncset.done @!p0 $0x0  }
0x314: {  	[sflag:s0] =	ssyncadd.s32 @!p0 s1  }
0x315: {  	[bflag:$0x3] =	sbarrier.arrive $0xFFFF  }
0x316: {  	_ =	shalt  }

</sc_bundles>
